<compile_context>
chip_gen: v7x
topology: tpu7x:2x2x1
jax: 0.10.2.dev20260603
libtpu: 0.0.44.dev20260713+nightly
codegen_flags: <defaults>
</compile_context>

<pallas_src>
import functools

import jax
import jax.numpy as jnp
from jax import lax
from jax.experimental import pallas as pl
from jax.experimental.pallas import tpu as pltpu
from jax.experimental.pallas import tpu_sc as plsc

_N = 10000
_E = 320000
_DH = 128
_NW = 32
_C = 128
_G = 4
_KC = 80
_NGRP = _KC // _G
_EPW = _KC * _C
_EPAD = _NW * _EPW
_NBUF = 2
_PF = 1
_NPAD = 10112
_RPT = _NPAD // 16
_ROWBLK = 1000
_GRID = _N // _ROWBLK



def _pre_body(x1, x2, w1, w2, be, wsn, bm, hw_ref, hn_ref):
    h = jnp.maximum(
        jnp.dot(x1[...], w1[...], preferred_element_type=jnp.float32)
        + jnp.dot(x2[...], w2[...], preferred_element_type=jnp.float32)
        + be[...], 0.0)
    hsn = jnp.dot(h, wsn[...], preferred_element_type=jnp.float32)
    hw_ref[...] = hsn[:, :_DH] + bm[...]
    hn_ref[...] = hsn[:, _DH:]


def _mid_body(hw, p0, p1, wsn, bm, hw_ref, hn_ref):
    h = jnp.maximum(hw[...] + p0[0] + p1[0], 0.0)
    hsn = jnp.dot(h, wsn[...], preferred_element_type=jnp.float32)
    hw_ref[...] = hsn[:, :_DH] + bm[...]
    hn_ref[...] = hsn[:, _DH:]


def _fin_body(hw, p0, p1, wd, bd, o_ref):
    h = jnp.maximum(hw[...] + p0[0] + p1[0], 0.0)
    o_ref[...] = jnp.dot(h, wd[...], preferred_element_type=jnp.float32) + bd[...]


_row_spec = pl.BlockSpec((_ROWBLK, _DH), lambda i: (i, 0))
_w_spec = pl.BlockSpec((_DH, _DH), lambda i: (0, 0))
_wsn_spec = pl.BlockSpec((_DH, 2 * _DH), lambda i: (0, 0))
_b_spec = pl.BlockSpec((1, _DH), lambda i: (0, 0))
_p0_spec = pl.BlockSpec((1, _ROWBLK, _DH), lambda i: (0, i, 0))
_p1_spec = pl.BlockSpec((1, _ROWBLK, _DH), lambda i: (1, i, 0))

_hh_out = (jax.ShapeDtypeStruct((_N, _DH), jnp.float32),
           jax.ShapeDtypeStruct((_N, _DH), jnp.float32))


def _tc_pre(x1, x2, w1, w2, be, wsn, bm):
    return pl.pallas_call(
        _pre_body,
        grid=(_GRID,),
        in_specs=[_row_spec, _row_spec, _w_spec, _w_spec, _b_spec, _wsn_spec, _b_spec],
        out_specs=(_row_spec, _row_spec),
        out_shape=_hh_out,
    )(x1, x2, w1, w2, be, wsn, bm)


def _tc_mid(hw, parts, wsn, bm):
    return pl.pallas_call(
        _mid_body,
        grid=(_GRID,),
        in_specs=[_row_spec, _p0_spec, _p1_spec, _wsn_spec, _b_spec],
        out_specs=(_row_spec, _row_spec),
        out_shape=_hh_out,
    )(hw, parts, parts, wsn, bm)


def _tc_fin(hw, parts, wd, bd):
    return pl.pallas_call(
        _fin_body,
        grid=(_GRID,),
        in_specs=[_row_spec, _p0_spec, _p1_spec,
                  pl.BlockSpec((_DH, 8), lambda i: (0, 0)),
                  pl.BlockSpec((1, 8), lambda i: (0, 0))],
        out_specs=pl.BlockSpec((_ROWBLK, 8), lambda i: (i, 0)),
        out_shape=jax.ShapeDtypeStruct((_N, 8), jnp.float32),
    )(hw, parts, parts, wd, bd)



def _sc_body(hn_hbm, gidx_hbm, z_hbm, out_hbm, agg, i0, i1,
             r0, r1, is0, is1, g0, g1, s0, s1):
    gidx = [i0, i1]
    isem = [is0, is1]
    rows = [r0, r1]
    gs = [g0, g1]
    ss = [s0, s1]
    cid = lax.axis_index("c")
    sid = lax.axis_index("s")
    wid = sid * 2 + cid
    base = sid * _RPT

    def stage_group(q, s):
        pltpu.async_copy(gidx_hbm.at[wid, q], gidx[s], isem[s])

    def stage_wait(s):
        pltpu.make_async_copy(gidx_hbm.at[wid, 0], gidx[s], isem[s]).wait()

    def gather_start(s, c, b):
        pltpu.async_copy(hn_hbm.at[gidx[s].at[c]], rows[b], gs[b])

    def gather_wait(b):
        pltpu.make_async_copy(hn_hbm.at[gidx[0].at[0]], rows[b], gs[b]).wait()

    def scatter_start(s, c, b):
        pltpu.async_copy(rows[b], agg.at[gidx[s].at[_G + c]], ss[b], add=True)

    def scatter_wait(b):
        pltpu.make_async_copy(rows[b], agg.at[gidx[0].at[_G]], ss[b]).wait()

    stage_group(0, 0)
    stage_wait(0)
    for b in range(_PF):
        gather_start(0, b, b)
    pltpu.sync_copy(z_hbm.at[pl.ds(base, _RPT)], agg.at[pl.ds(base, _RPT)])
    plsc.subcore_barrier()

    @pl.loop(0, _NGRP // 2)
    def _(t):
        for p in range(2):
            for c in range(_G):
                j = t * 2 * _G + p * _G + c
                b = c % _NBUF

                @pl.when(j >= 1)
                def _():
                    scatter_wait((b + 1) % _NBUF)

                if c == 1:
                    if p == 0:
                        stage_group(2 * t + 1, 1)
                    else:
                        @pl.when(t <= _NGRP // 2 - 2)
                        def _():
                            stage_group(2 * t + 2, 0)
                if c == _G - 1:
                    if p == 0:
                        stage_wait(1)
                    else:
                        @pl.when(t <= _NGRP // 2 - 2)
                        def _():
                            stage_wait(0)
                pc, cc = (p, c + _PF) if c + _PF < _G else (p + 1, c + _PF - _G)
                if pc <= 1:
                    gather_start(pc % 2, cc, (b + _PF) % _NBUF)
                else:

                    @pl.when(t <= _NGRP // 2 - 2)
                    def _():
                        gather_start(0, cc, (b + _PF) % _NBUF)

                gather_wait(b)
                scatter_start(p, c, b)

    scatter_wait((_KC - 1) % _NBUF)
    plsc.subcore_barrier()
    pltpu.sync_copy(agg.at[pl.ds(base, _RPT)],
                    out_hbm.at[cid, pl.ds(base, _RPT)])


def _sc_segsum(hn, gidx, zeros):
    kern = pl.kernel(
        _sc_body,
        out_type=jax.ShapeDtypeStruct((2, _NPAD, _DH), jnp.float32),
        mesh=plsc.VectorSubcoreMesh(core_axis_name="c", subcore_axis_name="s"),
        scratch_types=[
            pltpu.VMEM_SHARED((_NPAD, _DH), jnp.float32),
            pltpu.VMEM((2 * _G, _C), jnp.int32),
            pltpu.VMEM((2 * _G, _C), jnp.int32),
        ] + [pltpu.VMEM((_C, _DH), jnp.float32)] * _NBUF
          + [pltpu.SemaphoreType.DMA] * (2 + 2 * _NBUF),
    )
    return kern(hn, gidx, zeros)



def kernel(x, x_mask, edge_index, edge_attr, batch, W_enc, b_enc, W_self, W_nei,
           b_mp, W_dec, b_dec):
    del edge_attr, batch
    x1 = x[:, :_DH]
    x2 = x_mask[:, :_DH]
    w1 = W_enc[:_DH]
    w2 = W_enc[_DH:]
    wsn = jnp.concatenate([W_self, W_nei], axis=1)
    be = b_enc.reshape(1, _DH)
    bm = b_mp.reshape(1, _DH)
    wd = jnp.pad(W_dec, ((0, 0), (0, 8 - W_dec.shape[1])))
    bd = jnp.pad(b_dec, (0, 8 - b_dec.shape[0])).reshape(1, 8)

    pad = _EPAD - _E
    pad_src = jnp.arange(pad, dtype=jnp.int32) % _N
    pad_dst = _N + jnp.arange(pad, dtype=jnp.int32) % (_NPAD - _N)
    src4 = jnp.concatenate([edge_index[0], pad_src]).reshape(_NW, _NGRP, _G, _C)
    dst4 = jnp.concatenate([edge_index[1], pad_dst]).reshape(_NW, _NGRP, _G, _C)
    gidx = jnp.concatenate([src4, dst4], axis=2)
    zeros = jnp.zeros((_NPAD, _DH), jnp.float32)

    hw, hn = _tc_pre(x1, x2, w1, w2, be, wsn, bm)
    for _ in range(3):
        parts = _sc_segsum(hn, gidx, zeros)
        hw, hn = _tc_mid(hw, parts, wsn, bm)
    parts = _sc_segsum(hn, gidx, zeros)
    out = _tc_fin(hw, parts, wd, bd)
    return out[:, :3]

# --- scband reference (transcript-rebuilt; emitter-appended) ---
"""Pipeline reference for scband-encode-process-decode-baseline-78451872628911 (READ-ONLY COPY).

The authoritative reference and input builder live on the scoring server;
editing this copy changes nothing except your own understanding.
"""

import jax, jax.numpy as jnp
import numpy as np

N = 10000
E = 320000
D_RAW = 129
D_IN = 256
D_H = 128
D_OUT = 3
REPEATS = 4


def setup_inputs(seed: int = 0) -> dict:
    key = jax.random.key(seed)
    ks = jax.random.split(key, 12)
    x = jax.random.normal(ks[0], (N, D_RAW), dtype=jnp.float32)
    x_mask = jax.random.uniform(ks[1], (N, D_RAW), dtype=jnp.float32)
    edge_index = jax.random.randint(ks[2], (2, E), 0, N, dtype=jnp.int32)
    edge_attr = jax.random.normal(ks[3], (E, 4), dtype=jnp.float32)
    batch = jnp.zeros((N,), dtype=jnp.int32)
    W_enc = jax.random.normal(ks[4], (D_IN, D_H), dtype=jnp.float32) * 0.05
    b_enc = jnp.zeros((D_H,), dtype=jnp.float32)
    W_self = jax.random.normal(ks[5], (D_H, D_H), dtype=jnp.float32) * 0.05
    W_nei = jax.random.normal(ks[6], (D_H, D_H), dtype=jnp.float32) * 0.05
    b_mp = jnp.zeros((D_H,), dtype=jnp.float32)
    W_dec = jax.random.normal(ks[7], (D_H, D_OUT), dtype=jnp.float32) * 0.05
    b_dec = jnp.zeros((D_OUT,), dtype=jnp.float32)
    return {"x": x, "x_mask": x_mask, "edge_index": edge_index, "edge_attr": edge_attr, "batch": batch,
            "W_enc": W_enc, "b_enc": b_enc, "W_self": W_self, "W_nei": W_nei, "b_mp": b_mp,
            "W_dec": W_dec, "b_dec": b_dec}


def reference(x, x_mask, edge_index, edge_attr, batch, W_enc, b_enc, W_self, W_nei, b_mp, W_dec, b_dec):
    # forward: drop last column of x and x_mask, concat along feature dim
    xc = jnp.concatenate([x[:, :-1], x_mask[:, :-1]], axis=1)  # [N, 256]
    # encoder: Linear + ReLU
    h = jax.nn.relu(xc @ W_enc + b_enc)  # [N, 128]
    src = edge_index[0]
    dst = edge_index[1]
    # message passer: GraphConv with skip connection for central node, 'add' aggregation
    # h_i' = relu(W_self h_i + W_nei * sum_{j in N(i)} h_j + b). edge_attr unused by baseline.
    for _ in range(REPEATS):
        msgs = jnp.take(h, src, axis=0)                      # gather  [E, 128]
        agg = jax.ops.segment_sum(msgs, dst, num_segments=N)  # scatter-add [N, 128]
        h = jax.nn.relu(h @ W_self + agg @ W_nei + b_mp)
    # decoder: Linear
    out = h @ W_dec + b_dec  # [N, 3]
    return out

if __name__ == "__main__":
    import jax
    _d = setup_inputs()
    print(jax.jit(kernel)(*tuple(_d.values())))

</pallas_src>

<mosaic_0001>
#map = affine_map<(d0, d1) -> (0, 0)>
#map1 = affine_map<(d0, d1) -> (0, 0, 0, 0)>
#map2 = affine_map<(d0, d1) -> (0, 0, 0)>
module attributes {stable_mosaic.version = 14 : i64} {
  func.func @_sc_body(%arg0: i32, %arg1: i32, %arg2: memref<10000x128xf32, #tpu.memory_space<hbm>>, %arg3: memref<32x20x8x128xi32, #tpu.memory_space<hbm>>, %arg4: memref<10112x128xf32, #tpu.memory_space<hbm>>, %arg5: memref<2x10112x128xf32, #tpu.memory_space<hbm>>, %arg6: memref<10112x128xf32, #tpu.memory_space<vmem_shared>>, %arg7: memref<8x128xi32, #tpu.memory_space<vmem>>, %arg8: memref<8x128xi32, #tpu.memory_space<vmem>>, %arg9: memref<128x128xf32, #tpu.memory_space<vmem>>, %arg10: memref<128x128xf32, #tpu.memory_space<vmem>>, %arg11: memref<!tpu.dma_semaphore, #tpu.memory_space<semaphore_mem>>, %arg12: memref<!tpu.dma_semaphore, #tpu.memory_space<semaphore_mem>>, %arg13: memref<!tpu.dma_semaphore, #tpu.memory_space<semaphore_mem>>, %arg14: memref<!tpu.dma_semaphore, #tpu.memory_space<semaphore_mem>>, %arg15: memref<!tpu.dma_semaphore, #tpu.memory_space<semaphore_mem>>, %arg16: memref<!tpu.dma_semaphore, #tpu.memory_space<semaphore_mem>>) attributes {dimension_semantics = [#tpu.dimension_semantics<core_parallel>, #tpu.dimension_semantics<subcore_parallel>], iteration_bounds = array<i64: 2, 16>, scalar_prefetch = 0 : i64, scratch_operands = 11 : i64, tpu.core_type = #tpu.core_type<sc_vector_subcore>, window_params = [{transform_indices = #map}, {transform_indices = #map1}, {transform_indices = #map}, {transform_indices = #map2}]} {
    %mul3A = arith.constant 2 : i32
    %mul3A_0 = arith.muli %arg1, %mul3A : i32
    %add3A = arith.addi %mul3A_0, %arg0 : i32
    %mul3A_1 = arith.constant 632 : i32
    %mul3A_2 = arith.muli %arg1, %mul3A_1 : i32
    %dma_start3A = arith.constant 0 : i32
    %dma_start3A_3 = arith.constant 0 : i32
    %dma_start3A_4 = arith.constant 0 : i32
    %dma_start3A_5 = tpu.memref_slice %arg3[%add3A, %dma_start3A, %dma_start3A_3, %dma_start3A_4] : memref<32x20x8x128xi32, #tpu.memory_space<hbm>> -> memref<1x1x8x128xi32, #tpu.memory_space<hbm>>
    %dma_start3A_6 = tpu.memref_squeeze %dma_start3A_5 : memref<1x1x8x128xi32, #tpu.memory_space<hbm>> -> memref<8x128xi32, #tpu.memory_space<hbm>>
    %dma_start3A_7 = arith.constant 0 : i32
    %dma_start3A_8 = arith.constant 0 : i32
    %dma_start3A_9 = tpu.memref_slice %arg3[%add3A, %dma_start3A, %dma_start3A_7, %dma_start3A_8] : memref<32x20x8x128xi32, #tpu.memory_space<hbm>> -> memref<1x1x8x128xi32, #tpu.memory_space<hbm>>
    %dma_start3A_10 = tpu.memref_squeeze %dma_start3A_9 : memref<1x1x8x128xi32, #tpu.memory_space<hbm>> -> memref<8x128xi32, #tpu.memory_space<hbm>>
    tpu.enqueue_dma source(%dma_start3A_10 : memref<8x128xi32, #tpu.memory_space<hbm>>) target(%arg7 : memref<8x128xi32, #tpu.memory_space<vmem>>) target_semaphore(%arg11 : memref<!tpu.dma_semaphore, #tpu.memory_space<semaphore_mem>>)
    %dma_wait3A = arith.constant 0 : i32
    %dma_wait3A_11 = arith.constant 0 : i32
    %dma_wait3A_12 = arith.constant 0 : i32
    %dma_wait3A_13 = tpu.memref_slice %arg3[%add3A, %dma_wait3A, %dma_wait3A_11, %dma_wait3A_12] : memref<32x20x8x128xi32, #tpu.memory_space<hbm>> -> memref<1x1x8x128xi32, #tpu.memory_space<hbm>>
    %dma_wait3A_14 = tpu.memref_squeeze %dma_wait3A_13 : memref<1x1x8x128xi32, #tpu.memory_space<hbm>> -> memref<8x128xi32, #tpu.memory_space<hbm>>
    %dma_wait3A_15 = arith.constant 0 : i32
    %dma_wait3A_16 = arith.constant 0 : i32
    %dma_wait3A_17 = tpu.memref_slice %arg3[%add3A, %dma_wait3A, %dma_wait3A_15, %dma_wait3A_16] : memref<32x20x8x128xi32, #tpu.memory_space<hbm>> -> memref<1x1x8x128xi32, #tpu.memory_space<hbm>>
    %dma_wait3A_18 = tpu.memref_squeeze %dma_wait3A_17 : memref<1x1x8x128xi32, #tpu.memory_space<hbm>> -> memref<8x128xi32, #tpu.memory_space<hbm>>
    tpu.wait_dma2 semaphore(%arg11 : memref<!tpu.dma_semaphore, #tpu.memory_space<semaphore_mem>>) src(%dma_wait3A_18 : memref<8x128xi32, #tpu.memory_space<hbm>>) dst(%arg7 : memref<8x128xi32, #tpu.memory_space<vmem>>)
    %dma_start3A_19 = arith.constant 0 : i32
    %dma_start3A_20 = arith.constant 0 : i32
    %dma_start3A_21 = tpu.memref_slice %arg7[%dma_start3A_19, %dma_start3A_20] : memref<8x128xi32, #tpu.memory_space<vmem>> -> memref<1x128xi32, #tpu.memory_space<vmem>>
    %dma_start3A_22 = tpu.memref_squeeze %dma_start3A_21 : memref<1x128xi32, #tpu.memory_space<vmem>> -> memref<128xi32, #tpu.memory_space<vmem>>
    %dma_start3A_23 = arith.constant 0 : i32
    %dma_start3A_24 = arith.constant 0 : i32
    %dma_start3A_25 = tpu.memref_slice %arg2[%dma_start3A_23, %dma_start3A_24] : memref<10000x128xf32, #tpu.memory_space<hbm>> -> memref<10000x128xf32, #tpu.memory_space<hbm>>
    tpu.enqueue_indirect_dma source(%dma_start3A_25 : memref<10000x128xf32, #tpu.memory_space<hbm>>) target(%arg9 : memref<128x128xf32, #tpu.memory_space<vmem>>) offsets(%dma_start3A_22 : memref<128xi32, #tpu.memory_space<vmem>>) semaphore(%arg13 : memref<!tpu.dma_semaphore, #tpu.memory_space<semaphore_mem>>)
    "tpu.region"() ({
      %run_scoped3A = tpu.sem_alloc : memref<!tpu.dma_semaphore, #tpu.memory_space<semaphore_mem>>
      %dma_start3A_38 = arith.constant 0 : i32
      %dma_start3A_39 = tpu.memref_slice %arg6[%mul3A_2, %dma_start3A_38] : memref<10112x128xf32, #tpu.memory_space<vmem_shared>> -> memref<632x128xf32, #tpu.memory_space<vmem_shared>>
      %dma_start3A_40 = arith.constant 0 : i32
      %dma_start3A_41 = tpu.memref_slice %arg4[%mul3A_2, %dma_start3A_40] : memref<10112x128xf32, #tpu.memory_space<hbm>> -> memref<632x128xf32, #tpu.memory_space<hbm>>
      tpu.enqueue_dma source(%dma_start3A_41 : memref<632x128xf32, #tpu.memory_space<hbm>>) target(%dma_start3A_39 : memref<632x128xf32, #tpu.memory_space<vmem_shared>>) target_semaphore(%run_scoped3A : memref<!tpu.dma_semaphore, #tpu.memory_space<semaphore_mem>>)
      %dma_wait3A_42 = arith.constant 0 : i32
      %dma_wait3A_43 = tpu.memref_slice %arg6[%mul3A_2, %dma_wait3A_42] : memref<10112x128xf32, #tpu.memory_space<vmem_shared>> -> memref<632x128xf32, #tpu.memory_space<vmem_shared>>
      %dma_wait3A_44 = arith.constant 0 : i32
      %dma_wait3A_45 = tpu.memref_slice %arg4[%mul3A_2, %dma_wait3A_44] : memref<10112x128xf32, #tpu.memory_space<hbm>> -> memref<632x128xf32, #tpu.memory_space<hbm>>
      tpu.wait_dma2 semaphore(%run_scoped3A : memref<!tpu.dma_semaphore, #tpu.memory_space<semaphore_mem>>) src(%dma_wait3A_45 : memref<632x128xf32, #tpu.memory_space<hbm>>) dst(%dma_wait3A_43 : memref<632x128xf32, #tpu.memory_space<vmem_shared>>)
      tpu.yield
    }) : () -> ()
    %barrier3A = arith.constant 0 : index
    tpu.barrier barrier_id(%barrier3A)
    %scan3A = arith.constant 0 : i32
    %scan3A_26 = arith.constant 10 : i32
    %scan3A_27 = arith.addi %scan3A, %scan3A_26 : i32
    %scan3A_28 = arith.constant 1 : i32
    scf.for %scan3A_38 = %scan3A to %scan3A_27 step %scan3A_28  : i32 {
      %mul3A_39 = arith.constant 1 : i32
      %mul3A_40 = arith.muli %scan3A_38, %mul3A_39 : i32
      %add3A_41 = arith.constant 0 : i32
      %add3A_42 = arith.addi %add3A_41, %mul3A_40 : i32
      %mul3A_43 = arith.constant 2 : i32
      %mul3A_44 = arith.muli %add3A_42, %mul3A_43 : i32
      %mul3A_45 = arith.constant 4 : i32
      %mul3A_46 = arith.muli %mul3A_44, %mul3A_45 : i32
      %add3A_47 = arith.constant 0 : i32
      %add3A_48 = arith.addi %mul3A_46, %add3A_47 : i32
      %add3A_49 = arith.constant 0 : i32
      %add3A_50 = arith.addi %add3A_48, %add3A_49 : i32
      %ge3A = arith.constant 1 : i32
      %ge3A_51 = arith.cmpi sge, %add3A_50, %ge3A : i32
      %convert_element_type3A = arith.extui %ge3A_51 : i1 to i32
      %cond3A = arith.constant 0 : i32
      %cond3A_52 = arith.cmpi ne, %convert_element_type3A, %cond3A : i32
      scf.if %cond3A_52 {
        %dma_wait3A_340 = arith.constant 4 : i32
        %dma_wait3A_341 = arith.constant 0 : i32
        %dma_wait3A_342 = tpu.memref_slice %arg7[%dma_wait3A_340, %dma_wait3A_341] : memref<8x128xi32, #tpu.memory_space<vmem>> -> memref<1x128xi32, #tpu.memory_space<vmem>>
        %dma_wait3A_343 = tpu.memref_squeeze %dma_wait3A_342 : memref<1x128xi32, #tpu.memory_space<vmem>> -> memref<128xi32, #tpu.memory_space<vmem>>
        %dma_wait3A_344 = arith.constant 0 : i32
        %dma_wait3A_345 = arith.constant 0 : i32
        %dma_wait3A_346 = tpu.memref_slice %arg6[%dma_wait3A_344, %dma_wait3A_345] : memref<10112x128xf32, #tpu.memory_space<vmem_shared>> -> memref<10112x128xf32, #tpu.memory_space<vmem_shared>>
        tpu.wait_indirect_dma semaphore(%arg16 : memref<!tpu.dma_semaphore, #tpu.memory_space<semaphore_mem>>) src(%arg10 : memref<128x128xf32, #tpu.memory_space<vmem>>) dst(%dma_wait3A_346 : memref<10112x128xf32, #tpu.memory_space<vmem_shared>>)
      } else {
      }
      %dma_start3A_53 = arith.constant 1 : i32
      %dma_start3A_54 = arith.constant 0 : i32
      %dma_start3A_55 = tpu.memref_slice %arg7[%dma_start3A_53, %dma_start3A_54] : memref<8x128xi32, #tpu.memory_space<vmem>> -> memref<1x128xi32, #tpu.memory_space<vmem>>
      %dma_start3A_56 = tpu.memref_squeeze %dma_start3A_55 : memref<1x128xi32, #tpu.memory_space<vmem>> -> memref<128xi32, #tpu.memory_space<vmem>>
      %dma_start3A_57 = arith.constant 0 : i32
      %dma_start3A_58 = arith.constant 0 : i32
      %dma_start3A_59 = tpu.memref_slice %arg2[%dma_start3A_57, %dma_start3A_58] : memref<10000x128xf32, #tpu.memory_space<hbm>> -> memref<10000x128xf32, #tpu.memory_space<hbm>>
      tpu.enqueue_indirect_dma source(%dma_start3A_59 : memref<10000x128xf32, #tpu.memory_space<hbm>>) target(%arg10 : memref<128x128xf32, #tpu.memory_space<vmem>>) offsets(%dma_start3A_56 : memref<128xi32, #tpu.memory_space<vmem>>) semaphore(%arg14 : memref<!tpu.dma_semaphore, #tpu.memory_space<semaphore_mem>>)
      %dma_wait3A_60 = arith.constant 0 : i32
      %dma_wait3A_61 = arith.constant 0 : i32
      %dma_wait3A_62 = tpu.memref_slice %arg7[%dma_wait3A_60, %dma_wait3A_61] : memref<8x128xi32, #tpu.memory_space<vmem>> -> memref<1x128xi32, #tpu.memory_space<vmem>>
      %dma_wait3A_63 = tpu.memref_squeeze %dma_wait3A_62 : memref<1x128xi32, #tpu.memory_space<vmem>> -> memref<128xi32, #tpu.memory_space<vmem>>
      %dma_wait3A_64 = arith.constant 0 : i32
      %dma_wait3A_65 = arith.constant 0 : i32
      %dma_wait3A_66 = tpu.memref_slice %arg2[%dma_wait3A_64, %dma_wait3A_65] : memref<10000x128xf32, #tpu.memory_space<hbm>> -> memref<10000x128xf32, #tpu.memory_space<hbm>>
      tpu.wait_indirect_dma semaphore(%arg13 : memref<!tpu.dma_semaphore, #tpu.memory_space<semaphore_mem>>) src(%dma_wait3A_66 : memref<10000x128xf32, #tpu.memory_space<hbm>>) dst(%arg9 : memref<128x128xf32, #tpu.memory_space<vmem>>)
      %dma_start3A_67 = arith.constant 4 : i32
      %dma_start3A_68 = arith.constant 0 : i32
      %dma_start3A_69 = tpu.memref_slice %arg7[%dma_start3A_67, %dma_start3A_68] : memref<8x128xi32, #tpu.memory_space<vmem>> -> memref<1x128xi32, #tpu.memory_space<vmem>>
      %dma_start3A_70 = tpu.memref_squeeze %dma_start3A_69 : memref<1x128xi32, #tpu.memory_space<vmem>> -> memref<128xi32, #tpu.memory_space<vmem>>
      %dma_start3A_71 = arith.constant 0 : i32
      %dma_start3A_72 = arith.constant 0 : i32
      %dma_start3A_73 = tpu.memref_slice %arg6[%dma_start3A_71, %dma_start3A_72] : memref<10112x128xf32, #tpu.memory_space<vmem_shared>> -> memref<10112x128xf32, #tpu.memory_space<vmem_shared>>
      tpu.enqueue_indirect_dma source(%arg9 : memref<128x128xf32, #tpu.memory_space<vmem>>) target(%dma_start3A_73 : memref<10112x128xf32, #tpu.memory_space<vmem_shared>>) offsets(%dma_start3A_70 : memref<128xi32, #tpu.memory_space<vmem>>) semaphore(%arg15 : memref<!tpu.dma_semaphore, #tpu.memory_space<semaphore_mem>>) {add = true}
      %mul3A_74 = arith.constant 2 : i32
      %mul3A_75 = arith.muli %add3A_42, %mul3A_74 : i32
      %mul3A_76 = arith.constant 4 : i32
      %mul3A_77 = arith.muli %mul3A_75, %mul3A_76 : i32
      %add3A_78 = arith.constant 0 : i32
      %add3A_79 = arith.addi %mul3A_77, %add3A_78 : i32
      %add3A_80 = arith.constant 1 : i32
      %add3A_81 = arith.addi %add3A_79, %add3A_80 : i32
      %ge3A_82 = arith.constant 1 : i32
      %ge3A_83 = arith.cmpi sge, %add3A_81, %ge3A_82 : i32
      %convert_element_type3A_84 = arith.extui %ge3A_83 : i1 to i32
      %cond3A_85 = arith.constant 0 : i32
      %cond3A_86 = arith.cmpi ne, %convert_element_type3A_84, %cond3A_85 : i32
      scf.if %cond3A_86 {
        %dma_wait3A_340 = arith.constant 4 : i32
        %dma_wait3A_341 = arith.constant 0 : i32
        %dma_wait3A_342 = tpu.memref_slice %arg7[%dma_wait3A_340, %dma_wait3A_341] : memref<8x128xi32, #tpu.memory_space<vmem>> -> memref<1x128xi32, #tpu.memory_space<vmem>>
        %dma_wait3A_343 = tpu.memref_squeeze %dma_wait3A_342 : memref<1x128xi32, #tpu.memory_space<vmem>> -> memref<128xi32, #tpu.memory_space<vmem>>
        %dma_wait3A_344 = arith.constant 0 : i32
        %dma_wait3A_345 = arith.constant 0 : i32
        %dma_wait3A_346 = tpu.memref_slice %arg6[%dma_wait3A_344, %dma_wait3A_345] : memref<10112x128xf32, #tpu.memory_space<vmem_shared>> -> memref<10112x128xf32, #tpu.memory_space<vmem_shared>>
        tpu.wait_indirect_dma semaphore(%arg15 : memref<!tpu.dma_semaphore, #tpu.memory_space<semaphore_mem>>) src(%arg9 : memref<128x128xf32, #tpu.memory_space<vmem>>) dst(%dma_wait3A_346 : memref<10112x128xf32, #tpu.memory_space<vmem_shared>>)
      } else {
      }
      %mul3A_87 = arith.constant 2 : i32
      %mul3A_88 = arith.muli %mul3A_87, %add3A_42 : i32
      %add3A_89 = arith.constant 1 : i32
      %add3A_90 = arith.addi %mul3A_88, %add3A_89 : i32
      %dma_start3A_91 = arith.constant 0 : i32
      %dma_start3A_92 = arith.constant 0 : i32
      %dma_start3A_93 = tpu.memref_slice %arg3[%add3A, %add3A_90, %dma_start3A_91, %dma_start3A_92] : memref<32x20x8x128xi32, #tpu.memory_space<hbm>> -> memref<1x1x8x128xi32, #tpu.memory_space<hbm>>
      %dma_start3A_94 = tpu.memref_squeeze %dma_start3A_93 : memref<1x1x8x128xi32, #tpu.memory_space<hbm>> -> memref<8x128xi32, #tpu.memory_space<hbm>>
      %dma_start3A_95 = arith.constant 0 : i32
      %dma_start3A_96 = arith.constant 0 : i32
      %dma_start3A_97 = tpu.memref_slice %arg3[%add3A, %add3A_90, %dma_start3A_95, %dma_start3A_96] : memref<32x20x8x128xi32, #tpu.memory_space<hbm>> -> memref<1x1x8x128xi32, #tpu.memory_space<hbm>>
      %dma_start3A_98 = tpu.memref_squeeze %dma_start3A_97 : memref<1x1x8x128xi32, #tpu.memory_space<hbm>> -> memref<8x128xi32, #tpu.memory_space<hbm>>
      tpu.enqueue_dma source(%dma_start3A_98 : memref<8x128xi32, #tpu.memory_space<hbm>>) target(%arg8 : memref<8x128xi32, #tpu.memory_space<vmem>>) target_semaphore(%arg12 : memref<!tpu.dma_semaphore, #tpu.memory_space<semaphore_mem>>)
      %dma_start3A_99 = arith.constant 2 : i32
      %dma_start3A_100 = arith.constant 0 : i32
      %dma_start3A_101 = tpu.memref_slice %arg7[%dma_start3A_99, %dma_start3A_100] : memref<8x128xi32, #tpu.memory_space<vmem>> -> memref<1x128xi32, #tpu.memory_space<vmem>>
      %dma_start3A_102 = tpu.memref_squeeze %dma_start3A_101 : memref<1x128xi32, #tpu.memory_space<vmem>> -> memref<128xi32, #tpu.memory_space<vmem>>
      %dma_start3A_103 = arith.constant 0 : i32
      %dma_start3A_104 = arith.constant 0 : i32
      %dma_start3A_105 = tpu.memref_slice %arg2[%dma_start3A_103, %dma_start3A_104] : memref<10000x128xf32, #tpu.memory_space<hbm>> -> memref<10000x128xf32, #tpu.memory_space<hbm>>
      tpu.enqueue_indirect_dma source(%dma_start3A_105 : memref<10000x128xf32, #tpu.memory_space<hbm>>) target(%arg9 : memref<128x128xf32, #tpu.memory_space<vmem>>) offsets(%dma_start3A_102 : memref<128xi32, #tpu.memory_space<vmem>>) semaphore(%arg13 : memref<!tpu.dma_semaphore, #tpu.memory_space<semaphore_mem>>)
      %dma_wait3A_106 = arith.constant 0 : i32
      %dma_wait3A_107 = arith.constant 0 : i32
      %dma_wait3A_108 = tpu.memref_slice %arg7[%dma_wait3A_106, %dma_wait3A_107] : memref<8x128xi32, #tpu.memory_space<vmem>> -> memref<1x128xi32, #tpu.memory_space<vmem>>
      %dma_wait3A_109 = tpu.memref_squeeze %dma_wait3A_108 : memref<1x128xi32, #tpu.memory_space<vmem>> -> memref<128xi32, #tpu.memory_space<vmem>>
      %dma_wait3A_110 = arith.constant 0 : i32
      %dma_wait3A_111 = arith.constant 0 : i32
      %dma_wait3A_112 = tpu.memref_slice %arg2[%dma_wait3A_110, %dma_wait3A_111] : memref<10000x128xf32, #tpu.memory_space<hbm>> -> memref<10000x128xf32, #tpu.memory_space<hbm>>
      tpu.wait_indirect_dma semaphore(%arg14 : memref<!tpu.dma_semaphore, #tpu.memory_space<semaphore_mem>>) src(%dma_wait3A_112 : memref<10000x128xf32, #tpu.memory_space<hbm>>) dst(%arg10 : memref<128x128xf32, #tpu.memory_space<vmem>>)
      %dma_start3A_113 = arith.constant 5 : i32
      %dma_start3A_114 = arith.constant 0 : i32
      %dma_start3A_115 = tpu.memref_slice %arg7[%dma_start3A_113, %dma_start3A_114] : memref<8x128xi32, #tpu.memory_space<vmem>> -> memref<1x128xi32, #tpu.memory_space<vmem>>
      %dma_start3A_116 = tpu.memref_squeeze %dma_start3A_115 : memref<1x128xi32, #tpu.memory_space<vmem>> -> memref<128xi32, #tpu.memory_space<vmem>>
      %dma_start3A_117 = arith.constant 0 : i32
      %dma_start3A_118 = arith.constant 0 : i32
      %dma_start3A_119 = tpu.memref_slice %arg6[%dma_start3A_117, %dma_start3A_118] : memref<10112x128xf32, #tpu.memory_space<vmem_shared>> -> memref<10112x128xf32, #tpu.memory_space<vmem_shared>>
      tpu.enqueue_indirect_dma source(%arg10 : memref<128x128xf32, #tpu.memory_space<vmem>>) target(%dma_start3A_119 : memref<10112x128xf32, #tpu.memory_space<vmem_shared>>) offsets(%dma_start3A_116 : memref<128xi32, #tpu.memory_space<vmem>>) semaphore(%arg16 : memref<!tpu.dma_semaphore, #tpu.memory_space<semaphore_mem>>) {add = true}
      %mul3A_120 = arith.constant 2 : i32
      %mul3A_121 = arith.muli %add3A_42, %mul3A_120 : i32
      %mul3A_122 = arith.constant 4 : i32
      %mul3A_123 = arith.muli %mul3A_121, %mul3A_122 : i32
      %add3A_124 = arith.constant 0 : i32
      %add3A_125 = arith.addi %mul3A_123, %add3A_124 : i32
      %add3A_126 = arith.constant 2 : i32
      %add3A_127 = arith.addi %add3A_125, %add3A_126 : i32
      %ge3A_128 = arith.constant 1 : i32
      %ge3A_129 = arith.cmpi sge, %add3A_127, %ge3A_128 : i32
      %convert_element_type3A_130 = arith.extui %ge3A_129 : i1 to i32
      %cond3A_131 = arith.constant 0 : i32
      %cond3A_132 = arith.cmpi ne, %convert_element_type3A_130, %cond3A_131 : i32
      scf.if %cond3A_132 {
        %dma_wait3A_340 = arith.constant 4 : i32
        %dma_wait3A_341 = arith.constant 0 : i32
        %dma_wait3A_342 = tpu.memref_slice %arg7[%dma_wait3A_340, %dma_wait3A_341] : memref<8x128xi32, #tpu.memory_space<vmem>> -> memref<1x128xi32, #tpu.memory_space<vmem>>
        %dma_wait3A_343 = tpu.memref_squeeze %dma_wait3A_342 : memref<1x128xi32, #tpu.memory_space<vmem>> -> memref<128xi32, #tpu.memory_space<vmem>>
        %dma_wait3A_344 = arith.constant 0 : i32
        %dma_wait3A_345 = arith.constant 0 : i32
        %dma_wait3A_346 = tpu.memref_slice %arg6[%dma_wait3A_344, %dma_wait3A_345] : memref<10112x128xf32, #tpu.memory_space<vmem_shared>> -> memref<10112x128xf32, #tpu.memory_space<vmem_shared>>
        tpu.wait_indirect_dma semaphore(%arg16 : memref<!tpu.dma_semaphore, #tpu.memory_space<semaphore_mem>>) src(%arg10 : memref<128x128xf32, #tpu.memory_space<vmem>>) dst(%dma_wait3A_346 : memref<10112x128xf32, #tpu.memory_space<vmem_shared>>)
      } else {
      }
      %dma_start3A_133 = arith.constant 3 : i32
      %dma_start3A_134 = arith.constant 0 : i32
      %dma_start3A_135 = tpu.memref_slice %arg7[%dma_start3A_133, %dma_start3A_134] : memref<8x128xi32, #tpu.memory_space<vmem>> -> memref<1x128xi32, #tpu.memory_space<vmem>>
      %dma_start3A_136 = tpu.memref_squeeze %dma_start3A_135 : memref<1x128xi32, #tpu.memory_space<vmem>> -> memref<128xi32, #tpu.memory_space<vmem>>
      %dma_start3A_137 = arith.constant 0 : i32
      %dma_start3A_138 = arith.constant 0 : i32
      %dma_start3A_139 = tpu.memref_slice %arg2[%dma_start3A_137, %dma_start3A_138] : memref<10000x128xf32, #tpu.memory_space<hbm>> -> memref<10000x128xf32, #tpu.memory_space<hbm>>
      tpu.enqueue_indirect_dma source(%dma_start3A_139 : memref<10000x128xf32, #tpu.memory_space<hbm>>) target(%arg10 : memref<128x128xf32, #tpu.memory_space<vmem>>) offsets(%dma_start3A_136 : memref<128xi32, #tpu.memory_space<vmem>>) semaphore(%arg14 : memref<!tpu.dma_semaphore, #tpu.memory_space<semaphore_mem>>)
      %dma_wait3A_140 = arith.constant 0 : i32
      %dma_wait3A_141 = arith.constant 0 : i32
      %dma_wait3A_142 = tpu.memref_slice %arg7[%dma_wait3A_140, %dma_wait3A_141] : memref<8x128xi32, #tpu.memory_space<vmem>> -> memref<1x128xi32, #tpu.memory_space<vmem>>
      %dma_wait3A_143 = tpu.memref_squeeze %dma_wait3A_142 : memref<1x128xi32, #tpu.memory_space<vmem>> -> memref<128xi32, #tpu.memory_space<vmem>>
      %dma_wait3A_144 = arith.constant 0 : i32
      %dma_wait3A_145 = arith.constant 0 : i32
      %dma_wait3A_146 = tpu.memref_slice %arg2[%dma_wait3A_144, %dma_wait3A_145] : memref<10000x128xf32, #tpu.memory_space<hbm>> -> memref<10000x128xf32, #tpu.memory_space<hbm>>
      tpu.wait_indirect_dma semaphore(%arg13 : memref<!tpu.dma_semaphore, #tpu.memory_space<semaphore_mem>>) src(%dma_wait3A_146 : memref<10000x128xf32, #tpu.memory_space<hbm>>) dst(%arg9 : memref<128x128xf32, #tpu.memory_space<vmem>>)
      %dma_start3A_147 = arith.constant 6 : i32
      %dma_start3A_148 = arith.constant 0 : i32
      %dma_start3A_149 = tpu.memref_slice %arg7[%dma_start3A_147, %dma_start3A_148] : memref<8x128xi32, #tpu.memory_space<vmem>> -> memref<1x128xi32, #tpu.memory_space<vmem>>
      %dma_start3A_150 = tpu.memref_squeeze %dma_start3A_149 : memref<1x128xi32, #tpu.memory_space<vmem>> -> memref<128xi32, #tpu.memory_space<vmem>>
      %dma_start3A_151 = arith.constant 0 : i32
      %dma_start3A_152 = arith.constant 0 : i32
      %dma_start3A_153 = tpu.memref_slice %arg6[%dma_start3A_151, %dma_start3A_152] : memref<10112x128xf32, #tpu.memory_space<vmem_shared>> -> memref<10112x128xf32, #tpu.memory_space<vmem_shared>>
      tpu.enqueue_indirect_dma source(%arg9 : memref<128x128xf32, #tpu.memory_space<vmem>>) target(%dma_start3A_153 : memref<10112x128xf32, #tpu.memory_space<vmem_shared>>) offsets(%dma_start3A_150 : memref<128xi32, #tpu.memory_space<vmem>>) semaphore(%arg15 : memref<!tpu.dma_semaphore, #tpu.memory_space<semaphore_mem>>) {add = true}
      %mul3A_154 = arith.constant 2 : i32
      %mul3A_155 = arith.muli %add3A_42, %mul3A_154 : i32
      %mul3A_156 = arith.constant 4 : i32
      %mul3A_157 = arith.muli %mul3A_155, %mul3A_156 : i32
      %add3A_158 = arith.constant 0 : i32
      %add3A_159 = arith.addi %mul3A_157, %add3A_158 : i32
      %add3A_160 = arith.constant 3 : i32
      %add3A_161 = arith.addi %add3A_159, %add3A_160 : i32
      %ge3A_162 = arith.constant 1 : i32
      %ge3A_163 = arith.cmpi sge, %add3A_161, %ge3A_162 : i32
      %convert_element_type3A_164 = arith.extui %ge3A_163 : i1 to i32
      %cond3A_165 = arith.constant 0 : i32
      %cond3A_166 = arith.cmpi ne, %convert_element_type3A_164, %cond3A_165 : i32
      scf.if %cond3A_166 {
        %dma_wait3A_340 = arith.constant 4 : i32
        %dma_wait3A_341 = arith.constant 0 : i32
        %dma_wait3A_342 = tpu.memref_slice %arg7[%dma_wait3A_340, %dma_wait3A_341] : memref<8x128xi32, #tpu.memory_space<vmem>> -> memref<1x128xi32, #tpu.memory_space<vmem>>
        %dma_wait3A_343 = tpu.memref_squeeze %dma_wait3A_342 : memref<1x128xi32, #tpu.memory_space<vmem>> -> memref<128xi32, #tpu.memory_space<vmem>>
        %dma_wait3A_344 = arith.constant 0 : i32
        %dma_wait3A_345 = arith.constant 0 : i32
        %dma_wait3A_346 = tpu.memref_slice %arg6[%dma_wait3A_344, %dma_wait3A_345] : memref<10112x128xf32, #tpu.memory_space<vmem_shared>> -> memref<10112x128xf32, #tpu.memory_space<vmem_shared>>
        tpu.wait_indirect_dma semaphore(%arg15 : memref<!tpu.dma_semaphore, #tpu.memory_space<semaphore_mem>>) src(%arg9 : memref<128x128xf32, #tpu.memory_space<vmem>>) dst(%dma_wait3A_346 : memref<10112x128xf32, #tpu.memory_space<vmem_shared>>)
      } else {
      }
      %dma_wait3A_167 = arith.constant 0 : i32
      %dma_wait3A_168 = arith.constant 0 : i32
      %dma_wait3A_169 = arith.constant 0 : i32
      %dma_wait3A_170 = tpu.memref_slice %arg3[%add3A, %dma_wait3A_167, %dma_wait3A_168, %dma_wait3A_169] : memref<32x20x8x128xi32, #tpu.memory_space<hbm>> -> memref<1x1x8x128xi32, #tpu.memory_space<hbm>>
      %dma_wait3A_171 = tpu.memref_squeeze %dma_wait3A_170 : memref<1x1x8x128xi32, #tpu.memory_space<hbm>> -> memref<8x128xi32, #tpu.memory_space<hbm>>
      %dma_wait3A_172 = arith.constant 0 : i32
      %dma_wait3A_173 = arith.constant 0 : i32
      %dma_wait3A_174 = tpu.memref_slice %arg3[%add3A, %dma_wait3A_167, %dma_wait3A_172, %dma_wait3A_173] : memref<32x20x8x128xi32, #tpu.memory_space<hbm>> -> memref<1x1x8x128xi32, #tpu.memory_space<hbm>>
      %dma_wait3A_175 = tpu.memref_squeeze %dma_wait3A_174 : memref<1x1x8x128xi32, #tpu.memory_space<hbm>> -> memref<8x128xi32, #tpu.memory_space<hbm>>
      tpu.wait_dma2 semaphore(%arg12 : memref<!tpu.dma_semaphore, #tpu.memory_space<semaphore_mem>>) src(%dma_wait3A_175 : memref<8x128xi32, #tpu.memory_space<hbm>>) dst(%arg8 : memref<8x128xi32, #tpu.memory_space<vmem>>)
      %dma_start3A_176 = arith.constant 0 : i32
      %dma_start3A_177 = arith.constant 0 : i32
      %dma_start3A_178 = tpu.memref_slice %arg8[%dma_start3A_176, %dma_start3A_177] : memref<8x128xi32, #tpu.memory_space<vmem>> -> memref<1x128xi32, #tpu.memory_space<vmem>>
      %dma_start3A_179 = tpu.memref_squeeze %dma_start3A_178 : memref<1x128xi32, #tpu.memory_space<vmem>> -> memref<128xi32, #tpu.memory_space<vmem>>
      %dma_start3A_180 = arith.constant 0 : i32
      %dma_start3A_181 = arith.constant 0 : i32
      %dma_start3A_182 = tpu.memref_slice %arg2[%dma_start3A_180, %dma_start3A_181] : memref<10000x128xf32, #tpu.memory_space<hbm>> -> memref<10000x128xf32, #tpu.memory_space<hbm>>
      tpu.enqueue_indirect_dma source(%dma_start3A_182 : memref<10000x128xf32, #tpu.memory_space<hbm>>) target(%arg9 : memref<128x128xf32, #tpu.memory_space<vmem>>) offsets(%dma_start3A_179 : memref<128xi32, #tpu.memory_space<vmem>>) semaphore(%arg13 : memref<!tpu.dma_semaphore, #tpu.memory_space<semaphore_mem>>)
      %dma_wait3A_183 = arith.constant 0 : i32
      %dma_wait3A_184 = arith.constant 0 : i32
      %dma_wait3A_185 = tpu.memref_slice %arg7[%dma_wait3A_183, %dma_wait3A_184] : memref<8x128xi32, #tpu.memory_space<vmem>> -> memref<1x128xi32, #tpu.memory_space<vmem>>
      %dma_wait3A_186 = tpu.memref_squeeze %dma_wait3A_185 : memref<1x128xi32, #tpu.memory_space<vmem>> -> memref<128xi32, #tpu.memory_space<vmem>>
      %dma_wait3A_187 = arith.constant 0 : i32
      %dma_wait3A_188 = arith.constant 0 : i32
      %dma_wait3A_189 = tpu.memref_slice %arg2[%dma_wait3A_187, %dma_wait3A_188] : memref<10000x128xf32, #tpu.memory_space<hbm>> -> memref<10000x128xf32, #tpu.memory_space<hbm>>
      tpu.wait_indirect_dma semaphore(%arg14 : memref<!tpu.dma_semaphore, #tpu.memory_space<semaphore_mem>>) src(%dma_wait3A_189 : memref<10000x128xf32, #tpu.memory_space<hbm>>) dst(%arg10 : memref<128x128xf32, #tpu.memory_space<vmem>>)
      %dma_start3A_190 = arith.constant 7 : i32
      %dma_start3A_191 = arith.constant 0 : i32
      %dma_start3A_192 = tpu.memref_slice %arg7[%dma_start3A_190, %dma_start3A_191] : memref<8x128xi32, #tpu.memory_space<vmem>> -> memref<1x128xi32, #tpu.memory_space<vmem>>
      %dma_start3A_193 = tpu.memref_squeeze %dma_start3A_192 : memref<1x128xi32, #tpu.memory_space<vmem>> -> memref<128xi32, #tpu.memory_space<vmem>>
      %dma_start3A_194 = arith.constant 0 : i32
      %dma_start3A_195 = arith.constant 0 : i32
      %dma_start3A_196 = tpu.memref_slice %arg6[%dma_start3A_194, %dma_start3A_195] : memref<10112x128xf32, #tpu.memory_space<vmem_shared>> -> memref<10112x128xf32, #tpu.memory_space<vmem_shared>>
      tpu.enqueue_indirect_dma source(%arg10 : memref<128x128xf32, #tpu.memory_space<vmem>>) target(%dma_start3A_196 : memref<10112x128xf32, #tpu.memory_space<vmem_shared>>) offsets(%dma_start3A_193 : memref<128xi32, #tpu.memory_space<vmem>>) semaphore(%arg16 : memref<!tpu.dma_semaphore, #tpu.memory_space<semaphore_mem>>) {add = true}
      %mul3A_197 = arith.constant 2 : i32
      %mul3A_198 = arith.muli %add3A_42, %mul3A_197 : i32
      %mul3A_199 = arith.constant 4 : i32
      %mul3A_200 = arith.muli %mul3A_198, %mul3A_199 : i32
      %add3A_201 = arith.constant 4 : i32
      %add3A_202 = arith.addi %mul3A_200, %add3A_201 : i32
      %add3A_203 = arith.constant 0 : i32
      %add3A_204 = arith.addi %add3A_202, %add3A_203 : i32
      %ge3A_205 = arith.constant 1 : i32
      %ge3A_206 = arith.cmpi sge, %add3A_204, %ge3A_205 : i32
      %convert_element_type3A_207 = arith.extui %ge3A_206 : i1 to i32
      %cond3A_208 = arith.constant 0 : i32
      %cond3A_209 = arith.cmpi ne, %convert_element_type3A_207, %cond3A_208 : i32
      scf.if %cond3A_209 {
        %dma_wait3A_340 = arith.constant 4 : i32
        %dma_wait3A_341 = arith.constant 0 : i32
        %dma_wait3A_342 = tpu.memref_slice %arg7[%dma_wait3A_340, %dma_wait3A_341] : memref<8x128xi32, #tpu.memory_space<vmem>> -> memref<1x128xi32, #tpu.memory_space<vmem>>
        %dma_wait3A_343 = tpu.memref_squeeze %dma_wait3A_342 : memref<1x128xi32, #tpu.memory_space<vmem>> -> memref<128xi32, #tpu.memory_space<vmem>>
        %dma_wait3A_344 = arith.constant 0 : i32
        %dma_wait3A_345 = arith.constant 0 : i32
        %dma_wait3A_346 = tpu.memref_slice %arg6[%dma_wait3A_344, %dma_wait3A_345] : memref<10112x128xf32, #tpu.memory_space<vmem_shared>> -> memref<10112x128xf32, #tpu.memory_space<vmem_shared>>
        tpu.wait_indirect_dma semaphore(%arg16 : memref<!tpu.dma_semaphore, #tpu.memory_space<semaphore_mem>>) src(%arg10 : memref<128x128xf32, #tpu.memory_space<vmem>>) dst(%dma_wait3A_346 : memref<10112x128xf32, #tpu.memory_space<vmem_shared>>)
      } else {
      }
      %dma_start3A_210 = arith.constant 1 : i32
      %dma_start3A_211 = arith.constant 0 : i32
      %dma_start3A_212 = tpu.memref_slice %arg8[%dma_start3A_210, %dma_start3A_211] : memref<8x128xi32, #tpu.memory_space<vmem>> -> memref<1x128xi32, #tpu.memory_space<vmem>>
      %dma_start3A_213 = tpu.memref_squeeze %dma_start3A_212 : memref<1x128xi32, #tpu.memory_space<vmem>> -> memref<128xi32, #tpu.memory_space<vmem>>
      %dma_start3A_214 = arith.constant 0 : i32
      %dma_start3A_215 = arith.constant 0 : i32
      %dma_start3A_216 = tpu.memref_slice %arg2[%dma_start3A_214, %dma_start3A_215] : memref<10000x128xf32, #tpu.memory_space<hbm>> -> memref<10000x128xf32, #tpu.memory_space<hbm>>
      tpu.enqueue_indirect_dma source(%dma_start3A_216 : memref<10000x128xf32, #tpu.memory_space<hbm>>) target(%arg10 : memref<128x128xf32, #tpu.memory_space<vmem>>) offsets(%dma_start3A_213 : memref<128xi32, #tpu.memory_space<vmem>>) semaphore(%arg14 : memref<!tpu.dma_semaphore, #tpu.memory_space<semaphore_mem>>)
      %dma_wait3A_217 = arith.constant 0 : i32
      %dma_wait3A_218 = arith.constant 0 : i32
      %dma_wait3A_219 = tpu.memref_slice %arg7[%dma_wait3A_217, %dma_wait3A_218] : memref<8x128xi32, #tpu.memory_space<vmem>> -> memref<1x128xi32, #tpu.memory_space<vmem>>
      %dma_wait3A_220 = tpu.memref_squeeze %dma_wait3A_219 : memref<1x128xi32, #tpu.memory_space<vmem>> -> memref<128xi32, #tpu.memory_space<vmem>>
      %dma_wait3A_221 = arith.constant 0 : i32
      %dma_wait3A_222 = arith.constant 0 : i32
      %dma_wait3A_223 = tpu.memref_slice %arg2[%dma_wait3A_221, %dma_wait3A_222] : memref<10000x128xf32, #tpu.memory_space<hbm>> -> memref<10000x128xf32, #tpu.memory_space<hbm>>
      tpu.wait_indirect_dma semaphore(%arg13 : memref<!tpu.dma_semaphore, #tpu.memory_space<semaphore_mem>>) src(%dma_wait3A_223 : memref<10000x128xf32, #tpu.memory_space<hbm>>) dst(%arg9 : memref<128x128xf32, #tpu.memory_space<vmem>>)
      %dma_start3A_224 = arith.constant 4 : i32
      %dma_start3A_225 = arith.constant 0 : i32
      %dma_start3A_226 = tpu.memref_slice %arg8[%dma_start3A_224, %dma_start3A_225] : memref<8x128xi32, #tpu.memory_space<vmem>> -> memref<1x128xi32, #tpu.memory_space<vmem>>
      %dma_start3A_227 = tpu.memref_squeeze %dma_start3A_226 : memref<1x128xi32, #tpu.memory_space<vmem>> -> memref<128xi32, #tpu.memory_space<vmem>>
      %dma_start3A_228 = arith.constant 0 : i32
      %dma_start3A_229 = arith.constant 0 : i32
      %dma_start3A_230 = tpu.memref_slice %arg6[%dma_start3A_228, %dma_start3A_229] : memref<10112x128xf32, #tpu.memory_space<vmem_shared>> -> memref<10112x128xf32, #tpu.memory_space<vmem_shared>>
      tpu.enqueue_indirect_dma source(%arg9 : memref<128x128xf32, #tpu.memory_space<vmem>>) target(%dma_start3A_230 : memref<10112x128xf32, #tpu.memory_space<vmem_shared>>) offsets(%dma_start3A_227 : memref<128xi32, #tpu.memory_space<vmem>>) semaphore(%arg15 : memref<!tpu.dma_semaphore, #tpu.memory_space<semaphore_mem>>) {add = true}
      %mul3A_231 = arith.constant 2 : i32
      %mul3A_232 = arith.muli %add3A_42, %mul3A_231 : i32
      %mul3A_233 = arith.constant 4 : i32
      %mul3A_234 = arith.muli %mul3A_232, %mul3A_233 : i32
      %add3A_235 = arith.constant 4 : i32
      %add3A_236 = arith.addi %mul3A_234, %add3A_235 : i32
      %add3A_237 = arith.constant 1 : i32
      %add3A_238 = arith.addi %add3A_236, %add3A_237 : i32
      %ge3A_239 = arith.constant 1 : i32
      %ge3A_240 = arith.cmpi sge, %add3A_238, %ge3A_239 : i32
      %convert_element_type3A_241 = arith.extui %ge3A_240 : i1 to i32
      %cond3A_242 = arith.constant 0 : i32
      %cond3A_243 = arith.cmpi ne, %convert_element_type3A_241, %cond3A_242 : i32
      scf.if %cond3A_243 {
        %dma_wait3A_340 = arith.constant 4 : i32
        %dma_wait3A_341 = arith.constant 0 : i32
        %dma_wait3A_342 = tpu.memref_slice %arg7[%dma_wait3A_340, %dma_wait3A_341] : memref<8x128xi32, #tpu.memory_space<vmem>> -> memref<1x128xi32, #tpu.memory_space<vmem>>
        %dma_wait3A_343 = tpu.memref_squeeze %dma_wait3A_342 : memref<1x128xi32, #tpu.memory_space<vmem>> -> memref<128xi32, #tpu.memory_space<vmem>>
        %dma_wait3A_344 = arith.constant 0 : i32
        %dma_wait3A_345 = arith.constant 0 : i32
        %dma_wait3A_346 = tpu.memref_slice %arg6[%dma_wait3A_344, %dma_wait3A_345] : memref<10112x128xf32, #tpu.memory_space<vmem_shared>> -> memref<10112x128xf32, #tpu.memory_space<vmem_shared>>
        tpu.wait_indirect_dma semaphore(%arg15 : memref<!tpu.dma_semaphore, #tpu.memory_space<semaphore_mem>>) src(%arg9 : memref<128x128xf32, #tpu.memory_space<vmem>>) dst(%dma_wait3A_346 : memref<10112x128xf32, #tpu.memory_space<vmem_shared>>)
      } else {
      }
      %le3A = arith.constant 8 : i32
      %le3A_244 = arith.cmpi sle, %add3A_42, %le3A : i32
      %convert_element_type3A_245 = arith.extui %le3A_244 : i1 to i32
      %cond3A_246 = arith.constant 0 : i32
      %cond3A_247 = arith.cmpi ne, %convert_element_type3A_245, %cond3A_246 : i32
      scf.if %cond3A_247 {
        %mul3A_340 = arith.constant 2 : i32
        %mul3A_341 = arith.muli %mul3A_340, %add3A_42 : i32
        %add3A_342 = arith.constant 2 : i32
        %add3A_343 = arith.addi %mul3A_341, %add3A_342 : i32
        %dma_start3A_344 = arith.constant 0 : i32
        %dma_start3A_345 = arith.constant 0 : i32
        %dma_start3A_346 = tpu.memref_slice %arg3[%add3A, %add3A_343, %dma_start3A_344, %dma_start3A_345] : memref<32x20x8x128xi32, #tpu.memory_space<hbm>> -> memref<1x1x8x128xi32, #tpu.memory_space<hbm>>
        %dma_start3A_347 = tpu.memref_squeeze %dma_start3A_346 : memref<1x1x8x128xi32, #tpu.memory_space<hbm>> -> memref<8x128xi32, #tpu.memory_space<hbm>>
        %dma_start3A_348 = arith.constant 0 : i32
        %dma_start3A_349 = arith.constant 0 : i32
        %dma_start3A_350 = tpu.memref_slice %arg3[%add3A, %add3A_343, %dma_start3A_348, %dma_start3A_349] : memref<32x20x8x128xi32, #tpu.memory_space<hbm>> -> memref<1x1x8x128xi32, #tpu.memory_space<hbm>>
        %dma_start3A_351 = tpu.memref_squeeze %dma_start3A_350 : memref<1x1x8x128xi32, #tpu.memory_space<hbm>> -> memref<8x128xi32, #tpu.memory_space<hbm>>
        tpu.enqueue_dma source(%dma_start3A_351 : memref<8x128xi32, #tpu.memory_space<hbm>>) target(%arg7 : memref<8x128xi32, #tpu.memory_space<vmem>>) target_semaphore(%arg11 : memref<!tpu.dma_semaphore, #tpu.memory_space<semaphore_mem>>)
      } else {
      }
      %dma_start3A_248 = arith.constant 2 : i32
      %dma_start3A_249 = arith.constant 0 : i32
      %dma_start3A_250 = tpu.memref_slice %arg8[%dma_start3A_248, %dma_start3A_249] : memref<8x128xi32, #tpu.memory_space<vmem>> -> memref<1x128xi32, #tpu.memory_space<vmem>>
      %dma_start3A_251 = tpu.memref_squeeze %dma_start3A_250 : memref<1x128xi32, #tpu.memory_space<vmem>> -> memref<128xi32, #tpu.memory_space<vmem>>
      %dma_start3A_252 = arith.constant 0 : i32
      %dma_start3A_253 = arith.constant 0 : i32
      %dma_start3A_254 = tpu.memref_slice %arg2[%dma_start3A_252, %dma_start3A_253] : memref<10000x128xf32, #tpu.memory_space<hbm>> -> memref<10000x128xf32, #tpu.memory_space<hbm>>
      tpu.enqueue_indirect_dma source(%dma_start3A_254 : memref<10000x128xf32, #tpu.memory_space<hbm>>) target(%arg9 : memref<128x128xf32, #tpu.memory_space<vmem>>) offsets(%dma_start3A_251 : memref<128xi32, #tpu.memory_space<vmem>>) semaphore(%arg13 : memref<!tpu.dma_semaphore, #tpu.memory_space<semaphore_mem>>)
      %dma_wait3A_255 = arith.constant 0 : i32
      %dma_wait3A_256 = arith.constant 0 : i32
      %dma_wait3A_257 = tpu.memref_slice %arg7[%dma_wait3A_255, %dma_wait3A_256] : memref<8x128xi32, #tpu.memory_space<vmem>> -> memref<1x128xi32, #tpu.memory_space<vmem>>
      %dma_wait3A_258 = tpu.memref_squeeze %dma_wait3A_257 : memref<1x128xi32, #tpu.memory_space<vmem>> -> memref<128xi32, #tpu.memory_space<vmem>>
      %dma_wait3A_259 = arith.constant 0 : i32
      %dma_wait3A_260 = arith.constant 0 : i32
      %dma_wait3A_261 = tpu.memref_slice %arg2[%dma_wait3A_259, %dma_wait3A_260] : memref<10000x128xf32, #tpu.memory_space<hbm>> -> memref<10000x128xf32, #tpu.memory_space<hbm>>
      tpu.wait_indirect_dma semaphore(%arg14 : memref<!tpu.dma_semaphore, #tpu.memory_space<semaphore_mem>>) src(%dma_wait3A_261 : memref<10000x128xf32, #tpu.memory_space<hbm>>) dst(%arg10 : memref<128x128xf32, #tpu.memory_space<vmem>>)
      %dma_start3A_262 = arith.constant 5 : i32
      %dma_start3A_263 = arith.constant 0 : i32
      %dma_start3A_264 = tpu.memref_slice %arg8[%dma_start3A_262, %dma_start3A_263] : memref<8x128xi32, #tpu.memory_space<vmem>> -> memref<1x128xi32, #tpu.memory_space<vmem>>
      %dma_start3A_265 = tpu.memref_squeeze %dma_start3A_264 : memref<1x128xi32, #tpu.memory_space<vmem>> -> memref<128xi32, #tpu.memory_space<vmem>>
      %dma_start3A_266 = arith.constant 0 : i32
      %dma_start3A_267 = arith.constant 0 : i32
      %dma_start3A_268 = tpu.memref_slice %arg6[%dma_start3A_266, %dma_start3A_267] : memref<10112x128xf32, #tpu.memory_space<vmem_shared>> -> memref<10112x128xf32, #tpu.memory_space<vmem_shared>>
      tpu.enqueue_indirect_dma source(%arg10 : memref<128x128xf32, #tpu.memory_space<vmem>>) target(%dma_start3A_268 : memref<10112x128xf32, #tpu.memory_space<vmem_shared>>) offsets(%dma_start3A_265 : memref<128xi32, #tpu.memory_space<vmem>>) semaphore(%arg16 : memref<!tpu.dma_semaphore, #tpu.memory_space<semaphore_mem>>) {add = true}
      %mul3A_269 = arith.constant 2 : i32
      %mul3A_270 = arith.muli %add3A_42, %mul3A_269 : i32
      %mul3A_271 = arith.constant 4 : i32
      %mul3A_272 = arith.muli %mul3A_270, %mul3A_271 : i32
      %add3A_273 = arith.constant 4 : i32
      %add3A_274 = arith.addi %mul3A_272, %add3A_273 : i32
      %add3A_275 = arith.constant 2 : i32
      %add3A_276 = arith.addi %add3A_274, %add3A_275 : i32
      %ge3A_277 = arith.constant 1 : i32
      %ge3A_278 = arith.cmpi sge, %add3A_276, %ge3A_277 : i32
      %convert_element_type3A_279 = arith.extui %ge3A_278 : i1 to i32
      %cond3A_280 = arith.constant 0 : i32
      %cond3A_281 = arith.cmpi ne, %convert_element_type3A_279, %cond3A_280 : i32
      scf.if %cond3A_281 {
        %dma_wait3A_340 = arith.constant 4 : i32
        %dma_wait3A_341 = arith.constant 0 : i32
        %dma_wait3A_342 = tpu.memref_slice %arg7[%dma_wait3A_340, %dma_wait3A_341] : memref<8x128xi32, #tpu.memory_space<vmem>> -> memref<1x128xi32, #tpu.memory_space<vmem>>
        %dma_wait3A_343 = tpu.memref_squeeze %dma_wait3A_342 : memref<1x128xi32, #tpu.memory_space<vmem>> -> memref<128xi32, #tpu.memory_space<vmem>>
        %dma_wait3A_344 = arith.constant 0 : i32
        %dma_wait3A_345 = arith.constant 0 : i32
        %dma_wait3A_346 = tpu.memref_slice %arg6[%dma_wait3A_344, %dma_wait3A_345] : memref<10112x128xf32, #tpu.memory_space<vmem_shared>> -> memref<10112x128xf32, #tpu.memory_space<vmem_shared>>
        tpu.wait_indirect_dma semaphore(%arg16 : memref<!tpu.dma_semaphore, #tpu.memory_space<semaphore_mem>>) src(%arg10 : memref<128x128xf32, #tpu.memory_space<vmem>>) dst(%dma_wait3A_346 : memref<10112x128xf32, #tpu.memory_space<vmem_shared>>)
      } else {
      }
      %dma_start3A_282 = arith.constant 3 : i32
      %dma_start3A_283 = arith.constant 0 : i32
      %dma_start3A_284 = tpu.memref_slice %arg8[%dma_start3A_282, %dma_start3A_283] : memref<8x128xi32, #tpu.memory_space<vmem>> -> memref<1x128xi32, #tpu.memory_space<vmem>>
      %dma_start3A_285 = tpu.memref_squeeze %dma_start3A_284 : memref<1x128xi32, #tpu.memory_space<vmem>> -> memref<128xi32, #tpu.memory_space<vmem>>
      %dma_start3A_286 = arith.constant 0 : i32
      %dma_start3A_287 = arith.constant 0 : i32
      %dma_start3A_288 = tpu.memref_slice %arg2[%dma_start3A_286, %dma_start3A_287] : memref<10000x128xf32, #tpu.memory_space<hbm>> -> memref<10000x128xf32, #tpu.memory_space<hbm>>
      tpu.enqueue_indirect_dma source(%dma_start3A_288 : memref<10000x128xf32, #tpu.memory_space<hbm>>) target(%arg10 : memref<128x128xf32, #tpu.memory_space<vmem>>) offsets(%dma_start3A_285 : memref<128xi32, #tpu.memory_space<vmem>>) semaphore(%arg14 : memref<!tpu.dma_semaphore, #tpu.memory_space<semaphore_mem>>)
      %dma_wait3A_289 = arith.constant 0 : i32
      %dma_wait3A_290 = arith.constant 0 : i32
      %dma_wait3A_291 = tpu.memref_slice %arg7[%dma_wait3A_289, %dma_wait3A_290] : memref<8x128xi32, #tpu.memory_space<vmem>> -> memref<1x128xi32, #tpu.memory_space<vmem>>
      %dma_wait3A_292 = tpu.memref_squeeze %dma_wait3A_291 : memref<1x128xi32, #tpu.memory_space<vmem>> -> memref<128xi32, #tpu.memory_space<vmem>>
      %dma_wait3A_293 = arith.constant 0 : i32
      %dma_wait3A_294 = arith.constant 0 : i32
      %dma_wait3A_295 = tpu.memref_slice %arg2[%dma_wait3A_293, %dma_wait3A_294] : memref<10000x128xf32, #tpu.memory_space<hbm>> -> memref<10000x128xf32, #tpu.memory_space<hbm>>
      tpu.wait_indirect_dma semaphore(%arg13 : memref<!tpu.dma_semaphore, #tpu.memory_space<semaphore_mem>>) src(%dma_wait3A_295 : memref<10000x128xf32, #tpu.memory_space<hbm>>) dst(%arg9 : memref<128x128xf32, #tpu.memory_space<vmem>>)
      %dma_start3A_296 = arith.constant 6 : i32
      %dma_start3A_297 = arith.constant 0 : i32
      %dma_start3A_298 = tpu.memref_slice %arg8[%dma_start3A_296, %dma_start3A_297] : memref<8x128xi32, #tpu.memory_space<vmem>> -> memref<1x128xi32, #tpu.memory_space<vmem>>
      %dma_start3A_299 = tpu.memref_squeeze %dma_start3A_298 : memref<1x128xi32, #tpu.memory_space<vmem>> -> memref<128xi32, #tpu.memory_space<vmem>>
      %dma_start3A_300 = arith.constant 0 : i32
      %dma_start3A_301 = arith.constant 0 : i32
      %dma_start3A_302 = tpu.memref_slice %arg6[%dma_start3A_300, %dma_start3A_301] : memref<10112x128xf32, #tpu.memory_space<vmem_shared>> -> memref<10112x128xf32, #tpu.memory_space<vmem_shared>>
      tpu.enqueue_indirect_dma source(%arg9 : memref<128x128xf32, #tpu.memory_space<vmem>>) target(%dma_start3A_302 : memref<10112x128xf32, #tpu.memory_space<vmem_shared>>) offsets(%dma_start3A_299 : memref<128xi32, #tpu.memory_space<vmem>>) semaphore(%arg15 : memref<!tpu.dma_semaphore, #tpu.memory_space<semaphore_mem>>) {add = true}
      %mul3A_303 = arith.constant 2 : i32
      %mul3A_304 = arith.muli %add3A_42, %mul3A_303 : i32
      %mul3A_305 = arith.constant 4 : i32
      %mul3A_306 = arith.muli %mul3A_304, %mul3A_305 : i32
      %add3A_307 = arith.constant 4 : i32
      %add3A_308 = arith.addi %mul3A_306, %add3A_307 : i32
      %add3A_309 = arith.constant 3 : i32
      %add3A_310 = arith.addi %add3A_308, %add3A_309 : i32
      %ge3A_311 = arith.constant 1 : i32
      %ge3A_312 = arith.cmpi sge, %add3A_310, %ge3A_311 : i32
      %convert_element_type3A_313 = arith.extui %ge3A_312 : i1 to i32
      %cond3A_314 = arith.constant 0 : i32
      %cond3A_315 = arith.cmpi ne, %convert_element_type3A_313, %cond3A_314 : i32
      scf.if %cond3A_315 {
        %dma_wait3A_340 = arith.constant 4 : i32
        %dma_wait3A_341 = arith.constant 0 : i32
        %dma_wait3A_342 = tpu.memref_slice %arg7[%dma_wait3A_340, %dma_wait3A_341] : memref<8x128xi32, #tpu.memory_space<vmem>> -> memref<1x128xi32, #tpu.memory_space<vmem>>
        %dma_wait3A_343 = tpu.memref_squeeze %dma_wait3A_342 : memref<1x128xi32, #tpu.memory_space<vmem>> -> memref<128xi32, #tpu.memory_space<vmem>>
        %dma_wait3A_344 = arith.constant 0 : i32
        %dma_wait3A_345 = arith.constant 0 : i32
        %dma_wait3A_346 = tpu.memref_slice %arg6[%dma_wait3A_344, %dma_wait3A_345] : memref<10112x128xf32, #tpu.memory_space<vmem_shared>> -> memref<10112x128xf32, #tpu.memory_space<vmem_shared>>
        tpu.wait_indirect_dma semaphore(%arg15 : memref<!tpu.dma_semaphore, #tpu.memory_space<semaphore_mem>>) src(%arg9 : memref<128x128xf32, #tpu.memory_space<vmem>>) dst(%dma_wait3A_346 : memref<10112x128xf32, #tpu.memory_space<vmem_shared>>)
      } else {
      }
      %le3A_316 = arith.constant 8 : i32
      %le3A_317 = arith.cmpi sle, %add3A_42, %le3A_316 : i32
      %convert_element_type3A_318 = arith.extui %le3A_317 : i1 to i32
      %cond3A_319 = arith.constant 0 : i32
      %cond3A_320 = arith.cmpi ne, %convert_element_type3A_318, %cond3A_319 : i32
      scf.if %cond3A_320 {
        %dma_wait3A_340 = arith.constant 0 : i32
        %dma_wait3A_341 = arith.constant 0 : i32
        %dma_wait3A_342 = arith.constant 0 : i32
        %dma_wait3A_343 = tpu.memref_slice %arg3[%add3A, %dma_wait3A_340, %dma_wait3A_341, %dma_wait3A_342] : memref<32x20x8x128xi32, #tpu.memory_space<hbm>> -> memref<1x1x8x128xi32, #tpu.memory_space<hbm>>
        %dma_wait3A_344 = tpu.memref_squeeze %dma_wait3A_343 : memref<1x1x8x128xi32, #tpu.memory_space<hbm>> -> memref<8x128xi32, #tpu.memory_space<hbm>>
        %dma_wait3A_345 = arith.constant 0 : i32
        %dma_wait3A_346 = arith.constant 0 : i32
        %dma_wait3A_347 = tpu.memref_slice %arg3[%add3A, %dma_wait3A_340, %dma_wait3A_345, %dma_wait3A_346] : memref<32x20x8x128xi32, #tpu.memory_space<hbm>> -> memref<1x1x8x128xi32, #tpu.memory_space<hbm>>
        %dma_wait3A_348 = tpu.memref_squeeze %dma_wait3A_347 : memref<1x1x8x128xi32, #tpu.memory_space<hbm>> -> memref<8x128xi32, #tpu.memory_space<hbm>>
        tpu.wait_dma2 semaphore(%arg11 : memref<!tpu.dma_semaphore, #tpu.memory_space<semaphore_mem>>) src(%dma_wait3A_348 : memref<8x128xi32, #tpu.memory_space<hbm>>) dst(%arg7 : memref<8x128xi32, #tpu.memory_space<vmem>>)
      } else {
      }
      %le3A_321 = arith.constant 8 : i32
      %le3A_322 = arith.cmpi sle, %add3A_42, %le3A_321 : i32
      %convert_element_type3A_323 = arith.extui %le3A_322 : i1 to i32
      %cond3A_324 = arith.constant 0 : i32
      %cond3A_325 = arith.cmpi ne, %convert_element_type3A_323, %cond3A_324 : i32
      scf.if %cond3A_325 {
        %dma_start3A_340 = arith.constant 0 : i32
        %dma_start3A_341 = arith.constant 0 : i32
        %dma_start3A_342 = tpu.memref_slice %arg7[%dma_start3A_340, %dma_start3A_341] : memref<8x128xi32, #tpu.memory_space<vmem>> -> memref<1x128xi32, #tpu.memory_space<vmem>>
        %dma_start3A_343 = tpu.memref_squeeze %dma_start3A_342 : memref<1x128xi32, #tpu.memory_space<vmem>> -> memref<128xi32, #tpu.memory_space<vmem>>
        %dma_start3A_344 = arith.constant 0 : i32
        %dma_start3A_345 = arith.constant 0 : i32
        %dma_start3A_346 = tpu.memref_slice %arg2[%dma_start3A_344, %dma_start3A_345] : memref<10000x128xf32, #tpu.memory_space<hbm>> -> memref<10000x128xf32, #tpu.memory_space<hbm>>
        tpu.enqueue_indirect_dma source(%dma_start3A_346 : memref<10000x128xf32, #tpu.memory_space<hbm>>) target(%arg9 : memref<128x128xf32, #tpu.memory_space<vmem>>) offsets(%dma_start3A_343 : memref<128xi32, #tpu.memory_space<vmem>>) semaphore(%arg13 : memref<!tpu.dma_semaphore, #tpu.memory_space<semaphore_mem>>)
      } else {
      }
      %dma_wait3A_326 = arith.constant 0 : i32
      %dma_wait3A_327 = arith.constant 0 : i32
      %dma_wait3A_328 = tpu.memref_slice %arg7[%dma_wait3A_326, %dma_wait3A_327] : memref<8x128xi32, #tpu.memory_space<vmem>> -> memref<1x128xi32, #tpu.memory_space<vmem>>
      %dma_wait3A_329 = tpu.memref_squeeze %dma_wait3A_328 : memref<1x128xi32, #tpu.memory_space<vmem>> -> memref<128xi32, #tpu.memory_space<vmem>>
      %dma_wait3A_330 = arith.constant 0 : i32
      %dma_wait3A_331 = arith.constant 0 : i32
      %dma_wait3A_332 = tpu.memref_slice %arg2[%dma_wait3A_330, %dma_wait3A_331] : memref<10000x128xf32, #tpu.memory_space<hbm>> -> memref<10000x128xf32, #tpu.memory_space<hbm>>
      tpu.wait_indirect_dma semaphore(%arg14 : memref<!tpu.dma_semaphore, #tpu.memory_space<semaphore_mem>>) src(%dma_wait3A_332 : memref<10000x128xf32, #tpu.memory_space<hbm>>) dst(%arg10 : memref<128x128xf32, #tpu.memory_space<vmem>>)
      %dma_start3A_333 = arith.constant 7 : i32
      %dma_start3A_334 = arith.constant 0 : i32
      %dma_start3A_335 = tpu.memref_slice %arg8[%dma_start3A_333, %dma_start3A_334] : memref<8x128xi32, #tpu.memory_space<vmem>> -> memref<1x128xi32, #tpu.memory_space<vmem>>
      %dma_start3A_336 = tpu.memref_squeeze %dma_start3A_335 : memref<1x128xi32, #tpu.memory_space<vmem>> -> memref<128xi32, #tpu.memory_space<vmem>>
      %dma_start3A_337 = arith.constant 0 : i32
      %dma_start3A_338 = arith.constant 0 : i32
      %dma_start3A_339 = tpu.memref_slice %arg6[%dma_start3A_337, %dma_start3A_338] : memref<10112x128xf32, #tpu.memory_space<vmem_shared>> -> memref<10112x128xf32, #tpu.memory_space<vmem_shared>>
      tpu.enqueue_indirect_dma source(%arg10 : memref<128x128xf32, #tpu.memory_space<vmem>>) target(%dma_start3A_339 : memref<10112x128xf32, #tpu.memory_space<vmem_shared>>) offsets(%dma_start3A_336 : memref<128xi32, #tpu.memory_space<vmem>>) semaphore(%arg16 : memref<!tpu.dma_semaphore, #tpu.memory_space<semaphore_mem>>) {add = true}
    }
    %scan3A_29 = arith.constant 10 : i32
    %dma_wait3A_30 = arith.constant 4 : i32
    %dma_wait3A_31 = arith.constant 0 : i32
    %dma_wait3A_32 = tpu.memref_slice %arg7[%dma_wait3A_30, %dma_wait3A_31] : memref<8x128xi32, #tpu.memory_space<vmem>> -> memref<1x128xi32, #tpu.memory_space<vmem>>
    %dma_wait3A_33 = tpu.memref_squeeze %dma_wait3A_32 : memref<1x128xi32, #tpu.memory_space<vmem>> -> memref<128xi32, #tpu.memory_space<vmem>>
    %dma_wait3A_34 = arith.constant 0 : i32
    %dma_wait3A_35 = arith.constant 0 : i32
    %dma_wait3A_36 = tpu.memref_slice %arg6[%dma_wait3A_34, %dma_wait3A_35] : memref<10112x128xf32, #tpu.memory_space<vmem_shared>> -> memref<10112x128xf32, #tpu.memory_space<vmem_shared>>
    tpu.wait_indirect_dma semaphore(%arg16 : memref<!tpu.dma_semaphore, #tpu.memory_space<semaphore_mem>>) src(%arg10 : memref<128x128xf32, #tpu.memory_space<vmem>>) dst(%dma_wait3A_36 : memref<10112x128xf32, #tpu.memory_space<vmem_shared>>)
    %barrier3A_37 = arith.constant 0 : index
    tpu.barrier barrier_id(%barrier3A_37)
    "tpu.region"() ({
      %run_scoped3A = tpu.sem_alloc : memref<!tpu.dma_semaphore, #tpu.memory_space<semaphore_mem>>
      %dma_start3A_38 = arith.constant 0 : i32
      %dma_start3A_39 = tpu.memref_slice %arg5[%arg0, %mul3A_2, %dma_start3A_38] : memref<2x10112x128xf32, #tpu.memory_space<hbm>> -> memref<1x632x128xf32, #tpu.memory_space<hbm>>
      %dma_start3A_40 = tpu.memref_squeeze %dma_start3A_39 : memref<1x632x128xf32, #tpu.memory_space<hbm>> -> memref<632x128xf32, #tpu.memory_space<hbm>>
      %dma_start3A_41 = arith.constant 0 : i32
      %dma_start3A_42 = tpu.memref_slice %arg6[%mul3A_2, %dma_start3A_41] : memref<10112x128xf32, #tpu.memory_space<vmem_shared>> -> memref<632x128xf32, #tpu.memory_space<vmem_shared>>
      tpu.enqueue_dma source(%dma_start3A_42 : memref<632x128xf32, #tpu.memory_space<vmem_shared>>) target(%dma_start3A_40 : memref<632x128xf32, #tpu.memory_space<hbm>>) target_semaphore(%run_scoped3A : memref<!tpu.dma_semaphore, #tpu.memory_space<semaphore_mem>>)
      %dma_wait3A_43 = arith.constant 0 : i32
      %dma_wait3A_44 = tpu.memref_slice %arg5[%arg0, %mul3A_2, %dma_wait3A_43] : memref<2x10112x128xf32, #tpu.memory_space<hbm>> -> memref<1x632x128xf32, #tpu.memory_space<hbm>>
      %dma_wait3A_45 = tpu.memref_squeeze %dma_wait3A_44 : memref<1x632x128xf32, #tpu.memory_space<hbm>> -> memref<632x128xf32, #tpu.memory_space<hbm>>
      %dma_wait3A_46 = arith.constant 0 : i32
      %dma_wait3A_47 = tpu.memref_slice %arg6[%mul3A_2, %dma_wait3A_46] : memref<10112x128xf32, #tpu.memory_space<vmem_shared>> -> memref<632x128xf32, #tpu.memory_space<vmem_shared>>
      tpu.wait_dma2 semaphore(%run_scoped3A : memref<!tpu.dma_semaphore, #tpu.memory_space<semaphore_mem>>) src(%dma_wait3A_47 : memref<632x128xf32, #tpu.memory_space<vmem_shared>>) dst(%dma_wait3A_45 : memref<632x128xf32, #tpu.memory_space<hbm>>)
      tpu.yield
    }) : () -> ()
    return
  }
}

#map = affine_map<(d0, d1) -> (0, 0)>
#map1 = affine_map<(d0, d1) -> (0, 0, 0, 0)>
#map2 = affine_map<(d0, d1) -> (0, 0, 0)>
module attributes {stable_mosaic.version = 14 : i64} {
  func.func @_sc_body(%arg0: i32, %arg1: i32, %arg2: memref<10000x128xf32, #tpu.memory_space<hbm>>, %arg3: memref<32x20x8x128xi32, #tpu.memory_space<hbm>>, %arg4: memref<10112x128xf32, #tpu.memory_space<hbm>>, %arg5: memref<2x10112x128xf32, #tpu.memory_space<hbm>>, %arg6: memref<10112x128xf32, #tpu.memory_space<vmem_shared>>, %arg7: memref<8x128xi32, #tpu.memory_space<vmem>>, %arg8: memref<8x128xi32, #tpu.memory_space<vmem>>, %arg9: memref<128x128xf32, #tpu.memory_space<vmem>>, %arg10: memref<128x128xf32, #tpu.memory_space<vmem>>, %arg11: memref<!tpu.dma_semaphore, #tpu.memory_space<semaphore_mem>>, %arg12: memref<!tpu.dma_semaphore, #tpu.memory_space<semaphore_mem>>, %arg13: memref<!tpu.dma_semaphore, #tpu.memory_space<semaphore_mem>>, %arg14: memref<!tpu.dma_semaphore, #tpu.memory_space<semaphore_mem>>, %arg15: memref<!tpu.dma_semaphore, #tpu.memory_space<semaphore_mem>>, %arg16: memref<!tpu.dma_semaphore, #tpu.memory_space<semaphore_mem>>) attributes {dimension_semantics = [#tpu.dimension_semantics<core_parallel>, #tpu.dimension_semantics<subcore_parallel>], iteration_bounds = array<i64: 2, 16>, scalar_prefetch = 0 : i64, scratch_operands = 11 : i64, tpu.core_type = #tpu.core_type<sc_vector_subcore>, window_params = [{transform_indices = #map}, {transform_indices = #map1}, {transform_indices = #map}, {transform_indices = #map2}]} {
    %mul3A = arith.constant 2 : i32
    %mul3A_0 = arith.muli %arg1, %mul3A : i32
    %add3A = arith.addi %mul3A_0, %arg0 : i32
    %mul3A_1 = arith.constant 632 : i32
    %mul3A_2 = arith.muli %arg1, %mul3A_1 : i32
    %dma_start3A = arith.constant 0 : i32
    %dma_start3A_3 = arith.constant 0 : i32
    %dma_start3A_4 = arith.constant 0 : i32
    %dma_start3A_5 = tpu.memref_slice %arg3[%add3A, %dma_start3A, %dma_start3A_3, %dma_start3A_4] : memref<32x20x8x128xi32, #tpu.memory_space<hbm>> -> memref<1x1x8x128xi32, #tpu.memory_space<hbm>>
    %dma_start3A_6 = tpu.memref_squeeze %dma_start3A_5 : memref<1x1x8x128xi32, #tpu.memory_space<hbm>> -> memref<8x128xi32, #tpu.memory_space<hbm>>
    %dma_start3A_7 = arith.constant 0 : i32
    %dma_start3A_8 = arith.constant 0 : i32
    %dma_start3A_9 = tpu.memref_slice %arg3[%add3A, %dma_start3A, %dma_start3A_7, %dma_start3A_8] : memref<32x20x8x128xi32, #tpu.memory_space<hbm>> -> memref<1x1x8x128xi32, #tpu.memory_space<hbm>>
    %dma_start3A_10 = tpu.memref_squeeze %dma_start3A_9 : memref<1x1x8x128xi32, #tpu.memory_space<hbm>> -> memref<8x128xi32, #tpu.memory_space<hbm>>
    tpu.enqueue_dma source(%dma_start3A_10 : memref<8x128xi32, #tpu.memory_space<hbm>>) target(%arg7 : memref<8x128xi32, #tpu.memory_space<vmem>>) target_semaphore(%arg11 : memref<!tpu.dma_semaphore, #tpu.memory_space<semaphore_mem>>)
    %dma_wait3A = arith.constant 0 : i32
    %dma_wait3A_11 = arith.constant 0 : i32
    %dma_wait3A_12 = arith.constant 0 : i32
    %dma_wait3A_13 = tpu.memref_slice %arg3[%add3A, %dma_wait3A, %dma_wait3A_11, %dma_wait3A_12] : memref<32x20x8x128xi32, #tpu.memory_space<hbm>> -> memref<1x1x8x128xi32, #tpu.memory_space<hbm>>
    %dma_wait3A_14 = tpu.memref_squeeze %dma_wait3A_13 : memref<1x1x8x128xi32, #tpu.memory_space<hbm>> -> memref<8x128xi32, #tpu.memory_space<hbm>>
    %dma_wait3A_15 = arith.constant 0 : i32
    %dma_wait3A_16 = arith.constant 0 : i32
    %dma_wait3A_17 = tpu.memref_slice %arg3[%add3A, %dma_wait3A, %dma_wait3A_15, %dma_wait3A_16] : memref<32x20x8x128xi32, #tpu.memory_space<hbm>> -> memref<1x1x8x128xi32, #tpu.memory_space<hbm>>
    %dma_wait3A_18 = tpu.memref_squeeze %dma_wait3A_17 : memref<1x1x8x128xi32, #tpu.memory_space<hbm>> -> memref<8x128xi32, #tpu.memory_space<hbm>>
    tpu.wait_dma2 semaphore(%arg11 : memref<!tpu.dma_semaphore, #tpu.memory_space<semaphore_mem>>) src(%dma_wait3A_18 : memref<8x128xi32, #tpu.memory_space<hbm>>) dst(%arg7 : memref<8x128xi32, #tpu.memory_space<vmem>>)
    %dma_start3A_19 = arith.constant 0 : i32
    %dma_start3A_20 = arith.constant 0 : i32
    %dma_start3A_21 = tpu.memref_slice %arg7[%dma_start3A_19, %dma_start3A_20] : memref<8x128xi32, #tpu.memory_space<vmem>> -> memref<1x128xi32, #tpu.memory_space<vmem>>
    %dma_start3A_22 = tpu.memref_squeeze %dma_start3A_21 : memref<1x128xi32, #tpu.memory_space<vmem>> -> memref<128xi32, #tpu.memory_space<vmem>>
    %dma_start3A_23 = arith.constant 0 : i32
    %dma_start3A_24 = arith.constant 0 : i32
    %dma_start3A_25 = tpu.memref_slice %arg2[%dma_start3A_23, %dma_start3A_24] : memref<10000x128xf32, #tpu.memory_space<hbm>> -> memref<10000x128xf32, #tpu.memory_space<hbm>>
    tpu.enqueue_indirect_dma source(%dma_start3A_25 : memref<10000x128xf32, #tpu.memory_space<hbm>>) target(%arg9 : memref<128x128xf32, #tpu.memory_space<vmem>>) offsets(%dma_start3A_22 : memref<128xi32, #tpu.memory_space<vmem>>) semaphore(%arg13 : memref<!tpu.dma_semaphore, #tpu.memory_space<semaphore_mem>>)
    "tpu.region"() ({
      %run_scoped3A = tpu.sem_alloc : memref<!tpu.dma_semaphore, #tpu.memory_space<semaphore_mem>>
      %dma_start3A_38 = arith.constant 0 : i32
      %dma_start3A_39 = tpu.memref_slice %arg6[%mul3A_2, %dma_start3A_38] : memref<10112x128xf32, #tpu.memory_space<vmem_shared>> -> memref<632x128xf32, #tpu.memory_space<vmem_shared>>
      %dma_start3A_40 = arith.constant 0 : i32
      %dma_start3A_41 = tpu.memref_slice %arg4[%mul3A_2, %dma_start3A_40] : memref<10112x128xf32, #tpu.memory_space<hbm>> -> memref<632x128xf32, #tpu.memory_space<hbm>>
      tpu.enqueue_dma source(%dma_start3A_41 : memref<632x128xf32, #tpu.memory_space<hbm>>) target(%dma_start3A_39 : memref<632x128xf32, #tpu.memory_space<vmem_shared>>) target_semaphore(%run_scoped3A : memref<!tpu.dma_semaphore, #tpu.memory_space<semaphore_mem>>)
      %dma_wait3A_42 = arith.constant 0 : i32
      %dma_wait3A_43 = tpu.memref_slice %arg6[%mul3A_2, %dma_wait3A_42] : memref<10112x128xf32, #tpu.memory_space<vmem_shared>> -> memref<632x128xf32, #tpu.memory_space<vmem_shared>>
      %dma_wait3A_44 = arith.constant 0 : i32
      %dma_wait3A_45 = tpu.memref_slice %arg4[%mul3A_2, %dma_wait3A_44] : memref<10112x128xf32, #tpu.memory_space<hbm>> -> memref<632x128xf32, #tpu.memory_space<hbm>>
      tpu.wait_dma2 semaphore(%run_scoped3A : memref<!tpu.dma_semaphore, #tpu.memory_space<semaphore_mem>>) src(%dma_wait3A_45 : memref<632x128xf32, #tpu.memory_space<hbm>>) dst(%dma_wait3A_43 : memref<632x128xf32, #tpu.memory_space<vmem_shared>>)
      tpu.yield
    }) : () -> ()
    %barrier3A = arith.constant 0 : index
    tpu.barrier barrier_id(%barrier3A)
    %scan3A = arith.constant 0 : i32
    %scan3A_26 = arith.constant 10 : i32
    %scan3A_27 = arith.addi %scan3A, %scan3A_26 : i32
    %scan3A_28 = arith.constant 1 : i32
    scf.for %scan3A_38 = %scan3A to %scan3A_27 step %scan3A_28  : i32 {
      %mul3A_39 = arith.constant 1 : i32
      %mul3A_40 = arith.muli %scan3A_38, %mul3A_39 : i32
      %add3A_41 = arith.constant 0 : i32
      %add3A_42 = arith.addi %add3A_41, %mul3A_40 : i32
      %mul3A_43 = arith.constant 2 : i32
      %mul3A_44 = arith.muli %add3A_42, %mul3A_43 : i32
      %mul3A_45 = arith.constant 4 : i32
      %mul3A_46 = arith.muli %mul3A_44, %mul3A_45 : i32
      %add3A_47 = arith.constant 0 : i32
      %add3A_48 = arith.addi %mul3A_46, %add3A_47 : i32
      %add3A_49 = arith.constant 0 : i32
      %add3A_50 = arith.addi %add3A_48, %add3A_49 : i32
      %ge3A = arith.constant 1 : i32
      %ge3A_51 = arith.cmpi sge, %add3A_50, %ge3A : i32
      %convert_element_type3A = arith.extui %ge3A_51 : i1 to i32
      %cond3A = arith.constant 0 : i32
      %cond3A_52 = arith.cmpi ne, %convert_element_type3A, %cond3A : i32
      scf.if %cond3A_52 {
        %dma_wait3A_340 = arith.constant 4 : i32
        %dma_wait3A_341 = arith.constant 0 : i32
        %dma_wait3A_342 = tpu.memref_slice %arg7[%dma_wait3A_340, %dma_wait3A_341] : memref<8x128xi32, #tpu.memory_space<vmem>> -> memref<1x128xi32, #tpu.memory_space<vmem>>
        %dma_wait3A_343 = tpu.memref_squeeze %dma_wait3A_342 : memref<1x128xi32, #tpu.memory_space<vmem>> -> memref<128xi32, #tpu.memory_space<vmem>>
        %dma_wait3A_344 = arith.constant 0 : i32
        %dma_wait3A_345 = arith.constant 0 : i32
        %dma_wait3A_346 = tpu.memref_slice %arg6[%dma_wait3A_344, %dma_wait3A_345] : memref<10112x128xf32, #tpu.memory_space<vmem_shared>> -> memref<10112x128xf32, #tpu.memory_space<vmem_shared>>
        tpu.wait_indirect_dma semaphore(%arg16 : memref<!tpu.dma_semaphore, #tpu.memory_space<semaphore_mem>>) src(%arg10 : memref<128x128xf32, #tpu.memory_space<vmem>>) dst(%dma_wait3A_346 : memref<10112x128xf32, #tpu.memory_space<vmem_shared>>)
      } else {
      }
      %dma_start3A_53 = arith.constant 1 : i32
      %dma_start3A_54 = arith.constant 0 : i32
      %dma_start3A_55 = tpu.memref_slice %arg7[%dma_start3A_53, %dma_start3A_54] : memref<8x128xi32, #tpu.memory_space<vmem>> -> memref<1x128xi32, #tpu.memory_space<vmem>>
      %dma_start3A_56 = tpu.memref_squeeze %dma_start3A_55 : memref<1x128xi32, #tpu.memory_space<vmem>> -> memref<128xi32, #tpu.memory_space<vmem>>
      %dma_start3A_57 = arith.constant 0 : i32
      %dma_start3A_58 = arith.constant 0 : i32
      %dma_start3A_59 = tpu.memref_slice %arg2[%dma_start3A_57, %dma_start3A_58] : memref<10000x128xf32, #tpu.memory_space<hbm>> -> memref<10000x128xf32, #tpu.memory_space<hbm>>
      tpu.enqueue_indirect_dma source(%dma_start3A_59 : memref<10000x128xf32, #tpu.memory_space<hbm>>) target(%arg10 : memref<128x128xf32, #tpu.memory_space<vmem>>) offsets(%dma_start3A_56 : memref<128xi32, #tpu.memory_space<vmem>>) semaphore(%arg14 : memref<!tpu.dma_semaphore, #tpu.memory_space<semaphore_mem>>)
      %dma_wait3A_60 = arith.constant 0 : i32
      %dma_wait3A_61 = arith.constant 0 : i32
      %dma_wait3A_62 = tpu.memref_slice %arg7[%dma_wait3A_60, %dma_wait3A_61] : memref<8x128xi32, #tpu.memory_space<vmem>> -> memref<1x128xi32, #tpu.memory_space<vmem>>
      %dma_wait3A_63 = tpu.memref_squeeze %dma_wait3A_62 : memref<1x128xi32, #tpu.memory_space<vmem>> -> memref<128xi32, #tpu.memory_space<vmem>>
      %dma_wait3A_64 = arith.constant 0 : i32
      %dma_wait3A_65 = arith.constant 0 : i32
      %dma_wait3A_66 = tpu.memref_slice %arg2[%dma_wait3A_64, %dma_wait3A_65] : memref<10000x128xf32, #tpu.memory_space<hbm>> -> memref<10000x128xf32, #tpu.memory_space<hbm>>
      tpu.wait_indirect_dma semaphore(%arg13 : memref<!tpu.dma_semaphore, #tpu.memory_space<semaphore_mem>>) src(%dma_wait3A_66 : memref<10000x128xf32, #tpu.memory_space<hbm>>) dst(%arg9 : memref<128x128xf32, #tpu.memory_space<vmem>>)
      %dma_start3A_67 = arith.constant 4 : i32
      %dma_start3A_68 = arith.constant 0 : i32
      %dma_start3A_69 = tpu.memref_slice %arg7[%dma_start3A_67, %dma_start3A_68] : memref<8x128xi32, #tpu.memory_space<vmem>> -> memref<1x128xi32, #tpu.memory_space<vmem>>
      %dma_start3A_70 = tpu.memref_squeeze %dma_start3A_69 : memref<1x128xi32, #tpu.memory_space<vmem>> -> memref<128xi32, #tpu.memory_space<vmem>>
      %dma_start3A_71 = arith.constant 0 : i32
      %dma_start3A_72 = arith.constant 0 : i32
      %dma_start3A_73 = tpu.memref_slice %arg6[%dma_start3A_71, %dma_start3A_72] : memref<10112x128xf32, #tpu.memory_space<vmem_shared>> -> memref<10112x128xf32, #tpu.memory_space<vmem_shared>>
      tpu.enqueue_indirect_dma source(%arg9 : memref<128x128xf32, #tpu.memory_space<vmem>>) target(%dma_start3A_73 : memref<10112x128xf32, #tpu.memory_space<vmem_shared>>) offsets(%dma_start3A_70 : memref<128xi32, #tpu.memory_space<vmem>>) semaphore(%arg15 : memref<!tpu.dma_semaphore, #tpu.memory_space<semaphore_mem>>) {add = true}
      %mul3A_74 = arith.constant 2 : i32
      %mul3A_75 = arith.muli %add3A_42, %mul3A_74 : i32
      %mul3A_76 = arith.constant 4 : i32
      %mul3A_77 = arith.muli %mul3A_75, %mul3A_76 : i32
      %add3A_78 = arith.constant 0 : i32
      %add3A_79 = arith.addi %mul3A_77, %add3A_78 : i32
      %add3A_80 = arith.constant 1 : i32
      %add3A_81 = arith.addi %add3A_79, %add3A_80 : i32
      %ge3A_82 = arith.constant 1 : i32
      %ge3A_83 = arith.cmpi sge, %add3A_81, %ge3A_82 : i32
      %convert_element_type3A_84 = arith.extui %ge3A_83 : i1 to i32
      %cond3A_85 = arith.constant 0 : i32
      %cond3A_86 = arith.cmpi ne, %convert_element_type3A_84, %cond3A_85 : i32
      scf.if %cond3A_86 {
        %dma_wait3A_340 = arith.constant 4 : i32
        %dma_wait3A_341 = arith.constant 0 : i32
        %dma_wait3A_342 = tpu.memref_slice %arg7[%dma_wait3A_340, %dma_wait3A_341] : memref<8x128xi32, #tpu.memory_space<vmem>> -> memref<1x128xi32, #tpu.memory_space<vmem>>
        %dma_wait3A_343 = tpu.memref_squeeze %dma_wait3A_342 : memref<1x128xi32, #tpu.memory_space<vmem>> -> memref<128xi32, #tpu.memory_space<vmem>>
        %dma_wait3A_344 = arith.constant 0 : i32
        %dma_wait3A_345 = arith.constant 0 : i32
        %dma_wait3A_346 = tpu.memref_slice %arg6[%dma_wait3A_344, %dma_wait3A_345] : memref<10112x128xf32, #tpu.memory_space<vmem_shared>> -> memref<10112x128xf32, #tpu.memory_space<vmem_shared>>
        tpu.wait_indirect_dma semaphore(%arg15 : memref<!tpu.dma_semaphore, #tpu.memory_space<semaphore_mem>>) src(%arg9 : memref<128x128xf32, #tpu.memory_space<vmem>>) dst(%dma_wait3A_346 : memref<10112x128xf32, #tpu.memory_space<vmem_shared>>)
      } else {
      }
      %mul3A_87 = arith.constant 2 : i32
      %mul3A_88 = arith.muli %mul3A_87, %add3A_42 : i32
      %add3A_89 = arith.constant 1 : i32
      %add3A_90 = arith.addi %mul3A_88, %add3A_89 : i32
      %dma_start3A_91 = arith.constant 0 : i32
      %dma_start3A_92 = arith.constant 0 : i32
      %dma_start3A_93 = tpu.memref_slice %arg3[%add3A, %add3A_90, %dma_start3A_91, %dma_start3A_92] : memref<32x20x8x128xi32, #tpu.memory_space<hbm>> -> memref<1x1x8x128xi32, #tpu.memory_space<hbm>>
      %dma_start3A_94 = tpu.memref_squeeze %dma_start3A_93 : memref<1x1x8x128xi32, #tpu.memory_space<hbm>> -> memref<8x128xi32, #tpu.memory_space<hbm>>
      %dma_start3A_95 = arith.constant 0 : i32
      %dma_start3A_96 = arith.constant 0 : i32
      %dma_start3A_97 = tpu.memref_slice %arg3[%add3A, %add3A_90, %dma_start3A_95, %dma_start3A_96] : memref<32x20x8x128xi32, #tpu.memory_space<hbm>> -> memref<1x1x8x128xi32, #tpu.memory_space<hbm>>
      %dma_start3A_98 = tpu.memref_squeeze %dma_start3A_97 : memref<1x1x8x128xi32, #tpu.memory_space<hbm>> -> memref<8x128xi32, #tpu.memory_space<hbm>>
      tpu.enqueue_dma source(%dma_start3A_98 : memref<8x128xi32, #tpu.memory_space<hbm>>) target(%arg8 : memref<8x128xi32, #tpu.memory_space<vmem>>) target_semaphore(%arg12 : memref<!tpu.dma_semaphore, #tpu.memory_space<semaphore_mem>>)
      %dma_start3A_99 = arith.constant 2 : i32
      %dma_start3A_100 = arith.constant 0 : i32
      %dma_start3A_101 = tpu.memref_slice %arg7[%dma_start3A_99, %dma_start3A_100] : memref<8x128xi32, #tpu.memory_space<vmem>> -> memref<1x128xi32, #tpu.memory_space<vmem>>
      %dma_start3A_102 = tpu.memref_squeeze %dma_start3A_101 : memref<1x128xi32, #tpu.memory_space<vmem>> -> memref<128xi32, #tpu.memory_space<vmem>>
      %dma_start3A_103 = arith.constant 0 : i32
      %dma_start3A_104 = arith.constant 0 : i32
      %dma_start3A_105 = tpu.memref_slice %arg2[%dma_start3A_103, %dma_start3A_104] : memref<10000x128xf32, #tpu.memory_space<hbm>> -> memref<10000x128xf32, #tpu.memory_space<hbm>>
      tpu.enqueue_indirect_dma source(%dma_start3A_105 : memref<10000x128xf32, #tpu.memory_space<hbm>>) target(%arg9 : memref<128x128xf32, #tpu.memory_space<vmem>>) offsets(%dma_start3A_102 : memref<128xi32, #tpu.memory_space<vmem>>) semaphore(%arg13 : memref<!tpu.dma_semaphore, #tpu.memory_space<semaphore_mem>>)
      %dma_wait3A_106 = arith.constant 0 : i32
      %dma_wait3A_107 = arith.constant 0 : i32
      %dma_wait3A_108 = tpu.memref_slice %arg7[%dma_wait3A_106, %dma_wait3A_107] : memref<8x128xi32, #tpu.memory_space<vmem>> -> memref<1x128xi32, #tpu.memory_space<vmem>>
      %dma_wait3A_109 = tpu.memref_squeeze %dma_wait3A_108 : memref<1x128xi32, #tpu.memory_space<vmem>> -> memref<128xi32, #tpu.memory_space<vmem>>
      %dma_wait3A_110 = arith.constant 0 : i32
      %dma_wait3A_111 = arith.constant 0 : i32
      %dma_wait3A_112 = tpu.memref_slice %arg2[%dma_wait3A_110, %dma_wait3A_111] : memref<10000x128xf32, #tpu.memory_space<hbm>> -> memref<10000x128xf32, #tpu.memory_space<hbm>>
      tpu.wait_indirect_dma semaphore(%arg14 : memref<!tpu.dma_semaphore, #tpu.memory_space<semaphore_mem>>) src(%dma_wait3A_112 : memref<10000x128xf32, #tpu.memory_space<hbm>>) dst(%arg10 : memref<128x128xf32, #tpu.memory_space<vmem>>)
      %dma_start3A_113 = arith.constant 5 : i32
      %dma_start3A_114 = arith.constant 0 : i32
      %dma_start3A_115 = tpu.memref_slice %arg7[%dma_start3A_113, %dma_start3A_114] : memref<8x128xi32, #tpu.memory_space<vmem>> -> memref<1x128xi32, #tpu.memory_space<vmem>>
      %dma_start3A_116 = tpu.memref_squeeze %dma_start3A_115 : memref<1x128xi32, #tpu.memory_space<vmem>> -> memref<128xi32, #tpu.memory_space<vmem>>
      %dma_start3A_117 = arith.constant 0 : i32
      %dma_start3A_118 = arith.constant 0 : i32
      %dma_start3A_119 = tpu.memref_slice %arg6[%dma_start3A_117, %dma_start3A_118] : memref<10112x128xf32, #tpu.memory_space<vmem_shared>> -> memref<10112x128xf32, #tpu.memory_space<vmem_shared>>
      tpu.enqueue_indirect_dma source(%arg10 : memref<128x128xf32, #tpu.memory_space<vmem>>) target(%dma_start3A_119 : memref<10112x128xf32, #tpu.memory_space<vmem_shared>>) offsets(%dma_start3A_116 : memref<128xi32, #tpu.memory_space<vmem>>) semaphore(%arg16 : memref<!tpu.dma_semaphore, #tpu.memory_space<semaphore_mem>>) {add = true}
      %mul3A_120 = arith.constant 2 : i32
      %mul3A_121 = arith.muli %add3A_42, %mul3A_120 : i32
      %mul3A_122 = arith.constant 4 : i32
      %mul3A_123 = arith.muli %mul3A_121, %mul3A_122 : i32
      %add3A_124 = arith.constant 0 : i32
      %add3A_125 = arith.addi %mul3A_123, %add3A_124 : i32
      %add3A_126 = arith.constant 2 : i32
      %add3A_127 = arith.addi %add3A_125, %add3A_126 : i32
      %ge3A_128 = arith.constant 1 : i32
      %ge3A_129 = arith.cmpi sge, %add3A_127, %ge3A_128 : i32
      %convert_element_type3A_130 = arith.extui %ge3A_129 : i1 to i32
      %cond3A_131 = arith.constant 0 : i32
      %cond3A_132 = arith.cmpi ne, %convert_element_type3A_130, %cond3A_131 : i32
      scf.if %cond3A_132 {
        %dma_wait3A_340 = arith.constant 4 : i32
        %dma_wait3A_341 = arith.constant 0 : i32
        %dma_wait3A_342 = tpu.memref_slice %arg7[%dma_wait3A_340, %dma_wait3A_341] : memref<8x128xi32, #tpu.memory_space<vmem>> -> memref<1x128xi32, #tpu.memory_space<vmem>>
        %dma_wait3A_343 = tpu.memref_squeeze %dma_wait3A_342 : memref<1x128xi32, #tpu.memory_space<vmem>> -> memref<128xi32, #tpu.memory_space<vmem>>
        %dma_wait3A_344 = arith.constant 0 : i32
        %dma_wait3A_345 = arith.constant 0 : i32
        %dma_wait3A_346 = tpu.memref_slice %arg6[%dma_wait3A_344, %dma_wait3A_345] : memref<10112x128xf32, #tpu.memory_space<vmem_shared>> -> memref<10112x128xf32, #tpu.memory_space<vmem_shared>>
        tpu.wait_indirect_dma semaphore(%arg16 : memref<!tpu.dma_semaphore, #tpu.memory_space<semaphore_mem>>) src(%arg10 : memref<128x128xf32, #tpu.memory_space<vmem>>) dst(%dma_wait3A_346 : memref<10112x128xf32, #tpu.memory_space<vmem_shared>>)
      } else {
      }
      %dma_start3A_133 = arith.constant 3 : i32
      %dma_start3A_134 = arith.constant 0 : i32
      %dma_start3A_135 = tpu.memref_slice %arg7[%dma_start3A_133, %dma_start3A_134] : memref<8x128xi32, #tpu.memory_space<vmem>> -> memref<1x128xi32, #tpu.memory_space<vmem>>
      %dma_start3A_136 = tpu.memref_squeeze %dma_start3A_135 : memref<1x128xi32, #tpu.memory_space<vmem>> -> memref<128xi32, #tpu.memory_space<vmem>>
      %dma_start3A_137 = arith.constant 0 : i32
      %dma_start3A_138 = arith.constant 0 : i32
      %dma_start3A_139 = tpu.memref_slice %arg2[%dma_start3A_137, %dma_start3A_138] : memref<10000x128xf32, #tpu.memory_space<hbm>> -> memref<10000x128xf32, #tpu.memory_space<hbm>>
      tpu.enqueue_indirect_dma source(%dma_start3A_139 : memref<10000x128xf32, #tpu.memory_space<hbm>>) target(%arg10 : memref<128x128xf32, #tpu.memory_space<vmem>>) offsets(%dma_start3A_136 : memref<128xi32, #tpu.memory_space<vmem>>) semaphore(%arg14 : memref<!tpu.dma_semaphore, #tpu.memory_space<semaphore_mem>>)
      %dma_wait3A_140 = arith.constant 0 : i32
      %dma_wait3A_141 = arith.constant 0 : i32
      %dma_wait3A_142 = tpu.memref_slice %arg7[%dma_wait3A_140, %dma_wait3A_141] : memref<8x128xi32, #tpu.memory_space<vmem>> -> memref<1x128xi32, #tpu.memory_space<vmem>>
      %dma_wait3A_143 = tpu.memref_squeeze %dma_wait3A_142 : memref<1x128xi32, #tpu.memory_space<vmem>> -> memref<128xi32, #tpu.memory_space<vmem>>
      %dma_wait3A_144 = arith.constant 0 : i32
      %dma_wait3A_145 = arith.constant 0 : i32
      %dma_wait3A_146 = tpu.memref_slice %arg2[%dma_wait3A_144, %dma_wait3A_145] : memref<10000x128xf32, #tpu.memory_space<hbm>> -> memref<10000x128xf32, #tpu.memory_space<hbm>>
      tpu.wait_indirect_dma semaphore(%arg13 : memref<!tpu.dma_semaphore, #tpu.memory_space<semaphore_mem>>) src(%dma_wait3A_146 : memref<10000x128xf32, #tpu.memory_space<hbm>>) dst(%arg9 : memref<128x128xf32, #tpu.memory_space<vmem>>)
      %dma_start3A_147 = arith.constant 6 : i32
      %dma_start3A_148 = arith.constant 0 : i32
      %dma_start3A_149 = tpu.memref_slice %arg7[%dma_start3A_147, %dma_start3A_148] : memref<8x128xi32, #tpu.memory_space<vmem>> -> memref<1x128xi32, #tpu.memory_space<vmem>>
      %dma_start3A_150 = tpu.memref_squeeze %dma_start3A_149 : memref<1x128xi32, #tpu.memory_space<vmem>> -> memref<128xi32, #tpu.memory_space<vmem>>
      %dma_start3A_151 = arith.constant 0 : i32
      %dma_start3A_152 = arith.constant 0 : i32
      %dma_start3A_153 = tpu.memref_slice %arg6[%dma_start3A_151, %dma_start3A_152] : memref<10112x128xf32, #tpu.memory_space<vmem_shared>> -> memref<10112x128xf32, #tpu.memory_space<vmem_shared>>
      tpu.enqueue_indirect_dma source(%arg9 : memref<128x128xf32, #tpu.memory_space<vmem>>) target(%dma_start3A_153 : memref<10112x128xf32, #tpu.memory_space<vmem_shared>>) offsets(%dma_start3A_150 : memref<128xi32, #tpu.memory_space<vmem>>) semaphore(%arg15 : memref<!tpu.dma_semaphore, #tpu.memory_space<semaphore_mem>>) {add = true}
      %mul3A_154 = arith.constant 2 : i32
      %mul3A_155 = arith.muli %add3A_42, %mul3A_154 : i32
      %mul3A_156 = arith.constant 4 : i32
      %mul3A_157 = arith.muli %mul3A_155, %mul3A_156 : i32
      %add3A_158 = arith.constant 0 : i32
      %add3A_159 = arith.addi %mul3A_157, %add3A_158 : i32
      %add3A_160 = arith.constant 3 : i32
      %add3A_161 = arith.addi %add3A_159, %add3A_160 : i32
      %ge3A_162 = arith.constant 1 : i32
      %ge3A_163 = arith.cmpi sge, %add3A_161, %ge3A_162 : i32
      %convert_element_type3A_164 = arith.extui %ge3A_163 : i1 to i32
      %cond3A_165 = arith.constant 0 : i32
      %cond3A_166 = arith.cmpi ne, %convert_element_type3A_164, %cond3A_165 : i32
      scf.if %cond3A_166 {
        %dma_wait3A_340 = arith.constant 4 : i32
        %dma_wait3A_341 = arith.constant 0 : i32
        %dma_wait3A_342 = tpu.memref_slice %arg7[%dma_wait3A_340, %dma_wait3A_341] : memref<8x128xi32, #tpu.memory_space<vmem>> -> memref<1x128xi32, #tpu.memory_space<vmem>>
        %dma_wait3A_343 = tpu.memref_squeeze %dma_wait3A_342 : memref<1x128xi32, #tpu.memory_space<vmem>> -> memref<128xi32, #tpu.memory_space<vmem>>
        %dma_wait3A_344 = arith.constant 0 : i32
        %dma_wait3A_345 = arith.constant 0 : i32
        %dma_wait3A_346 = tpu.memref_slice %arg6[%dma_wait3A_344, %dma_wait3A_345] : memref<10112x128xf32, #tpu.memory_space<vmem_shared>> -> memref<10112x128xf32, #tpu.memory_space<vmem_shared>>
        tpu.wait_indirect_dma semaphore(%arg15 : memref<!tpu.dma_semaphore, #tpu.memory_space<semaphore_mem>>) src(%arg9 : memref<128x128xf32, #tpu.memory_space<vmem>>) dst(%dma_wait3A_346 : memref<10112x128xf32, #tpu.memory_space<vmem_shared>>)
      } else {
      }
      %dma_wait3A_167 = arith.constant 0 : i32
      %dma_wait3A_168 = arith.constant 0 : i32
      %dma_wait3A_169 = arith.constant 0 : i32
      %dma_wait3A_170 = tpu.memref_slice %arg3[%add3A, %dma_wait3A_167, %dma_wait3A_168, %dma_wait3A_169] : memref<32x20x8x128xi32, #tpu.memory_space<hbm>> -> memref<1x1x8x128xi32, #tpu.memory_space<hbm>>
      %dma_wait3A_171 = tpu.memref_squeeze %dma_wait3A_170 : memref<1x1x8x128xi32, #tpu.memory_space<hbm>> -> memref<8x128xi32, #tpu.memory_space<hbm>>
      %dma_wait3A_172 = arith.constant 0 : i32
      %dma_wait3A_173 = arith.constant 0 : i32
      %dma_wait3A_174 = tpu.memref_slice %arg3[%add3A, %dma_wait3A_167, %dma_wait3A_172, %dma_wait3A_173] : memref<32x20x8x128xi32, #tpu.memory_space<hbm>> -> memref<1x1x8x128xi32, #tpu.memory_space<hbm>>
      %dma_wait3A_175 = tpu.memref_squeeze %dma_wait3A_174 : memref<1x1x8x128xi32, #tpu.memory_space<hbm>> -> memref<8x128xi32, #tpu.memory_space<hbm>>
      tpu.wait_dma2 semaphore(%arg12 : memref<!tpu.dma_semaphore, #tpu.memory_space<semaphore_mem>>) src(%dma_wait3A_175 : memref<8x128xi32, #tpu.memory_space<hbm>>) dst(%arg8 : memref<8x128xi32, #tpu.memory_space<vmem>>)
      %dma_start3A_176 = arith.constant 0 : i32
      %dma_start3A_177 = arith.constant 0 : i32
      %dma_start3A_178 = tpu.memref_slice %arg8[%dma_start3A_176, %dma_start3A_177] : memref<8x128xi32, #tpu.memory_space<vmem>> -> memref<1x128xi32, #tpu.memory_space<vmem>>
      %dma_start3A_179 = tpu.memref_squeeze %dma_start3A_178 : memref<1x128xi32, #tpu.memory_space<vmem>> -> memref<128xi32, #tpu.memory_space<vmem>>
      %dma_start3A_180 = arith.constant 0 : i32
      %dma_start3A_181 = arith.constant 0 : i32
      %dma_start3A_182 = tpu.memref_slice %arg2[%dma_start3A_180, %dma_start3A_181] : memref<10000x128xf32, #tpu.memory_space<hbm>> -> memref<10000x128xf32, #tpu.memory_space<hbm>>
      tpu.enqueue_indirect_dma source(%dma_start3A_182 : memref<10000x128xf32, #tpu.memory_space<hbm>>) target(%arg9 : memref<128x128xf32, #tpu.memory_space<vmem>>) offsets(%dma_start3A_179 : memref<128xi32, #tpu.memory_space<vmem>>) semaphore(%arg13 : memref<!tpu.dma_semaphore, #tpu.memory_space<semaphore_mem>>)
      %dma_wait3A_183 = arith.constant 0 : i32
      %dma_wait3A_184 = arith.constant 0 : i32
      %dma_wait3A_185 = tpu.memref_slice %arg7[%dma_wait3A_183, %dma_wait3A_184] : memref<8x128xi32, #tpu.memory_space<vmem>> -> memref<1x128xi32, #tpu.memory_space<vmem>>
      %dma_wait3A_186 = tpu.memref_squeeze %dma_wait3A_185 : memref<1x128xi32, #tpu.memory_space<vmem>> -> memref<128xi32, #tpu.memory_space<vmem>>
      %dma_wait3A_187 = arith.constant 0 : i32
      %dma_wait3A_188 = arith.constant 0 : i32
      %dma_wait3A_189 = tpu.memref_slice %arg2[%dma_wait3A_187, %dma_wait3A_188] : memref<10000x128xf32, #tpu.memory_space<hbm>> -> memref<10000x128xf32, #tpu.memory_space<hbm>>
      tpu.wait_indirect_dma semaphore(%arg14 : memref<!tpu.dma_semaphore, #tpu.memory_space<semaphore_mem>>) src(%dma_wait3A_189 : memref<10000x128xf32, #tpu.memory_space<hbm>>) dst(%arg10 : memref<128x128xf32, #tpu.memory_space<vmem>>)
      %dma_start3A_190 = arith.constant 7 : i32
      %dma_start3A_191 = arith.constant 0 : i32
      %dma_start3A_192 = tpu.memref_slice %arg7[%dma_start3A_190, %dma_start3A_191] : memref<8x128xi32, #tpu.memory_space<vmem>> -> memref<1x128xi32, #tpu.memory_space<vmem>>
      %dma_start3A_193 = tpu.memref_squeeze %dma_start3A_192 : memref<1x128xi32, #tpu.memory_space<vmem>> -> memref<128xi32, #tpu.memory_space<vmem>>
      %dma_start3A_194 = arith.constant 0 : i32
      %dma_start3A_195 = arith.constant 0 : i32
      %dma_start3A_196 = tpu.memref_slice %arg6[%dma_start3A_194, %dma_start3A_195] : memref<10112x128xf32, #tpu.memory_space<vmem_shared>> -> memref<10112x128xf32, #tpu.memory_space<vmem_shared>>
      tpu.enqueue_indirect_dma source(%arg10 : memref<128x128xf32, #tpu.memory_space<vmem>>) target(%dma_start3A_196 : memref<10112x128xf32, #tpu.memory_space<vmem_shared>>) offsets(%dma_start3A_193 : memref<128xi32, #tpu.memory_space<vmem>>) semaphore(%arg16 : memref<!tpu.dma_semaphore, #tpu.memory_space<semaphore_mem>>) {add = true}
      %mul3A_197 = arith.constant 2 : i32
      %mul3A_198 = arith.muli %add3A_42, %mul3A_197 : i32
      %mul3A_199 = arith.constant 4 : i32
      %mul3A_200 = arith.muli %mul3A_198, %mul3A_199 : i32
      %add3A_201 = arith.constant 4 : i32
      %add3A_202 = arith.addi %mul3A_200, %add3A_201 : i32
      %add3A_203 = arith.constant 0 : i32
      %add3A_204 = arith.addi %add3A_202, %add3A_203 : i32
      %ge3A_205 = arith.constant 1 : i32
      %ge3A_206 = arith.cmpi sge, %add3A_204, %ge3A_205 : i32
      %convert_element_type3A_207 = arith.extui %ge3A_206 : i1 to i32
      %cond3A_208 = arith.constant 0 : i32
      %cond3A_209 = arith.cmpi ne, %convert_element_type3A_207, %cond3A_208 : i32
      scf.if %cond3A_209 {
        %dma_wait3A_340 = arith.constant 4 : i32
        %dma_wait3A_341 = arith.constant 0 : i32
        %dma_wait3A_342 = tpu.memref_slice %arg7[%dma_wait3A_340, %dma_wait3A_341] : memref<8x128xi32, #tpu.memory_space<vmem>> -> memref<1x128xi32, #tpu.memory_space<vmem>>
        %dma_wait3A_343 = tpu.memref_squeeze %dma_wait3A_342 : memref<1x128xi32, #tpu.memory_space<vmem>> -> memref<128xi32, #tpu.memory_space<vmem>>
        %dma_wait3A_344 = arith.constant 0 : i32
        %dma_wait3A_345 = arith.constant 0 : i32
        %dma_wait3A_346 = tpu.memref_slice %arg6[%dma_wait3A_344, %dma_wait3A_345] : memref<10112x128xf32, #tpu.memory_space<vmem_shared>> -> memref<10112x128xf32, #tpu.memory_space<vmem_shared>>
        tpu.wait_indirect_dma semaphore(%arg16 : memref<!tpu.dma_semaphore, #tpu.memory_space<semaphore_mem>>) src(%arg10 : memref<128x128xf32, #tpu.memory_space<vmem>>) dst(%dma_wait3A_346 : memref<10112x128xf32, #tpu.memory_space<vmem_shared>>)
      } else {
      }
      %dma_start3A_210 = arith.constant 1 : i32
      %dma_start3A_211 = arith.constant 0 : i32
      %dma_start3A_212 = tpu.memref_slice %arg8[%dma_start3A_210, %dma_start3A_211] : memref<8x128xi32, #tpu.memory_space<vmem>> -> memref<1x128xi32, #tpu.memory_space<vmem>>
      %dma_start3A_213 = tpu.memref_squeeze %dma_start3A_212 : memref<1x128xi32, #tpu.memory_space<vmem>> -> memref<128xi32, #tpu.memory_space<vmem>>
      %dma_start3A_214 = arith.constant 0 : i32
      %dma_start3A_215 = arith.constant 0 : i32
      %dma_start3A_216 = tpu.memref_slice %arg2[%dma_start3A_214, %dma_start3A_215] : memref<10000x128xf32, #tpu.memory_space<hbm>> -> memref<10000x128xf32, #tpu.memory_space<hbm>>
      tpu.enqueue_indirect_dma source(%dma_start3A_216 : memref<10000x128xf32, #tpu.memory_space<hbm>>) target(%arg10 : memref<128x128xf32, #tpu.memory_space<vmem>>) offsets(%dma_start3A_213 : memref<128xi32, #tpu.memory_space<vmem>>) semaphore(%arg14 : memref<!tpu.dma_semaphore, #tpu.memory_space<semaphore_mem>>)
      %dma_wait3A_217 = arith.constant 0 : i32
      %dma_wait3A_218 = arith.constant 0 : i32
      %dma_wait3A_219 = tpu.memref_slice %arg7[%dma_wait3A_217, %dma_wait3A_218] : memref<8x128xi32, #tpu.memory_space<vmem>> -> memref<1x128xi32, #tpu.memory_space<vmem>>
      %dma_wait3A_220 = tpu.memref_squeeze %dma_wait3A_219 : memref<1x128xi32, #tpu.memory_space<vmem>> -> memref<128xi32, #tpu.memory_space<vmem>>
      %dma_wait3A_221 = arith.constant 0 : i32
      %dma_wait3A_222 = arith.constant 0 : i32
      %dma_wait3A_223 = tpu.memref_slice %arg2[%dma_wait3A_221, %dma_wait3A_222] : memref<10000x128xf32, #tpu.memory_space<hbm>> -> memref<10000x128xf32, #tpu.memory_space<hbm>>
      tpu.wait_indirect_dma semaphore(%arg13 : memref<!tpu.dma_semaphore, #tpu.memory_space<semaphore_mem>>) src(%dma_wait3A_223 : memref<10000x128xf32, #tpu.memory_space<hbm>>) dst(%arg9 : memref<128x128xf32, #tpu.memory_space<vmem>>)
      %dma_start3A_224 = arith.constant 4 : i32
      %dma_start3A_225 = arith.constant 0 : i32
      %dma_start3A_226 = tpu.memref_slice %arg8[%dma_start3A_224, %dma_start3A_225] : memref<8x128xi32, #tpu.memory_space<vmem>> -> memref<1x128xi32, #tpu.memory_space<vmem>>
      %dma_start3A_227 = tpu.memref_squeeze %dma_start3A_226 : memref<1x128xi32, #tpu.memory_space<vmem>> -> memref<128xi32, #tpu.memory_space<vmem>>
      %dma_start3A_228 = arith.constant 0 : i32
      %dma_start3A_229 = arith.constant 0 : i32
      %dma_start3A_230 = tpu.memref_slice %arg6[%dma_start3A_228, %dma_start3A_229] : memref<10112x128xf32, #tpu.memory_space<vmem_shared>> -> memref<10112x128xf32, #tpu.memory_space<vmem_shared>>
      tpu.enqueue_indirect_dma source(%arg9 : memref<128x128xf32, #tpu.memory_space<vmem>>) target(%dma_start3A_230 : memref<10112x128xf32, #tpu.memory_space<vmem_shared>>) offsets(%dma_start3A_227 : memref<128xi32, #tpu.memory_space<vmem>>) semaphore(%arg15 : memref<!tpu.dma_semaphore, #tpu.memory_space<semaphore_mem>>) {add = true}
      %mul3A_231 = arith.constant 2 : i32
      %mul3A_232 = arith.muli %add3A_42, %mul3A_231 : i32
      %mul3A_233 = arith.constant 4 : i32
      %mul3A_234 = arith.muli %mul3A_232, %mul3A_233 : i32
      %add3A_235 = arith.constant 4 : i32
      %add3A_236 = arith.addi %mul3A_234, %add3A_235 : i32
      %add3A_237 = arith.constant 1 : i32
      %add3A_238 = arith.addi %add3A_236, %add3A_237 : i32
      %ge3A_239 = arith.constant 1 : i32
      %ge3A_240 = arith.cmpi sge, %add3A_238, %ge3A_239 : i32
      %convert_element_type3A_241 = arith.extui %ge3A_240 : i1 to i32
      %cond3A_242 = arith.constant 0 : i32
      %cond3A_243 = arith.cmpi ne, %convert_element_type3A_241, %cond3A_242 : i32
      scf.if %cond3A_243 {
        %dma_wait3A_340 = arith.constant 4 : i32
        %dma_wait3A_341 = arith.constant 0 : i32
        %dma_wait3A_342 = tpu.memref_slice %arg7[%dma_wait3A_340, %dma_wait3A_341] : memref<8x128xi32, #tpu.memory_space<vmem>> -> memref<1x128xi32, #tpu.memory_space<vmem>>
        %dma_wait3A_343 = tpu.memref_squeeze %dma_wait3A_342 : memref<1x128xi32, #tpu.memory_space<vmem>> -> memref<128xi32, #tpu.memory_space<vmem>>
        %dma_wait3A_344 = arith.constant 0 : i32
        %dma_wait3A_345 = arith.constant 0 : i32
        %dma_wait3A_346 = tpu.memref_slice %arg6[%dma_wait3A_344, %dma_wait3A_345] : memref<10112x128xf32, #tpu.memory_space<vmem_shared>> -> memref<10112x128xf32, #tpu.memory_space<vmem_shared>>
        tpu.wait_indirect_dma semaphore(%arg15 : memref<!tpu.dma_semaphore, #tpu.memory_space<semaphore_mem>>) src(%arg9 : memref<128x128xf32, #tpu.memory_space<vmem>>) dst(%dma_wait3A_346 : memref<10112x128xf32, #tpu.memory_space<vmem_shared>>)
      } else {
      }
      %le3A = arith.constant 8 : i32
      %le3A_244 = arith.cmpi sle, %add3A_42, %le3A : i32
      %convert_element_type3A_245 = arith.extui %le3A_244 : i1 to i32
      %cond3A_246 = arith.constant 0 : i32
      %cond3A_247 = arith.cmpi ne, %convert_element_type3A_245, %cond3A_246 : i32
      scf.if %cond3A_247 {
        %mul3A_340 = arith.constant 2 : i32
        %mul3A_341 = arith.muli %mul3A_340, %add3A_42 : i32
        %add3A_342 = arith.constant 2 : i32
        %add3A_343 = arith.addi %mul3A_341, %add3A_342 : i32
        %dma_start3A_344 = arith.constant 0 : i32
        %dma_start3A_345 = arith.constant 0 : i32
        %dma_start3A_346 = tpu.memref_slice %arg3[%add3A, %add3A_343, %dma_start3A_344, %dma_start3A_345] : memref<32x20x8x128xi32, #tpu.memory_space<hbm>> -> memref<1x1x8x128xi32, #tpu.memory_space<hbm>>
        %dma_start3A_347 = tpu.memref_squeeze %dma_start3A_346 : memref<1x1x8x128xi32, #tpu.memory_space<hbm>> -> memref<8x128xi32, #tpu.memory_space<hbm>>
        %dma_start3A_348 = arith.constant 0 : i32
        %dma_start3A_349 = arith.constant 0 : i32
        %dma_start3A_350 = tpu.memref_slice %arg3[%add3A, %add3A_343, %dma_start3A_348, %dma_start3A_349] : memref<32x20x8x128xi32, #tpu.memory_space<hbm>> -> memref<1x1x8x128xi32, #tpu.memory_space<hbm>>
        %dma_start3A_351 = tpu.memref_squeeze %dma_start3A_350 : memref<1x1x8x128xi32, #tpu.memory_space<hbm>> -> memref<8x128xi32, #tpu.memory_space<hbm>>
        tpu.enqueue_dma source(%dma_start3A_351 : memref<8x128xi32, #tpu.memory_space<hbm>>) target(%arg7 : memref<8x128xi32, #tpu.memory_space<vmem>>) target_semaphore(%arg11 : memref<!tpu.dma_semaphore, #tpu.memory_space<semaphore_mem>>)
      } else {
      }
      %dma_start3A_248 = arith.constant 2 : i32
      %dma_start3A_249 = arith.constant 0 : i32
      %dma_start3A_250 = tpu.memref_slice %arg8[%dma_start3A_248, %dma_start3A_249] : memref<8x128xi32, #tpu.memory_space<vmem>> -> memref<1x128xi32, #tpu.memory_space<vmem>>
      %dma_start3A_251 = tpu.memref_squeeze %dma_start3A_250 : memref<1x128xi32, #tpu.memory_space<vmem>> -> memref<128xi32, #tpu.memory_space<vmem>>
      %dma_start3A_252 = arith.constant 0 : i32
      %dma_start3A_253 = arith.constant 0 : i32
      %dma_start3A_254 = tpu.memref_slice %arg2[%dma_start3A_252, %dma_start3A_253] : memref<10000x128xf32, #tpu.memory_space<hbm>> -> memref<10000x128xf32, #tpu.memory_space<hbm>>
      tpu.enqueue_indirect_dma source(%dma_start3A_254 : memref<10000x128xf32, #tpu.memory_space<hbm>>) target(%arg9 : memref<128x128xf32, #tpu.memory_space<vmem>>) offsets(%dma_start3A_251 : memref<128xi32, #tpu.memory_space<vmem>>) semaphore(%arg13 : memref<!tpu.dma_semaphore, #tpu.memory_space<semaphore_mem>>)
      %dma_wait3A_255 = arith.constant 0 : i32
      %dma_wait3A_256 = arith.constant 0 : i32
      %dma_wait3A_257 = tpu.memref_slice %arg7[%dma_wait3A_255, %dma_wait3A_256] : memref<8x128xi32, #tpu.memory_space<vmem>> -> memref<1x128xi32, #tpu.memory_space<vmem>>
      %dma_wait3A_258 = tpu.memref_squeeze %dma_wait3A_257 : memref<1x128xi32, #tpu.memory_space<vmem>> -> memref<128xi32, #tpu.memory_space<vmem>>
      %dma_wait3A_259 = arith.constant 0 : i32
      %dma_wait3A_260 = arith.constant 0 : i32
      %dma_wait3A_261 = tpu.memref_slice %arg2[%dma_wait3A_259, %dma_wait3A_260] : memref<10000x128xf32, #tpu.memory_space<hbm>> -> memref<10000x128xf32, #tpu.memory_space<hbm>>
      tpu.wait_indirect_dma semaphore(%arg14 : memref<!tpu.dma_semaphore, #tpu.memory_space<semaphore_mem>>) src(%dma_wait3A_261 : memref<10000x128xf32, #tpu.memory_space<hbm>>) dst(%arg10 : memref<128x128xf32, #tpu.memory_space<vmem>>)
      %dma_start3A_262 = arith.constant 5 : i32
      %dma_start3A_263 = arith.constant 0 : i32
      %dma_start3A_264 = tpu.memref_slice %arg8[%dma_start3A_262, %dma_start3A_263] : memref<8x128xi32, #tpu.memory_space<vmem>> -> memref<1x128xi32, #tpu.memory_space<vmem>>
      %dma_start3A_265 = tpu.memref_squeeze %dma_start3A_264 : memref<1x128xi32, #tpu.memory_space<vmem>> -> memref<128xi32, #tpu.memory_space<vmem>>
      %dma_start3A_266 = arith.constant 0 : i32
      %dma_start3A_267 = arith.constant 0 : i32
      %dma_start3A_268 = tpu.memref_slice %arg6[%dma_start3A_266, %dma_start3A_267] : memref<10112x128xf32, #tpu.memory_space<vmem_shared>> -> memref<10112x128xf32, #tpu.memory_space<vmem_shared>>
      tpu.enqueue_indirect_dma source(%arg10 : memref<128x128xf32, #tpu.memory_space<vmem>>) target(%dma_start3A_268 : memref<10112x128xf32, #tpu.memory_space<vmem_shared>>) offsets(%dma_start3A_265 : memref<128xi32, #tpu.memory_space<vmem>>) semaphore(%arg16 : memref<!tpu.dma_semaphore, #tpu.memory_space<semaphore_mem>>) {add = true}
      %mul3A_269 = arith.constant 2 : i32
      %mul3A_270 = arith.muli %add3A_42, %mul3A_269 : i32
      %mul3A_271 = arith.constant 4 : i32
      %mul3A_272 = arith.muli %mul3A_270, %mul3A_271 : i32
      %add3A_273 = arith.constant 4 : i32
      %add3A_274 = arith.addi %mul3A_272, %add3A_273 : i32
      %add3A_275 = arith.constant 2 : i32
      %add3A_276 = arith.addi %add3A_274, %add3A_275 : i32
      %ge3A_277 = arith.constant 1 : i32
      %ge3A_278 = arith.cmpi sge, %add3A_276, %ge3A_277 : i32
      %convert_element_type3A_279 = arith.extui %ge3A_278 : i1 to i32
      %cond3A_280 = arith.constant 0 : i32
      %cond3A_281 = arith.cmpi ne, %convert_element_type3A_279, %cond3A_280 : i32
      scf.if %cond3A_281 {
        %dma_wait3A_340 = arith.constant 4 : i32
        %dma_wait3A_341 = arith.constant 0 : i32
        %dma_wait3A_342 = tpu.memref_slice %arg7[%dma_wait3A_340, %dma_wait3A_341] : memref<8x128xi32, #tpu.memory_space<vmem>> -> memref<1x128xi32, #tpu.memory_space<vmem>>
        %dma_wait3A_343 = tpu.memref_squeeze %dma_wait3A_342 : memref<1x128xi32, #tpu.memory_space<vmem>> -> memref<128xi32, #tpu.memory_space<vmem>>
        %dma_wait3A_344 = arith.constant 0 : i32
        %dma_wait3A_345 = arith.constant 0 : i32
        %dma_wait3A_346 = tpu.memref_slice %arg6[%dma_wait3A_344, %dma_wait3A_345] : memref<10112x128xf32, #tpu.memory_space<vmem_shared>> -> memref<10112x128xf32, #tpu.memory_space<vmem_shared>>
        tpu.wait_indirect_dma semaphore(%arg16 : memref<!tpu.dma_semaphore, #tpu.memory_space<semaphore_mem>>) src(%arg10 : memref<128x128xf32, #tpu.memory_space<vmem>>) dst(%dma_wait3A_346 : memref<10112x128xf32, #tpu.memory_space<vmem_shared>>)
      } else {
      }
      %dma_start3A_282 = arith.constant 3 : i32
      %dma_start3A_283 = arith.constant 0 : i32
      %dma_start3A_284 = tpu.memref_slice %arg8[%dma_start3A_282, %dma_start3A_283] : memref<8x128xi32, #tpu.memory_space<vmem>> -> memref<1x128xi32, #tpu.memory_space<vmem>>
      %dma_start3A_285 = tpu.memref_squeeze %dma_start3A_284 : memref<1x128xi32, #tpu.memory_space<vmem>> -> memref<128xi32, #tpu.memory_space<vmem>>
      %dma_start3A_286 = arith.constant 0 : i32
      %dma_start3A_287 = arith.constant 0 : i32
      %dma_start3A_288 = tpu.memref_slice %arg2[%dma_start3A_286, %dma_start3A_287] : memref<10000x128xf32, #tpu.memory_space<hbm>> -> memref<10000x128xf32, #tpu.memory_space<hbm>>
      tpu.enqueue_indirect_dma source(%dma_start3A_288 : memref<10000x128xf32, #tpu.memory_space<hbm>>) target(%arg10 : memref<128x128xf32, #tpu.memory_space<vmem>>) offsets(%dma_start3A_285 : memref<128xi32, #tpu.memory_space<vmem>>) semaphore(%arg14 : memref<!tpu.dma_semaphore, #tpu.memory_space<semaphore_mem>>)
      %dma_wait3A_289 = arith.constant 0 : i32
      %dma_wait3A_290 = arith.constant 0 : i32
      %dma_wait3A_291 = tpu.memref_slice %arg7[%dma_wait3A_289, %dma_wait3A_290] : memref<8x128xi32, #tpu.memory_space<vmem>> -> memref<1x128xi32, #tpu.memory_space<vmem>>
      %dma_wait3A_292 = tpu.memref_squeeze %dma_wait3A_291 : memref<1x128xi32, #tpu.memory_space<vmem>> -> memref<128xi32, #tpu.memory_space<vmem>>
      %dma_wait3A_293 = arith.constant 0 : i32
      %dma_wait3A_294 = arith.constant 0 : i32
      %dma_wait3A_295 = tpu.memref_slice %arg2[%dma_wait3A_293, %dma_wait3A_294] : memref<10000x128xf32, #tpu.memory_space<hbm>> -> memref<10000x128xf32, #tpu.memory_space<hbm>>
      tpu.wait_indirect_dma semaphore(%arg13 : memref<!tpu.dma_semaphore, #tpu.memory_space<semaphore_mem>>) src(%dma_wait3A_295 : memref<10000x128xf32, #tpu.memory_space<hbm>>) dst(%arg9 : memref<128x128xf32, #tpu.memory_space<vmem>>)
      %dma_start3A_296 = arith.constant 6 : i32
      %dma_start3A_297 = arith.constant 0 : i32
      %dma_start3A_298 = tpu.memref_slice %arg8[%dma_start3A_296, %dma_start3A_297] : memref<8x128xi32, #tpu.memory_space<vmem>> -> memref<1x128xi32, #tpu.memory_space<vmem>>
      %dma_start3A_299 = tpu.memref_squeeze %dma_start3A_298 : memref<1x128xi32, #tpu.memory_space<vmem>> -> memref<128xi32, #tpu.memory_space<vmem>>
      %dma_start3A_300 = arith.constant 0 : i32
      %dma_start3A_301 = arith.constant 0 : i32
      %dma_start3A_302 = tpu.memref_slice %arg6[%dma_start3A_300, %dma_start3A_301] : memref<10112x128xf32, #tpu.memory_space<vmem_shared>> -> memref<10112x128xf32, #tpu.memory_space<vmem_shared>>
      tpu.enqueue_indirect_dma source(%arg9 : memref<128x128xf32, #tpu.memory_space<vmem>>) target(%dma_start3A_302 : memref<10112x128xf32, #tpu.memory_space<vmem_shared>>) offsets(%dma_start3A_299 : memref<128xi32, #tpu.memory_space<vmem>>) semaphore(%arg15 : memref<!tpu.dma_semaphore, #tpu.memory_space<semaphore_mem>>) {add = true}
      %mul3A_303 = arith.constant 2 : i32
      %mul3A_304 = arith.muli %add3A_42, %mul3A_303 : i32
      %mul3A_305 = arith.constant 4 : i32
      %mul3A_306 = arith.muli %mul3A_304, %mul3A_305 : i32
      %add3A_307 = arith.constant 4 : i32
      %add3A_308 = arith.addi %mul3A_306, %add3A_307 : i32
      %add3A_309 = arith.constant 3 : i32
      %add3A_310 = arith.addi %add3A_308, %add3A_309 : i32
      %ge3A_311 = arith.constant 1 : i32
      %ge3A_312 = arith.cmpi sge, %add3A_310, %ge3A_311 : i32
      %convert_element_type3A_313 = arith.extui %ge3A_312 : i1 to i32
      %cond3A_314 = arith.constant 0 : i32
      %cond3A_315 = arith.cmpi ne, %convert_element_type3A_313, %cond3A_314 : i32
      scf.if %cond3A_315 {
        %dma_wait3A_340 = arith.constant 4 : i32
        %dma_wait3A_341 = arith.constant 0 : i32
        %dma_wait3A_342 = tpu.memref_slice %arg7[%dma_wait3A_340, %dma_wait3A_341] : memref<8x128xi32, #tpu.memory_space<vmem>> -> memref<1x128xi32, #tpu.memory_space<vmem>>
        %dma_wait3A_343 = tpu.memref_squeeze %dma_wait3A_342 : memref<1x128xi32, #tpu.memory_space<vmem>> -> memref<128xi32, #tpu.memory_space<vmem>>
        %dma_wait3A_344 = arith.constant 0 : i32
        %dma_wait3A_345 = arith.constant 0 : i32
        %dma_wait3A_346 = tpu.memref_slice %arg6[%dma_wait3A_344, %dma_wait3A_345] : memref<10112x128xf32, #tpu.memory_space<vmem_shared>> -> memref<10112x128xf32, #tpu.memory_space<vmem_shared>>
        tpu.wait_indirect_dma semaphore(%arg15 : memref<!tpu.dma_semaphore, #tpu.memory_space<semaphore_mem>>) src(%arg9 : memref<128x128xf32, #tpu.memory_space<vmem>>) dst(%dma_wait3A_346 : memref<10112x128xf32, #tpu.memory_space<vmem_shared>>)
      } else {
      }
      %le3A_316 = arith.constant 8 : i32
      %le3A_317 = arith.cmpi sle, %add3A_42, %le3A_316 : i32
      %convert_element_type3A_318 = arith.extui %le3A_317 : i1 to i32
      %cond3A_319 = arith.constant 0 : i32
      %cond3A_320 = arith.cmpi ne, %convert_element_type3A_318, %cond3A_319 : i32
      scf.if %cond3A_320 {
        %dma_wait3A_340 = arith.constant 0 : i32
        %dma_wait3A_341 = arith.constant 0 : i32
        %dma_wait3A_342 = arith.constant 0 : i32
        %dma_wait3A_343 = tpu.memref_slice %arg3[%add3A, %dma_wait3A_340, %dma_wait3A_341, %dma_wait3A_342] : memref<32x20x8x128xi32, #tpu.memory_space<hbm>> -> memref<1x1x8x128xi32, #tpu.memory_space<hbm>>
        %dma_wait3A_344 = tpu.memref_squeeze %dma_wait3A_343 : memref<1x1x8x128xi32, #tpu.memory_space<hbm>> -> memref<8x128xi32, #tpu.memory_space<hbm>>
        %dma_wait3A_345 = arith.constant 0 : i32
        %dma_wait3A_346 = arith.constant 0 : i32
        %dma_wait3A_347 = tpu.memref_slice %arg3[%add3A, %dma_wait3A_340, %dma_wait3A_345, %dma_wait3A_346] : memref<32x20x8x128xi32, #tpu.memory_space<hbm>> -> memref<1x1x8x128xi32, #tpu.memory_space<hbm>>
        %dma_wait3A_348 = tpu.memref_squeeze %dma_wait3A_347 : memref<1x1x8x128xi32, #tpu.memory_space<hbm>> -> memref<8x128xi32, #tpu.memory_space<hbm>>
        tpu.wait_dma2 semaphore(%arg11 : memref<!tpu.dma_semaphore, #tpu.memory_space<semaphore_mem>>) src(%dma_wait3A_348 : memref<8x128xi32, #tpu.memory_space<hbm>>) dst(%arg7 : memref<8x128xi32, #tpu.memory_space<vmem>>)
      } else {
      }
      %le3A_321 = arith.constant 8 : i32
      %le3A_322 = arith.cmpi sle, %add3A_42, %le3A_321 : i32
      %convert_element_type3A_323 = arith.extui %le3A_322 : i1 to i32
      %cond3A_324 = arith.constant 0 : i32
      %cond3A_325 = arith.cmpi ne, %convert_element_type3A_323, %cond3A_324 : i32
      scf.if %cond3A_325 {
        %dma_start3A_340 = arith.constant 0 : i32
        %dma_start3A_341 = arith.constant 0 : i32
        %dma_start3A_342 = tpu.memref_slice %arg7[%dma_start3A_340, %dma_start3A_341] : memref<8x128xi32, #tpu.memory_space<vmem>> -> memref<1x128xi32, #tpu.memory_space<vmem>>
        %dma_start3A_343 = tpu.memref_squeeze %dma_start3A_342 : memref<1x128xi32, #tpu.memory_space<vmem>> -> memref<128xi32, #tpu.memory_space<vmem>>
        %dma_start3A_344 = arith.constant 0 : i32
        %dma_start3A_345 = arith.constant 0 : i32
        %dma_start3A_346 = tpu.memref_slice %arg2[%dma_start3A_344, %dma_start3A_345] : memref<10000x128xf32, #tpu.memory_space<hbm>> -> memref<10000x128xf32, #tpu.memory_space<hbm>>
        tpu.enqueue_indirect_dma source(%dma_start3A_346 : memref<10000x128xf32, #tpu.memory_space<hbm>>) target(%arg9 : memref<128x128xf32, #tpu.memory_space<vmem>>) offsets(%dma_start3A_343 : memref<128xi32, #tpu.memory_space<vmem>>) semaphore(%arg13 : memref<!tpu.dma_semaphore, #tpu.memory_space<semaphore_mem>>)
      } else {
      }
      %dma_wait3A_326 = arith.constant 0 : i32
      %dma_wait3A_327 = arith.constant 0 : i32
      %dma_wait3A_328 = tpu.memref_slice %arg7[%dma_wait3A_326, %dma_wait3A_327] : memref<8x128xi32, #tpu.memory_space<vmem>> -> memref<1x128xi32, #tpu.memory_space<vmem>>
      %dma_wait3A_329 = tpu.memref_squeeze %dma_wait3A_328 : memref<1x128xi32, #tpu.memory_space<vmem>> -> memref<128xi32, #tpu.memory_space<vmem>>
      %dma_wait3A_330 = arith.constant 0 : i32
      %dma_wait3A_331 = arith.constant 0 : i32
      %dma_wait3A_332 = tpu.memref_slice %arg2[%dma_wait3A_330, %dma_wait3A_331] : memref<10000x128xf32, #tpu.memory_space<hbm>> -> memref<10000x128xf32, #tpu.memory_space<hbm>>
      tpu.wait_indirect_dma semaphore(%arg14 : memref<!tpu.dma_semaphore, #tpu.memory_space<semaphore_mem>>) src(%dma_wait3A_332 : memref<10000x128xf32, #tpu.memory_space<hbm>>) dst(%arg10 : memref<128x128xf32, #tpu.memory_space<vmem>>)
      %dma_start3A_333 = arith.constant 7 : i32
      %dma_start3A_334 = arith.constant 0 : i32
      %dma_start3A_335 = tpu.memref_slice %arg8[%dma_start3A_333, %dma_start3A_334] : memref<8x128xi32, #tpu.memory_space<vmem>> -> memref<1x128xi32, #tpu.memory_space<vmem>>
      %dma_start3A_336 = tpu.memref_squeeze %dma_start3A_335 : memref<1x128xi32, #tpu.memory_space<vmem>> -> memref<128xi32, #tpu.memory_space<vmem>>
      %dma_start3A_337 = arith.constant 0 : i32
      %dma_start3A_338 = arith.constant 0 : i32
      %dma_start3A_339 = tpu.memref_slice %arg6[%dma_start3A_337, %dma_start3A_338] : memref<10112x128xf32, #tpu.memory_space<vmem_shared>> -> memref<10112x128xf32, #tpu.memory_space<vmem_shared>>
      tpu.enqueue_indirect_dma source(%arg10 : memref<128x128xf32, #tpu.memory_space<vmem>>) target(%dma_start3A_339 : memref<10112x128xf32, #tpu.memory_space<vmem_shared>>) offsets(%dma_start3A_336 : memref<128xi32, #tpu.memory_space<vmem>>) semaphore(%arg16 : memref<!tpu.dma_semaphore, #tpu.memory_space<semaphore_mem>>) {add = true}
    }
    %scan3A_29 = arith.constant 10 : i32
    %dma_wait3A_30 = arith.constant 4 : i32
    %dma_wait3A_31 = arith.constant 0 : i32
    %dma_wait3A_32 = tpu.memref_slice %arg7[%dma_wait3A_30, %dma_wait3A_31] : memref<8x128xi32, #tpu.memory_space<vmem>> -> memref<1x128xi32, #tpu.memory_space<vmem>>
    %dma_wait3A_33 = tpu.memref_squeeze %dma_wait3A_32 : memref<1x128xi32, #tpu.memory_space<vmem>> -> memref<128xi32, #tpu.memory_space<vmem>>
    %dma_wait3A_34 = arith.constant 0 : i32
    %dma_wait3A_35 = arith.constant 0 : i32
    %dma_wait3A_36 = tpu.memref_slice %arg6[%dma_wait3A_34, %dma_wait3A_35] : memref<10112x128xf32, #tpu.memory_space<vmem_shared>> -> memref<10112x128xf32, #tpu.memory_space<vmem_shared>>
    tpu.wait_indirect_dma semaphore(%arg16 : memref<!tpu.dma_semaphore, #tpu.memory_space<semaphore_mem>>) src(%arg10 : memref<128x128xf32, #tpu.memory_space<vmem>>) dst(%dma_wait3A_36 : memref<10112x128xf32, #tpu.memory_space<vmem_shared>>)
    %barrier3A_37 = arith.constant 0 : index
    tpu.barrier barrier_id(%barrier3A_37)
    "tpu.region"() ({
      %run_scoped3A = tpu.sem_alloc : memref<!tpu.dma_semaphore, #tpu.memory_space<semaphore_mem>>
      %dma_start3A_38 = arith.constant 0 : i32
      %dma_start3A_39 = tpu.memref_slice %arg5[%arg0, %mul3A_2, %dma_start3A_38] : memref<2x10112x128xf32, #tpu.memory_space<hbm>> -> memref<1x632x128xf32, #tpu.memory_space<hbm>>
      %dma_start3A_40 = tpu.memref_squeeze %dma_start3A_39 : memref<1x632x128xf32, #tpu.memory_space<hbm>> -> memref<632x128xf32, #tpu.memory_space<hbm>>
      %dma_start3A_41 = arith.constant 0 : i32
      %dma_start3A_42 = tpu.memref_slice %arg6[%mul3A_2, %dma_start3A_41] : memref<10112x128xf32, #tpu.memory_space<vmem_shared>> -> memref<632x128xf32, #tpu.memory_space<vmem_shared>>
      tpu.enqueue_dma source(%dma_start3A_42 : memref<632x128xf32, #tpu.memory_space<vmem_shared>>) target(%dma_start3A_40 : memref<632x128xf32, #tpu.memory_space<hbm>>) target_semaphore(%run_scoped3A : memref<!tpu.dma_semaphore, #tpu.memory_space<semaphore_mem>>)
      %dma_wait3A_43 = arith.constant 0 : i32
      %dma_wait3A_44 = tpu.memref_slice %arg5[%arg0, %mul3A_2, %dma_wait3A_43] : memref<2x10112x128xf32, #tpu.memory_space<hbm>> -> memref<1x632x128xf32, #tpu.memory_space<hbm>>
      %dma_wait3A_45 = tpu.memref_squeeze %dma_wait3A_44 : memref<1x632x128xf32, #tpu.memory_space<hbm>> -> memref<632x128xf32, #tpu.memory_space<hbm>>
      %dma_wait3A_46 = arith.constant 0 : i32
      %dma_wait3A_47 = tpu.memref_slice %arg6[%mul3A_2, %dma_wait3A_46] : memref<10112x128xf32, #tpu.memory_space<vmem_shared>> -> memref<632x128xf32, #tpu.memory_space<vmem_shared>>
      tpu.wait_dma2 semaphore(%run_scoped3A : memref<!tpu.dma_semaphore, #tpu.memory_space<semaphore_mem>>) src(%dma_wait3A_47 : memref<632x128xf32, #tpu.memory_space<vmem_shared>>) dst(%dma_wait3A_45 : memref<632x128xf32, #tpu.memory_space<hbm>>)
      tpu.yield
    }) : () -> ()
    return
  }
}

#map = affine_map<(d0, d1) -> (0, 0)>
#map1 = affine_map<(d0, d1) -> (0, 0, 0, 0)>
#map2 = affine_map<(d0, d1) -> (0, 0, 0)>
module attributes {stable_mosaic.version = 14 : i64} {
  func.func @_sc_body(%arg0: i32, %arg1: i32, %arg2: memref<10000x128xf32, #tpu.memory_space<hbm>>, %arg3: memref<32x20x8x128xi32, #tpu.memory_space<hbm>>, %arg4: memref<10112x128xf32, #tpu.memory_space<hbm>>, %arg5: memref<2x10112x128xf32, #tpu.memory_space<hbm>>, %arg6: memref<10112x128xf32, #tpu.memory_space<vmem_shared>>, %arg7: memref<8x128xi32, #tpu.memory_space<vmem>>, %arg8: memref<8x128xi32, #tpu.memory_space<vmem>>, %arg9: memref<128x128xf32, #tpu.memory_space<vmem>>, %arg10: memref<128x128xf32, #tpu.memory_space<vmem>>, %arg11: memref<!tpu.dma_semaphore, #tpu.memory_space<semaphore_mem>>, %arg12: memref<!tpu.dma_semaphore, #tpu.memory_space<semaphore_mem>>, %arg13: memref<!tpu.dma_semaphore, #tpu.memory_space<semaphore_mem>>, %arg14: memref<!tpu.dma_semaphore, #tpu.memory_space<semaphore_mem>>, %arg15: memref<!tpu.dma_semaphore, #tpu.memory_space<semaphore_mem>>, %arg16: memref<!tpu.dma_semaphore, #tpu.memory_space<semaphore_mem>>) attributes {dimension_semantics = [#tpu.dimension_semantics<core_parallel>, #tpu.dimension_semantics<subcore_parallel>], iteration_bounds = array<i64: 2, 16>, scalar_prefetch = 0 : i64, scratch_operands = 11 : i64, tpu.core_type = #tpu.core_type<sc_vector_subcore>, window_params = [{transform_indices = #map}, {transform_indices = #map1}, {transform_indices = #map}, {transform_indices = #map2}]} {
    %mul3A = arith.constant 2 : i32
    %mul3A_0 = arith.muli %arg1, %mul3A : i32
    %add3A = arith.addi %mul3A_0, %arg0 : i32
    %mul3A_1 = arith.constant 632 : i32
    %mul3A_2 = arith.muli %arg1, %mul3A_1 : i32
    %dma_start3A = arith.constant 0 : i32
    %dma_start3A_3 = arith.constant 0 : i32
    %dma_start3A_4 = arith.constant 0 : i32
    %dma_start3A_5 = tpu.memref_slice %arg3[%add3A, %dma_start3A, %dma_start3A_3, %dma_start3A_4] : memref<32x20x8x128xi32, #tpu.memory_space<hbm>> -> memref<1x1x8x128xi32, #tpu.memory_space<hbm>>
    %dma_start3A_6 = tpu.memref_squeeze %dma_start3A_5 : memref<1x1x8x128xi32, #tpu.memory_space<hbm>> -> memref<8x128xi32, #tpu.memory_space<hbm>>
    %dma_start3A_7 = arith.constant 0 : i32
    %dma_start3A_8 = arith.constant 0 : i32
    %dma_start3A_9 = tpu.memref_slice %arg3[%add3A, %dma_start3A, %dma_start3A_7, %dma_start3A_8] : memref<32x20x8x128xi32, #tpu.memory_space<hbm>> -> memref<1x1x8x128xi32, #tpu.memory_space<hbm>>
    %dma_start3A_10 = tpu.memref_squeeze %dma_start3A_9 : memref<1x1x8x128xi32, #tpu.memory_space<hbm>> -> memref<8x128xi32, #tpu.memory_space<hbm>>
    tpu.enqueue_dma source(%dma_start3A_10 : memref<8x128xi32, #tpu.memory_space<hbm>>) target(%arg7 : memref<8x128xi32, #tpu.memory_space<vmem>>) target_semaphore(%arg11 : memref<!tpu.dma_semaphore, #tpu.memory_space<semaphore_mem>>)
    %dma_wait3A = arith.constant 0 : i32
    %dma_wait3A_11 = arith.constant 0 : i32
    %dma_wait3A_12 = arith.constant 0 : i32
    %dma_wait3A_13 = tpu.memref_slice %arg3[%add3A, %dma_wait3A, %dma_wait3A_11, %dma_wait3A_12] : memref<32x20x8x128xi32, #tpu.memory_space<hbm>> -> memref<1x1x8x128xi32, #tpu.memory_space<hbm>>
    %dma_wait3A_14 = tpu.memref_squeeze %dma_wait3A_13 : memref<1x1x8x128xi32, #tpu.memory_space<hbm>> -> memref<8x128xi32, #tpu.memory_space<hbm>>
    %dma_wait3A_15 = arith.constant 0 : i32
    %dma_wait3A_16 = arith.constant 0 : i32
    %dma_wait3A_17 = tpu.memref_slice %arg3[%add3A, %dma_wait3A, %dma_wait3A_15, %dma_wait3A_16] : memref<32x20x8x128xi32, #tpu.memory_space<hbm>> -> memref<1x1x8x128xi32, #tpu.memory_space<hbm>>
    %dma_wait3A_18 = tpu.memref_squeeze %dma_wait3A_17 : memref<1x1x8x128xi32, #tpu.memory_space<hbm>> -> memref<8x128xi32, #tpu.memory_space<hbm>>
    tpu.wait_dma2 semaphore(%arg11 : memref<!tpu.dma_semaphore, #tpu.memory_space<semaphore_mem>>) src(%dma_wait3A_18 : memref<8x128xi32, #tpu.memory_space<hbm>>) dst(%arg7 : memref<8x128xi32, #tpu.memory_space<vmem>>)
    %dma_start3A_19 = arith.constant 0 : i32
    %dma_start3A_20 = arith.constant 0 : i32
    %dma_start3A_21 = tpu.memref_slice %arg7[%dma_start3A_19, %dma_start3A_20] : memref<8x128xi32, #tpu.memory_space<vmem>> -> memref<1x128xi32, #tpu.memory_space<vmem>>
    %dma_start3A_22 = tpu.memref_squeeze %dma_start3A_21 : memref<1x128xi32, #tpu.memory_space<vmem>> -> memref<128xi32, #tpu.memory_space<vmem>>
    %dma_start3A_23 = arith.constant 0 : i32
    %dma_start3A_24 = arith.constant 0 : i32
    %dma_start3A_25 = tpu.memref_slice %arg2[%dma_start3A_23, %dma_start3A_24] : memref<10000x128xf32, #tpu.memory_space<hbm>> -> memref<10000x128xf32, #tpu.memory_space<hbm>>
    tpu.enqueue_indirect_dma source(%dma_start3A_25 : memref<10000x128xf32, #tpu.memory_space<hbm>>) target(%arg9 : memref<128x128xf32, #tpu.memory_space<vmem>>) offsets(%dma_start3A_22 : memref<128xi32, #tpu.memory_space<vmem>>) semaphore(%arg13 : memref<!tpu.dma_semaphore, #tpu.memory_space<semaphore_mem>>)
    "tpu.region"() ({
      %run_scoped3A = tpu.sem_alloc : memref<!tpu.dma_semaphore, #tpu.memory_space<semaphore_mem>>
      %dma_start3A_38 = arith.constant 0 : i32
      %dma_start3A_39 = tpu.memref_slice %arg6[%mul3A_2, %dma_start3A_38] : memref<10112x128xf32, #tpu.memory_space<vmem_shared>> -> memref<632x128xf32, #tpu.memory_space<vmem_shared>>
      %dma_start3A_40 = arith.constant 0 : i32
      %dma_start3A_41 = tpu.memref_slice %arg4[%mul3A_2, %dma_start3A_40] : memref<10112x128xf32, #tpu.memory_space<hbm>> -> memref<632x128xf32, #tpu.memory_space<hbm>>
      tpu.enqueue_dma source(%dma_start3A_41 : memref<632x128xf32, #tpu.memory_space<hbm>>) target(%dma_start3A_39 : memref<632x128xf32, #tpu.memory_space<vmem_shared>>) target_semaphore(%run_scoped3A : memref<!tpu.dma_semaphore, #tpu.memory_space<semaphore_mem>>)
      %dma_wait3A_42 = arith.constant 0 : i32
      %dma_wait3A_43 = tpu.memref_slice %arg6[%mul3A_2, %dma_wait3A_42] : memref<10112x128xf32, #tpu.memory_space<vmem_shared>> -> memref<632x128xf32, #tpu.memory_space<vmem_shared>>
      %dma_wait3A_44 = arith.constant 0 : i32
      %dma_wait3A_45 = tpu.memref_slice %arg4[%mul3A_2, %dma_wait3A_44] : memref<10112x128xf32, #tpu.memory_space<hbm>> -> memref<632x128xf32, #tpu.memory_space<hbm>>
      tpu.wait_dma2 semaphore(%run_scoped3A : memref<!tpu.dma_semaphore, #tpu.memory_space<semaphore_mem>>) src(%dma_wait3A_45 : memref<632x128xf32, #tpu.memory_space<hbm>>) dst(%dma_wait3A_43 : memref<632x128xf32, #tpu.memory_space<vmem_shared>>)
      tpu.yield
    }) : () -> ()
    %barrier3A = arith.constant 0 : index
    tpu.barrier barrier_id(%barrier3A)
    %scan3A = arith.constant 0 : i32
    %scan3A_26 = arith.constant 10 : i32
    %scan3A_27 = arith.addi %scan3A, %scan3A_26 : i32
    %scan3A_28 = arith.constant 1 : i32
    scf.for %scan3A_38 = %scan3A to %scan3A_27 step %scan3A_28  : i32 {
      %mul3A_39 = arith.constant 1 : i32
      %mul3A_40 = arith.muli %scan3A_38, %mul3A_39 : i32
      %add3A_41 = arith.constant 0 : i32
      %add3A_42 = arith.addi %add3A_41, %mul3A_40 : i32
      %mul3A_43 = arith.constant 2 : i32
      %mul3A_44 = arith.muli %add3A_42, %mul3A_43 : i32
      %mul3A_45 = arith.constant 4 : i32
      %mul3A_46 = arith.muli %mul3A_44, %mul3A_45 : i32
      %add3A_47 = arith.constant 0 : i32
      %add3A_48 = arith.addi %mul3A_46, %add3A_47 : i32
      %add3A_49 = arith.constant 0 : i32
      %add3A_50 = arith.addi %add3A_48, %add3A_49 : i32
      %ge3A = arith.constant 1 : i32
      %ge3A_51 = arith.cmpi sge, %add3A_50, %ge3A : i32
      %convert_element_type3A = arith.extui %ge3A_51 : i1 to i32
      %cond3A = arith.constant 0 : i32
      %cond3A_52 = arith.cmpi ne, %convert_element_type3A, %cond3A : i32
      scf.if %cond3A_52 {
        %dma_wait3A_340 = arith.constant 4 : i32
        %dma_wait3A_341 = arith.constant 0 : i32
        %dma_wait3A_342 = tpu.memref_slice %arg7[%dma_wait3A_340, %dma_wait3A_341] : memref<8x128xi32, #tpu.memory_space<vmem>> -> memref<1x128xi32, #tpu.memory_space<vmem>>
        %dma_wait3A_343 = tpu.memref_squeeze %dma_wait3A_342 : memref<1x128xi32, #tpu.memory_space<vmem>> -> memref<128xi32, #tpu.memory_space<vmem>>
        %dma_wait3A_344 = arith.constant 0 : i32
        %dma_wait3A_345 = arith.constant 0 : i32
        %dma_wait3A_346 = tpu.memref_slice %arg6[%dma_wait3A_344, %dma_wait3A_345] : memref<10112x128xf32, #tpu.memory_space<vmem_shared>> -> memref<10112x128xf32, #tpu.memory_space<vmem_shared>>
        tpu.wait_indirect_dma semaphore(%arg16 : memref<!tpu.dma_semaphore, #tpu.memory_space<semaphore_mem>>) src(%arg10 : memref<128x128xf32, #tpu.memory_space<vmem>>) dst(%dma_wait3A_346 : memref<10112x128xf32, #tpu.memory_space<vmem_shared>>)
      } else {
      }
      %dma_start3A_53 = arith.constant 1 : i32
      %dma_start3A_54 = arith.constant 0 : i32
      %dma_start3A_55 = tpu.memref_slice %arg7[%dma_start3A_53, %dma_start3A_54] : memref<8x128xi32, #tpu.memory_space<vmem>> -> memref<1x128xi32, #tpu.memory_space<vmem>>
      %dma_start3A_56 = tpu.memref_squeeze %dma_start3A_55 : memref<1x128xi32, #tpu.memory_space<vmem>> -> memref<128xi32, #tpu.memory_space<vmem>>
      %dma_start3A_57 = arith.constant 0 : i32
      %dma_start3A_58 = arith.constant 0 : i32
      %dma_start3A_59 = tpu.memref_slice %arg2[%dma_start3A_57, %dma_start3A_58] : memref<10000x128xf32, #tpu.memory_space<hbm>> -> memref<10000x128xf32, #tpu.memory_space<hbm>>
      tpu.enqueue_indirect_dma source(%dma_start3A_59 : memref<10000x128xf32, #tpu.memory_space<hbm>>) target(%arg10 : memref<128x128xf32, #tpu.memory_space<vmem>>) offsets(%dma_start3A_56 : memref<128xi32, #tpu.memory_space<vmem>>) semaphore(%arg14 : memref<!tpu.dma_semaphore, #tpu.memory_space<semaphore_mem>>)
      %dma_wait3A_60 = arith.constant 0 : i32
      %dma_wait3A_61 = arith.constant 0 : i32
      %dma_wait3A_62 = tpu.memref_slice %arg7[%dma_wait3A_60, %dma_wait3A_61] : memref<8x128xi32, #tpu.memory_space<vmem>> -> memref<1x128xi32, #tpu.memory_space<vmem>>
      %dma_wait3A_63 = tpu.memref_squeeze %dma_wait3A_62 : memref<1x128xi32, #tpu.memory_space<vmem>> -> memref<128xi32, #tpu.memory_space<vmem>>
      %dma_wait3A_64 = arith.constant 0 : i32
      %dma_wait3A_65 = arith.constant 0 : i32
      %dma_wait3A_66 = tpu.memref_slice %arg2[%dma_wait3A_64, %dma_wait3A_65] : memref<10000x128xf32, #tpu.memory_space<hbm>> -> memref<10000x128xf32, #tpu.memory_space<hbm>>
      tpu.wait_indirect_dma semaphore(%arg13 : memref<!tpu.dma_semaphore, #tpu.memory_space<semaphore_mem>>) src(%dma_wait3A_66 : memref<10000x128xf32, #tpu.memory_space<hbm>>) dst(%arg9 : memref<128x128xf32, #tpu.memory_space<vmem>>)
      %dma_start3A_67 = arith.constant 4 : i32
      %dma_start3A_68 = arith.constant 0 : i32
      %dma_start3A_69 = tpu.memref_slice %arg7[%dma_start3A_67, %dma_start3A_68] : memref<8x128xi32, #tpu.memory_space<vmem>> -> memref<1x128xi32, #tpu.memory_space<vmem>>
      %dma_start3A_70 = tpu.memref_squeeze %dma_start3A_69 : memref<1x128xi32, #tpu.memory_space<vmem>> -> memref<128xi32, #tpu.memory_space<vmem>>
      %dma_start3A_71 = arith.constant 0 : i32
      %dma_start3A_72 = arith.constant 0 : i32
      %dma_start3A_73 = tpu.memref_slice %arg6[%dma_start3A_71, %dma_start3A_72] : memref<10112x128xf32, #tpu.memory_space<vmem_shared>> -> memref<10112x128xf32, #tpu.memory_space<vmem_shared>>
      tpu.enqueue_indirect_dma source(%arg9 : memref<128x128xf32, #tpu.memory_space<vmem>>) target(%dma_start3A_73 : memref<10112x128xf32, #tpu.memory_space<vmem_shared>>) offsets(%dma_start3A_70 : memref<128xi32, #tpu.memory_space<vmem>>) semaphore(%arg15 : memref<!tpu.dma_semaphore, #tpu.memory_space<semaphore_mem>>) {add = true}
      %mul3A_74 = arith.constant 2 : i32
      %mul3A_75 = arith.muli %add3A_42, %mul3A_74 : i32
      %mul3A_76 = arith.constant 4 : i32
      %mul3A_77 = arith.muli %mul3A_75, %mul3A_76 : i32
      %add3A_78 = arith.constant 0 : i32
      %add3A_79 = arith.addi %mul3A_77, %add3A_78 : i32
      %add3A_80 = arith.constant 1 : i32
      %add3A_81 = arith.addi %add3A_79, %add3A_80 : i32
      %ge3A_82 = arith.constant 1 : i32
      %ge3A_83 = arith.cmpi sge, %add3A_81, %ge3A_82 : i32
      %convert_element_type3A_84 = arith.extui %ge3A_83 : i1 to i32
      %cond3A_85 = arith.constant 0 : i32
      %cond3A_86 = arith.cmpi ne, %convert_element_type3A_84, %cond3A_85 : i32
      scf.if %cond3A_86 {
        %dma_wait3A_340 = arith.constant 4 : i32
        %dma_wait3A_341 = arith.constant 0 : i32
        %dma_wait3A_342 = tpu.memref_slice %arg7[%dma_wait3A_340, %dma_wait3A_341] : memref<8x128xi32, #tpu.memory_space<vmem>> -> memref<1x128xi32, #tpu.memory_space<vmem>>
        %dma_wait3A_343 = tpu.memref_squeeze %dma_wait3A_342 : memref<1x128xi32, #tpu.memory_space<vmem>> -> memref<128xi32, #tpu.memory_space<vmem>>
        %dma_wait3A_344 = arith.constant 0 : i32
        %dma_wait3A_345 = arith.constant 0 : i32
        %dma_wait3A_346 = tpu.memref_slice %arg6[%dma_wait3A_344, %dma_wait3A_345] : memref<10112x128xf32, #tpu.memory_space<vmem_shared>> -> memref<10112x128xf32, #tpu.memory_space<vmem_shared>>
        tpu.wait_indirect_dma semaphore(%arg15 : memref<!tpu.dma_semaphore, #tpu.memory_space<semaphore_mem>>) src(%arg9 : memref<128x128xf32, #tpu.memory_space<vmem>>) dst(%dma_wait3A_346 : memref<10112x128xf32, #tpu.memory_space<vmem_shared>>)
      } else {
      }
      %mul3A_87 = arith.constant 2 : i32
      %mul3A_88 = arith.muli %mul3A_87, %add3A_42 : i32
      %add3A_89 = arith.constant 1 : i32
      %add3A_90 = arith.addi %mul3A_88, %add3A_89 : i32
      %dma_start3A_91 = arith.constant 0 : i32
      %dma_start3A_92 = arith.constant 0 : i32
      %dma_start3A_93 = tpu.memref_slice %arg3[%add3A, %add3A_90, %dma_start3A_91, %dma_start3A_92] : memref<32x20x8x128xi32, #tpu.memory_space<hbm>> -> memref<1x1x8x128xi32, #tpu.memory_space<hbm>>
      %dma_start3A_94 = tpu.memref_squeeze %dma_start3A_93 : memref<1x1x8x128xi32, #tpu.memory_space<hbm>> -> memref<8x128xi32, #tpu.memory_space<hbm>>
      %dma_start3A_95 = arith.constant 0 : i32
      %dma_start3A_96 = arith.constant 0 : i32
      %dma_start3A_97 = tpu.memref_slice %arg3[%add3A, %add3A_90, %dma_start3A_95, %dma_start3A_96] : memref<32x20x8x128xi32, #tpu.memory_space<hbm>> -> memref<1x1x8x128xi32, #tpu.memory_space<hbm>>
      %dma_start3A_98 = tpu.memref_squeeze %dma_start3A_97 : memref<1x1x8x128xi32, #tpu.memory_space<hbm>> -> memref<8x128xi32, #tpu.memory_space<hbm>>
      tpu.enqueue_dma source(%dma_start3A_98 : memref<8x128xi32, #tpu.memory_space<hbm>>) target(%arg8 : memref<8x128xi32, #tpu.memory_space<vmem>>) target_semaphore(%arg12 : memref<!tpu.dma_semaphore, #tpu.memory_space<semaphore_mem>>)
      %dma_start3A_99 = arith.constant 2 : i32
      %dma_start3A_100 = arith.constant 0 : i32
      %dma_start3A_101 = tpu.memref_slice %arg7[%dma_start3A_99, %dma_start3A_100] : memref<8x128xi32, #tpu.memory_space<vmem>> -> memref<1x128xi32, #tpu.memory_space<vmem>>
      %dma_start3A_102 = tpu.memref_squeeze %dma_start3A_101 : memref<1x128xi32, #tpu.memory_space<vmem>> -> memref<128xi32, #tpu.memory_space<vmem>>
      %dma_start3A_103 = arith.constant 0 : i32
      %dma_start3A_104 = arith.constant 0 : i32
      %dma_start3A_105 = tpu.memref_slice %arg2[%dma_start3A_103, %dma_start3A_104] : memref<10000x128xf32, #tpu.memory_space<hbm>> -> memref<10000x128xf32, #tpu.memory_space<hbm>>
      tpu.enqueue_indirect_dma source(%dma_start3A_105 : memref<10000x128xf32, #tpu.memory_space<hbm>>) target(%arg9 : memref<128x128xf32, #tpu.memory_space<vmem>>) offsets(%dma_start3A_102 : memref<128xi32, #tpu.memory_space<vmem>>) semaphore(%arg13 : memref<!tpu.dma_semaphore, #tpu.memory_space<semaphore_mem>>)
      %dma_wait3A_106 = arith.constant 0 : i32
      %dma_wait3A_107 = arith.constant 0 : i32
      %dma_wait3A_108 = tpu.memref_slice %arg7[%dma_wait3A_106, %dma_wait3A_107] : memref<8x128xi32, #tpu.memory_space<vmem>> -> memref<1x128xi32, #tpu.memory_space<vmem>>
      %dma_wait3A_109 = tpu.memref_squeeze %dma_wait3A_108 : memref<1x128xi32, #tpu.memory_space<vmem>> -> memref<128xi32, #tpu.memory_space<vmem>>
      %dma_wait3A_110 = arith.constant 0 : i32
      %dma_wait3A_111 = arith.constant 0 : i32
      %dma_wait3A_112 = tpu.memref_slice %arg2[%dma_wait3A_110, %dma_wait3A_111] : memref<10000x128xf32, #tpu.memory_space<hbm>> -> memref<10000x128xf32, #tpu.memory_space<hbm>>
      tpu.wait_indirect_dma semaphore(%arg14 : memref<!tpu.dma_semaphore, #tpu.memory_space<semaphore_mem>>) src(%dma_wait3A_112 : memref<10000x128xf32, #tpu.memory_space<hbm>>) dst(%arg10 : memref<128x128xf32, #tpu.memory_space<vmem>>)
      %dma_start3A_113 = arith.constant 5 : i32
      %dma_start3A_114 = arith.constant 0 : i32
      %dma_start3A_115 = tpu.memref_slice %arg7[%dma_start3A_113, %dma_start3A_114] : memref<8x128xi32, #tpu.memory_space<vmem>> -> memref<1x128xi32, #tpu.memory_space<vmem>>
      %dma_start3A_116 = tpu.memref_squeeze %dma_start3A_115 : memref<1x128xi32, #tpu.memory_space<vmem>> -> memref<128xi32, #tpu.memory_space<vmem>>
      %dma_start3A_117 = arith.constant 0 : i32
      %dma_start3A_118 = arith.constant 0 : i32
      %dma_start3A_119 = tpu.memref_slice %arg6[%dma_start3A_117, %dma_start3A_118] : memref<10112x128xf32, #tpu.memory_space<vmem_shared>> -> memref<10112x128xf32, #tpu.memory_space<vmem_shared>>
      tpu.enqueue_indirect_dma source(%arg10 : memref<128x128xf32, #tpu.memory_space<vmem>>) target(%dma_start3A_119 : memref<10112x128xf32, #tpu.memory_space<vmem_shared>>) offsets(%dma_start3A_116 : memref<128xi32, #tpu.memory_space<vmem>>) semaphore(%arg16 : memref<!tpu.dma_semaphore, #tpu.memory_space<semaphore_mem>>) {add = true}
      %mul3A_120 = arith.constant 2 : i32
      %mul3A_121 = arith.muli %add3A_42, %mul3A_120 : i32
      %mul3A_122 = arith.constant 4 : i32
      %mul3A_123 = arith.muli %mul3A_121, %mul3A_122 : i32
      %add3A_124 = arith.constant 0 : i32
      %add3A_125 = arith.addi %mul3A_123, %add3A_124 : i32
      %add3A_126 = arith.constant 2 : i32
      %add3A_127 = arith.addi %add3A_125, %add3A_126 : i32
      %ge3A_128 = arith.constant 1 : i32
      %ge3A_129 = arith.cmpi sge, %add3A_127, %ge3A_128 : i32
      %convert_element_type3A_130 = arith.extui %ge3A_129 : i1 to i32
      %cond3A_131 = arith.constant 0 : i32
      %cond3A_132 = arith.cmpi ne, %convert_element_type3A_130, %cond3A_131 : i32
      scf.if %cond3A_132 {
        %dma_wait3A_340 = arith.constant 4 : i32
        %dma_wait3A_341 = arith.constant 0 : i32
        %dma_wait3A_342 = tpu.memref_slice %arg7[%dma_wait3A_340, %dma_wait3A_341] : memref<8x128xi32, #tpu.memory_space<vmem>> -> memref<1x128xi32, #tpu.memory_space<vmem>>
        %dma_wait3A_343 = tpu.memref_squeeze %dma_wait3A_342 : memref<1x128xi32, #tpu.memory_space<vmem>> -> memref<128xi32, #tpu.memory_space<vmem>>
        %dma_wait3A_344 = arith.constant 0 : i32
        %dma_wait3A_345 = arith.constant 0 : i32
        %dma_wait3A_346 = tpu.memref_slice %arg6[%dma_wait3A_344, %dma_wait3A_345] : memref<10112x128xf32, #tpu.memory_space<vmem_shared>> -> memref<10112x128xf32, #tpu.memory_space<vmem_shared>>
        tpu.wait_indirect_dma semaphore(%arg16 : memref<!tpu.dma_semaphore, #tpu.memory_space<semaphore_mem>>) src(%arg10 : memref<128x128xf32, #tpu.memory_space<vmem>>) dst(%dma_wait3A_346 : memref<10112x128xf32, #tpu.memory_space<vmem_shared>>)
      } else {
      }
      %dma_start3A_133 = arith.constant 3 : i32
      %dma_start3A_134 = arith.constant 0 : i32
      %dma_start3A_135 = tpu.memref_slice %arg7[%dma_start3A_133, %dma_start3A_134] : memref<8x128xi32, #tpu.memory_space<vmem>> -> memref<1x128xi32, #tpu.memory_space<vmem>>
      %dma_start3A_136 = tpu.memref_squeeze %dma_start3A_135 : memref<1x128xi32, #tpu.memory_space<vmem>> -> memref<128xi32, #tpu.memory_space<vmem>>
      %dma_start3A_137 = arith.constant 0 : i32
      %dma_start3A_138 = arith.constant 0 : i32
      %dma_start3A_139 = tpu.memref_slice %arg2[%dma_start3A_137, %dma_start3A_138] : memref<10000x128xf32, #tpu.memory_space<hbm>> -> memref<10000x128xf32, #tpu.memory_space<hbm>>
      tpu.enqueue_indirect_dma source(%dma_start3A_139 : memref<10000x128xf32, #tpu.memory_space<hbm>>) target(%arg10 : memref<128x128xf32, #tpu.memory_space<vmem>>) offsets(%dma_start3A_136 : memref<128xi32, #tpu.memory_space<vmem>>) semaphore(%arg14 : memref<!tpu.dma_semaphore, #tpu.memory_space<semaphore_mem>>)
      %dma_wait3A_140 = arith.constant 0 : i32
      %dma_wait3A_141 = arith.constant 0 : i32
      %dma_wait3A_142 = tpu.memref_slice %arg7[%dma_wait3A_140, %dma_wait3A_141] : memref<8x128xi32, #tpu.memory_space<vmem>> -> memref<1x128xi32, #tpu.memory_space<vmem>>
      %dma_wait3A_143 = tpu.memref_squeeze %dma_wait3A_142 : memref<1x128xi32, #tpu.memory_space<vmem>> -> memref<128xi32, #tpu.memory_space<vmem>>
      %dma_wait3A_144 = arith.constant 0 : i32
      %dma_wait3A_145 = arith.constant 0 : i32
      %dma_wait3A_146 = tpu.memref_slice %arg2[%dma_wait3A_144, %dma_wait3A_145] : memref<10000x128xf32, #tpu.memory_space<hbm>> -> memref<10000x128xf32, #tpu.memory_space<hbm>>
      tpu.wait_indirect_dma semaphore(%arg13 : memref<!tpu.dma_semaphore, #tpu.memory_space<semaphore_mem>>) src(%dma_wait3A_146 : memref<10000x128xf32, #tpu.memory_space<hbm>>) dst(%arg9 : memref<128x128xf32, #tpu.memory_space<vmem>>)
      %dma_start3A_147 = arith.constant 6 : i32
      %dma_start3A_148 = arith.constant 0 : i32
      %dma_start3A_149 = tpu.memref_slice %arg7[%dma_start3A_147, %dma_start3A_148] : memref<8x128xi32, #tpu.memory_space<vmem>> -> memref<1x128xi32, #tpu.memory_space<vmem>>
      %dma_start3A_150 = tpu.memref_squeeze %dma_start3A_149 : memref<1x128xi32, #tpu.memory_space<vmem>> -> memref<128xi32, #tpu.memory_space<vmem>>
      %dma_start3A_151 = arith.constant 0 : i32
      %dma_start3A_152 = arith.constant 0 : i32
      %dma_start3A_153 = tpu.memref_slice %arg6[%dma_start3A_151, %dma_start3A_152] : memref<10112x128xf32, #tpu.memory_space<vmem_shared>> -> memref<10112x128xf32, #tpu.memory_space<vmem_shared>>
      tpu.enqueue_indirect_dma source(%arg9 : memref<128x128xf32, #tpu.memory_space<vmem>>) target(%dma_start3A_153 : memref<10112x128xf32, #tpu.memory_space<vmem_shared>>) offsets(%dma_start3A_150 : memref<128xi32, #tpu.memory_space<vmem>>) semaphore(%arg15 : memref<!tpu.dma_semaphore, #tpu.memory_space<semaphore_mem>>) {add = true}
      %mul3A_154 = arith.constant 2 : i32
      %mul3A_155 = arith.muli %add3A_42, %mul3A_154 : i32
      %mul3A_156 = arith.constant 4 : i32
      %mul3A_157 = arith.muli %mul3A_155, %mul3A_156 : i32
      %add3A_158 = arith.constant 0 : i32
      %add3A_159 = arith.addi %mul3A_157, %add3A_158 : i32
      %add3A_160 = arith.constant 3 : i32
      %add3A_161 = arith.addi %add3A_159, %add3A_160 : i32
      %ge3A_162 = arith.constant 1 : i32
      %ge3A_163 = arith.cmpi sge, %add3A_161, %ge3A_162 : i32
      %convert_element_type3A_164 = arith.extui %ge3A_163 : i1 to i32
      %cond3A_165 = arith.constant 0 : i32
      %cond3A_166 = arith.cmpi ne, %convert_element_type3A_164, %cond3A_165 : i32
      scf.if %cond3A_166 {
        %dma_wait3A_340 = arith.constant 4 : i32
        %dma_wait3A_341 = arith.constant 0 : i32
        %dma_wait3A_342 = tpu.memref_slice %arg7[%dma_wait3A_340, %dma_wait3A_341] : memref<8x128xi32, #tpu.memory_space<vmem>> -> memref<1x128xi32, #tpu.memory_space<vmem>>
        %dma_wait3A_343 = tpu.memref_squeeze %dma_wait3A_342 : memref<1x128xi32, #tpu.memory_space<vmem>> -> memref<128xi32, #tpu.memory_space<vmem>>
        %dma_wait3A_344 = arith.constant 0 : i32
        %dma_wait3A_345 = arith.constant 0 : i32
        %dma_wait3A_346 = tpu.memref_slice %arg6[%dma_wait3A_344, %dma_wait3A_345] : memref<10112x128xf32, #tpu.memory_space<vmem_shared>> -> memref<10112x128xf32, #tpu.memory_space<vmem_shared>>
        tpu.wait_indirect_dma semaphore(%arg15 : memref<!tpu.dma_semaphore, #tpu.memory_space<semaphore_mem>>) src(%arg9 : memref<128x128xf32, #tpu.memory_space<vmem>>) dst(%dma_wait3A_346 : memref<10112x128xf32, #tpu.memory_space<vmem_shared>>)
      } else {
      }
      %dma_wait3A_167 = arith.constant 0 : i32
      %dma_wait3A_168 = arith.constant 0 : i32
      %dma_wait3A_169 = arith.constant 0 : i32
      %dma_wait3A_170 = tpu.memref_slice %arg3[%add3A, %dma_wait3A_167, %dma_wait3A_168, %dma_wait3A_169] : memref<32x20x8x128xi32, #tpu.memory_space<hbm>> -> memref<1x1x8x128xi32, #tpu.memory_space<hbm>>
      %dma_wait3A_171 = tpu.memref_squeeze %dma_wait3A_170 : memref<1x1x8x128xi32, #tpu.memory_space<hbm>> -> memref<8x128xi32, #tpu.memory_space<hbm>>
      %dma_wait3A_172 = arith.constant 0 : i32
      %dma_wait3A_173 = arith.constant 0 : i32
      %dma_wait3A_174 = tpu.memref_slice %arg3[%add3A, %dma_wait3A_167, %dma_wait3A_172, %dma_wait3A_173] : memref<32x20x8x128xi32, #tpu.memory_space<hbm>> -> memref<1x1x8x128xi32, #tpu.memory_space<hbm>>
      %dma_wait3A_175 = tpu.memref_squeeze %dma_wait3A_174 : memref<1x1x8x128xi32, #tpu.memory_space<hbm>> -> memref<8x128xi32, #tpu.memory_space<hbm>>
      tpu.wait_dma2 semaphore(%arg12 : memref<!tpu.dma_semaphore, #tpu.memory_space<semaphore_mem>>) src(%dma_wait3A_175 : memref<8x128xi32, #tpu.memory_space<hbm>>) dst(%arg8 : memref<8x128xi32, #tpu.memory_space<vmem>>)
      %dma_start3A_176 = arith.constant 0 : i32
      %dma_start3A_177 = arith.constant 0 : i32
      %dma_start3A_178 = tpu.memref_slice %arg8[%dma_start3A_176, %dma_start3A_177] : memref<8x128xi32, #tpu.memory_space<vmem>> -> memref<1x128xi32, #tpu.memory_space<vmem>>
      %dma_start3A_179 = tpu.memref_squeeze %dma_start3A_178 : memref<1x128xi32, #tpu.memory_space<vmem>> -> memref<128xi32, #tpu.memory_space<vmem>>
      %dma_start3A_180 = arith.constant 0 : i32
      %dma_start3A_181 = arith.constant 0 : i32
      %dma_start3A_182 = tpu.memref_slice %arg2[%dma_start3A_180, %dma_start3A_181] : memref<10000x128xf32, #tpu.memory_space<hbm>> -> memref<10000x128xf32, #tpu.memory_space<hbm>>
      tpu.enqueue_indirect_dma source(%dma_start3A_182 : memref<10000x128xf32, #tpu.memory_space<hbm>>) target(%arg9 : memref<128x128xf32, #tpu.memory_space<vmem>>) offsets(%dma_start3A_179 : memref<128xi32, #tpu.memory_space<vmem>>) semaphore(%arg13 : memref<!tpu.dma_semaphore, #tpu.memory_space<semaphore_mem>>)
      %dma_wait3A_183 = arith.constant 0 : i32
      %dma_wait3A_184 = arith.constant 0 : i32
      %dma_wait3A_185 = tpu.memref_slice %arg7[%dma_wait3A_183, %dma_wait3A_184] : memref<8x128xi32, #tpu.memory_space<vmem>> -> memref<1x128xi32, #tpu.memory_space<vmem>>
      %dma_wait3A_186 = tpu.memref_squeeze %dma_wait3A_185 : memref<1x128xi32, #tpu.memory_space<vmem>> -> memref<128xi32, #tpu.memory_space<vmem>>
      %dma_wait3A_187 = arith.constant 0 : i32
      %dma_wait3A_188 = arith.constant 0 : i32
      %dma_wait3A_189 = tpu.memref_slice %arg2[%dma_wait3A_187, %dma_wait3A_188] : memref<10000x128xf32, #tpu.memory_space<hbm>> -> memref<10000x128xf32, #tpu.memory_space<hbm>>
      tpu.wait_indirect_dma semaphore(%arg14 : memref<!tpu.dma_semaphore, #tpu.memory_space<semaphore_mem>>) src(%dma_wait3A_189 : memref<10000x128xf32, #tpu.memory_space<hbm>>) dst(%arg10 : memref<128x128xf32, #tpu.memory_space<vmem>>)
      %dma_start3A_190 = arith.constant 7 : i32
      %dma_start3A_191 = arith.constant 0 : i32
      %dma_start3A_192 = tpu.memref_slice %arg7[%dma_start3A_190, %dma_start3A_191] : memref<8x128xi32, #tpu.memory_space<vmem>> -> memref<1x128xi32, #tpu.memory_space<vmem>>
      %dma_start3A_193 = tpu.memref_squeeze %dma_start3A_192 : memref<1x128xi32, #tpu.memory_space<vmem>> -> memref<128xi32, #tpu.memory_space<vmem>>
      %dma_start3A_194 = arith.constant 0 : i32
      %dma_start3A_195 = arith.constant 0 : i32
      %dma_start3A_196 = tpu.memref_slice %arg6[%dma_start3A_194, %dma_start3A_195] : memref<10112x128xf32, #tpu.memory_space<vmem_shared>> -> memref<10112x128xf32, #tpu.memory_space<vmem_shared>>
      tpu.enqueue_indirect_dma source(%arg10 : memref<128x128xf32, #tpu.memory_space<vmem>>) target(%dma_start3A_196 : memref<10112x128xf32, #tpu.memory_space<vmem_shared>>) offsets(%dma_start3A_193 : memref<128xi32, #tpu.memory_space<vmem>>) semaphore(%arg16 : memref<!tpu.dma_semaphore, #tpu.memory_space<semaphore_mem>>) {add = true}
      %mul3A_197 = arith.constant 2 : i32
      %mul3A_198 = arith.muli %add3A_42, %mul3A_197 : i32
      %mul3A_199 = arith.constant 4 : i32
      %mul3A_200 = arith.muli %mul3A_198, %mul3A_199 : i32
      %add3A_201 = arith.constant 4 : i32
      %add3A_202 = arith.addi %mul3A_200, %add3A_201 : i32
      %add3A_203 = arith.constant 0 : i32
      %add3A_204 = arith.addi %add3A_202, %add3A_203 : i32
      %ge3A_205 = arith.constant 1 : i32
      %ge3A_206 = arith.cmpi sge, %add3A_204, %ge3A_205 : i32
      %convert_element_type3A_207 = arith.extui %ge3A_206 : i1 to i32
      %cond3A_208 = arith.constant 0 : i32
      %cond3A_209 = arith.cmpi ne, %convert_element_type3A_207, %cond3A_208 : i32
      scf.if %cond3A_209 {
        %dma_wait3A_340 = arith.constant 4 : i32
        %dma_wait3A_341 = arith.constant 0 : i32
        %dma_wait3A_342 = tpu.memref_slice %arg7[%dma_wait3A_340, %dma_wait3A_341] : memref<8x128xi32, #tpu.memory_space<vmem>> -> memref<1x128xi32, #tpu.memory_space<vmem>>
        %dma_wait3A_343 = tpu.memref_squeeze %dma_wait3A_342 : memref<1x128xi32, #tpu.memory_space<vmem>> -> memref<128xi32, #tpu.memory_space<vmem>>
        %dma_wait3A_344 = arith.constant 0 : i32
        %dma_wait3A_345 = arith.constant 0 : i32
        %dma_wait3A_346 = tpu.memref_slice %arg6[%dma_wait3A_344, %dma_wait3A_345] : memref<10112x128xf32, #tpu.memory_space<vmem_shared>> -> memref<10112x128xf32, #tpu.memory_space<vmem_shared>>
        tpu.wait_indirect_dma semaphore(%arg16 : memref<!tpu.dma_semaphore, #tpu.memory_space<semaphore_mem>>) src(%arg10 : memref<128x128xf32, #tpu.memory_space<vmem>>) dst(%dma_wait3A_346 : memref<10112x128xf32, #tpu.memory_space<vmem_shared>>)
      } else {
      }
      %dma_start3A_210 = arith.constant 1 : i32
      %dma_start3A_211 = arith.constant 0 : i32
      %dma_start3A_212 = tpu.memref_slice %arg8[%dma_start3A_210, %dma_start3A_211] : memref<8x128xi32, #tpu.memory_space<vmem>> -> memref<1x128xi32, #tpu.memory_space<vmem>>
      %dma_start3A_213 = tpu.memref_squeeze %dma_start3A_212 : memref<1x128xi32, #tpu.memory_space<vmem>> -> memref<128xi32, #tpu.memory_space<vmem>>
      %dma_start3A_214 = arith.constant 0 : i32
      %dma_start3A_215 = arith.constant 0 : i32
      %dma_start3A_216 = tpu.memref_slice %arg2[%dma_start3A_214, %dma_start3A_215] : memref<10000x128xf32, #tpu.memory_space<hbm>> -> memref<10000x128xf32, #tpu.memory_space<hbm>>
      tpu.enqueue_indirect_dma source(%dma_start3A_216 : memref<10000x128xf32, #tpu.memory_space<hbm>>) target(%arg10 : memref<128x128xf32, #tpu.memory_space<vmem>>) offsets(%dma_start3A_213 : memref<128xi32, #tpu.memory_space<vmem>>) semaphore(%arg14 : memref<!tpu.dma_semaphore, #tpu.memory_space<semaphore_mem>>)
      %dma_wait3A_217 = arith.constant 0 : i32
      %dma_wait3A_218 = arith.constant 0 : i32
      %dma_wait3A_219 = tpu.memref_slice %arg7[%dma_wait3A_217, %dma_wait3A_218] : memref<8x128xi32, #tpu.memory_space<vmem>> -> memref<1x128xi32, #tpu.memory_space<vmem>>
      %dma_wait3A_220 = tpu.memref_squeeze %dma_wait3A_219 : memref<1x128xi32, #tpu.memory_space<vmem>> -> memref<128xi32, #tpu.memory_space<vmem>>
      %dma_wait3A_221 = arith.constant 0 : i32
      %dma_wait3A_222 = arith.constant 0 : i32
      %dma_wait3A_223 = tpu.memref_slice %arg2[%dma_wait3A_221, %dma_wait3A_222] : memref<10000x128xf32, #tpu.memory_space<hbm>> -> memref<10000x128xf32, #tpu.memory_space<hbm>>
      tpu.wait_indirect_dma semaphore(%arg13 : memref<!tpu.dma_semaphore, #tpu.memory_space<semaphore_mem>>) src(%dma_wait3A_223 : memref<10000x128xf32, #tpu.memory_space<hbm>>) dst(%arg9 : memref<128x128xf32, #tpu.memory_space<vmem>>)
      %dma_start3A_224 = arith.constant 4 : i32
      %dma_start3A_225 = arith.constant 0 : i32
      %dma_start3A_226 = tpu.memref_slice %arg8[%dma_start3A_224, %dma_start3A_225] : memref<8x128xi32, #tpu.memory_space<vmem>> -> memref<1x128xi32, #tpu.memory_space<vmem>>
      %dma_start3A_227 = tpu.memref_squeeze %dma_start3A_226 : memref<1x128xi32, #tpu.memory_space<vmem>> -> memref<128xi32, #tpu.memory_space<vmem>>
      %dma_start3A_228 = arith.constant 0 : i32
      %dma_start3A_229 = arith.constant 0 : i32
      %dma_start3A_230 = tpu.memref_slice %arg6[%dma_start3A_228, %dma_start3A_229] : memref<10112x128xf32, #tpu.memory_space<vmem_shared>> -> memref<10112x128xf32, #tpu.memory_space<vmem_shared>>
      tpu.enqueue_indirect_dma source(%arg9 : memref<128x128xf32, #tpu.memory_space<vmem>>) target(%dma_start3A_230 : memref<10112x128xf32, #tpu.memory_space<vmem_shared>>) offsets(%dma_start3A_227 : memref<128xi32, #tpu.memory_space<vmem>>) semaphore(%arg15 : memref<!tpu.dma_semaphore, #tpu.memory_space<semaphore_mem>>) {add = true}
      %mul3A_231 = arith.constant 2 : i32
      %mul3A_232 = arith.muli %add3A_42, %mul3A_231 : i32
      %mul3A_233 = arith.constant 4 : i32
      %mul3A_234 = arith.muli %mul3A_232, %mul3A_233 : i32
      %add3A_235 = arith.constant 4 : i32
      %add3A_236 = arith.addi %mul3A_234, %add3A_235 : i32
      %add3A_237 = arith.constant 1 : i32
      %add3A_238 = arith.addi %add3A_236, %add3A_237 : i32
      %ge3A_239 = arith.constant 1 : i32
      %ge3A_240 = arith.cmpi sge, %add3A_238, %ge3A_239 : i32
      %convert_element_type3A_241 = arith.extui %ge3A_240 : i1 to i32
      %cond3A_242 = arith.constant 0 : i32
      %cond3A_243 = arith.cmpi ne, %convert_element_type3A_241, %cond3A_242 : i32
      scf.if %cond3A_243 {
        %dma_wait3A_340 = arith.constant 4 : i32
        %dma_wait3A_341 = arith.constant 0 : i32
        %dma_wait3A_342 = tpu.memref_slice %arg7[%dma_wait3A_340, %dma_wait3A_341] : memref<8x128xi32, #tpu.memory_space<vmem>> -> memref<1x128xi32, #tpu.memory_space<vmem>>
        %dma_wait3A_343 = tpu.memref_squeeze %dma_wait3A_342 : memref<1x128xi32, #tpu.memory_space<vmem>> -> memref<128xi32, #tpu.memory_space<vmem>>
        %dma_wait3A_344 = arith.constant 0 : i32
        %dma_wait3A_345 = arith.constant 0 : i32
        %dma_wait3A_346 = tpu.memref_slice %arg6[%dma_wait3A_344, %dma_wait3A_345] : memref<10112x128xf32, #tpu.memory_space<vmem_shared>> -> memref<10112x128xf32, #tpu.memory_space<vmem_shared>>
        tpu.wait_indirect_dma semaphore(%arg15 : memref<!tpu.dma_semaphore, #tpu.memory_space<semaphore_mem>>) src(%arg9 : memref<128x128xf32, #tpu.memory_space<vmem>>) dst(%dma_wait3A_346 : memref<10112x128xf32, #tpu.memory_space<vmem_shared>>)
      } else {
      }
      %le3A = arith.constant 8 : i32
      %le3A_244 = arith.cmpi sle, %add3A_42, %le3A : i32
      %convert_element_type3A_245 = arith.extui %le3A_244 : i1 to i32
      %cond3A_246 = arith.constant 0 : i32
      %cond3A_247 = arith.cmpi ne, %convert_element_type3A_245, %cond3A_246 : i32
      scf.if %cond3A_247 {
        %mul3A_340 = arith.constant 2 : i32
        %mul3A_341 = arith.muli %mul3A_340, %add3A_42 : i32
        %add3A_342 = arith.constant 2 : i32
        %add3A_343 = arith.addi %mul3A_341, %add3A_342 : i32
        %dma_start3A_344 = arith.constant 0 : i32
        %dma_start3A_345 = arith.constant 0 : i32
        %dma_start3A_346 = tpu.memref_slice %arg3[%add3A, %add3A_343, %dma_start3A_344, %dma_start3A_345] : memref<32x20x8x128xi32, #tpu.memory_space<hbm>> -> memref<1x1x8x128xi32, #tpu.memory_space<hbm>>
        %dma_start3A_347 = tpu.memref_squeeze %dma_start3A_346 : memref<1x1x8x128xi32, #tpu.memory_space<hbm>> -> memref<8x128xi32, #tpu.memory_space<hbm>>
        %dma_start3A_348 = arith.constant 0 : i32
        %dma_start3A_349 = arith.constant 0 : i32
        %dma_start3A_350 = tpu.memref_slice %arg3[%add3A, %add3A_343, %dma_start3A_348, %dma_start3A_349] : memref<32x20x8x128xi32, #tpu.memory_space<hbm>> -> memref<1x1x8x128xi32, #tpu.memory_space<hbm>>
        %dma_start3A_351 = tpu.memref_squeeze %dma_start3A_350 : memref<1x1x8x128xi32, #tpu.memory_space<hbm>> -> memref<8x128xi32, #tpu.memory_space<hbm>>
        tpu.enqueue_dma source(%dma_start3A_351 : memref<8x128xi32, #tpu.memory_space<hbm>>) target(%arg7 : memref<8x128xi32, #tpu.memory_space<vmem>>) target_semaphore(%arg11 : memref<!tpu.dma_semaphore, #tpu.memory_space<semaphore_mem>>)
      } else {
      }
      %dma_start3A_248 = arith.constant 2 : i32
      %dma_start3A_249 = arith.constant 0 : i32
      %dma_start3A_250 = tpu.memref_slice %arg8[%dma_start3A_248, %dma_start3A_249] : memref<8x128xi32, #tpu.memory_space<vmem>> -> memref<1x128xi32, #tpu.memory_space<vmem>>
      %dma_start3A_251 = tpu.memref_squeeze %dma_start3A_250 : memref<1x128xi32, #tpu.memory_space<vmem>> -> memref<128xi32, #tpu.memory_space<vmem>>
      %dma_start3A_252 = arith.constant 0 : i32
      %dma_start3A_253 = arith.constant 0 : i32
      %dma_start3A_254 = tpu.memref_slice %arg2[%dma_start3A_252, %dma_start3A_253] : memref<10000x128xf32, #tpu.memory_space<hbm>> -> memref<10000x128xf32, #tpu.memory_space<hbm>>
      tpu.enqueue_indirect_dma source(%dma_start3A_254 : memref<10000x128xf32, #tpu.memory_space<hbm>>) target(%arg9 : memref<128x128xf32, #tpu.memory_space<vmem>>) offsets(%dma_start3A_251 : memref<128xi32, #tpu.memory_space<vmem>>) semaphore(%arg13 : memref<!tpu.dma_semaphore, #tpu.memory_space<semaphore_mem>>)
      %dma_wait3A_255 = arith.constant 0 : i32
      %dma_wait3A_256 = arith.constant 0 : i32
      %dma_wait3A_257 = tpu.memref_slice %arg7[%dma_wait3A_255, %dma_wait3A_256] : memref<8x128xi32, #tpu.memory_space<vmem>> -> memref<1x128xi32, #tpu.memory_space<vmem>>
      %dma_wait3A_258 = tpu.memref_squeeze %dma_wait3A_257 : memref<1x128xi32, #tpu.memory_space<vmem>> -> memref<128xi32, #tpu.memory_space<vmem>>
      %dma_wait3A_259 = arith.constant 0 : i32
      %dma_wait3A_260 = arith.constant 0 : i32
      %dma_wait3A_261 = tpu.memref_slice %arg2[%dma_wait3A_259, %dma_wait3A_260] : memref<10000x128xf32, #tpu.memory_space<hbm>> -> memref<10000x128xf32, #tpu.memory_space<hbm>>
      tpu.wait_indirect_dma semaphore(%arg14 : memref<!tpu.dma_semaphore, #tpu.memory_space<semaphore_mem>>) src(%dma_wait3A_261 : memref<10000x128xf32, #tpu.memory_space<hbm>>) dst(%arg10 : memref<128x128xf32, #tpu.memory_space<vmem>>)
      %dma_start3A_262 = arith.constant 5 : i32
      %dma_start3A_263 = arith.constant 0 : i32
      %dma_start3A_264 = tpu.memref_slice %arg8[%dma_start3A_262, %dma_start3A_263] : memref<8x128xi32, #tpu.memory_space<vmem>> -> memref<1x128xi32, #tpu.memory_space<vmem>>
      %dma_start3A_265 = tpu.memref_squeeze %dma_start3A_264 : memref<1x128xi32, #tpu.memory_space<vmem>> -> memref<128xi32, #tpu.memory_space<vmem>>
      %dma_start3A_266 = arith.constant 0 : i32
      %dma_start3A_267 = arith.constant 0 : i32
      %dma_start3A_268 = tpu.memref_slice %arg6[%dma_start3A_266, %dma_start3A_267] : memref<10112x128xf32, #tpu.memory_space<vmem_shared>> -> memref<10112x128xf32, #tpu.memory_space<vmem_shared>>
      tpu.enqueue_indirect_dma source(%arg10 : memref<128x128xf32, #tpu.memory_space<vmem>>) target(%dma_start3A_268 : memref<10112x128xf32, #tpu.memory_space<vmem_shared>>) offsets(%dma_start3A_265 : memref<128xi32, #tpu.memory_space<vmem>>) semaphore(%arg16 : memref<!tpu.dma_semaphore, #tpu.memory_space<semaphore_mem>>) {add = true}
      %mul3A_269 = arith.constant 2 : i32
      %mul3A_270 = arith.muli %add3A_42, %mul3A_269 : i32
      %mul3A_271 = arith.constant 4 : i32
      %mul3A_272 = arith.muli %mul3A_270, %mul3A_271 : i32
      %add3A_273 = arith.constant 4 : i32
      %add3A_274 = arith.addi %mul3A_272, %add3A_273 : i32
      %add3A_275 = arith.constant 2 : i32
      %add3A_276 = arith.addi %add3A_274, %add3A_275 : i32
      %ge3A_277 = arith.constant 1 : i32
      %ge3A_278 = arith.cmpi sge, %add3A_276, %ge3A_277 : i32
      %convert_element_type3A_279 = arith.extui %ge3A_278 : i1 to i32
      %cond3A_280 = arith.constant 0 : i32
      %cond3A_281 = arith.cmpi ne, %convert_element_type3A_279, %cond3A_280 : i32
      scf.if %cond3A_281 {
        %dma_wait3A_340 = arith.constant 4 : i32
        %dma_wait3A_341 = arith.constant 0 : i32
        %dma_wait3A_342 = tpu.memref_slice %arg7[%dma_wait3A_340, %dma_wait3A_341] : memref<8x128xi32, #tpu.memory_space<vmem>> -> memref<1x128xi32, #tpu.memory_space<vmem>>
        %dma_wait3A_343 = tpu.memref_squeeze %dma_wait3A_342 : memref<1x128xi32, #tpu.memory_space<vmem>> -> memref<128xi32, #tpu.memory_space<vmem>>
        %dma_wait3A_344 = arith.constant 0 : i32
        %dma_wait3A_345 = arith.constant 0 : i32
        %dma_wait3A_346 = tpu.memref_slice %arg6[%dma_wait3A_344, %dma_wait3A_345] : memref<10112x128xf32, #tpu.memory_space<vmem_shared>> -> memref<10112x128xf32, #tpu.memory_space<vmem_shared>>
        tpu.wait_indirect_dma semaphore(%arg16 : memref<!tpu.dma_semaphore, #tpu.memory_space<semaphore_mem>>) src(%arg10 : memref<128x128xf32, #tpu.memory_space<vmem>>) dst(%dma_wait3A_346 : memref<10112x128xf32, #tpu.memory_space<vmem_shared>>)
      } else {
      }
      %dma_start3A_282 = arith.constant 3 : i32
      %dma_start3A_283 = arith.constant 0 : i32
      %dma_start3A_284 = tpu.memref_slice %arg8[%dma_start3A_282, %dma_start3A_283] : memref<8x128xi32, #tpu.memory_space<vmem>> -> memref<1x128xi32, #tpu.memory_space<vmem>>
      %dma_start3A_285 = tpu.memref_squeeze %dma_start3A_284 : memref<1x128xi32, #tpu.memory_space<vmem>> -> memref<128xi32, #tpu.memory_space<vmem>>
      %dma_start3A_286 = arith.constant 0 : i32
      %dma_start3A_287 = arith.constant 0 : i32
      %dma_start3A_288 = tpu.memref_slice %arg2[%dma_start3A_286, %dma_start3A_287] : memref<10000x128xf32, #tpu.memory_space<hbm>> -> memref<10000x128xf32, #tpu.memory_space<hbm>>
      tpu.enqueue_indirect_dma source(%dma_start3A_288 : memref<10000x128xf32, #tpu.memory_space<hbm>>) target(%arg10 : memref<128x128xf32, #tpu.memory_space<vmem>>) offsets(%dma_start3A_285 : memref<128xi32, #tpu.memory_space<vmem>>) semaphore(%arg14 : memref<!tpu.dma_semaphore, #tpu.memory_space<semaphore_mem>>)
      %dma_wait3A_289 = arith.constant 0 : i32
      %dma_wait3A_290 = arith.constant 0 : i32
      %dma_wait3A_291 = tpu.memref_slice %arg7[%dma_wait3A_289, %dma_wait3A_290] : memref<8x128xi32, #tpu.memory_space<vmem>> -> memref<1x128xi32, #tpu.memory_space<vmem>>
      %dma_wait3A_292 = tpu.memref_squeeze %dma_wait3A_291 : memref<1x128xi32, #tpu.memory_space<vmem>> -> memref<128xi32, #tpu.memory_space<vmem>>
      %dma_wait3A_293 = arith.constant 0 : i32
      %dma_wait3A_294 = arith.constant 0 : i32
      %dma_wait3A_295 = tpu.memref_slice %arg2[%dma_wait3A_293, %dma_wait3A_294] : memref<10000x128xf32, #tpu.memory_space<hbm>> -> memref<10000x128xf32, #tpu.memory_space<hbm>>
      tpu.wait_indirect_dma semaphore(%arg13 : memref<!tpu.dma_semaphore, #tpu.memory_space<semaphore_mem>>) src(%dma_wait3A_295 : memref<10000x128xf32, #tpu.memory_space<hbm>>) dst(%arg9 : memref<128x128xf32, #tpu.memory_space<vmem>>)
      %dma_start3A_296 = arith.constant 6 : i32
      %dma_start3A_297 = arith.constant 0 : i32
      %dma_start3A_298 = tpu.memref_slice %arg8[%dma_start3A_296, %dma_start3A_297] : memref<8x128xi32, #tpu.memory_space<vmem>> -> memref<1x128xi32, #tpu.memory_space<vmem>>
      %dma_start3A_299 = tpu.memref_squeeze %dma_start3A_298 : memref<1x128xi32, #tpu.memory_space<vmem>> -> memref<128xi32, #tpu.memory_space<vmem>>
      %dma_start3A_300 = arith.constant 0 : i32
      %dma_start3A_301 = arith.constant 0 : i32
      %dma_start3A_302 = tpu.memref_slice %arg6[%dma_start3A_300, %dma_start3A_301] : memref<10112x128xf32, #tpu.memory_space<vmem_shared>> -> memref<10112x128xf32, #tpu.memory_space<vmem_shared>>
      tpu.enqueue_indirect_dma source(%arg9 : memref<128x128xf32, #tpu.memory_space<vmem>>) target(%dma_start3A_302 : memref<10112x128xf32, #tpu.memory_space<vmem_shared>>) offsets(%dma_start3A_299 : memref<128xi32, #tpu.memory_space<vmem>>) semaphore(%arg15 : memref<!tpu.dma_semaphore, #tpu.memory_space<semaphore_mem>>) {add = true}
      %mul3A_303 = arith.constant 2 : i32
      %mul3A_304 = arith.muli %add3A_42, %mul3A_303 : i32
      %mul3A_305 = arith.constant 4 : i32
      %mul3A_306 = arith.muli %mul3A_304, %mul3A_305 : i32
      %add3A_307 = arith.constant 4 : i32
      %add3A_308 = arith.addi %mul3A_306, %add3A_307 : i32
      %add3A_309 = arith.constant 3 : i32
      %add3A_310 = arith.addi %add3A_308, %add3A_309 : i32
      %ge3A_311 = arith.constant 1 : i32
      %ge3A_312 = arith.cmpi sge, %add3A_310, %ge3A_311 : i32
      %convert_element_type3A_313 = arith.extui %ge3A_312 : i1 to i32
      %cond3A_314 = arith.constant 0 : i32
      %cond3A_315 = arith.cmpi ne, %convert_element_type3A_313, %cond3A_314 : i32
      scf.if %cond3A_315 {
        %dma_wait3A_340 = arith.constant 4 : i32
        %dma_wait3A_341 = arith.constant 0 : i32
        %dma_wait3A_342 = tpu.memref_slice %arg7[%dma_wait3A_340, %dma_wait3A_341] : memref<8x128xi32, #tpu.memory_space<vmem>> -> memref<1x128xi32, #tpu.memory_space<vmem>>
        %dma_wait3A_343 = tpu.memref_squeeze %dma_wait3A_342 : memref<1x128xi32, #tpu.memory_space<vmem>> -> memref<128xi32, #tpu.memory_space<vmem>>
        %dma_wait3A_344 = arith.constant 0 : i32
        %dma_wait3A_345 = arith.constant 0 : i32
        %dma_wait3A_346 = tpu.memref_slice %arg6[%dma_wait3A_344, %dma_wait3A_345] : memref<10112x128xf32, #tpu.memory_space<vmem_shared>> -> memref<10112x128xf32, #tpu.memory_space<vmem_shared>>
        tpu.wait_indirect_dma semaphore(%arg15 : memref<!tpu.dma_semaphore, #tpu.memory_space<semaphore_mem>>) src(%arg9 : memref<128x128xf32, #tpu.memory_space<vmem>>) dst(%dma_wait3A_346 : memref<10112x128xf32, #tpu.memory_space<vmem_shared>>)
      } else {
      }
      %le3A_316 = arith.constant 8 : i32
      %le3A_317 = arith.cmpi sle, %add3A_42, %le3A_316 : i32
      %convert_element_type3A_318 = arith.extui %le3A_317 : i1 to i32
      %cond3A_319 = arith.constant 0 : i32
      %cond3A_320 = arith.cmpi ne, %convert_element_type3A_318, %cond3A_319 : i32
      scf.if %cond3A_320 {
        %dma_wait3A_340 = arith.constant 0 : i32
        %dma_wait3A_341 = arith.constant 0 : i32
        %dma_wait3A_342 = arith.constant 0 : i32
        %dma_wait3A_343 = tpu.memref_slice %arg3[%add3A, %dma_wait3A_340, %dma_wait3A_341, %dma_wait3A_342] : memref<32x20x8x128xi32, #tpu.memory_space<hbm>> -> memref<1x1x8x128xi32, #tpu.memory_space<hbm>>
        %dma_wait3A_344 = tpu.memref_squeeze %dma_wait3A_343 : memref<1x1x8x128xi32, #tpu.memory_space<hbm>> -> memref<8x128xi32, #tpu.memory_space<hbm>>
        %dma_wait3A_345 = arith.constant 0 : i32
        %dma_wait3A_346 = arith.constant 0 : i32
        %dma_wait3A_347 = tpu.memref_slice %arg3[%add3A, %dma_wait3A_340, %dma_wait3A_345, %dma_wait3A_346] : memref<32x20x8x128xi32, #tpu.memory_space<hbm>> -> memref<1x1x8x128xi32, #tpu.memory_space<hbm>>
        %dma_wait3A_348 = tpu.memref_squeeze %dma_wait3A_347 : memref<1x1x8x128xi32, #tpu.memory_space<hbm>> -> memref<8x128xi32, #tpu.memory_space<hbm>>
        tpu.wait_dma2 semaphore(%arg11 : memref<!tpu.dma_semaphore, #tpu.memory_space<semaphore_mem>>) src(%dma_wait3A_348 : memref<8x128xi32, #tpu.memory_space<hbm>>) dst(%arg7 : memref<8x128xi32, #tpu.memory_space<vmem>>)
      } else {
      }
      %le3A_321 = arith.constant 8 : i32
      %le3A_322 = arith.cmpi sle, %add3A_42, %le3A_321 : i32
      %convert_element_type3A_323 = arith.extui %le3A_322 : i1 to i32
      %cond3A_324 = arith.constant 0 : i32
      %cond3A_325 = arith.cmpi ne, %convert_element_type3A_323, %cond3A_324 : i32
      scf.if %cond3A_325 {
        %dma_start3A_340 = arith.constant 0 : i32
        %dma_start3A_341 = arith.constant 0 : i32
        %dma_start3A_342 = tpu.memref_slice %arg7[%dma_start3A_340, %dma_start3A_341] : memref<8x128xi32, #tpu.memory_space<vmem>> -> memref<1x128xi32, #tpu.memory_space<vmem>>
        %dma_start3A_343 = tpu.memref_squeeze %dma_start3A_342 : memref<1x128xi32, #tpu.memory_space<vmem>> -> memref<128xi32, #tpu.memory_space<vmem>>
        %dma_start3A_344 = arith.constant 0 : i32
        %dma_start3A_345 = arith.constant 0 : i32
        %dma_start3A_346 = tpu.memref_slice %arg2[%dma_start3A_344, %dma_start3A_345] : memref<10000x128xf32, #tpu.memory_space<hbm>> -> memref<10000x128xf32, #tpu.memory_space<hbm>>
        tpu.enqueue_indirect_dma source(%dma_start3A_346 : memref<10000x128xf32, #tpu.memory_space<hbm>>) target(%arg9 : memref<128x128xf32, #tpu.memory_space<vmem>>) offsets(%dma_start3A_343 : memref<128xi32, #tpu.memory_space<vmem>>) semaphore(%arg13 : memref<!tpu.dma_semaphore, #tpu.memory_space<semaphore_mem>>)
      } else {
      }
      %dma_wait3A_326 = arith.constant 0 : i32
      %dma_wait3A_327 = arith.constant 0 : i32
      %dma_wait3A_328 = tpu.memref_slice %arg7[%dma_wait3A_326, %dma_wait3A_327] : memref<8x128xi32, #tpu.memory_space<vmem>> -> memref<1x128xi32, #tpu.memory_space<vmem>>
      %dma_wait3A_329 = tpu.memref_squeeze %dma_wait3A_328 : memref<1x128xi32, #tpu.memory_space<vmem>> -> memref<128xi32, #tpu.memory_space<vmem>>
      %dma_wait3A_330 = arith.constant 0 : i32
      %dma_wait3A_331 = arith.constant 0 : i32
      %dma_wait3A_332 = tpu.memref_slice %arg2[%dma_wait3A_330, %dma_wait3A_331] : memref<10000x128xf32, #tpu.memory_space<hbm>> -> memref<10000x128xf32, #tpu.memory_space<hbm>>
      tpu.wait_indirect_dma semaphore(%arg14 : memref<!tpu.dma_semaphore, #tpu.memory_space<semaphore_mem>>) src(%dma_wait3A_332 : memref<10000x128xf32, #tpu.memory_space<hbm>>) dst(%arg10 : memref<128x128xf32, #tpu.memory_space<vmem>>)
      %dma_start3A_333 = arith.constant 7 : i32
      %dma_start3A_334 = arith.constant 0 : i32
      %dma_start3A_335 = tpu.memref_slice %arg8[%dma_start3A_333, %dma_start3A_334] : memref<8x128xi32, #tpu.memory_space<vmem>> -> memref<1x128xi32, #tpu.memory_space<vmem>>
      %dma_start3A_336 = tpu.memref_squeeze %dma_start3A_335 : memref<1x128xi32, #tpu.memory_space<vmem>> -> memref<128xi32, #tpu.memory_space<vmem>>
      %dma_start3A_337 = arith.constant 0 : i32
      %dma_start3A_338 = arith.constant 0 : i32
      %dma_start3A_339 = tpu.memref_slice %arg6[%dma_start3A_337, %dma_start3A_338] : memref<10112x128xf32, #tpu.memory_space<vmem_shared>> -> memref<10112x128xf32, #tpu.memory_space<vmem_shared>>
      tpu.enqueue_indirect_dma source(%arg10 : memref<128x128xf32, #tpu.memory_space<vmem>>) target(%dma_start3A_339 : memref<10112x128xf32, #tpu.memory_space<vmem_shared>>) offsets(%dma_start3A_336 : memref<128xi32, #tpu.memory_space<vmem>>) semaphore(%arg16 : memref<!tpu.dma_semaphore, #tpu.memory_space<semaphore_mem>>) {add = true}
    }
    %scan3A_29 = arith.constant 10 : i32
    %dma_wait3A_30 = arith.constant 4 : i32
    %dma_wait3A_31 = arith.constant 0 : i32
    %dma_wait3A_32 = tpu.memref_slice %arg7[%dma_wait3A_30, %dma_wait3A_31] : memref<8x128xi32, #tpu.memory_space<vmem>> -> memref<1x128xi32, #tpu.memory_space<vmem>>
    %dma_wait3A_33 = tpu.memref_squeeze %dma_wait3A_32 : memref<1x128xi32, #tpu.memory_space<vmem>> -> memref<128xi32, #tpu.memory_space<vmem>>
    %dma_wait3A_34 = arith.constant 0 : i32
    %dma_wait3A_35 = arith.constant 0 : i32
    %dma_wait3A_36 = tpu.memref_slice %arg6[%dma_wait3A_34, %dma_wait3A_35] : memref<10112x128xf32, #tpu.memory_space<vmem_shared>> -> memref<10112x128xf32, #tpu.memory_space<vmem_shared>>
    tpu.wait_indirect_dma semaphore(%arg16 : memref<!tpu.dma_semaphore, #tpu.memory_space<semaphore_mem>>) src(%arg10 : memref<128x128xf32, #tpu.memory_space<vmem>>) dst(%dma_wait3A_36 : memref<10112x128xf32, #tpu.memory_space<vmem_shared>>)
    %barrier3A_37 = arith.constant 0 : index
    tpu.barrier barrier_id(%barrier3A_37)
    "tpu.region"() ({
      %run_scoped3A = tpu.sem_alloc : memref<!tpu.dma_semaphore, #tpu.memory_space<semaphore_mem>>
      %dma_start3A_38 = arith.constant 0 : i32
      %dma_start3A_39 = tpu.memref_slice %arg5[%arg0, %mul3A_2, %dma_start3A_38] : memref<2x10112x128xf32, #tpu.memory_space<hbm>> -> memref<1x632x128xf32, #tpu.memory_space<hbm>>
      %dma_start3A_40 = tpu.memref_squeeze %dma_start3A_39 : memref<1x632x128xf32, #tpu.memory_space<hbm>> -> memref<632x128xf32, #tpu.memory_space<hbm>>
      %dma_start3A_41 = arith.constant 0 : i32
      %dma_start3A_42 = tpu.memref_slice %arg6[%mul3A_2, %dma_start3A_41] : memref<10112x128xf32, #tpu.memory_space<vmem_shared>> -> memref<632x128xf32, #tpu.memory_space<vmem_shared>>
      tpu.enqueue_dma source(%dma_start3A_42 : memref<632x128xf32, #tpu.memory_space<vmem_shared>>) target(%dma_start3A_40 : memref<632x128xf32, #tpu.memory_space<hbm>>) target_semaphore(%run_scoped3A : memref<!tpu.dma_semaphore, #tpu.memory_space<semaphore_mem>>)
      %dma_wait3A_43 = arith.constant 0 : i32
      %dma_wait3A_44 = tpu.memref_slice %arg5[%arg0, %mul3A_2, %dma_wait3A_43] : memref<2x10112x128xf32, #tpu.memory_space<hbm>> -> memref<1x632x128xf32, #tpu.memory_space<hbm>>
      %dma_wait3A_45 = tpu.memref_squeeze %dma_wait3A_44 : memref<1x632x128xf32, #tpu.memory_space<hbm>> -> memref<632x128xf32, #tpu.memory_space<hbm>>
      %dma_wait3A_46 = arith.constant 0 : i32
      %dma_wait3A_47 = tpu.memref_slice %arg6[%mul3A_2, %dma_wait3A_46] : memref<10112x128xf32, #tpu.memory_space<vmem_shared>> -> memref<632x128xf32, #tpu.memory_space<vmem_shared>>
      tpu.wait_dma2 semaphore(%run_scoped3A : memref<!tpu.dma_semaphore, #tpu.memory_space<semaphore_mem>>) src(%dma_wait3A_47 : memref<632x128xf32, #tpu.memory_space<vmem_shared>>) dst(%dma_wait3A_45 : memref<632x128xf32, #tpu.memory_space<hbm>>)
      tpu.yield
    }) : () -> ()
    return
  }
}

#map = affine_map<(d0, d1) -> (0, 0)>
#map1 = affine_map<(d0, d1) -> (0, 0, 0, 0)>
#map2 = affine_map<(d0, d1) -> (0, 0, 0)>
module attributes {stable_mosaic.version = 14 : i64} {
  func.func @_sc_body(%arg0: i32, %arg1: i32, %arg2: memref<10000x128xf32, #tpu.memory_space<hbm>>, %arg3: memref<32x20x8x128xi32, #tpu.memory_space<hbm>>, %arg4: memref<10112x128xf32, #tpu.memory_space<hbm>>, %arg5: memref<2x10112x128xf32, #tpu.memory_space<hbm>>, %arg6: memref<10112x128xf32, #tpu.memory_space<vmem_shared>>, %arg7: memref<8x128xi32, #tpu.memory_space<vmem>>, %arg8: memref<8x128xi32, #tpu.memory_space<vmem>>, %arg9: memref<128x128xf32, #tpu.memory_space<vmem>>, %arg10: memref<128x128xf32, #tpu.memory_space<vmem>>, %arg11: memref<!tpu.dma_semaphore, #tpu.memory_space<semaphore_mem>>, %arg12: memref<!tpu.dma_semaphore, #tpu.memory_space<semaphore_mem>>, %arg13: memref<!tpu.dma_semaphore, #tpu.memory_space<semaphore_mem>>, %arg14: memref<!tpu.dma_semaphore, #tpu.memory_space<semaphore_mem>>, %arg15: memref<!tpu.dma_semaphore, #tpu.memory_space<semaphore_mem>>, %arg16: memref<!tpu.dma_semaphore, #tpu.memory_space<semaphore_mem>>) attributes {dimension_semantics = [#tpu.dimension_semantics<core_parallel>, #tpu.dimension_semantics<subcore_parallel>], iteration_bounds = array<i64: 2, 16>, scalar_prefetch = 0 : i64, scratch_operands = 11 : i64, tpu.core_type = #tpu.core_type<sc_vector_subcore>, window_params = [{transform_indices = #map}, {transform_indices = #map1}, {transform_indices = #map}, {transform_indices = #map2}]} {
    %mul3A = arith.constant 2 : i32
    %mul3A_0 = arith.muli %arg1, %mul3A : i32
    %add3A = arith.addi %mul3A_0, %arg0 : i32
    %mul3A_1 = arith.constant 632 : i32
    %mul3A_2 = arith.muli %arg1, %mul3A_1 : i32
    %dma_start3A = arith.constant 0 : i32
    %dma_start3A_3 = arith.constant 0 : i32
    %dma_start3A_4 = arith.constant 0 : i32
    %dma_start3A_5 = tpu.memref_slice %arg3[%add3A, %dma_start3A, %dma_start3A_3, %dma_start3A_4] : memref<32x20x8x128xi32, #tpu.memory_space<hbm>> -> memref<1x1x8x128xi32, #tpu.memory_space<hbm>>
    %dma_start3A_6 = tpu.memref_squeeze %dma_start3A_5 : memref<1x1x8x128xi32, #tpu.memory_space<hbm>> -> memref<8x128xi32, #tpu.memory_space<hbm>>
    %dma_start3A_7 = arith.constant 0 : i32
    %dma_start3A_8 = arith.constant 0 : i32
    %dma_start3A_9 = tpu.memref_slice %arg3[%add3A, %dma_start3A, %dma_start3A_7, %dma_start3A_8] : memref<32x20x8x128xi32, #tpu.memory_space<hbm>> -> memref<1x1x8x128xi32, #tpu.memory_space<hbm>>
    %dma_start3A_10 = tpu.memref_squeeze %dma_start3A_9 : memref<1x1x8x128xi32, #tpu.memory_space<hbm>> -> memref<8x128xi32, #tpu.memory_space<hbm>>
    tpu.enqueue_dma source(%dma_start3A_10 : memref<8x128xi32, #tpu.memory_space<hbm>>) target(%arg7 : memref<8x128xi32, #tpu.memory_space<vmem>>) target_semaphore(%arg11 : memref<!tpu.dma_semaphore, #tpu.memory_space<semaphore_mem>>)
    %dma_wait3A = arith.constant 0 : i32
    %dma_wait3A_11 = arith.constant 0 : i32
    %dma_wait3A_12 = arith.constant 0 : i32
    %dma_wait3A_13 = tpu.memref_slice %arg3[%add3A, %dma_wait3A, %dma_wait3A_11, %dma_wait3A_12] : memref<32x20x8x128xi32, #tpu.memory_space<hbm>> -> memref<1x1x8x128xi32, #tpu.memory_space<hbm>>
    %dma_wait3A_14 = tpu.memref_squeeze %dma_wait3A_13 : memref<1x1x8x128xi32, #tpu.memory_space<hbm>> -> memref<8x128xi32, #tpu.memory_space<hbm>>
    %dma_wait3A_15 = arith.constant 0 : i32
    %dma_wait3A_16 = arith.constant 0 : i32
    %dma_wait3A_17 = tpu.memref_slice %arg3[%add3A, %dma_wait3A, %dma_wait3A_15, %dma_wait3A_16] : memref<32x20x8x128xi32, #tpu.memory_space<hbm>> -> memref<1x1x8x128xi32, #tpu.memory_space<hbm>>
    %dma_wait3A_18 = tpu.memref_squeeze %dma_wait3A_17 : memref<1x1x8x128xi32, #tpu.memory_space<hbm>> -> memref<8x128xi32, #tpu.memory_space<hbm>>
    tpu.wait_dma2 semaphore(%arg11 : memref<!tpu.dma_semaphore, #tpu.memory_space<semaphore_mem>>) src(%dma_wait3A_18 : memref<8x128xi32, #tpu.memory_space<hbm>>) dst(%arg7 : memref<8x128xi32, #tpu.memory_space<vmem>>)
    %dma_start3A_19 = arith.constant 0 : i32
    %dma_start3A_20 = arith.constant 0 : i32
    %dma_start3A_21 = tpu.memref_slice %arg7[%dma_start3A_19, %dma_start3A_20] : memref<8x128xi32, #tpu.memory_space<vmem>> -> memref<1x128xi32, #tpu.memory_space<vmem>>
    %dma_start3A_22 = tpu.memref_squeeze %dma_start3A_21 : memref<1x128xi32, #tpu.memory_space<vmem>> -> memref<128xi32, #tpu.memory_space<vmem>>
    %dma_start3A_23 = arith.constant 0 : i32
    %dma_start3A_24 = arith.constant 0 : i32
    %dma_start3A_25 = tpu.memref_slice %arg2[%dma_start3A_23, %dma_start3A_24] : memref<10000x128xf32, #tpu.memory_space<hbm>> -> memref<10000x128xf32, #tpu.memory_space<hbm>>
    tpu.enqueue_indirect_dma source(%dma_start3A_25 : memref<10000x128xf32, #tpu.memory_space<hbm>>) target(%arg9 : memref<128x128xf32, #tpu.memory_space<vmem>>) offsets(%dma_start3A_22 : memref<128xi32, #tpu.memory_space<vmem>>) semaphore(%arg13 : memref<!tpu.dma_semaphore, #tpu.memory_space<semaphore_mem>>)
    "tpu.region"() ({
      %run_scoped3A = tpu.sem_alloc : memref<!tpu.dma_semaphore, #tpu.memory_space<semaphore_mem>>
      %dma_start3A_38 = arith.constant 0 : i32
      %dma_start3A_39 = tpu.memref_slice %arg6[%mul3A_2, %dma_start3A_38] : memref<10112x128xf32, #tpu.memory_space<vmem_shared>> -> memref<632x128xf32, #tpu.memory_space<vmem_shared>>
      %dma_start3A_40 = arith.constant 0 : i32
      %dma_start3A_41 = tpu.memref_slice %arg4[%mul3A_2, %dma_start3A_40] : memref<10112x128xf32, #tpu.memory_space<hbm>> -> memref<632x128xf32, #tpu.memory_space<hbm>>
      tpu.enqueue_dma source(%dma_start3A_41 : memref<632x128xf32, #tpu.memory_space<hbm>>) target(%dma_start3A_39 : memref<632x128xf32, #tpu.memory_space<vmem_shared>>) target_semaphore(%run_scoped3A : memref<!tpu.dma_semaphore, #tpu.memory_space<semaphore_mem>>)
      %dma_wait3A_42 = arith.constant 0 : i32
      %dma_wait3A_43 = tpu.memref_slice %arg6[%mul3A_2, %dma_wait3A_42] : memref<10112x128xf32, #tpu.memory_space<vmem_shared>> -> memref<632x128xf32, #tpu.memory_space<vmem_shared>>
      %dma_wait3A_44 = arith.constant 0 : i32
      %dma_wait3A_45 = tpu.memref_slice %arg4[%mul3A_2, %dma_wait3A_44] : memref<10112x128xf32, #tpu.memory_space<hbm>> -> memref<632x128xf32, #tpu.memory_space<hbm>>
      tpu.wait_dma2 semaphore(%run_scoped3A : memref<!tpu.dma_semaphore, #tpu.memory_space<semaphore_mem>>) src(%dma_wait3A_45 : memref<632x128xf32, #tpu.memory_space<hbm>>) dst(%dma_wait3A_43 : memref<632x128xf32, #tpu.memory_space<vmem_shared>>)
      tpu.yield
    }) : () -> ()
    %barrier3A = arith.constant 0 : index
    tpu.barrier barrier_id(%barrier3A)
    %scan3A = arith.constant 0 : i32
    %scan3A_26 = arith.constant 10 : i32
    %scan3A_27 = arith.addi %scan3A, %scan3A_26 : i32
    %scan3A_28 = arith.constant 1 : i32
    scf.for %scan3A_38 = %scan3A to %scan3A_27 step %scan3A_28  : i32 {
      %mul3A_39 = arith.constant 1 : i32
      %mul3A_40 = arith.muli %scan3A_38, %mul3A_39 : i32
      %add3A_41 = arith.constant 0 : i32
      %add3A_42 = arith.addi %add3A_41, %mul3A_40 : i32
      %mul3A_43 = arith.constant 2 : i32
      %mul3A_44 = arith.muli %add3A_42, %mul3A_43 : i32
      %mul3A_45 = arith.constant 4 : i32
      %mul3A_46 = arith.muli %mul3A_44, %mul3A_45 : i32
      %add3A_47 = arith.constant 0 : i32
      %add3A_48 = arith.addi %mul3A_46, %add3A_47 : i32
      %add3A_49 = arith.constant 0 : i32
      %add3A_50 = arith.addi %add3A_48, %add3A_49 : i32
      %ge3A = arith.constant 1 : i32
      %ge3A_51 = arith.cmpi sge, %add3A_50, %ge3A : i32
      %convert_element_type3A = arith.extui %ge3A_51 : i1 to i32
      %cond3A = arith.constant 0 : i32
      %cond3A_52 = arith.cmpi ne, %convert_element_type3A, %cond3A : i32
      scf.if %cond3A_52 {
        %dma_wait3A_340 = arith.constant 4 : i32
        %dma_wait3A_341 = arith.constant 0 : i32
        %dma_wait3A_342 = tpu.memref_slice %arg7[%dma_wait3A_340, %dma_wait3A_341] : memref<8x128xi32, #tpu.memory_space<vmem>> -> memref<1x128xi32, #tpu.memory_space<vmem>>
        %dma_wait3A_343 = tpu.memref_squeeze %dma_wait3A_342 : memref<1x128xi32, #tpu.memory_space<vmem>> -> memref<128xi32, #tpu.memory_space<vmem>>
        %dma_wait3A_344 = arith.constant 0 : i32
        %dma_wait3A_345 = arith.constant 0 : i32
        %dma_wait3A_346 = tpu.memref_slice %arg6[%dma_wait3A_344, %dma_wait3A_345] : memref<10112x128xf32, #tpu.memory_space<vmem_shared>> -> memref<10112x128xf32, #tpu.memory_space<vmem_shared>>
        tpu.wait_indirect_dma semaphore(%arg16 : memref<!tpu.dma_semaphore, #tpu.memory_space<semaphore_mem>>) src(%arg10 : memref<128x128xf32, #tpu.memory_space<vmem>>) dst(%dma_wait3A_346 : memref<10112x128xf32, #tpu.memory_space<vmem_shared>>)
      } else {
      }
      %dma_start3A_53 = arith.constant 1 : i32
      %dma_start3A_54 = arith.constant 0 : i32
      %dma_start3A_55 = tpu.memref_slice %arg7[%dma_start3A_53, %dma_start3A_54] : memref<8x128xi32, #tpu.memory_space<vmem>> -> memref<1x128xi32, #tpu.memory_space<vmem>>
      %dma_start3A_56 = tpu.memref_squeeze %dma_start3A_55 : memref<1x128xi32, #tpu.memory_space<vmem>> -> memref<128xi32, #tpu.memory_space<vmem>>
      %dma_start3A_57 = arith.constant 0 : i32
      %dma_start3A_58 = arith.constant 0 : i32
      %dma_start3A_59 = tpu.memref_slice %arg2[%dma_start3A_57, %dma_start3A_58] : memref<10000x128xf32, #tpu.memory_space<hbm>> -> memref<10000x128xf32, #tpu.memory_space<hbm>>
      tpu.enqueue_indirect_dma source(%dma_start3A_59 : memref<10000x128xf32, #tpu.memory_space<hbm>>) target(%arg10 : memref<128x128xf32, #tpu.memory_space<vmem>>) offsets(%dma_start3A_56 : memref<128xi32, #tpu.memory_space<vmem>>) semaphore(%arg14 : memref<!tpu.dma_semaphore, #tpu.memory_space<semaphore_mem>>)
      %dma_wait3A_60 = arith.constant 0 : i32
      %dma_wait3A_61 = arith.constant 0 : i32
      %dma_wait3A_62 = tpu.memref_slice %arg7[%dma_wait3A_60, %dma_wait3A_61] : memref<8x128xi32, #tpu.memory_space<vmem>> -> memref<1x128xi32, #tpu.memory_space<vmem>>
      %dma_wait3A_63 = tpu.memref_squeeze %dma_wait3A_62 : memref<1x128xi32, #tpu.memory_space<vmem>> -> memref<128xi32, #tpu.memory_space<vmem>>
      %dma_wait3A_64 = arith.constant 0 : i32
      %dma_wait3A_65 = arith.constant 0 : i32
      %dma_wait3A_66 = tpu.memref_slice %arg2[%dma_wait3A_64, %dma_wait3A_65] : memref<10000x128xf32, #tpu.memory_space<hbm>> -> memref<10000x128xf32, #tpu.memory_space<hbm>>
      tpu.wait_indirect_dma semaphore(%arg13 : memref<!tpu.dma_semaphore, #tpu.memory_space<semaphore_mem>>) src(%dma_wait3A_66 : memref<10000x128xf32, #tpu.memory_space<hbm>>) dst(%arg9 : memref<128x128xf32, #tpu.memory_space<vmem>>)
      %dma_start3A_67 = arith.constant 4 : i32
      %dma_start3A_68 = arith.constant 0 : i32
      %dma_start3A_69 = tpu.memref_slice %arg7[%dma_start3A_67, %dma_start3A_68] : memref<8x128xi32, #tpu.memory_space<vmem>> -> memref<1x128xi32, #tpu.memory_space<vmem>>
      %dma_start3A_70 = tpu.memref_squeeze %dma_start3A_69 : memref<1x128xi32, #tpu.memory_space<vmem>> -> memref<128xi32, #tpu.memory_space<vmem>>
      %dma_start3A_71 = arith.constant 0 : i32
      %dma_start3A_72 = arith.constant 0 : i32
      %dma_start3A_73 = tpu.memref_slice %arg6[%dma_start3A_71, %dma_start3A_72] : memref<10112x128xf32, #tpu.memory_space<vmem_shared>> -> memref<10112x128xf32, #tpu.memory_space<vmem_shared>>
      tpu.enqueue_indirect_dma source(%arg9 : memref<128x128xf32, #tpu.memory_space<vmem>>) target(%dma_start3A_73 : memref<10112x128xf32, #tpu.memory_space<vmem_shared>>) offsets(%dma_start3A_70 : memref<128xi32, #tpu.memory_space<vmem>>) semaphore(%arg15 : memref<!tpu.dma_semaphore, #tpu.memory_space<semaphore_mem>>) {add = true}
      %mul3A_74 = arith.constant 2 : i32
      %mul3A_75 = arith.muli %add3A_42, %mul3A_74 : i32
      %mul3A_76 = arith.constant 4 : i32
      %mul3A_77 = arith.muli %mul3A_75, %mul3A_76 : i32
      %add3A_78 = arith.constant 0 : i32
      %add3A_79 = arith.addi %mul3A_77, %add3A_78 : i32
      %add3A_80 = arith.constant 1 : i32
      %add3A_81 = arith.addi %add3A_79, %add3A_80 : i32
      %ge3A_82 = arith.constant 1 : i32
      %ge3A_83 = arith.cmpi sge, %add3A_81, %ge3A_82 : i32
      %convert_element_type3A_84 = arith.extui %ge3A_83 : i1 to i32
      %cond3A_85 = arith.constant 0 : i32
      %cond3A_86 = arith.cmpi ne, %convert_element_type3A_84, %cond3A_85 : i32
      scf.if %cond3A_86 {
        %dma_wait3A_340 = arith.constant 4 : i32
        %dma_wait3A_341 = arith.constant 0 : i32
        %dma_wait3A_342 = tpu.memref_slice %arg7[%dma_wait3A_340, %dma_wait3A_341] : memref<8x128xi32, #tpu.memory_space<vmem>> -> memref<1x128xi32, #tpu.memory_space<vmem>>
        %dma_wait3A_343 = tpu.memref_squeeze %dma_wait3A_342 : memref<1x128xi32, #tpu.memory_space<vmem>> -> memref<128xi32, #tpu.memory_space<vmem>>
        %dma_wait3A_344 = arith.constant 0 : i32
        %dma_wait3A_345 = arith.constant 0 : i32
        %dma_wait3A_346 = tpu.memref_slice %arg6[%dma_wait3A_344, %dma_wait3A_345] : memref<10112x128xf32, #tpu.memory_space<vmem_shared>> -> memref<10112x128xf32, #tpu.memory_space<vmem_shared>>
        tpu.wait_indirect_dma semaphore(%arg15 : memref<!tpu.dma_semaphore, #tpu.memory_space<semaphore_mem>>) src(%arg9 : memref<128x128xf32, #tpu.memory_space<vmem>>) dst(%dma_wait3A_346 : memref<10112x128xf32, #tpu.memory_space<vmem_shared>>)
      } else {
      }
      %mul3A_87 = arith.constant 2 : i32
      %mul3A_88 = arith.muli %mul3A_87, %add3A_42 : i32
      %add3A_89 = arith.constant 1 : i32
      %add3A_90 = arith.addi %mul3A_88, %add3A_89 : i32
      %dma_start3A_91 = arith.constant 0 : i32
      %dma_start3A_92 = arith.constant 0 : i32
      %dma_start3A_93 = tpu.memref_slice %arg3[%add3A, %add3A_90, %dma_start3A_91, %dma_start3A_92] : memref<32x20x8x128xi32, #tpu.memory_space<hbm>> -> memref<1x1x8x128xi32, #tpu.memory_space<hbm>>
      %dma_start3A_94 = tpu.memref_squeeze %dma_start3A_93 : memref<1x1x8x128xi32, #tpu.memory_space<hbm>> -> memref<8x128xi32, #tpu.memory_space<hbm>>
      %dma_start3A_95 = arith.constant 0 : i32
      %dma_start3A_96 = arith.constant 0 : i32
      %dma_start3A_97 = tpu.memref_slice %arg3[%add3A, %add3A_90, %dma_start3A_95, %dma_start3A_96] : memref<32x20x8x128xi32, #tpu.memory_space<hbm>> -> memref<1x1x8x128xi32, #tpu.memory_space<hbm>>
      %dma_start3A_98 = tpu.memref_squeeze %dma_start3A_97 : memref<1x1x8x128xi32, #tpu.memory_space<hbm>> -> memref<8x128xi32, #tpu.memory_space<hbm>>
      tpu.enqueue_dma source(%dma_start3A_98 : memref<8x128xi32, #tpu.memory_space<hbm>>) target(%arg8 : memref<8x128xi32, #tpu.memory_space<vmem>>) target_semaphore(%arg12 : memref<!tpu.dma_semaphore, #tpu.memory_space<semaphore_mem>>)
      %dma_start3A_99 = arith.constant 2 : i32
      %dma_start3A_100 = arith.constant 0 : i32
      %dma_start3A_101 = tpu.memref_slice %arg7[%dma_start3A_99, %dma_start3A_100] : memref<8x128xi32, #tpu.memory_space<vmem>> -> memref<1x128xi32, #tpu.memory_space<vmem>>
      %dma_start3A_102 = tpu.memref_squeeze %dma_start3A_101 : memref<1x128xi32, #tpu.memory_space<vmem>> -> memref<128xi32, #tpu.memory_space<vmem>>
      %dma_start3A_103 = arith.constant 0 : i32
      %dma_start3A_104 = arith.constant 0 : i32
      %dma_start3A_105 = tpu.memref_slice %arg2[%dma_start3A_103, %dma_start3A_104] : memref<10000x128xf32, #tpu.memory_space<hbm>> -> memref<10000x128xf32, #tpu.memory_space<hbm>>
      tpu.enqueue_indirect_dma source(%dma_start3A_105 : memref<10000x128xf32, #tpu.memory_space<hbm>>) target(%arg9 : memref<128x128xf32, #tpu.memory_space<vmem>>) offsets(%dma_start3A_102 : memref<128xi32, #tpu.memory_space<vmem>>) semaphore(%arg13 : memref<!tpu.dma_semaphore, #tpu.memory_space<semaphore_mem>>)
      %dma_wait3A_106 = arith.constant 0 : i32
      %dma_wait3A_107 = arith.constant 0 : i32
      %dma_wait3A_108 = tpu.memref_slice %arg7[%dma_wait3A_106, %dma_wait3A_107] : memref<8x128xi32, #tpu.memory_space<vmem>> -> memref<1x128xi32, #tpu.memory_space<vmem>>
      %dma_wait3A_109 = tpu.memref_squeeze %dma_wait3A_108 : memref<1x128xi32, #tpu.memory_space<vmem>> -> memref<128xi32, #tpu.memory_space<vmem>>
      %dma_wait3A_110 = arith.constant 0 : i32
      %dma_wait3A_111 = arith.constant 0 : i32
      %dma_wait3A_112 = tpu.memref_slice %arg2[%dma_wait3A_110, %dma_wait3A_111] : memref<10000x128xf32, #tpu.memory_space<hbm>> -> memref<10000x128xf32, #tpu.memory_space<hbm>>
      tpu.wait_indirect_dma semaphore(%arg14 : memref<!tpu.dma_semaphore, #tpu.memory_space<semaphore_mem>>) src(%dma_wait3A_112 : memref<10000x128xf32, #tpu.memory_space<hbm>>) dst(%arg10 : memref<128x128xf32, #tpu.memory_space<vmem>>)
      %dma_start3A_113 = arith.constant 5 : i32
      %dma_start3A_114 = arith.constant 0 : i32
      %dma_start3A_115 = tpu.memref_slice %arg7[%dma_start3A_113, %dma_start3A_114] : memref<8x128xi32, #tpu.memory_space<vmem>> -> memref<1x128xi32, #tpu.memory_space<vmem>>
      %dma_start3A_116 = tpu.memref_squeeze %dma_start3A_115 : memref<1x128xi32, #tpu.memory_space<vmem>> -> memref<128xi32, #tpu.memory_space<vmem>>
      %dma_start3A_117 = arith.constant 0 : i32
      %dma_start3A_118 = arith.constant 0 : i32
      %dma_start3A_119 = tpu.memref_slice %arg6[%dma_start3A_117, %dma_start3A_118] : memref<10112x128xf32, #tpu.memory_space<vmem_shared>> -> memref<10112x128xf32, #tpu.memory_space<vmem_shared>>
      tpu.enqueue_indirect_dma source(%arg10 : memref<128x128xf32, #tpu.memory_space<vmem>>) target(%dma_start3A_119 : memref<10112x128xf32, #tpu.memory_space<vmem_shared>>) offsets(%dma_start3A_116 : memref<128xi32, #tpu.memory_space<vmem>>) semaphore(%arg16 : memref<!tpu.dma_semaphore, #tpu.memory_space<semaphore_mem>>) {add = true}
      %mul3A_120 = arith.constant 2 : i32
      %mul3A_121 = arith.muli %add3A_42, %mul3A_120 : i32
      %mul3A_122 = arith.constant 4 : i32
      %mul3A_123 = arith.muli %mul3A_121, %mul3A_122 : i32
      %add3A_124 = arith.constant 0 : i32
      %add3A_125 = arith.addi %mul3A_123, %add3A_124 : i32
      %add3A_126 = arith.constant 2 : i32
      %add3A_127 = arith.addi %add3A_125, %add3A_126 : i32
      %ge3A_128 = arith.constant 1 : i32
      %ge3A_129 = arith.cmpi sge, %add3A_127, %ge3A_128 : i32
      %convert_element_type3A_130 = arith.extui %ge3A_129 : i1 to i32
      %cond3A_131 = arith.constant 0 : i32
      %cond3A_132 = arith.cmpi ne, %convert_element_type3A_130, %cond3A_131 : i32
      scf.if %cond3A_132 {
        %dma_wait3A_340 = arith.constant 4 : i32
        %dma_wait3A_341 = arith.constant 0 : i32
        %dma_wait3A_342 = tpu.memref_slice %arg7[%dma_wait3A_340, %dma_wait3A_341] : memref<8x128xi32, #tpu.memory_space<vmem>> -> memref<1x128xi32, #tpu.memory_space<vmem>>
        %dma_wait3A_343 = tpu.memref_squeeze %dma_wait3A_342 : memref<1x128xi32, #tpu.memory_space<vmem>> -> memref<128xi32, #tpu.memory_space<vmem>>
        %dma_wait3A_344 = arith.constant 0 : i32
        %dma_wait3A_345 = arith.constant 0 : i32
        %dma_wait3A_346 = tpu.memref_slice %arg6[%dma_wait3A_344, %dma_wait3A_345] : memref<10112x128xf32, #tpu.memory_space<vmem_shared>> -> memref<10112x128xf32, #tpu.memory_space<vmem_shared>>
        tpu.wait_indirect_dma semaphore(%arg16 : memref<!tpu.dma_semaphore, #tpu.memory_space<semaphore_mem>>) src(%arg10 : memref<128x128xf32, #tpu.memory_space<vmem>>) dst(%dma_wait3A_346 : memref<10112x128xf32, #tpu.memory_space<vmem_shared>>)
      } else {
      }
      %dma_start3A_133 = arith.constant 3 : i32
      %dma_start3A_134 = arith.constant 0 : i32
      %dma_start3A_135 = tpu.memref_slice %arg7[%dma_start3A_133, %dma_start3A_134] : memref<8x128xi32, #tpu.memory_space<vmem>> -> memref<1x128xi32, #tpu.memory_space<vmem>>
      %dma_start3A_136 = tpu.memref_squeeze %dma_start3A_135 : memref<1x128xi32, #tpu.memory_space<vmem>> -> memref<128xi32, #tpu.memory_space<vmem>>
      %dma_start3A_137 = arith.constant 0 : i32
      %dma_start3A_138 = arith.constant 0 : i32
      %dma_start3A_139 = tpu.memref_slice %arg2[%dma_start3A_137, %dma_start3A_138] : memref<10000x128xf32, #tpu.memory_space<hbm>> -> memref<10000x128xf32, #tpu.memory_space<hbm>>
      tpu.enqueue_indirect_dma source(%dma_start3A_139 : memref<10000x128xf32, #tpu.memory_space<hbm>>) target(%arg10 : memref<128x128xf32, #tpu.memory_space<vmem>>) offsets(%dma_start3A_136 : memref<128xi32, #tpu.memory_space<vmem>>) semaphore(%arg14 : memref<!tpu.dma_semaphore, #tpu.memory_space<semaphore_mem>>)
      %dma_wait3A_140 = arith.constant 0 : i32
      %dma_wait3A_141 = arith.constant 0 : i32
      %dma_wait3A_142 = tpu.memref_slice %arg7[%dma_wait3A_140, %dma_wait3A_141] : memref<8x128xi32, #tpu.memory_space<vmem>> -> memref<1x128xi32, #tpu.memory_space<vmem>>
      %dma_wait3A_143 = tpu.memref_squeeze %dma_wait3A_142 : memref<1x128xi32, #tpu.memory_space<vmem>> -> memref<128xi32, #tpu.memory_space<vmem>>
      %dma_wait3A_144 = arith.constant 0 : i32
      %dma_wait3A_145 = arith.constant 0 : i32
      %dma_wait3A_146 = tpu.memref_slice %arg2[%dma_wait3A_144, %dma_wait3A_145] : memref<10000x128xf32, #tpu.memory_space<hbm>> -> memref<10000x128xf32, #tpu.memory_space<hbm>>
      tpu.wait_indirect_dma semaphore(%arg13 : memref<!tpu.dma_semaphore, #tpu.memory_space<semaphore_mem>>) src(%dma_wait3A_146 : memref<10000x128xf32, #tpu.memory_space<hbm>>) dst(%arg9 : memref<128x128xf32, #tpu.memory_space<vmem>>)
      %dma_start3A_147 = arith.constant 6 : i32
      %dma_start3A_148 = arith.constant 0 : i32
      %dma_start3A_149 = tpu.memref_slice %arg7[%dma_start3A_147, %dma_start3A_148] : memref<8x128xi32, #tpu.memory_space<vmem>> -> memref<1x128xi32, #tpu.memory_space<vmem>>
      %dma_start3A_150 = tpu.memref_squeeze %dma_start3A_149 : memref<1x128xi32, #tpu.memory_space<vmem>> -> memref<128xi32, #tpu.memory_space<vmem>>
      %dma_start3A_151 = arith.constant 0 : i32
      %dma_start3A_152 = arith.constant 0 : i32
      %dma_start3A_153 = tpu.memref_slice %arg6[%dma_start3A_151, %dma_start3A_152] : memref<10112x128xf32, #tpu.memory_space<vmem_shared>> -> memref<10112x128xf32, #tpu.memory_space<vmem_shared>>
      tpu.enqueue_indirect_dma source(%arg9 : memref<128x128xf32, #tpu.memory_space<vmem>>) target(%dma_start3A_153 : memref<10112x128xf32, #tpu.memory_space<vmem_shared>>) offsets(%dma_start3A_150 : memref<128xi32, #tpu.memory_space<vmem>>) semaphore(%arg15 : memref<!tpu.dma_semaphore, #tpu.memory_space<semaphore_mem>>) {add = true}
      %mul3A_154 = arith.constant 2 : i32
      %mul3A_155 = arith.muli %add3A_42, %mul3A_154 : i32
      %mul3A_156 = arith.constant 4 : i32
      %mul3A_157 = arith.muli %mul3A_155, %mul3A_156 : i32
      %add3A_158 = arith.constant 0 : i32
      %add3A_159 = arith.addi %mul3A_157, %add3A_158 : i32
      %add3A_160 = arith.constant 3 : i32
      %add3A_161 = arith.addi %add3A_159, %add3A_160 : i32
      %ge3A_162 = arith.constant 1 : i32
      %ge3A_163 = arith.cmpi sge, %add3A_161, %ge3A_162 : i32
      %convert_element_type3A_164 = arith.extui %ge3A_163 : i1 to i32
      %cond3A_165 = arith.constant 0 : i32
      %cond3A_166 = arith.cmpi ne, %convert_element_type3A_164, %cond3A_165 : i32
      scf.if %cond3A_166 {
        %dma_wait3A_340 = arith.constant 4 : i32
        %dma_wait3A_341 = arith.constant 0 : i32
        %dma_wait3A_342 = tpu.memref_slice %arg7[%dma_wait3A_340, %dma_wait3A_341] : memref<8x128xi32, #tpu.memory_space<vmem>> -> memref<1x128xi32, #tpu.memory_space<vmem>>
        %dma_wait3A_343 = tpu.memref_squeeze %dma_wait3A_342 : memref<1x128xi32, #tpu.memory_space<vmem>> -> memref<128xi32, #tpu.memory_space<vmem>>
        %dma_wait3A_344 = arith.constant 0 : i32
        %dma_wait3A_345 = arith.constant 0 : i32
        %dma_wait3A_346 = tpu.memref_slice %arg6[%dma_wait3A_344, %dma_wait3A_345] : memref<10112x128xf32, #tpu.memory_space<vmem_shared>> -> memref<10112x128xf32, #tpu.memory_space<vmem_shared>>
        tpu.wait_indirect_dma semaphore(%arg15 : memref<!tpu.dma_semaphore, #tpu.memory_space<semaphore_mem>>) src(%arg9 : memref<128x128xf32, #tpu.memory_space<vmem>>) dst(%dma_wait3A_346 : memref<10112x128xf32, #tpu.memory_space<vmem_shared>>)
      } else {
      }
      %dma_wait3A_167 = arith.constant 0 : i32
      %dma_wait3A_168 = arith.constant 0 : i32
      %dma_wait3A_169 = arith.constant 0 : i32
      %dma_wait3A_170 = tpu.memref_slice %arg3[%add3A, %dma_wait3A_167, %dma_wait3A_168, %dma_wait3A_169] : memref<32x20x8x128xi32, #tpu.memory_space<hbm>> -> memref<1x1x8x128xi32, #tpu.memory_space<hbm>>
      %dma_wait3A_171 = tpu.memref_squeeze %dma_wait3A_170 : memref<1x1x8x128xi32, #tpu.memory_space<hbm>> -> memref<8x128xi32, #tpu.memory_space<hbm>>
      %dma_wait3A_172 = arith.constant 0 : i32
      %dma_wait3A_173 = arith.constant 0 : i32
      %dma_wait3A_174 = tpu.memref_slice %arg3[%add3A, %dma_wait3A_167, %dma_wait3A_172, %dma_wait3A_173] : memref<32x20x8x128xi32, #tpu.memory_space<hbm>> -> memref<1x1x8x128xi32, #tpu.memory_space<hbm>>
      %dma_wait3A_175 = tpu.memref_squeeze %dma_wait3A_174 : memref<1x1x8x128xi32, #tpu.memory_space<hbm>> -> memref<8x128xi32, #tpu.memory_space<hbm>>
      tpu.wait_dma2 semaphore(%arg12 : memref<!tpu.dma_semaphore, #tpu.memory_space<semaphore_mem>>) src(%dma_wait3A_175 : memref<8x128xi32, #tpu.memory_space<hbm>>) dst(%arg8 : memref<8x128xi32, #tpu.memory_space<vmem>>)
      %dma_start3A_176 = arith.constant 0 : i32
      %dma_start3A_177 = arith.constant 0 : i32
      %dma_start3A_178 = tpu.memref_slice %arg8[%dma_start3A_176, %dma_start3A_177] : memref<8x128xi32, #tpu.memory_space<vmem>> -> memref<1x128xi32, #tpu.memory_space<vmem>>
      %dma_start3A_179 = tpu.memref_squeeze %dma_start3A_178 : memref<1x128xi32, #tpu.memory_space<vmem>> -> memref<128xi32, #tpu.memory_space<vmem>>
      %dma_start3A_180 = arith.constant 0 : i32
      %dma_start3A_181 = arith.constant 0 : i32
      %dma_start3A_182 = tpu.memref_slice %arg2[%dma_start3A_180, %dma_start3A_181] : memref<10000x128xf32, #tpu.memory_space<hbm>> -> memref<10000x128xf32, #tpu.memory_space<hbm>>
      tpu.enqueue_indirect_dma source(%dma_start3A_182 : memref<10000x128xf32, #tpu.memory_space<hbm>>) target(%arg9 : memref<128x128xf32, #tpu.memory_space<vmem>>) offsets(%dma_start3A_179 : memref<128xi32, #tpu.memory_space<vmem>>) semaphore(%arg13 : memref<!tpu.dma_semaphore, #tpu.memory_space<semaphore_mem>>)
      %dma_wait3A_183 = arith.constant 0 : i32
      %dma_wait3A_184 = arith.constant 0 : i32
      %dma_wait3A_185 = tpu.memref_slice %arg7[%dma_wait3A_183, %dma_wait3A_184] : memref<8x128xi32, #tpu.memory_space<vmem>> -> memref<1x128xi32, #tpu.memory_space<vmem>>
      %dma_wait3A_186 = tpu.memref_squeeze %dma_wait3A_185 : memref<1x128xi32, #tpu.memory_space<vmem>> -> memref<128xi32, #tpu.memory_space<vmem>>
      %dma_wait3A_187 = arith.constant 0 : i32
      %dma_wait3A_188 = arith.constant 0 : i32
      %dma_wait3A_189 = tpu.memref_slice %arg2[%dma_wait3A_187, %dma_wait3A_188] : memref<10000x128xf32, #tpu.memory_space<hbm>> -> memref<10000x128xf32, #tpu.memory_space<hbm>>
      tpu.wait_indirect_dma semaphore(%arg14 : memref<!tpu.dma_semaphore, #tpu.memory_space<semaphore_mem>>) src(%dma_wait3A_189 : memref<10000x128xf32, #tpu.memory_space<hbm>>) dst(%arg10 : memref<128x128xf32, #tpu.memory_space<vmem>>)
      %dma_start3A_190 = arith.constant 7 : i32
      %dma_start3A_191 = arith.constant 0 : i32
      %dma_start3A_192 = tpu.memref_slice %arg7[%dma_start3A_190, %dma_start3A_191] : memref<8x128xi32, #tpu.memory_space<vmem>> -> memref<1x128xi32, #tpu.memory_space<vmem>>
      %dma_start3A_193 = tpu.memref_squeeze %dma_start3A_192 : memref<1x128xi32, #tpu.memory_space<vmem>> -> memref<128xi32, #tpu.memory_space<vmem>>
      %dma_start3A_194 = arith.constant 0 : i32
      %dma_start3A_195 = arith.constant 0 : i32
      %dma_start3A_196 = tpu.memref_slice %arg6[%dma_start3A_194, %dma_start3A_195] : memref<10112x128xf32, #tpu.memory_space<vmem_shared>> -> memref<10112x128xf32, #tpu.memory_space<vmem_shared>>
      tpu.enqueue_indirect_dma source(%arg10 : memref<128x128xf32, #tpu.memory_space<vmem>>) target(%dma_start3A_196 : memref<10112x128xf32, #tpu.memory_space<vmem_shared>>) offsets(%dma_start3A_193 : memref<128xi32, #tpu.memory_space<vmem>>) semaphore(%arg16 : memref<!tpu.dma_semaphore, #tpu.memory_space<semaphore_mem>>) {add = true}
      %mul3A_197 = arith.constant 2 : i32
      %mul3A_198 = arith.muli %add3A_42, %mul3A_197 : i32
      %mul3A_199 = arith.constant 4 : i32
      %mul3A_200 = arith.muli %mul3A_198, %mul3A_199 : i32
      %add3A_201 = arith.constant 4 : i32
      %add3A_202 = arith.addi %mul3A_200, %add3A_201 : i32
      %add3A_203 = arith.constant 0 : i32
      %add3A_204 = arith.addi %add3A_202, %add3A_203 : i32
      %ge3A_205 = arith.constant 1 : i32
      %ge3A_206 = arith.cmpi sge, %add3A_204, %ge3A_205 : i32
      %convert_element_type3A_207 = arith.extui %ge3A_206 : i1 to i32
      %cond3A_208 = arith.constant 0 : i32
      %cond3A_209 = arith.cmpi ne, %convert_element_type3A_207, %cond3A_208 : i32
      scf.if %cond3A_209 {
        %dma_wait3A_340 = arith.constant 4 : i32
        %dma_wait3A_341 = arith.constant 0 : i32
        %dma_wait3A_342 = tpu.memref_slice %arg7[%dma_wait3A_340, %dma_wait3A_341] : memref<8x128xi32, #tpu.memory_space<vmem>> -> memref<1x128xi32, #tpu.memory_space<vmem>>
        %dma_wait3A_343 = tpu.memref_squeeze %dma_wait3A_342 : memref<1x128xi32, #tpu.memory_space<vmem>> -> memref<128xi32, #tpu.memory_space<vmem>>
        %dma_wait3A_344 = arith.constant 0 : i32
        %dma_wait3A_345 = arith.constant 0 : i32
        %dma_wait3A_346 = tpu.memref_slice %arg6[%dma_wait3A_344, %dma_wait3A_345] : memref<10112x128xf32, #tpu.memory_space<vmem_shared>> -> memref<10112x128xf32, #tpu.memory_space<vmem_shared>>
        tpu.wait_indirect_dma semaphore(%arg16 : memref<!tpu.dma_semaphore, #tpu.memory_space<semaphore_mem>>) src(%arg10 : memref<128x128xf32, #tpu.memory_space<vmem>>) dst(%dma_wait3A_346 : memref<10112x128xf32, #tpu.memory_space<vmem_shared>>)
      } else {
      }
      %dma_start3A_210 = arith.constant 1 : i32
      %dma_start3A_211 = arith.constant 0 : i32
      %dma_start3A_212 = tpu.memref_slice %arg8[%dma_start3A_210, %dma_start3A_211] : memref<8x128xi32, #tpu.memory_space<vmem>> -> memref<1x128xi32, #tpu.memory_space<vmem>>
      %dma_start3A_213 = tpu.memref_squeeze %dma_start3A_212 : memref<1x128xi32, #tpu.memory_space<vmem>> -> memref<128xi32, #tpu.memory_space<vmem>>
      %dma_start3A_214 = arith.constant 0 : i32
      %dma_start3A_215 = arith.constant 0 : i32
      %dma_start3A_216 = tpu.memref_slice %arg2[%dma_start3A_214, %dma_start3A_215] : memref<10000x128xf32, #tpu.memory_space<hbm>> -> memref<10000x128xf32, #tpu.memory_space<hbm>>
      tpu.enqueue_indirect_dma source(%dma_start3A_216 : memref<10000x128xf32, #tpu.memory_space<hbm>>) target(%arg10 : memref<128x128xf32, #tpu.memory_space<vmem>>) offsets(%dma_start3A_213 : memref<128xi32, #tpu.memory_space<vmem>>) semaphore(%arg14 : memref<!tpu.dma_semaphore, #tpu.memory_space<semaphore_mem>>)
      %dma_wait3A_217 = arith.constant 0 : i32
      %dma_wait3A_218 = arith.constant 0 : i32
      %dma_wait3A_219 = tpu.memref_slice %arg7[%dma_wait3A_217, %dma_wait3A_218] : memref<8x128xi32, #tpu.memory_space<vmem>> -> memref<1x128xi32, #tpu.memory_space<vmem>>
      %dma_wait3A_220 = tpu.memref_squeeze %dma_wait3A_219 : memref<1x128xi32, #tpu.memory_space<vmem>> -> memref<128xi32, #tpu.memory_space<vmem>>
      %dma_wait3A_221 = arith.constant 0 : i32
      %dma_wait3A_222 = arith.constant 0 : i32
      %dma_wait3A_223 = tpu.memref_slice %arg2[%dma_wait3A_221, %dma_wait3A_222] : memref<10000x128xf32, #tpu.memory_space<hbm>> -> memref<10000x128xf32, #tpu.memory_space<hbm>>
      tpu.wait_indirect_dma semaphore(%arg13 : memref<!tpu.dma_semaphore, #tpu.memory_space<semaphore_mem>>) src(%dma_wait3A_223 : memref<10000x128xf32, #tpu.memory_space<hbm>>) dst(%arg9 : memref<128x128xf32, #tpu.memory_space<vmem>>)
      %dma_start3A_224 = arith.constant 4 : i32
      %dma_start3A_225 = arith.constant 0 : i32
      %dma_start3A_226 = tpu.memref_slice %arg8[%dma_start3A_224, %dma_start3A_225] : memref<8x128xi32, #tpu.memory_space<vmem>> -> memref<1x128xi32, #tpu.memory_space<vmem>>
      %dma_start3A_227 = tpu.memref_squeeze %dma_start3A_226 : memref<1x128xi32, #tpu.memory_space<vmem>> -> memref<128xi32, #tpu.memory_space<vmem>>
      %dma_start3A_228 = arith.constant 0 : i32
      %dma_start3A_229 = arith.constant 0 : i32
      %dma_start3A_230 = tpu.memref_slice %arg6[%dma_start3A_228, %dma_start3A_229] : memref<10112x128xf32, #tpu.memory_space<vmem_shared>> -> memref<10112x128xf32, #tpu.memory_space<vmem_shared>>
      tpu.enqueue_indirect_dma source(%arg9 : memref<128x128xf32, #tpu.memory_space<vmem>>) target(%dma_start3A_230 : memref<10112x128xf32, #tpu.memory_space<vmem_shared>>) offsets(%dma_start3A_227 : memref<128xi32, #tpu.memory_space<vmem>>) semaphore(%arg15 : memref<!tpu.dma_semaphore, #tpu.memory_space<semaphore_mem>>) {add = true}
      %mul3A_231 = arith.constant 2 : i32
      %mul3A_232 = arith.muli %add3A_42, %mul3A_231 : i32
      %mul3A_233 = arith.constant 4 : i32
      %mul3A_234 = arith.muli %mul3A_232, %mul3A_233 : i32
      %add3A_235 = arith.constant 4 : i32
      %add3A_236 = arith.addi %mul3A_234, %add3A_235 : i32
      %add3A_237 = arith.constant 1 : i32
      %add3A_238 = arith.addi %add3A_236, %add3A_237 : i32
      %ge3A_239 = arith.constant 1 : i32
      %ge3A_240 = arith.cmpi sge, %add3A_238, %ge3A_239 : i32
      %convert_element_type3A_241 = arith.extui %ge3A_240 : i1 to i32
      %cond3A_242 = arith.constant 0 : i32
      %cond3A_243 = arith.cmpi ne, %convert_element_type3A_241, %cond3A_242 : i32
      scf.if %cond3A_243 {
        %dma_wait3A_340 = arith.constant 4 : i32
        %dma_wait3A_341 = arith.constant 0 : i32
        %dma_wait3A_342 = tpu.memref_slice %arg7[%dma_wait3A_340, %dma_wait3A_341] : memref<8x128xi32, #tpu.memory_space<vmem>> -> memref<1x128xi32, #tpu.memory_space<vmem>>
        %dma_wait3A_343 = tpu.memref_squeeze %dma_wait3A_342 : memref<1x128xi32, #tpu.memory_space<vmem>> -> memref<128xi32, #tpu.memory_space<vmem>>
        %dma_wait3A_344 = arith.constant 0 : i32
        %dma_wait3A_345 = arith.constant 0 : i32
        %dma_wait3A_346 = tpu.memref_slice %arg6[%dma_wait3A_344, %dma_wait3A_345] : memref<10112x128xf32, #tpu.memory_space<vmem_shared>> -> memref<10112x128xf32, #tpu.memory_space<vmem_shared>>
        tpu.wait_indirect_dma semaphore(%arg15 : memref<!tpu.dma_semaphore, #tpu.memory_space<semaphore_mem>>) src(%arg9 : memref<128x128xf32, #tpu.memory_space<vmem>>) dst(%dma_wait3A_346 : memref<10112x128xf32, #tpu.memory_space<vmem_shared>>)
      } else {
      }
      %le3A = arith.constant 8 : i32
      %le3A_244 = arith.cmpi sle, %add3A_42, %le3A : i32
      %convert_element_type3A_245 = arith.extui %le3A_244 : i1 to i32
      %cond3A_246 = arith.constant 0 : i32
      %cond3A_247 = arith.cmpi ne, %convert_element_type3A_245, %cond3A_246 : i32
      scf.if %cond3A_247 {
        %mul3A_340 = arith.constant 2 : i32
        %mul3A_341 = arith.muli %mul3A_340, %add3A_42 : i32
        %add3A_342 = arith.constant 2 : i32
        %add3A_343 = arith.addi %mul3A_341, %add3A_342 : i32
        %dma_start3A_344 = arith.constant 0 : i32
        %dma_start3A_345 = arith.constant 0 : i32
        %dma_start3A_346 = tpu.memref_slice %arg3[%add3A, %add3A_343, %dma_start3A_344, %dma_start3A_345] : memref<32x20x8x128xi32, #tpu.memory_space<hbm>> -> memref<1x1x8x128xi32, #tpu.memory_space<hbm>>
        %dma_start3A_347 = tpu.memref_squeeze %dma_start3A_346 : memref<1x1x8x128xi32, #tpu.memory_space<hbm>> -> memref<8x128xi32, #tpu.memory_space<hbm>>
        %dma_start3A_348 = arith.constant 0 : i32
        %dma_start3A_349 = arith.constant 0 : i32
        %dma_start3A_350 = tpu.memref_slice %arg3[%add3A, %add3A_343, %dma_start3A_348, %dma_start3A_349] : memref<32x20x8x128xi32, #tpu.memory_space<hbm>> -> memref<1x1x8x128xi32, #tpu.memory_space<hbm>>
        %dma_start3A_351 = tpu.memref_squeeze %dma_start3A_350 : memref<1x1x8x128xi32, #tpu.memory_space<hbm>> -> memref<8x128xi32, #tpu.memory_space<hbm>>
        tpu.enqueue_dma source(%dma_start3A_351 : memref<8x128xi32, #tpu.memory_space<hbm>>) target(%arg7 : memref<8x128xi32, #tpu.memory_space<vmem>>) target_semaphore(%arg11 : memref<!tpu.dma_semaphore, #tpu.memory_space<semaphore_mem>>)
      } else {
      }
      %dma_start3A_248 = arith.constant 2 : i32
      %dma_start3A_249 = arith.constant 0 : i32
      %dma_start3A_250 = tpu.memref_slice %arg8[%dma_start3A_248, %dma_start3A_249] : memref<8x128xi32, #tpu.memory_space<vmem>> -> memref<1x128xi32, #tpu.memory_space<vmem>>
      %dma_start3A_251 = tpu.memref_squeeze %dma_start3A_250 : memref<1x128xi32, #tpu.memory_space<vmem>> -> memref<128xi32, #tpu.memory_space<vmem>>
      %dma_start3A_252 = arith.constant 0 : i32
      %dma_start3A_253 = arith.constant 0 : i32
      %dma_start3A_254 = tpu.memref_slice %arg2[%dma_start3A_252, %dma_start3A_253] : memref<10000x128xf32, #tpu.memory_space<hbm>> -> memref<10000x128xf32, #tpu.memory_space<hbm>>
      tpu.enqueue_indirect_dma source(%dma_start3A_254 : memref<10000x128xf32, #tpu.memory_space<hbm>>) target(%arg9 : memref<128x128xf32, #tpu.memory_space<vmem>>) offsets(%dma_start3A_251 : memref<128xi32, #tpu.memory_space<vmem>>) semaphore(%arg13 : memref<!tpu.dma_semaphore, #tpu.memory_space<semaphore_mem>>)
      %dma_wait3A_255 = arith.constant 0 : i32
      %dma_wait3A_256 = arith.constant 0 : i32
      %dma_wait3A_257 = tpu.memref_slice %arg7[%dma_wait3A_255, %dma_wait3A_256] : memref<8x128xi32, #tpu.memory_space<vmem>> -> memref<1x128xi32, #tpu.memory_space<vmem>>
      %dma_wait3A_258 = tpu.memref_squeeze %dma_wait3A_257 : memref<1x128xi32, #tpu.memory_space<vmem>> -> memref<128xi32, #tpu.memory_space<vmem>>
      %dma_wait3A_259 = arith.constant 0 : i32
      %dma_wait3A_260 = arith.constant 0 : i32
      %dma_wait3A_261 = tpu.memref_slice %arg2[%dma_wait3A_259, %dma_wait3A_260] : memref<10000x128xf32, #tpu.memory_space<hbm>> -> memref<10000x128xf32, #tpu.memory_space<hbm>>
      tpu.wait_indirect_dma semaphore(%arg14 : memref<!tpu.dma_semaphore, #tpu.memory_space<semaphore_mem>>) src(%dma_wait3A_261 : memref<10000x128xf32, #tpu.memory_space<hbm>>) dst(%arg10 : memref<128x128xf32, #tpu.memory_space<vmem>>)
      %dma_start3A_262 = arith.constant 5 : i32
      %dma_start3A_263 = arith.constant 0 : i32
      %dma_start3A_264 = tpu.memref_slice %arg8[%dma_start3A_262, %dma_start3A_263] : memref<8x128xi32, #tpu.memory_space<vmem>> -> memref<1x128xi32, #tpu.memory_space<vmem>>
      %dma_start3A_265 = tpu.memref_squeeze %dma_start3A_264 : memref<1x128xi32, #tpu.memory_space<vmem>> -> memref<128xi32, #tpu.memory_space<vmem>>
      %dma_start3A_266 = arith.constant 0 : i32
      %dma_start3A_267 = arith.constant 0 : i32
      %dma_start3A_268 = tpu.memref_slice %arg6[%dma_start3A_266, %dma_start3A_267] : memref<10112x128xf32, #tpu.memory_space<vmem_shared>> -> memref<10112x128xf32, #tpu.memory_space<vmem_shared>>
      tpu.enqueue_indirect_dma source(%arg10 : memref<128x128xf32, #tpu.memory_space<vmem>>) target(%dma_start3A_268 : memref<10112x128xf32, #tpu.memory_space<vmem_shared>>) offsets(%dma_start3A_265 : memref<128xi32, #tpu.memory_space<vmem>>) semaphore(%arg16 : memref<!tpu.dma_semaphore, #tpu.memory_space<semaphore_mem>>) {add = true}
      %mul3A_269 = arith.constant 2 : i32
      %mul3A_270 = arith.muli %add3A_42, %mul3A_269 : i32
      %mul3A_271 = arith.constant 4 : i32
      %mul3A_272 = arith.muli %mul3A_270, %mul3A_271 : i32
      %add3A_273 = arith.constant 4 : i32
      %add3A_274 = arith.addi %mul3A_272, %add3A_273 : i32
      %add3A_275 = arith.constant 2 : i32
      %add3A_276 = arith.addi %add3A_274, %add3A_275 : i32
      %ge3A_277 = arith.constant 1 : i32
      %ge3A_278 = arith.cmpi sge, %add3A_276, %ge3A_277 : i32
      %convert_element_type3A_279 = arith.extui %ge3A_278 : i1 to i32
      %cond3A_280 = arith.constant 0 : i32
      %cond3A_281 = arith.cmpi ne, %convert_element_type3A_279, %cond3A_280 : i32
      scf.if %cond3A_281 {
        %dma_wait3A_340 = arith.constant 4 : i32
        %dma_wait3A_341 = arith.constant 0 : i32
        %dma_wait3A_342 = tpu.memref_slice %arg7[%dma_wait3A_340, %dma_wait3A_341] : memref<8x128xi32, #tpu.memory_space<vmem>> -> memref<1x128xi32, #tpu.memory_space<vmem>>
        %dma_wait3A_343 = tpu.memref_squeeze %dma_wait3A_342 : memref<1x128xi32, #tpu.memory_space<vmem>> -> memref<128xi32, #tpu.memory_space<vmem>>
        %dma_wait3A_344 = arith.constant 0 : i32
        %dma_wait3A_345 = arith.constant 0 : i32
        %dma_wait3A_346 = tpu.memref_slice %arg6[%dma_wait3A_344, %dma_wait3A_345] : memref<10112x128xf32, #tpu.memory_space<vmem_shared>> -> memref<10112x128xf32, #tpu.memory_space<vmem_shared>>
        tpu.wait_indirect_dma semaphore(%arg16 : memref<!tpu.dma_semaphore, #tpu.memory_space<semaphore_mem>>) src(%arg10 : memref<128x128xf32, #tpu.memory_space<vmem>>) dst(%dma_wait3A_346 : memref<10112x128xf32, #tpu.memory_space<vmem_shared>>)
      } else {
      }
      %dma_start3A_282 = arith.constant 3 : i32
      %dma_start3A_283 = arith.constant 0 : i32
      %dma_start3A_284 = tpu.memref_slice %arg8[%dma_start3A_282, %dma_start3A_283] : memref<8x128xi32, #tpu.memory_space<vmem>> -> memref<1x128xi32, #tpu.memory_space<vmem>>
      %dma_start3A_285 = tpu.memref_squeeze %dma_start3A_284 : memref<1x128xi32, #tpu.memory_space<vmem>> -> memref<128xi32, #tpu.memory_space<vmem>>
      %dma_start3A_286 = arith.constant 0 : i32
      %dma_start3A_287 = arith.constant 0 : i32
      %dma_start3A_288 = tpu.memref_slice %arg2[%dma_start3A_286, %dma_start3A_287] : memref<10000x128xf32, #tpu.memory_space<hbm>> -> memref<10000x128xf32, #tpu.memory_space<hbm>>
      tpu.enqueue_indirect_dma source(%dma_start3A_288 : memref<10000x128xf32, #tpu.memory_space<hbm>>) target(%arg10 : memref<128x128xf32, #tpu.memory_space<vmem>>) offsets(%dma_start3A_285 : memref<128xi32, #tpu.memory_space<vmem>>) semaphore(%arg14 : memref<!tpu.dma_semaphore, #tpu.memory_space<semaphore_mem>>)
      %dma_wait3A_289 = arith.constant 0 : i32
      %dma_wait3A_290 = arith.constant 0 : i32
      %dma_wait3A_291 = tpu.memref_slice %arg7[%dma_wait3A_289, %dma_wait3A_290] : memref<8x128xi32, #tpu.memory_space<vmem>> -> memref<1x128xi32, #tpu.memory_space<vmem>>
      %dma_wait3A_292 = tpu.memref_squeeze %dma_wait3A_291 : memref<1x128xi32, #tpu.memory_space<vmem>> -> memref<128xi32, #tpu.memory_space<vmem>>
      %dma_wait3A_293 = arith.constant 0 : i32
      %dma_wait3A_294 = arith.constant 0 : i32
      %dma_wait3A_295 = tpu.memref_slice %arg2[%dma_wait3A_293, %dma_wait3A_294] : memref<10000x128xf32, #tpu.memory_space<hbm>> -> memref<10000x128xf32, #tpu.memory_space<hbm>>
      tpu.wait_indirect_dma semaphore(%arg13 : memref<!tpu.dma_semaphore, #tpu.memory_space<semaphore_mem>>) src(%dma_wait3A_295 : memref<10000x128xf32, #tpu.memory_space<hbm>>) dst(%arg9 : memref<128x128xf32, #tpu.memory_space<vmem>>)
      %dma_start3A_296 = arith.constant 6 : i32
      %dma_start3A_297 = arith.constant 0 : i32
      %dma_start3A_298 = tpu.memref_slice %arg8[%dma_start3A_296, %dma_start3A_297] : memref<8x128xi32, #tpu.memory_space<vmem>> -> memref<1x128xi32, #tpu.memory_space<vmem>>
      %dma_start3A_299 = tpu.memref_squeeze %dma_start3A_298 : memref<1x128xi32, #tpu.memory_space<vmem>> -> memref<128xi32, #tpu.memory_space<vmem>>
      %dma_start3A_300 = arith.constant 0 : i32
      %dma_start3A_301 = arith.constant 0 : i32
      %dma_start3A_302 = tpu.memref_slice %arg6[%dma_start3A_300, %dma_start3A_301] : memref<10112x128xf32, #tpu.memory_space<vmem_shared>> -> memref<10112x128xf32, #tpu.memory_space<vmem_shared>>
      tpu.enqueue_indirect_dma source(%arg9 : memref<128x128xf32, #tpu.memory_space<vmem>>) target(%dma_start3A_302 : memref<10112x128xf32, #tpu.memory_space<vmem_shared>>) offsets(%dma_start3A_299 : memref<128xi32, #tpu.memory_space<vmem>>) semaphore(%arg15 : memref<!tpu.dma_semaphore, #tpu.memory_space<semaphore_mem>>) {add = true}
      %mul3A_303 = arith.constant 2 : i32
      %mul3A_304 = arith.muli %add3A_42, %mul3A_303 : i32
      %mul3A_305 = arith.constant 4 : i32
      %mul3A_306 = arith.muli %mul3A_304, %mul3A_305 : i32
      %add3A_307 = arith.constant 4 : i32
      %add3A_308 = arith.addi %mul3A_306, %add3A_307 : i32
      %add3A_309 = arith.constant 3 : i32
      %add3A_310 = arith.addi %add3A_308, %add3A_309 : i32
      %ge3A_311 = arith.constant 1 : i32
      %ge3A_312 = arith.cmpi sge, %add3A_310, %ge3A_311 : i32
      %convert_element_type3A_313 = arith.extui %ge3A_312 : i1 to i32
      %cond3A_314 = arith.constant 0 : i32
      %cond3A_315 = arith.cmpi ne, %convert_element_type3A_313, %cond3A_314 : i32
      scf.if %cond3A_315 {
        %dma_wait3A_340 = arith.constant 4 : i32
        %dma_wait3A_341 = arith.constant 0 : i32
        %dma_wait3A_342 = tpu.memref_slice %arg7[%dma_wait3A_340, %dma_wait3A_341] : memref<8x128xi32, #tpu.memory_space<vmem>> -> memref<1x128xi32, #tpu.memory_space<vmem>>
        %dma_wait3A_343 = tpu.memref_squeeze %dma_wait3A_342 : memref<1x128xi32, #tpu.memory_space<vmem>> -> memref<128xi32, #tpu.memory_space<vmem>>
        %dma_wait3A_344 = arith.constant 0 : i32
        %dma_wait3A_345 = arith.constant 0 : i32
        %dma_wait3A_346 = tpu.memref_slice %arg6[%dma_wait3A_344, %dma_wait3A_345] : memref<10112x128xf32, #tpu.memory_space<vmem_shared>> -> memref<10112x128xf32, #tpu.memory_space<vmem_shared>>
        tpu.wait_indirect_dma semaphore(%arg15 : memref<!tpu.dma_semaphore, #tpu.memory_space<semaphore_mem>>) src(%arg9 : memref<128x128xf32, #tpu.memory_space<vmem>>) dst(%dma_wait3A_346 : memref<10112x128xf32, #tpu.memory_space<vmem_shared>>)
      } else {
      }
      %le3A_316 = arith.constant 8 : i32
      %le3A_317 = arith.cmpi sle, %add3A_42, %le3A_316 : i32
      %convert_element_type3A_318 = arith.extui %le3A_317 : i1 to i32
      %cond3A_319 = arith.constant 0 : i32
      %cond3A_320 = arith.cmpi ne, %convert_element_type3A_318, %cond3A_319 : i32
      scf.if %cond3A_320 {
        %dma_wait3A_340 = arith.constant 0 : i32
        %dma_wait3A_341 = arith.constant 0 : i32
        %dma_wait3A_342 = arith.constant 0 : i32
        %dma_wait3A_343 = tpu.memref_slice %arg3[%add3A, %dma_wait3A_340, %dma_wait3A_341, %dma_wait3A_342] : memref<32x20x8x128xi32, #tpu.memory_space<hbm>> -> memref<1x1x8x128xi32, #tpu.memory_space<hbm>>
        %dma_wait3A_344 = tpu.memref_squeeze %dma_wait3A_343 : memref<1x1x8x128xi32, #tpu.memory_space<hbm>> -> memref<8x128xi32, #tpu.memory_space<hbm>>
        %dma_wait3A_345 = arith.constant 0 : i32
        %dma_wait3A_346 = arith.constant 0 : i32
        %dma_wait3A_347 = tpu.memref_slice %arg3[%add3A, %dma_wait3A_340, %dma_wait3A_345, %dma_wait3A_346] : memref<32x20x8x128xi32, #tpu.memory_space<hbm>> -> memref<1x1x8x128xi32, #tpu.memory_space<hbm>>
        %dma_wait3A_348 = tpu.memref_squeeze %dma_wait3A_347 : memref<1x1x8x128xi32, #tpu.memory_space<hbm>> -> memref<8x128xi32, #tpu.memory_space<hbm>>
        tpu.wait_dma2 semaphore(%arg11 : memref<!tpu.dma_semaphore, #tpu.memory_space<semaphore_mem>>) src(%dma_wait3A_348 : memref<8x128xi32, #tpu.memory_space<hbm>>) dst(%arg7 : memref<8x128xi32, #tpu.memory_space<vmem>>)
      } else {
      }
      %le3A_321 = arith.constant 8 : i32
      %le3A_322 = arith.cmpi sle, %add3A_42, %le3A_321 : i32
      %convert_element_type3A_323 = arith.extui %le3A_322 : i1 to i32
      %cond3A_324 = arith.constant 0 : i32
      %cond3A_325 = arith.cmpi ne, %convert_element_type3A_323, %cond3A_324 : i32
      scf.if %cond3A_325 {
        %dma_start3A_340 = arith.constant 0 : i32
        %dma_start3A_341 = arith.constant 0 : i32
        %dma_start3A_342 = tpu.memref_slice %arg7[%dma_start3A_340, %dma_start3A_341] : memref<8x128xi32, #tpu.memory_space<vmem>> -> memref<1x128xi32, #tpu.memory_space<vmem>>
        %dma_start3A_343 = tpu.memref_squeeze %dma_start3A_342 : memref<1x128xi32, #tpu.memory_space<vmem>> -> memref<128xi32, #tpu.memory_space<vmem>>
        %dma_start3A_344 = arith.constant 0 : i32
        %dma_start3A_345 = arith.constant 0 : i32
        %dma_start3A_346 = tpu.memref_slice %arg2[%dma_start3A_344, %dma_start3A_345] : memref<10000x128xf32, #tpu.memory_space<hbm>> -> memref<10000x128xf32, #tpu.memory_space<hbm>>
        tpu.enqueue_indirect_dma source(%dma_start3A_346 : memref<10000x128xf32, #tpu.memory_space<hbm>>) target(%arg9 : memref<128x128xf32, #tpu.memory_space<vmem>>) offsets(%dma_start3A_343 : memref<128xi32, #tpu.memory_space<vmem>>) semaphore(%arg13 : memref<!tpu.dma_semaphore, #tpu.memory_space<semaphore_mem>>)
      } else {
      }
      %dma_wait3A_326 = arith.constant 0 : i32
      %dma_wait3A_327 = arith.constant 0 : i32
      %dma_wait3A_328 = tpu.memref_slice %arg7[%dma_wait3A_326, %dma_wait3A_327] : memref<8x128xi32, #tpu.memory_space<vmem>> -> memref<1x128xi32, #tpu.memory_space<vmem>>
      %dma_wait3A_329 = tpu.memref_squeeze %dma_wait3A_328 : memref<1x128xi32, #tpu.memory_space<vmem>> -> memref<128xi32, #tpu.memory_space<vmem>>
      %dma_wait3A_330 = arith.constant 0 : i32
      %dma_wait3A_331 = arith.constant 0 : i32
      %dma_wait3A_332 = tpu.memref_slice %arg2[%dma_wait3A_330, %dma_wait3A_331] : memref<10000x128xf32, #tpu.memory_space<hbm>> -> memref<10000x128xf32, #tpu.memory_space<hbm>>
      tpu.wait_indirect_dma semaphore(%arg14 : memref<!tpu.dma_semaphore, #tpu.memory_space<semaphore_mem>>) src(%dma_wait3A_332 : memref<10000x128xf32, #tpu.memory_space<hbm>>) dst(%arg10 : memref<128x128xf32, #tpu.memory_space<vmem>>)
      %dma_start3A_333 = arith.constant 7 : i32
      %dma_start3A_334 = arith.constant 0 : i32
      %dma_start3A_335 = tpu.memref_slice %arg8[%dma_start3A_333, %dma_start3A_334] : memref<8x128xi32, #tpu.memory_space<vmem>> -> memref<1x128xi32, #tpu.memory_space<vmem>>
      %dma_start3A_336 = tpu.memref_squeeze %dma_start3A_335 : memref<1x128xi32, #tpu.memory_space<vmem>> -> memref<128xi32, #tpu.memory_space<vmem>>
      %dma_start3A_337 = arith.constant 0 : i32
      %dma_start3A_338 = arith.constant 0 : i32
      %dma_start3A_339 = tpu.memref_slice %arg6[%dma_start3A_337, %dma_start3A_338] : memref<10112x128xf32, #tpu.memory_space<vmem_shared>> -> memref<10112x128xf32, #tpu.memory_space<vmem_shared>>
      tpu.enqueue_indirect_dma source(%arg10 : memref<128x128xf32, #tpu.memory_space<vmem>>) target(%dma_start3A_339 : memref<10112x128xf32, #tpu.memory_space<vmem_shared>>) offsets(%dma_start3A_336 : memref<128xi32, #tpu.memory_space<vmem>>) semaphore(%arg16 : memref<!tpu.dma_semaphore, #tpu.memory_space<semaphore_mem>>) {add = true}
    }
    %scan3A_29 = arith.constant 10 : i32
    %dma_wait3A_30 = arith.constant 4 : i32
    %dma_wait3A_31 = arith.constant 0 : i32
    %dma_wait3A_32 = tpu.memref_slice %arg7[%dma_wait3A_30, %dma_wait3A_31] : memref<8x128xi32, #tpu.memory_space<vmem>> -> memref<1x128xi32, #tpu.memory_space<vmem>>
    %dma_wait3A_33 = tpu.memref_squeeze %dma_wait3A_32 : memref<1x128xi32, #tpu.memory_space<vmem>> -> memref<128xi32, #tpu.memory_space<vmem>>
    %dma_wait3A_34 = arith.constant 0 : i32
    %dma_wait3A_35 = arith.constant 0 : i32
    %dma_wait3A_36 = tpu.memref_slice %arg6[%dma_wait3A_34, %dma_wait3A_35] : memref<10112x128xf32, #tpu.memory_space<vmem_shared>> -> memref<10112x128xf32, #tpu.memory_space<vmem_shared>>
    tpu.wait_indirect_dma semaphore(%arg16 : memref<!tpu.dma_semaphore, #tpu.memory_space<semaphore_mem>>) src(%arg10 : memref<128x128xf32, #tpu.memory_space<vmem>>) dst(%dma_wait3A_36 : memref<10112x128xf32, #tpu.memory_space<vmem_shared>>)
    %barrier3A_37 = arith.constant 0 : index
    tpu.barrier barrier_id(%barrier3A_37)
    "tpu.region"() ({
      %run_scoped3A = tpu.sem_alloc : memref<!tpu.dma_semaphore, #tpu.memory_space<semaphore_mem>>
      %dma_start3A_38 = arith.constant 0 : i32
      %dma_start3A_39 = tpu.memref_slice %arg5[%arg0, %mul3A_2, %dma_start3A_38] : memref<2x10112x128xf32, #tpu.memory_space<hbm>> -> memref<1x632x128xf32, #tpu.memory_space<hbm>>
      %dma_start3A_40 = tpu.memref_squeeze %dma_start3A_39 : memref<1x632x128xf32, #tpu.memory_space<hbm>> -> memref<632x128xf32, #tpu.memory_space<hbm>>
      %dma_start3A_41 = arith.constant 0 : i32
      %dma_start3A_42 = tpu.memref_slice %arg6[%mul3A_2, %dma_start3A_41] : memref<10112x128xf32, #tpu.memory_space<vmem_shared>> -> memref<632x128xf32, #tpu.memory_space<vmem_shared>>
      tpu.enqueue_dma source(%dma_start3A_42 : memref<632x128xf32, #tpu.memory_space<vmem_shared>>) target(%dma_start3A_40 : memref<632x128xf32, #tpu.memory_space<hbm>>) target_semaphore(%run_scoped3A : memref<!tpu.dma_semaphore, #tpu.memory_space<semaphore_mem>>)
      %dma_wait3A_43 = arith.constant 0 : i32
      %dma_wait3A_44 = tpu.memref_slice %arg5[%arg0, %mul3A_2, %dma_wait3A_43] : memref<2x10112x128xf32, #tpu.memory_space<hbm>> -> memref<1x632x128xf32, #tpu.memory_space<hbm>>
      %dma_wait3A_45 = tpu.memref_squeeze %dma_wait3A_44 : memref<1x632x128xf32, #tpu.memory_space<hbm>> -> memref<632x128xf32, #tpu.memory_space<hbm>>
      %dma_wait3A_46 = arith.constant 0 : i32
      %dma_wait3A_47 = tpu.memref_slice %arg6[%mul3A_2, %dma_wait3A_46] : memref<10112x128xf32, #tpu.memory_space<vmem_shared>> -> memref<632x128xf32, #tpu.memory_space<vmem_shared>>
      tpu.wait_dma2 semaphore(%run_scoped3A : memref<!tpu.dma_semaphore, #tpu.memory_space<semaphore_mem>>) src(%dma_wait3A_47 : memref<632x128xf32, #tpu.memory_space<vmem_shared>>) dst(%dma_wait3A_45 : memref<632x128xf32, #tpu.memory_space<hbm>>)
      tpu.yield
    }) : () -> ()
    return
  }
}

module attributes {stable_mosaic.version = 14 : i64} {
  func.func @_pre_body(%arg0: i32, %arg1: memref<1000x128xf32, #tpu.memory_space<vmem>>, %arg2: memref<1000x128xf32, #tpu.memory_space<vmem>>, %arg3: memref<128x128xf32, #tpu.memory_space<vmem>>, %arg4: memref<128x128xf32, #tpu.memory_space<vmem>>, %arg5: memref<1x128xf32, #tpu.memory_space<vmem>>, %arg6: memref<128x256xf32, #tpu.memory_space<vmem>>, %arg7: memref<1x128xf32, #tpu.memory_space<vmem>>, %arg8: memref<1000x128xf32, #tpu.memory_space<vmem>>, %arg9: memref<1000x128xf32, #tpu.memory_space<vmem>>) attributes {dimension_semantics = [#tpu.dimension_semantics<arbitrary>], iteration_bounds = array<i64: 10>, scalar_prefetch = 0 : i64, scratch_operands = 0 : i64, tpu.core_type = #tpu.core_type<tc>, window_params = [{transform_indices = @transform_0, window_bounds = array<i64: 1000, 128>}, {transform_indices = @transform_1, window_bounds = array<i64: 1000, 128>}, {pipeline_mode = #tpu.pipeline_mode<synchronous>, transform_indices = @transform_2, window_bounds = array<i64: 128, 128>}, {pipeline_mode = #tpu.pipeline_mode<synchronous>, transform_indices = @transform_3, window_bounds = array<i64: 128, 128>}, {pipeline_mode = #tpu.pipeline_mode<synchronous>, transform_indices = @transform_4, window_bounds = array<i64: 1, 128>}, {pipeline_mode = #tpu.pipeline_mode<synchronous>, transform_indices = @transform_5, window_bounds = array<i64: 128, 256>}, {pipeline_mode = #tpu.pipeline_mode<synchronous>, transform_indices = @transform_6, window_bounds = array<i64: 1, 128>}, {transform_indices = @transform_7, window_bounds = array<i64: 1000, 128>}, {transform_indices = @transform_8, window_bounds = array<i64: 1000, 128>}]} {
    %get3A = arith.constant 0 : index
    %get3A_0 = arith.constant 0 : index
    %get3A_1 = vector.load %arg1[%get3A, %get3A_0] : memref<1000x128xf32, #tpu.memory_space<vmem>>, vector<1000x128xf32>
    %get3A_2 = arith.constant 0 : index
    %get3A_3 = arith.constant 0 : index
    %get3A_4 = vector.load %arg3[%get3A_2, %get3A_3] : memref<128x128xf32, #tpu.memory_space<vmem>>, vector<128x128xf32>
    %dot_general3A = arith.constant dense<0.000000e+00> : vector<1000x128xf32>
    %dot_general3A_5 = tpu.matmul %get3A_1, %get3A_4, %dot_general3A {dimension_numbers = #tpu.dot_dimension_numbers<[1], [0], [0], [1], [0, 0, 1, 1], [], []>, transpose_lhs_hint = false} : vector<1000x128xf32>, vector<128x128xf32>, vector<1000x128xf32> -> vector<1000x128xf32>
    %get3A_6 = arith.constant 0 : index
    %get3A_7 = arith.constant 0 : index
    %get3A_8 = vector.load %arg2[%get3A_6, %get3A_7] : memref<1000x128xf32, #tpu.memory_space<vmem>>, vector<1000x128xf32>
    %get3A_9 = arith.constant 0 : index
    %get3A_10 = arith.constant 0 : index
    %get3A_11 = vector.load %arg4[%get3A_9, %get3A_10] : memref<128x128xf32, #tpu.memory_space<vmem>>, vector<128x128xf32>
    %dot_general3A_12 = arith.constant dense<0.000000e+00> : vector<1000x128xf32>
    %dot_general3A_13 = tpu.matmul %get3A_8, %get3A_11, %dot_general3A_12 {dimension_numbers = #tpu.dot_dimension_numbers<[1], [0], [0], [1], [0, 0, 1, 1], [], []>, transpose_lhs_hint = false} : vector<1000x128xf32>, vector<128x128xf32>, vector<1000x128xf32> -> vector<1000x128xf32>
    %add3A = arith.addf %dot_general3A_5, %dot_general3A_13 : vector<1000x128xf32>
    %get3A_14 = arith.constant 0 : index
    %get3A_15 = arith.constant 0 : index
    %get3A_16 = vector.load %arg5[%get3A_14, %get3A_15] : memref<1x128xf32, #tpu.memory_space<vmem>>, vector<1x128xf32>
    %add3A_17 = vector.broadcast %get3A_16 : vector<1x128xf32> to vector<1000x128xf32>
    %add3A_18 = arith.addf %add3A, %add3A_17 : vector<1000x128xf32>
    %max3A = arith.constant 0.000000e+00 : f32
    %max3A_19 = vector.broadcast %max3A : f32 to vector<1000x128xf32>
    %max3A_20 = arith.maximumf %add3A_18, %max3A_19 : vector<1000x128xf32>
    %get3A_21 = arith.constant 0 : index
    %get3A_22 = arith.constant 0 : index
    %get3A_23 = vector.load %arg6[%get3A_21, %get3A_22] : memref<128x256xf32, #tpu.memory_space<vmem>>, vector<128x256xf32>
    %dot_general3A_24 = arith.constant dense<0.000000e+00> : vector<1000x256xf32>
    %dot_general3A_25 = tpu.matmul %max3A_20, %get3A_23, %dot_general3A_24 {dimension_numbers = #tpu.dot_dimension_numbers<[1], [0], [0], [1], [0, 0, 1, 1], [], []>, transpose_lhs_hint = false} : vector<1000x128xf32>, vector<128x256xf32>, vector<1000x256xf32> -> vector<1000x256xf32>
    %slice3A = vector.extract_strided_slice %dot_general3A_25 {offsets = [0, 0], sizes = [1000, 128], strides = [1, 1]} : vector<1000x256xf32> to vector<1000x128xf32>
    %get3A_26 = arith.constant 0 : index
    %get3A_27 = arith.constant 0 : index
    %get3A_28 = vector.load %arg7[%get3A_26, %get3A_27] : memref<1x128xf32, #tpu.memory_space<vmem>>, vector<1x128xf32>
    %add3A_29 = vector.broadcast %get3A_28 : vector<1x128xf32> to vector<1000x128xf32>
    %add3A_30 = arith.addf %slice3A, %add3A_29 : vector<1000x128xf32>
    %swap3A = arith.constant 0 : index
    %swap3A_31 = arith.constant 0 : index
    %swap3A_32 = vector.load %arg8[%swap3A, %swap3A_31] : memref<1000x128xf32, #tpu.memory_space<vmem>>, vector<1000x128xf32>
    tpu.vector_store %arg8[%swap3A, %swap3A_31], %add3A_30 {strides = array<i32>} : memref<1000x128xf32, #tpu.memory_space<vmem>>, vector<1000x128xf32>,
    %slice3A_33 = vector.extract_strided_slice %dot_general3A_25 {offsets = [0, 128], sizes = [1000, 128], strides = [1, 1]} : vector<1000x256xf32> to vector<1000x128xf32>
    %swap3A_34 = arith.constant 0 : index
    %swap3A_35 = arith.constant 0 : index
    %swap3A_36 = vector.load %arg9[%swap3A_34, %swap3A_35] : memref<1000x128xf32, #tpu.memory_space<vmem>>, vector<1000x128xf32>
    tpu.vector_store %arg9[%swap3A_34, %swap3A_35], %slice3A_33 {strides = array<i32>} : memref<1000x128xf32, #tpu.memory_space<vmem>>, vector<1000x128xf32>,
    return
  }
  func.func @transform_0(%arg0: i32) -> (i32, i32) {
    %c0_i32 = arith.constant 0 : i32
    %c0_i32_0 = arith.constant 0 : i32
    return %arg0, %c0_i32 : i32, i32
  }
  func.func @transform_1(%arg0: i32) -> (i32, i32) {
    %c0_i32 = arith.constant 0 : i32
    %c0_i32_0 = arith.constant 0 : i32
    return %arg0, %c0_i32 : i32, i32
  }
  func.func @transform_2(%arg0: i32) -> (i32, i32) {
    %c0_i32 = arith.constant 0 : i32
    %c0_i32_0 = arith.constant 0 : i32
    %c0_i32_1 = arith.constant 0 : i32
    return %c0_i32, %c0_i32_0 : i32, i32
  }
  func.func @transform_3(%arg0: i32) -> (i32, i32) {
    %c0_i32 = arith.constant 0 : i32
    %c0_i32_0 = arith.constant 0 : i32
    %c0_i32_1 = arith.constant 0 : i32
    return %c0_i32, %c0_i32_0 : i32, i32
  }
  func.func @transform_4(%arg0: i32) -> (i32, i32) {
    %c0_i32 = arith.constant 0 : i32
    %c0_i32_0 = arith.constant 0 : i32
    %c0_i32_1 = arith.constant 0 : i32
    return %c0_i32, %c0_i32_0 : i32, i32
  }
  func.func @transform_5(%arg0: i32) -> (i32, i32) {
    %c0_i32 = arith.constant 0 : i32
    %c0_i32_0 = arith.constant 0 : i32
    %c0_i32_1 = arith.constant 0 : i32
    return %c0_i32, %c0_i32_0 : i32, i32
  }
  func.func @transform_6(%arg0: i32) -> (i32, i32) {
    %c0_i32 = arith.constant 0 : i32
    %c0_i32_0 = arith.constant 0 : i32
    %c0_i32_1 = arith.constant 0 : i32
    return %c0_i32, %c0_i32_0 : i32, i32
  }
  func.func @transform_7(%arg0: i32) -> (i32, i32) {
    %c0_i32 = arith.constant 0 : i32
    %c0_i32_0 = arith.constant 0 : i32
    return %arg0, %c0_i32 : i32, i32
  }
  func.func @transform_8(%arg0: i32) -> (i32, i32) {
    %c0_i32 = arith.constant 0 : i32
    %c0_i32_0 = arith.constant 0 : i32
    return %arg0, %c0_i32 : i32, i32
  }
}

module attributes {stable_mosaic.version = 14 : i64} {
  func.func @_mid_body(%arg0: i32, %arg1: memref<1000x128xf32, #tpu.memory_space<vmem>>, %arg2: memref<1x1000x128xf32, #tpu.memory_space<vmem>>, %arg3: memref<1x1000x128xf32, #tpu.memory_space<vmem>>, %arg4: memref<128x256xf32, #tpu.memory_space<vmem>>, %arg5: memref<1x128xf32, #tpu.memory_space<vmem>>, %arg6: memref<1000x128xf32, #tpu.memory_space<vmem>>, %arg7: memref<1000x128xf32, #tpu.memory_space<vmem>>) attributes {dimension_semantics = [#tpu.dimension_semantics<arbitrary>], iteration_bounds = array<i64: 10>, scalar_prefetch = 0 : i64, scratch_operands = 0 : i64, tpu.core_type = #tpu.core_type<tc>, window_params = [{transform_indices = @transform_0, window_bounds = array<i64: 1000, 128>}, {transform_indices = @transform_1, window_bounds = array<i64: 1, 1000, 128>}, {transform_indices = @transform_2, window_bounds = array<i64: 1, 1000, 128>}, {pipeline_mode = #tpu.pipeline_mode<synchronous>, transform_indices = @transform_3, window_bounds = array<i64: 128, 256>}, {pipeline_mode = #tpu.pipeline_mode<synchronous>, transform_indices = @transform_4, window_bounds = array<i64: 1, 128>}, {transform_indices = @transform_5, window_bounds = array<i64: 1000, 128>}, {transform_indices = @transform_6, window_bounds = array<i64: 1000, 128>}]} {
    %get3A = arith.constant 0 : index
    %get3A_0 = arith.constant 0 : index
    %get3A_1 = vector.load %arg1[%get3A, %get3A_0] : memref<1000x128xf32, #tpu.memory_space<vmem>>, vector<1000x128xf32>
    %get3A_2 = arith.constant 0 : index
    %get3A_3 = arith.constant 0 : index
    %get3A_4 = arith.constant 0 : index
    %get3A_5 = vector.load %arg2[%get3A_2, %get3A_3, %get3A_4] : memref<1x1000x128xf32, #tpu.memory_space<vmem>>, vector<1x1000x128xf32>
    %get3A_6 = vector.shape_cast %get3A_5 : vector<1x1000x128xf32> to vector<1000x128xf32>
    %add3A = arith.addf %get3A_1, %get3A_6 : vector<1000x128xf32>
    %get3A_7 = arith.constant 0 : index
    %get3A_8 = arith.constant 0 : index
    %get3A_9 = arith.constant 0 : index
    %get3A_10 = vector.load %arg3[%get3A_7, %get3A_8, %get3A_9] : memref<1x1000x128xf32, #tpu.memory_space<vmem>>, vector<1x1000x128xf32>
    %get3A_11 = vector.shape_cast %get3A_10 : vector<1x1000x128xf32> to vector<1000x128xf32>
    %add3A_12 = arith.addf %add3A, %get3A_11 : vector<1000x128xf32>
    %max3A = arith.constant 0.000000e+00 : f32
    %max3A_13 = vector.broadcast %max3A : f32 to vector<1000x128xf32>
    %max3A_14 = arith.maximumf %add3A_12, %max3A_13 : vector<1000x128xf32>
    %get3A_15 = arith.constant 0 : index
    %get3A_16 = arith.constant 0 : index
    %get3A_17 = vector.load %arg4[%get3A_15, %get3A_16] : memref<128x256xf32, #tpu.memory_space<vmem>>, vector<128x256xf32>
    %dot_general3A = arith.constant dense<0.000000e+00> : vector<1000x256xf32>
    %dot_general3A_18 = tpu.matmul %max3A_14, %get3A_17, %dot_general3A {dimension_numbers = #tpu.dot_dimension_numbers<[1], [0], [0], [1], [0, 0, 1, 1], [], []>, transpose_lhs_hint = false} : vector<1000x128xf32>, vector<128x256xf32>, vector<1000x256xf32> -> vector<1000x256xf32>
    %slice3A = vector.extract_strided_slice %dot_general3A_18 {offsets = [0, 0], sizes = [1000, 128], strides = [1, 1]} : vector<1000x256xf32> to vector<1000x128xf32>
    %get3A_19 = arith.constant 0 : index
    %get3A_20 = arith.constant 0 : index
    %get3A_21 = vector.load %arg5[%get3A_19, %get3A_20] : memref<1x128xf32, #tpu.memory_space<vmem>>, vector<1x128xf32>
    %add3A_22 = vector.broadcast %get3A_21 : vector<1x128xf32> to vector<1000x128xf32>
    %add3A_23 = arith.addf %slice3A, %add3A_22 : vector<1000x128xf32>
    %swap3A = arith.constant 0 : index
    %swap3A_24 = arith.constant 0 : index
    %swap3A_25 = vector.load %arg6[%swap3A, %swap3A_24] : memref<1000x128xf32, #tpu.memory_space<vmem>>, vector<1000x128xf32>
    tpu.vector_store %arg6[%swap3A, %swap3A_24], %add3A_23 {strides = array<i32>} : memref<1000x128xf32, #tpu.memory_space<vmem>>, vector<1000x128xf32>,
    %slice3A_26 = vector.extract_strided_slice %dot_general3A_18 {offsets = [0, 128], sizes = [1000, 128], strides = [1, 1]} : vector<1000x256xf32> to vector<1000x128xf32>
    %swap3A_27 = arith.constant 0 : index
    %swap3A_28 = arith.constant 0 : index
    %swap3A_29 = vector.load %arg7[%swap3A_27, %swap3A_28] : memref<1000x128xf32, #tpu.memory_space<vmem>>, vector<1000x128xf32>
    tpu.vector_store %arg7[%swap3A_27, %swap3A_28], %slice3A_26 {strides = array<i32>} : memref<1000x128xf32, #tpu.memory_space<vmem>>, vector<1000x128xf32>,
    return
  }
  func.func @transform_0(%arg0: i32) -> (i32, i32) {
    %c0_i32 = arith.constant 0 : i32
    %c0_i32_0 = arith.constant 0 : i32
    return %arg0, %c0_i32 : i32, i32
  }
  func.func @transform_1(%arg0: i32) -> (i32, i32, i32) {
    %c0_i32 = arith.constant 0 : i32
    %c0_i32_0 = arith.constant 0 : i32
    %c0_i32_1 = arith.constant 0 : i32
    return %c0_i32, %arg0, %c0_i32_0 : i32, i32, i32
  }
  func.func @transform_2(%arg0: i32) -> (i32, i32, i32) {
    %c1_i32 = arith.constant 1 : i32
    %c0_i32 = arith.constant 0 : i32
    %c0_i32_0 = arith.constant 0 : i32
    return %c1_i32, %arg0, %c0_i32 : i32, i32, i32
  }
  func.func @transform_3(%arg0: i32) -> (i32, i32) {
    %c0_i32 = arith.constant 0 : i32
    %c0_i32_0 = arith.constant 0 : i32
    %c0_i32_1 = arith.constant 0 : i32
    return %c0_i32, %c0_i32_0 : i32, i32
  }
  func.func @transform_4(%arg0: i32) -> (i32, i32) {
    %c0_i32 = arith.constant 0 : i32
    %c0_i32_0 = arith.constant 0 : i32
    %c0_i32_1 = arith.constant 0 : i32
    return %c0_i32, %c0_i32_0 : i32, i32
  }
  func.func @transform_5(%arg0: i32) -> (i32, i32) {
    %c0_i32 = arith.constant 0 : i32
    %c0_i32_0 = arith.constant 0 : i32
    return %arg0, %c0_i32 : i32, i32
  }
  func.func @transform_6(%arg0: i32) -> (i32, i32) {
    %c0_i32 = arith.constant 0 : i32
    %c0_i32_0 = arith.constant 0 : i32
    return %arg0, %c0_i32 : i32, i32
  }
}

module attributes {stable_mosaic.version = 14 : i64} {
  func.func @_fin_body(%arg0: i32, %arg1: memref<1000x128xf32, #tpu.memory_space<vmem>>, %arg2: memref<1x1000x128xf32, #tpu.memory_space<vmem>>, %arg3: memref<1x1000x128xf32, #tpu.memory_space<vmem>>, %arg4: memref<128x8xf32, #tpu.memory_space<vmem>>, %arg5: memref<1x8xf32, #tpu.memory_space<vmem>>, %arg6: memref<1000x8xf32, #tpu.memory_space<vmem>>) attributes {dimension_semantics = [#tpu.dimension_semantics<arbitrary>], iteration_bounds = array<i64: 10>, scalar_prefetch = 0 : i64, scratch_operands = 0 : i64, tpu.core_type = #tpu.core_type<tc>, window_params = [{transform_indices = @transform_0, window_bounds = array<i64: 1000, 128>}, {transform_indices = @transform_1, window_bounds = array<i64: 1, 1000, 128>}, {transform_indices = @transform_2, window_bounds = array<i64: 1, 1000, 128>}, {pipeline_mode = #tpu.pipeline_mode<synchronous>, transform_indices = @transform_3, window_bounds = array<i64: 128, 8>}, {pipeline_mode = #tpu.pipeline_mode<synchronous>, transform_indices = @transform_4, window_bounds = array<i64: 1, 8>}, {transform_indices = @transform_5, window_bounds = array<i64: 1000, 8>}]} {
    %get3A = arith.constant 0 : index
    %get3A_0 = arith.constant 0 : index
    %get3A_1 = vector.load %arg1[%get3A, %get3A_0] : memref<1000x128xf32, #tpu.memory_space<vmem>>, vector<1000x128xf32>
    %get3A_2 = arith.constant 0 : index
    %get3A_3 = arith.constant 0 : index
    %get3A_4 = arith.constant 0 : index
    %get3A_5 = vector.load %arg2[%get3A_2, %get3A_3, %get3A_4] : memref<1x1000x128xf32, #tpu.memory_space<vmem>>, vector<1x1000x128xf32>
    %get3A_6 = vector.shape_cast %get3A_5 : vector<1x1000x128xf32> to vector<1000x128xf32>
    %add3A = arith.addf %get3A_1, %get3A_6 : vector<1000x128xf32>
    %get3A_7 = arith.constant 0 : index
    %get3A_8 = arith.constant 0 : index
    %get3A_9 = arith.constant 0 : index
    %get3A_10 = vector.load %arg3[%get3A_7, %get3A_8, %get3A_9] : memref<1x1000x128xf32, #tpu.memory_space<vmem>>, vector<1x1000x128xf32>
    %get3A_11 = vector.shape_cast %get3A_10 : vector<1x1000x128xf32> to vector<1000x128xf32>
    %add3A_12 = arith.addf %add3A, %get3A_11 : vector<1000x128xf32>
    %max3A = arith.constant 0.000000e+00 : f32
    %max3A_13 = vector.broadcast %max3A : f32 to vector<1000x128xf32>
    %max3A_14 = arith.maximumf %add3A_12, %max3A_13 : vector<1000x128xf32>
    %get3A_15 = arith.constant 0 : index
    %get3A_16 = arith.constant 0 : index
    %get3A_17 = vector.load %arg4[%get3A_15, %get3A_16] : memref<128x8xf32, #tpu.memory_space<vmem>>, vector<128x8xf32>
    %dot_general3A = arith.constant dense<0.000000e+00> : vector<1000x8xf32>
    %dot_general3A_18 = tpu.matmul %max3A_14, %get3A_17, %dot_general3A {dimension_numbers = #tpu.dot_dimension_numbers<[1], [0], [0], [1], [0, 0, 1, 1], [], []>, transpose_lhs_hint = false} : vector<1000x128xf32>, vector<128x8xf32>, vector<1000x8xf32> -> vector<1000x8xf32>
    %get3A_19 = arith.constant 0 : index
    %get3A_20 = arith.constant 0 : index
    %get3A_21 = vector.load %arg5[%get3A_19, %get3A_20] : memref<1x8xf32, #tpu.memory_space<vmem>>, vector<1x8xf32>
    %add3A_22 = vector.broadcast %get3A_21 : vector<1x8xf32> to vector<1000x8xf32>
    %add3A_23 = arith.addf %dot_general3A_18, %add3A_22 : vector<1000x8xf32>
    %swap3A = arith.constant 0 : index
    %swap3A_24 = arith.constant 0 : index
    %swap3A_25 = vector.load %arg6[%swap3A, %swap3A_24] : memref<1000x8xf32, #tpu.memory_space<vmem>>, vector<1000x8xf32>
    tpu.vector_store %arg6[%swap3A, %swap3A_24], %add3A_23 {strides = array<i32>} : memref<1000x8xf32, #tpu.memory_space<vmem>>, vector<1000x8xf32>,
    return
  }
  func.func @transform_0(%arg0: i32) -> (i32, i32) {
    %c0_i32 = arith.constant 0 : i32
    %c0_i32_0 = arith.constant 0 : i32
    return %arg0, %c0_i32 : i32, i32
  }
  func.func @transform_1(%arg0: i32) -> (i32, i32, i32) {
    %c0_i32 = arith.constant 0 : i32
    %c0_i32_0 = arith.constant 0 : i32
    %c0_i32_1 = arith.constant 0 : i32
    return %c0_i32, %arg0, %c0_i32_0 : i32, i32, i32
  }
  func.func @transform_2(%arg0: i32) -> (i32, i32, i32) {
    %c1_i32 = arith.constant 1 : i32
    %c0_i32 = arith.constant 0 : i32
    %c0_i32_0 = arith.constant 0 : i32
    return %c1_i32, %arg0, %c0_i32 : i32, i32, i32
  }
  func.func @transform_3(%arg0: i32) -> (i32, i32) {
    %c0_i32 = arith.constant 0 : i32
    %c0_i32_0 = arith.constant 0 : i32
    %c0_i32_1 = arith.constant 0 : i32
    return %c0_i32, %c0_i32_0 : i32, i32
  }
  func.func @transform_4(%arg0: i32) -> (i32, i32) {
    %c0_i32 = arith.constant 0 : i32
    %c0_i32_0 = arith.constant 0 : i32
    %c0_i32_1 = arith.constant 0 : i32
    return %c0_i32, %c0_i32_0 : i32, i32
  }
  func.func @transform_5(%arg0: i32) -> (i32, i32) {
    %c0_i32 = arith.constant 0 : i32
    %c0_i32_0 = arith.constant 0 : i32
    return %arg0, %c0_i32 : i32, i32
  }
}

</mosaic_0001>

<sc_bundles>
// kernel: kernel.11.cloned.1.call-start
scs
__scs_entry_jumppad:
0x0: {  	(pc) =	sbr.rel $0x88, $3  }
0x1: {  	(tag) =	ssettag $0x0;
	lr =	simm.s32 $0x1  }
0x2: {  	[smem:$0x3F97] =	sst lr;
	_ =	strace $0xD0000000  }
0x3: {  	_ = 	snop  }
0x4: {  	_ = 	snop  }
0x5: {  	_ = 	snop  }
0x6: {  	_ = 	snop  }
0x7: {  	_ = 	snop  }
__scs_overlays_trampoline_lowered:
0x8: {  	[smem:$0x3FA6] =	sst s0  }
0x9: {  	[smem:$0x3FA7] =	sst s1  }
0xa: {  	[smem:$0x3FA8] =	sst s2  }
0xb: {  	[smem:$0x3FA9] =	sst s3  }
0xc: {  	[smem:$0x3FAA] =	sst s4  }
0xd: {  	[smem:$0x3FAB] =	sst s5  }
0xe: {  	[smem:$0x3FAC] =	sst s6  }
0xf: {  	[smem:$0x3FAD] =	sst s7  }
0x10: {  	[smem:$0x3FAE] =	sst s8  }
0x11: {  	[smem:$0x3FAF] =	sst s9;
	s0 =	simm.s32 @!p0 $0x0  }
0x12: {  	s1 =	sld [smem:$0x3F95];
	s0 =	simm.s32 @p0 $0x1  }
0x13: {  	[smem:$0x3FB0] =	sst s0;
	s0 =	simm.s32 @!p1 $0x0  }
0x14: {  	s2 =	sld [smem:$0x3F94];
	s0 =	simm.s32 @p1 $0x1  }
0x15: {  	[smem:$0x3FB1] =	sst s0;
	s0 =	simm.s32 @!p2 $0x0  }
0x16: {  	s3 =	sld [smem:$0x3FDB];
	s0 =	simm.s32 @p2 $0x1  }
0x17: {  	s4 =	simm.s32 $0x1BF5;
	[smem:$0x3FB3] =	sst s0  }
0x18: {  	s0 =	sld [smem:$0x3F96];
	_ =	swait.ge [sflag:s4], $0x0  }
0x19: {  	s7 =	sld [smem:$0x3F97]  }
0x1a: {  	s8 =	sadd.s32 $0xFFFFE003, lr  }
0x1b: {  	s9 =	sadd.s32 $0xFFFFFEF7, lr;
	s5 =	simm.s32 $0xFFFFFFFF;
	p2 =	slt.u32 s8, $0xFFFFF086  }
0x1c: {  	p1 =	slt.u32 s9, $0xF7A;
	s5 =	simm.s32 @!p2 $0x0  }
0x1d: {  	s5 =	simm.s32 @p1 $0x1;
	p0 =	seq.s32 s7, s2  }
0x1e: {  	s7 =	smul.u32 @!p0 $0xF7A, s2;
	p2 =	seq.s32 @!p0 s5, $0x0  }
0x1f: {  	s9 =	smul.u32 $0xF7A, s1;
	s8 =	simm.s32 @!p0 $0x1BF5;
	p2 =	por !p2, p0  }
0x20: {  	[sflag:s8] =	ssyncset.s32 @!p0 $0xFFFFF086;
	s6 =	sadd.s32 @!p0 s3, s7;
	s7 =	simm.s32 @!p0 $0x108  }
0x21: {  	s3 =	sadd.s32 s3, s9;
	s6 =	sadd.s32 @!p0 $0x88, s6;
	s7 =	simm.s32 @p2 $0x1082  }
0x22: {  	[simem:s7], [sflag:s8] =	dma.local @!p0 [hbm:s6], $0xF7A  }
0x23: {  	s9 =	sor.u32 $0xD0000000, s2;
	s6 =	simm.s32 $0x108;
	_ =	swait.ge @!p0 [sflag:s8], $0x0  }
0x24: {  	s3 =	sadd.s32 $0x88, s3;
	s6 =	simm.s32 @!p1 $0x1082;
	[sflag:s4] =	ssyncset.s32 $0xFFFFF086  }
0x25: {  	[simem:s6], [sflag:s4] =	dma.local [hbm:s3], $0xF7A  }
0x26: {  	[smem:$0x3F97] =	sst s1;
	(tag) =	ssettag s2;
	_ =	strace s9  }
0x27: {  	s1 =	sld [smem:$0x3FA7]  }
0x28: {  	s2 =	sld [smem:$0x3FA8]  }
0x29: {  	s4 =	sld [smem:$0x3FAA]  }
0x2a: {  	p0 =	seq.s32 s5, $0x0;
	s5 =	sld [smem:$0x3FAB]  }
0x2b: {  	s6 =	sld [smem:$0x3FAC]  }
0x2c: {  	s7 =	sld [smem:$0x3FAD]  }
0x2d: {  	s3 =	simm.s32 $0x108;
	s8 =	sld [smem:$0x3FAE]  }
0x2e: {  	s3 =	simm.s32 @!p0 $0x1082;
	s9 =	sld [smem:$0x3FAF]  }
0x2f: {  	lr =	sadd.s32 s0, s3;
	s0 =	sld [smem:$0x3FA6]  }
0x30: {  	s3 =	sld [smem:$0x3FA9]  }
0x31: {  	[smem:$0x3FB2] =	sst s10  }
0x32: {  	s10 =	sld [smem:$0x3FB0];
	_ =	sdelay $0x3  }
0x33: {  	p0 =	seq.s32 s10, $0x1;
	s10 =	sld [smem:$0x3FB2];
	_ =	sdelay $0x3  }
0x34: {  	[smem:$0x3FB2] =	sst s10  }
0x35: {  	s10 =	sld [smem:$0x3FB1];
	_ =	sdelay $0x3  }
0x36: {  	p1 =	seq.s32 s10, $0x1;
	s10 =	sld [smem:$0x3FB2];
	_ =	sdelay $0x3  }
0x37: {  	[smem:$0x3FB2] =	sst s10  }
0x38: {  	s10 =	sld [smem:$0x3FB3]  }
0x39: {  	_ = 	snop;
	(pc) =	sbr.ind lr, $3  }
0x3a: {  	_ = 	snop  }
0x3b: {  	_ = 	snop  }
0x3c: {  	p2 =	seq.s32 s10, $0x1;
	s10 =	sld [smem:$0x3FB2]  }
0x3d: {  	_ =	shalt  }
0x3e: {  	_ =	shalt  }
0x3f: {  	_ =	shalt  }
0x40: {  	_ =	shalt  }
0x41: {  	_ =	shalt  }
0x42: {  	_ =	shalt  }
0x43: {  	_ =	shalt  }
0x44: {  	_ =	shalt  }
0x45: {  	_ =	shalt  }
0x46: {  	_ =	shalt  }
0x47: {  	_ =	shalt  }
0x48: {  	_ =	shalt  }
0x49: {  	_ =	shalt  }
0x4a: {  	_ =	shalt  }
0x4b: {  	_ =	shalt  }
0x4c: {  	_ =	shalt  }
0x4d: {  	_ =	shalt  }
0x4e: {  	_ =	shalt  }
0x4f: {  	_ =	shalt  }
0x50: {  	_ =	shalt  }
0x51: {  	_ =	shalt  }
0x52: {  	_ =	shalt  }
0x53: {  	_ =	shalt  }
0x54: {  	_ =	shalt  }
0x55: {  	_ =	shalt  }
0x56: {  	_ =	shalt  }
0x57: {  	_ =	shalt  }
0x58: {  	_ =	shalt  }
0x59: {  	_ =	shalt  }
0x5a: {  	_ =	shalt  }
0x5b: {  	_ =	shalt  }
0x5c: {  	_ =	shalt  }
0x5d: {  	_ =	shalt  }
0x5e: {  	_ =	shalt  }
0x5f: {  	_ =	shalt  }
0x60: {  	_ =	shalt  }
0x61: {  	_ =	shalt  }
0x62: {  	_ =	shalt  }
0x63: {  	_ =	shalt  }
0x64: {  	_ =	shalt  }
0x65: {  	_ =	shalt  }
0x66: {  	_ =	shalt  }
0x67: {  	_ =	shalt  }
0x68: {  	_ =	shalt  }
0x69: {  	_ =	shalt  }
0x6a: {  	_ =	shalt  }
0x6b: {  	_ =	shalt  }
0x6c: {  	_ =	shalt  }
0x6d: {  	_ =	shalt  }
0x6e: {  	_ =	shalt  }
0x6f: {  	_ =	shalt  }
0x70: {  	_ =	shalt  }
0x71: {  	_ =	shalt  }
0x72: {  	_ =	shalt  }
0x73: {  	_ =	shalt  }
0x74: {  	_ =	shalt  }
0x75: {  	_ =	shalt  }
0x76: {  	_ =	shalt  }
0x77: {  	_ =	shalt  }
0x78: {  	_ =	shalt  }
0x79: {  	_ =	shalt  }
0x7a: {  	_ =	shalt  }
0x7b: {  	_ =	shalt  }
0x7c: {  	_ =	shalt  }
0x7d: {  	_ =	shalt  }
0x7e: {  	_ =	shalt  }
0x7f: {  	_ =	shalt  }
0x80: {  	_ =	shalt  }
0x81: {  	_ =	shalt  }
0x82: {  	_ =	shalt  }
0x83: {  	_ =	shalt  }
0x84: {  	_ =	shalt  }
0x85: {  	_ =	shalt  }
0x86: {  	_ =	shalt  }
0x87: {  	_ =	shalt  }
.Lfunc_end0:
.L_simem_size_0:
called_computation_lowered:
.L_overlay_start_0:
0x88: {  	s2 =	sld [smem:$0x3FD9]  }
0x89: {  	s3 =	sld [smem:$0x3FFE];
	_ =	sdelay $0x1  }
0x8a: {  	s1 =	srdreg.scid  }
0x8b: {  	s0 =	sand.u32 $0x1, s1  }
0x8c: {  	s16 =	sshll.u32 s0, $0xA;
	s2 =	sadd.s32 s3, s2  }
0x8d: {  	s2 =	sadd.s32 s2, s16  }
0x8e: {  	[smem:$0x3FBE] =	sst s2  }
0x8f: {  	_ = 	snop  }
0x90: {  	(tm) =	ssettm $0x1  }
0x91: {  	s17 =	sld [smem:$0x3FFB];
	_ =	sdelay $0x3  }
0x92: {  	_ =	strace s17  }
0x93: {  	s2 =	sld [smem:$0x3FFC];
	_ =	sdelay $0x3  }
0x94: {  	_ =	strace s2  }
0x95: {  	s2 =	sld [smem:$0x3FFD];
	_ =	sdelay $0x3  }
0x96: {  	_ =	strace s2  }
0x97: {  	_ =	strace $0x8FFFFFFF  }
0x98: {  	s18 =	sld [smem:$0x3FDB];
	_ =	sdelay $0x1  }
0x99: {  	s19 =	simm.s32 $_scs_section_size  }
0x9a: {  	s4 =	simm.s32 $_size__tile_overlayer_lowered;
	s5 =	simm.s32 $_tile_overlayer_lowered  }
0x9b: {  	s22 =	simm.s32 $0x1BFF;
	s21 =	sshll.u32 s5, $0x1;
	s2 =	sadd.s32 s19, s18  }
0x9c: {  	s6 =	simm.s32 $0x0;
	s20 =	sshll.u32 s4, $0x1;
	s4 =	sadd.s32 s21, s2  }
0x9d: {  	[timem:s6], [sflag:s22] =	dma.local [hbm:s4], s20  }
0x9e: {  	_ =	swait.ge [sflag:s22], s20  }
0x9f: {  	s3 =	ssub.s32 $0x0, s20;
	[sflag:s22] =	ssyncset.done $0x0  }
0xa0: {  	[sflag:s22] =	ssyncadd.s32 s3;
	_ =	sdelay $0x1  }
0xa1: {  	s23 =	simm.s32 $0x1B8B  }
0xa2: {  	_ =	swait.ge [sflag:s23], $0x1  }
0xa3: {  	[sflag:s23] =	ssyncset.done $0x0  }
0xa4: {  	s25 =	simm.s32 $0x1B8E;
	s24 =	sld [smem:$0x3FFE];
	[sflag:s23] =	ssyncadd.s32 $0xFFFFFFFF  }
0xa5: {  	s26 =	simm.s32 $execute0_lowered;
	[smem:$0x3FD2] =	sst s25  }
0xa6: {  	s4 =	sshll.u32 s26, $0x1;
	_ =	strace $0x80000046;
	[dreg:$0x1] =	wrdreg $0xFFFFFFFF  }
0xa7: {  	s28 =	simm.s32 $_size_execute0_lowered;
	s2 =	sadd.s32 s2, s4;
	[dreg:$0x0] =	wrdreg $0x0  }
0xa8: {  	s4 =	sshll.u32 s28, $0x1;
	[dreg:$0x2] =	wrdreg s2  }
0xa9: {  	[dreg:$0x3] =	wrdreg s4  }
0xaa: {  	[dreg:$0x4] =	wrdreg $0xC0  }
0xab: {  	_ =	task [dreg:s6], $0x5FFFF  }
0xac: {  	[dreg:$0x1] =	wrdreg $0xFFFFFFFF  }
0xad: {  	[dreg:$0x0] =	wrdreg $0x60  }
0xae: {  	[dreg:$0x2] =	wrdreg s24  }
0xaf: {  	[dreg:$0x3] =	wrdreg $0x0  }
0xb0: {  	[dreg:$0x4] =	wrdreg $0x9  }
0xb1: {  	_ =	task.clear_ibuf [dreg:s6], $0x5FFFF;
	_ =	strace $0x90000046  }
0xb2: {  	s29 =	simm.s32 $0x9;
	_ =	strace $0x80000048  }
0xb3: {  	_ =	swait.ge [sflag:s29], $0x1  }
0xb4: {  	[sflag:s29] =	ssyncadd.s32 $0xFFFFFFFF  }
0xb5: {  	_ =	strace $0x90000048  }
0xb6: {  	_ =	sfence  }
0xb7: {  	s30 =	sld [smem:$0x0];
	_ =	sdelay $0x2  }
0xb8: {  	s31 =	sshll.u32 s1, $0xD;
	s1 =	sshrl.u32 s1, $0x2  }
0xb9: {  	s3 =	sand.u32 $0x4000, s31;
	s1 =	sadd.s32 s1, s30  }
0xba: {  	s0 =	sor.u32 s3, s0;
	s1 =	sshll.u32 s1, $0x11  }
0xbb: {  	s0 =	sor.u32 s1, s0  }
0xbc: {  	s0 =	sadd.s32 $0x8F2B, s0  }
0xbd: {  	[sflag:s0] =	ssyncadd.remote.s32 $0x1  }
0xbe: {  	_ =	sfence.sel $0xFFFF  }
0xbf: {  	[dreg:$0x0] =	wrdreg $0xFFFFFFFF;
	(pc) =	sbr.abs _section_cstart, $3  }
0xc0: {  	[dreg:$0x1] =	wrdreg $0xFFFFFFFF  }
0xc1: {  	_ =	task.clear_ibuf [dreg:s6], $0x2FFFF;
	_ =	strace $0x9FFFFFFF  }
0xc2: {  	(tm) =	ssettm $0x7FFFFFFF  }
0xc3: {  	_ =	shalt  }
tec
execute0_lowered:
.L_overlay_start_1:
0x0: {  	(tag) =	ssettag $0x1  }
0x1: {  	s0 =	rddreg [dreg:$0x0]  }
0x2: {  	s1 =	rddreg [dreg:$0x1];
	s3 =	simm.s32 $0x0;
	s12 =	stileid.u32  }
0x3: {  	s2 =	srdreg.scid;
	s23 =	simm.s32 $0x13C80;
	s15 =	simm.s32 $0x7  }
0x4: {  	s16 =	simm.s32 $0x18400;
	s24 =	simm.s32 $0x13E00;
	s25 =	simm.s32 $0x13D00  }
0x5: {  	s26 =	simm.s32 $0x13E80;
	s28 =	simm.s32 $0x14200;
	s29 =	simm.s32 $0x14100  }
0x6: {  	s30 =	simm.s32 $0x14280;
	s31 =	simm.s32 $0x14180;
	[smem:$0x7FF] =	sst s3  }
0x7: {  	s5 =	smul.u32 $0x13C00, s12;
	s2 =	sand.u32 $0x1, s2;
	s6 =	sshll.u32 s12, $0x1  }
0x8: {  	s4 =	sadd.s32 $0x17400, s0;
	s8 =	sadd.s32 $0x3400, s0;
	s17 =	smul.u32 $0xA000, s12  }
0x9: {  	s11 =	smul.u32 $0x4F000, s12;
	_ =	strace $0x80000047;
	[dreg:$0x5] =	wrdreg s23  }
0xa: {  	s22 =	sshll.u32 s12, $0x6;
	s12 =	simm.s32 $0x14400;
	[dreg:$0x6] =	wrdreg s24  }
0xb: {  	s7 =	smul.u32 $0x13C000, s2;
	s6 =	sor.u32 s2, s6;
	[dreg:$0x7] =	wrdreg s25  }
0xc: {  	s10 =	ssub.s32 $0x2, s2;
	s2 =	smul.u32 $0x5000, s2;
	[dreg:$0x8] =	wrdreg s26  }
0xd: {  	s23 =	simm.s32 $0x13F00;
	s24 =	simm.s32 $0x2;
	s25 =	simm.s32 $0x13F80  }
0xe: {  	s26 =	simm.s32 $0x14080;
	s9 =	sshrl.u32 s5, $0x3;
	s6 =	smul.u32 $0x5000, s6  }
0xf: {  	s18 =	sshrl.u32 s10, $0x1;
	s19 =	sshrl.u32 s11, $0x2;
	s11 =	simm.s32 $0x80  }
0x10: {  	s9 =	sadd.s32 s9, s0;
	s5 =	sadd.s32 s5, s7;
	s2 =	sadd.s32 s2, s17  }
0x11: {  	s17 =	simm.s32 $0x3;
	s5 =	sshrl.u32 s5, $0x3;
	s6 =	sshrl.u32 s6, $0x3  }
0x12: {  	s7 =	sor.u32 $0x800, s2;
	s2 =	sor.u32 $0x400, s2;
	s9 =	sadd.s32 $0x3E600, s9  }
0x13: {  	s0 =	sadd.s32 s5, s0;
	s5 =	ssub.s32 s10, s18;
	s6 =	sadd.s32 s8, s6  }
0x14: {  	s7 =	sshrl.u32 s7, $0x3;
	[dreg:$0xa] =	wrdreg s9;
	s2 =	sshrl.u32 s2, $0x3  }
0x15: {  	s18 =	simm.s32 $0x5;
	[dreg:$0x9] =	wrdreg s6;
	s6 =	sadd.s32 s19, s1  }
0x16: {  	s7 =	sadd.s32 s7, s8;
	s0 =	sadd.s32 $0x65E00, s0;
	s20 =	sadd.s32 s2, s8  }
0x17: {  	s21 =	smax.u32 s5, $0x1;
	s8 =	sor.u32 $0x1C07, s22;
	[dreg:$0xb] =	wrdreg s0  }
0x18: {  	s19 =	simm.s32 $0x14000;
	s22 =	simm.s32 $0x13D80;
	[dreg:$0x3] =	wrdreg s7  }
0x19: {  	s2 =	simm.s32 $0x14380;
	s5 =	simm.s32 $0x0;
	[dreg:$0xc] =	wrdreg s21  }
0x1a: {  	[dreg:$0x4] =	wrdreg s20;
	s9 =	sshrl.u32 s6, $0x3;
	s20 =	simm.s32 $0x4  }
0x1b: {  	s21 =	simm.s32 $0x6;
	s0 =	simm.s32 $0x14300;
	[dreg:$0xd] =	wrdreg s9  }
.LBB2_1:
0x1c: {  	s6 =	rddreg [dreg:$0x9];
	s7 =	simm.s32 $0x13C00;
	s14 =	simm.s32 $0x1  }
0x1d: {  	[tilespmem:s7], [sflag:$0x1] =	stream.linear.gather [hbm4b:s6+s3], $0x400, $0x38;
	[tilespmem:$0x1C400] =	vst v63  }
0x1e: {  	_ =	swait.ge [sflag:s14], $0x400  }
0x1f: {  	[sflag:s14] =	ssyncset.done $0x0  }
0x20: {  	s10 =	rddreg [dreg:$0xa];
	[sflag:s14] =	ssyncadd.s32 $0xFFFFFC00  }
0x21: {  	[tilespmem:s12], [sflag:$0x3] =	stream.indirect.gather [hbm4b:s4+s11], $0x80, s7, s11, $0xb8;
	[tilespmem:$0x1C400] =	vst v63  }
0x22: {  	[spmem:s9], [sflag:s8] =	dma.local [hbm:s10], $0x2780  }
0x23: {  	_ =	swait.ge [sflag:s15], $0x2780  }
0x24: {  	[sflag:s15] =	ssyncset.done $0x0  }
0x25: {  	p0 =	por $0x1, $0x1;
	[sflag:s15] =	ssyncadd.s32 $0xFFFFD880  }
0x26: {  	s6 =	simm.s32 @!p0 $0x6;
	[bflag:$0x0] =	sbarrier.arrive $0xFFFF  }
0x27: {  	_ =	swait.ge @!p0 [sflag:s6], $0x4000  }
0x28: {  	[sflag:s6] =	ssyncset.done @!p0 $0x0  }
0x29: {  	s13 =	rddreg [dreg:$0x5];
	[sflag:s6] =	ssyncadd.s32 @!p0 $0xFFFFC000  }
0x2a: {  	[tilespmem:s16], [sflag:$0x4] =	stream.indirect.gather [hbm4b:s4+s11], $0x80, s13, s11, $0xb8;
	[tilespmem:$0x1C400] =	vst v63  }
0x2b: {  	_ =	swait.ge [sflag:s17], $0x4000  }
0x2c: {  	[sflag:s17] =	ssyncset.done $0x0  }
0x2d: {  	s14 =	smov.u32 s8;
	s8 =	rddreg [dreg:$0x6];
	[sflag:s17] =	ssyncadd.s32 $0xFFFFC000  }
0x2e: {  	[spmem:s1] =	stream.indirect.scatter.add.f32 [tilespmem:s12], [sflag:$0x5], $0x80, s8, s11, $0xb8;
	[tilespmem:$0x1C400] =	vst v63  }
0x2f: {  	_ =	swait.ge [sflag:s18], $0x4000  }
0x30: {  	s9 =	rddreg [dreg:$0x4];
	[sflag:s18] =	ssyncset.done $0x0  }
0x31: {  	[sflag:s18] =	ssyncadd.s32 $0xFFFFC000;
	s6 =	sadd.s32 $0x0, s9  }
0x32: {  	[tilespmem:s19], [sflag:$0x2] =	stream.linear.gather [hbm4b:s6+s3], $0x400, $0x38;
	[tilespmem:$0x1C400] =	vst v63  }
0x33: {  	s10 =	rddreg [dreg:$0x7]  }
0x34: {  	[tilespmem:s12], [sflag:$0x3] =	stream.indirect.gather [hbm4b:s4+s11], $0x80, s10, s11, $0xb8;
	[tilespmem:$0x1C400] =	vst v63  }
0x35: {  	_ =	swait.ge [sflag:s20], $0x4000  }
0x36: {  	[sflag:s20] =	ssyncset.done $0x0  }
0x37: {  	s13 =	rddreg [dreg:$0x8];
	[sflag:s20] =	ssyncadd.s32 $0xFFFFC000  }
0x38: {  	[spmem:s1] =	stream.indirect.scatter.add.f32 [tilespmem:s16], [sflag:$0x6], $0x80, s13, s11, $0xb8;
	[tilespmem:$0x1C400] =	vst v63  }
0x39: {  	_ =	swait.ge [sflag:s21], $0x4000  }
0x3a: {  	[sflag:s21] =	ssyncset.done $0x0  }
0x3b: {  	[sflag:s21] =	ssyncadd.s32 $0xFFFFC000  }
0x3c: {  	[tilespmem:s16], [sflag:$0x4] =	stream.indirect.gather [hbm4b:s4+s11], $0x80, s22, s11, $0xb8;
	[tilespmem:$0x1C400] =	vst v63  }
0x3d: {  	_ =	swait.ge [sflag:s17], $0x4000  }
0x3e: {  	[sflag:s17] =	ssyncset.done $0x0  }
0x3f: {  	[sflag:s17] =	ssyncadd.s32 $0xFFFFC000  }
0x40: {  	[spmem:s1] =	stream.indirect.scatter.add.f32 [tilespmem:s12], [sflag:$0x5], $0x80, s23, s11, $0xb8;
	[tilespmem:$0x1C400] =	vst v63  }
0x41: {  	_ =	swait.ge [sflag:s18], $0x4000  }
0x42: {  	[sflag:s18] =	ssyncset.done $0x0  }
0x43: {  	[sflag:s18] =	ssyncadd.s32 $0xFFFFC000  }
0x44: {  	_ =	swait.ge [sflag:s24], $0x400  }
0x45: {  	[sflag:s24] =	ssyncset.done $0x0  }
0x46: {  	[sflag:s24] =	ssyncadd.s32 $0xFFFFFC00  }
0x47: {  	[tilespmem:s12], [sflag:$0x3] =	stream.indirect.gather [hbm4b:s4+s11], $0x80, s19, s11, $0xb8;
	[tilespmem:$0x1C400] =	vst v63  }
0x48: {  	_ =	swait.ge [sflag:s20], $0x4000  }
0x49: {  	[sflag:s20] =	ssyncset.done $0x0  }
0x4a: {  	[sflag:s20] =	ssyncadd.s32 $0xFFFFC000  }
0x4b: {  	[spmem:s1] =	stream.indirect.scatter.add.f32 [tilespmem:s16], [sflag:$0x6], $0x80, s25, s11, $0xb8;
	[tilespmem:$0x1C400] =	vst v63  }
0x4c: {  	_ =	swait.ge [sflag:s21], $0x4000  }
0x4d: {  	[sflag:s21] =	ssyncset.done $0x0  }
0x4e: {  	[sflag:s21] =	ssyncadd.s32 $0xFFFFC000  }
0x4f: {  	[tilespmem:s16], [sflag:$0x4] =	stream.indirect.gather [hbm4b:s4+s11], $0x80, s26, s11, $0xb8;
	[tilespmem:$0x1C400] =	vst v63  }
0x50: {  	_ =	swait.ge [sflag:s17], $0x4000  }
0x51: {  	[sflag:s17] =	ssyncset.done $0x0  }
0x52: {  	[sflag:s17] =	ssyncadd.s32 $0xFFFFC000  }
0x53: {  	[spmem:s1] =	stream.indirect.scatter.add.f32 [tilespmem:s12], [sflag:$0x5], $0x80, s28, s11, $0xb8;
	[tilespmem:$0x1C400] =	vst v63  }
0x54: {  	p0 =	por $0x0, $0x0;
	_ =	swait.ge [sflag:s18], $0x4000  }
0x55: {  	s7 =	simm.s32 @!p0 $0x0;
	s6 =	rddreg [dreg:$0x3];
	[sflag:s18] =	ssyncset.done $0x0  }
0x56: {  	s9 =	simm.s32 @!p0 $0x13C00;
	[sflag:s18] =	ssyncadd.s32 $0xFFFFC000;
	s6 =	sadd.s32 @!p0 $0x0, s6  }
0x57: {  	[tilespmem:s9], [sflag:$0x1] =	stream.linear.gather @!p0 [hbm4b:s6+s7], $0x400, $0x38;
	[tilespmem:$0x1C400] =	vst v63  }
0x58: {  	_ = 	snop  }
0x59: {  	[tilespmem:s12], [sflag:$0x3] =	stream.indirect.gather [hbm4b:s4+s11], $0x80, s29, s11, $0xb8;
	[tilespmem:$0x1C400] =	vst v63  }
0x5a: {  	_ =	swait.ge [sflag:s20], $0x4000  }
0x5b: {  	[sflag:s20] =	ssyncset.done $0x0  }
0x5c: {  	[sflag:s20] =	ssyncadd.s32 $0xFFFFC000  }
0x5d: {  	[spmem:s1] =	stream.indirect.scatter.add.f32 [tilespmem:s16], [sflag:$0x6], $0x80, s30, s11, $0xb8;
	[tilespmem:$0x1C400] =	vst v63  }
0x5e: {  	_ =	swait.ge [sflag:s21], $0x4000  }
0x5f: {  	[sflag:s21] =	ssyncset.done $0x0  }
0x60: {  	[sflag:s21] =	ssyncadd.s32 $0xFFFFC000  }
0x61: {  	[tilespmem:s16], [sflag:$0x4] =	stream.indirect.gather [hbm4b:s4+s11], $0x80, s31, s11, $0xb8;
	[tilespmem:$0x1C400] =	vst v63  }
0x62: {  	_ =	swait.ge [sflag:s17], $0x4000  }
0x63: {  	[sflag:s17] =	ssyncset.done $0x0  }
0x64: {  	[sflag:s17] =	ssyncadd.s32 $0xFFFFC000  }
0x65: {  	[spmem:s1] =	stream.indirect.scatter.add.f32 [tilespmem:s12], [sflag:$0x5], $0x80, s0, s11, $0xb8;
	[tilespmem:$0x1C400] =	vst v63  }
0x66: {  	_ =	swait.ge [sflag:s18], $0x4000  }
0x67: {  	[sflag:s18] =	ssyncset.done $0x0  }
0x68: {  	s6 =	simm.s32 @!p0 $0x1;
	[sflag:s18] =	ssyncadd.s32 $0xFFFFC000  }
0x69: {  	_ =	swait.ge @!p0 [sflag:s6], $0x400  }
0x6a: {  	p1 =	por $0x0, $0x0;
	[sflag:s6] =	ssyncset.done @!p0 $0x0  }
0x6b: {  	s7 =	simm.s32 @!p0 $0x80;
	[sflag:s6] =	ssyncadd.s32 @!p0 $0xFFFFFC00;
	s6 =	simm.s32 @!p0 $0x14400  }
0x6c: {  	[tilespmem:s6], [sflag:$0x3] =	stream.indirect.gather @!p0 [hbm4b:s4+s7], $0x80, s9, s7, $0xb8;
	[tilespmem:$0x1C400] =	vst v63  }
0x6d: {  	s6 =	simm.s32 $0x100;
	s9 =	simm.s32 $0x200;
	_ =	swait.ge [sflag:s20], $0x4000  }
.LBB2_2:
0x6e: {  	[sflag:s20] =	ssyncset.done $0x0  }
0x6f: {  	s8 =	simm.s32 @!p1 $0x6;
	[sflag:s20] =	ssyncadd.s32 $0xFFFFC000  }
0x70: {  	[spmem:s1] =	stream.indirect.scatter.add.f32 [tilespmem:s16], [sflag:$0x6], $0x80, s2, s11, $0xb8;
	[tilespmem:$0x1C400] =	vst v63  }
0x71: {  	_ =	swait.ge @!p1 [sflag:s8], $0x4000  }
0x72: {  	[sflag:s8] =	ssyncset.done @!p1 $0x0  }
0x73: {  	s10 =	rddreg [dreg:$0x5];
	[sflag:s8] =	ssyncadd.s32 @!p1 $0xFFFFC000  }
0x74: {  	[tilespmem:s16], [sflag:$0x4] =	stream.indirect.gather [hbm4b:s4+s11], $0x80, s10, s11, $0xb8;
	[tilespmem:$0x1C400] =	vst v63  }
0x75: {  	_ =	swait.ge [sflag:s17], $0x4000  }
0x76: {  	[sflag:s17] =	ssyncset.done $0x0  }
0x77: {  	s13 =	rddreg [dreg:$0x6];
	[sflag:s17] =	ssyncadd.s32 $0xFFFFC000  }
0x78: {  	[spmem:s1] =	stream.indirect.scatter.add.f32 [tilespmem:s12], [sflag:$0x5], $0x80, s13, s11, $0xb8;
	[tilespmem:$0x1C400] =	vst v63  }
0x79: {  	_ =	swait.ge [sflag:s18], $0x4000  }
0x7a: {  	s10 =	rddreg [dreg:$0x4];
	[sflag:s18] =	ssyncset.done $0x0  }
0x7b: {  	[sflag:s18] =	ssyncadd.s32 $0xFFFFC000;
	s8 =	sadd.s32 s6, s10  }
0x7c: {  	[tilespmem:s19], [sflag:$0x2] =	stream.linear.gather [hbm4b:s8+s3], $0x400, $0x38;
	[tilespmem:$0x1C400] =	vst v63  }
0x7d: {  	s13 =	rddreg [dreg:$0x7]  }
0x7e: {  	[tilespmem:s12], [sflag:$0x3] =	stream.indirect.gather [hbm4b:s4+s11], $0x80, s13, s11, $0xb8;
	[tilespmem:$0x1C400] =	vst v63  }
0x7f: {  	_ =	swait.ge [sflag:s20], $0x4000  }
0x80: {  	[sflag:s20] =	ssyncset.done $0x0  }
0x81: {  	s13 =	rddreg [dreg:$0x8];
	[sflag:s20] =	ssyncadd.s32 $0xFFFFC000  }
0x82: {  	[spmem:s1] =	stream.indirect.scatter.add.f32 [tilespmem:s16], [sflag:$0x6], $0x80, s13, s11, $0xb8;
	[tilespmem:$0x1C400] =	vst v63  }
0x83: {  	_ =	swait.ge [sflag:s21], $0x4000  }
0x84: {  	[sflag:s21] =	ssyncset.done $0x0  }
0x85: {  	[sflag:s21] =	ssyncadd.s32 $0xFFFFC000  }
0x86: {  	[tilespmem:s16], [sflag:$0x4] =	stream.indirect.gather [hbm4b:s4+s11], $0x80, s22, s11, $0xb8;
	[tilespmem:$0x1C400] =	vst v63  }
0x87: {  	_ =	swait.ge [sflag:s17], $0x4000  }
0x88: {  	[sflag:s17] =	ssyncset.done $0x0  }
0x89: {  	[sflag:s17] =	ssyncadd.s32 $0xFFFFC000  }
0x8a: {  	[spmem:s1] =	stream.indirect.scatter.add.f32 [tilespmem:s12], [sflag:$0x5], $0x80, s23, s11, $0xb8;
	[tilespmem:$0x1C400] =	vst v63  }
0x8b: {  	_ =	swait.ge [sflag:s18], $0x4000  }
0x8c: {  	[sflag:s18] =	ssyncset.done $0x0  }
0x8d: {  	[sflag:s18] =	ssyncadd.s32 $0xFFFFC000  }
0x8e: {  	_ =	swait.ge [sflag:s24], $0x400  }
0x8f: {  	[sflag:s24] =	ssyncset.done $0x0  }
0x90: {  	[sflag:s24] =	ssyncadd.s32 $0xFFFFFC00  }
0x91: {  	[tilespmem:s12], [sflag:$0x3] =	stream.indirect.gather [hbm4b:s4+s11], $0x80, s19, s11, $0xb8;
	[tilespmem:$0x1C400] =	vst v63  }
0x92: {  	_ =	swait.ge [sflag:s20], $0x4000  }
0x93: {  	[sflag:s20] =	ssyncset.done $0x0  }
0x94: {  	[sflag:s20] =	ssyncadd.s32 $0xFFFFC000  }
0x95: {  	[spmem:s1] =	stream.indirect.scatter.add.f32 [tilespmem:s16], [sflag:$0x6], $0x80, s25, s11, $0xb8;
	[tilespmem:$0x1C400] =	vst v63  }
0x96: {  	_ =	swait.ge [sflag:s21], $0x4000  }
0x97: {  	[sflag:s21] =	ssyncset.done $0x0  }
0x98: {  	[sflag:s21] =	ssyncadd.s32 $0xFFFFC000  }
0x99: {  	[tilespmem:s16], [sflag:$0x4] =	stream.indirect.gather [hbm4b:s4+s11], $0x80, s26, s11, $0xb8;
	[tilespmem:$0x1C400] =	vst v63  }
0x9a: {  	_ =	swait.ge [sflag:s17], $0x4000  }
0x9b: {  	[sflag:s17] =	ssyncset.done $0x0  }
0x9c: {  	[sflag:s17] =	ssyncadd.s32 $0xFFFFC000  }
0x9d: {  	[spmem:s1] =	stream.indirect.scatter.add.f32 [tilespmem:s12], [sflag:$0x5], $0x80, s28, s11, $0xb8;
	[tilespmem:$0x1C400] =	vst v63  }
0x9e: {  	p1 =	seq.s32 s6, $0x900;
	_ =	swait.ge [sflag:s18], $0x4000  }
0x9f: {  	s10 =	simm.s32 @!p1 $0x0;
	s8 =	rddreg [dreg:$0x3];
	[sflag:s18] =	ssyncset.done $0x0  }
0xa0: {  	s13 =	simm.s32 @!p1 $0x13C00;
	[sflag:s18] =	ssyncadd.s32 $0xFFFFC000;
	s8 =	sadd.s32 @!p1 s6, s8  }
0xa1: {  	[tilespmem:s13], [sflag:$0x1] =	stream.linear.gather @!p1 [hbm4b:s8+s10], $0x400, $0x38;
	[tilespmem:$0x1C400] =	vst v63  }
0xa2: {  	_ = 	snop  }
0xa3: {  	[tilespmem:s12], [sflag:$0x3] =	stream.indirect.gather [hbm4b:s4+s11], $0x80, s29, s11, $0xb8;
	[tilespmem:$0x1C400] =	vst v63  }
0xa4: {  	_ =	swait.ge [sflag:s20], $0x4000  }
0xa5: {  	[sflag:s20] =	ssyncset.done $0x0  }
0xa6: {  	[sflag:s20] =	ssyncadd.s32 $0xFFFFC000  }
0xa7: {  	[spmem:s1] =	stream.indirect.scatter.add.f32 [tilespmem:s16], [sflag:$0x6], $0x80, s30, s11, $0xb8;
	[tilespmem:$0x1C400] =	vst v63  }
0xa8: {  	_ =	swait.ge [sflag:s21], $0x4000  }
0xa9: {  	[sflag:s21] =	ssyncset.done $0x0  }
0xaa: {  	[sflag:s21] =	ssyncadd.s32 $0xFFFFC000  }
0xab: {  	[tilespmem:s16], [sflag:$0x4] =	stream.indirect.gather [hbm4b:s4+s11], $0x80, s31, s11, $0xb8;
	[tilespmem:$0x1C400] =	vst v63  }
0xac: {  	_ =	swait.ge [sflag:s17], $0x4000  }
0xad: {  	[sflag:s17] =	ssyncset.done $0x0  }
0xae: {  	[sflag:s17] =	ssyncadd.s32 $0xFFFFC000  }
0xaf: {  	[spmem:s1] =	stream.indirect.scatter.add.f32 [tilespmem:s12], [sflag:$0x5], $0x80, s0, s11, $0xb8;
	[tilespmem:$0x1C400] =	vst v63  }
0xb0: {  	s7 =	smov.u32 s9;
	s9 =	sadd.s32 $0x100, s9;
	_ =	swait.ge [sflag:s18], $0x4000  }
0xb1: {  	p0 =	sne.s32 s9, $0xA00;
	[sflag:s18] =	ssyncset.done $0x0  }
0xb2: {  	s6 =	smov.u32 s7;
	s7 =	simm.s32 @!p1 $0x1;
	[sflag:s18] =	ssyncadd.s32 $0xFFFFC000  }
.Ltmp0:
0xb3: {  	_ =	swait.ge @!p1 [sflag:s7], $0x400;
	(pc) =	sbr.rel @p0 .LBB2_2-.Ltmp0, $4  }
0xb4: {  	[sflag:s7] =	ssyncset.done @!p1 $0x0  }
0xb5: {  	s8 =	simm.s32 @!p1 $0x80;
	s10 =	simm.s32 @!p1 $0x14400;
	[sflag:s7] =	ssyncadd.s32 @!p1 $0xFFFFFC00  }
0xb6: {  	[tilespmem:s10], [sflag:$0x3] =	stream.indirect.gather @!p1 [hbm4b:s4+s8], $0x80, s13, s8, $0xb8;
	[tilespmem:$0x1C400] =	vst v63  }
0xb7: {  	p1 =	seq.s32 s6, $0x0;
	_ =	swait.ge [sflag:s20], $0x4000  }
0xb8: {  	[sflag:s20] =	ssyncset.done $0x0  }
0xb9: {  	s7 =	simm.s32 @!p1 $0x6;
	[sflag:s20] =	ssyncadd.s32 $0xFFFFC000  }
0xba: {  	[spmem:s1] =	stream.indirect.scatter.add.f32 [tilespmem:s16], [sflag:$0x6], $0x80, s2, s11, $0xb8;
	[tilespmem:$0x1C400] =	vst v63  }
0xbb: {  	_ =	swait.ge @!p1 [sflag:s7], $0x4000  }
0xbc: {  	[sflag:s7] =	ssyncset.done @!p1 $0x0  }
0xbd: {  	s8 =	rddreg [dreg:$0x5];
	[sflag:s7] =	ssyncadd.s32 @!p1 $0xFFFFC000  }
0xbe: {  	[tilespmem:s16], [sflag:$0x4] =	stream.indirect.gather [hbm4b:s4+s11], $0x80, s8, s11, $0xb8;
	[tilespmem:$0x1C400] =	vst v63  }
0xbf: {  	_ =	swait.ge [sflag:s17], $0x4000  }
0xc0: {  	[sflag:s17] =	ssyncset.done $0x0  }
0xc1: {  	s13 =	rddreg [dreg:$0x6];
	[sflag:s17] =	ssyncadd.s32 $0xFFFFC000  }
0xc2: {  	[spmem:s1] =	stream.indirect.scatter.add.f32 [tilespmem:s12], [sflag:$0x5], $0x80, s13, s11, $0xb8;
	[tilespmem:$0x1C400] =	vst v63  }
0xc3: {  	_ =	swait.ge [sflag:s18], $0x4000  }
0xc4: {  	s8 =	rddreg [dreg:$0x4];
	[sflag:s18] =	ssyncset.done $0x0  }
0xc5: {  	[sflag:s18] =	ssyncadd.s32 $0xFFFFC000;
	s7 =	sadd.s32 s6, s8  }
0xc6: {  	[tilespmem:s19], [sflag:$0x2] =	stream.linear.gather [hbm4b:s7+s3], $0x400, $0x38;
	[tilespmem:$0x1C400] =	vst v63  }
0xc7: {  	s9 =	rddreg [dreg:$0x7]  }
0xc8: {  	[tilespmem:s12], [sflag:$0x3] =	stream.indirect.gather [hbm4b:s4+s11], $0x80, s9, s11, $0xb8;
	[tilespmem:$0x1C400] =	vst v63  }
0xc9: {  	_ =	swait.ge [sflag:s20], $0x4000  }
0xca: {  	[sflag:s20] =	ssyncset.done $0x0  }
0xcb: {  	s10 =	rddreg [dreg:$0x8];
	[sflag:s20] =	ssyncadd.s32 $0xFFFFC000  }
0xcc: {  	[spmem:s1] =	stream.indirect.scatter.add.f32 [tilespmem:s16], [sflag:$0x6], $0x80, s10, s11, $0xb8;
	[tilespmem:$0x1C400] =	vst v63  }
0xcd: {  	_ =	swait.ge [sflag:s21], $0x4000  }
0xce: {  	[sflag:s21] =	ssyncset.done $0x0  }
0xcf: {  	[sflag:s21] =	ssyncadd.s32 $0xFFFFC000  }
0xd0: {  	[tilespmem:s16], [sflag:$0x4] =	stream.indirect.gather [hbm4b:s4+s11], $0x80, s22, s11, $0xb8;
	[tilespmem:$0x1C400] =	vst v63  }
0xd1: {  	_ =	swait.ge [sflag:s17], $0x4000  }
0xd2: {  	[sflag:s17] =	ssyncset.done $0x0  }
0xd3: {  	[sflag:s17] =	ssyncadd.s32 $0xFFFFC000  }
0xd4: {  	[spmem:s1] =	stream.indirect.scatter.add.f32 [tilespmem:s12], [sflag:$0x5], $0x80, s23, s11, $0xb8;
	[tilespmem:$0x1C400] =	vst v63  }
0xd5: {  	_ =	swait.ge [sflag:s18], $0x4000  }
0xd6: {  	[sflag:s18] =	ssyncset.done $0x0  }
0xd7: {  	[sflag:s18] =	ssyncadd.s32 $0xFFFFC000  }
0xd8: {  	_ =	swait.ge [sflag:s24], $0x400  }
0xd9: {  	[sflag:s24] =	ssyncset.done $0x0  }
0xda: {  	[sflag:s24] =	ssyncadd.s32 $0xFFFFFC00  }
0xdb: {  	[tilespmem:s12], [sflag:$0x3] =	stream.indirect.gather [hbm4b:s4+s11], $0x80, s19, s11, $0xb8;
	[tilespmem:$0x1C400] =	vst v63  }
0xdc: {  	_ =	swait.ge [sflag:s20], $0x4000  }
0xdd: {  	[sflag:s20] =	ssyncset.done $0x0  }
0xde: {  	[sflag:s20] =	ssyncadd.s32 $0xFFFFC000  }
0xdf: {  	[spmem:s1] =	stream.indirect.scatter.add.f32 [tilespmem:s16], [sflag:$0x6], $0x80, s25, s11, $0xb8;
	[tilespmem:$0x1C400] =	vst v63  }
0xe0: {  	_ =	swait.ge [sflag:s21], $0x4000  }
0xe1: {  	[sflag:s21] =	ssyncset.done $0x0  }
0xe2: {  	[sflag:s21] =	ssyncadd.s32 $0xFFFFC000  }
0xe3: {  	[tilespmem:s16], [sflag:$0x4] =	stream.indirect.gather [hbm4b:s4+s11], $0x80, s26, s11, $0xb8;
	[tilespmem:$0x1C400] =	vst v63  }
0xe4: {  	_ =	swait.ge [sflag:s17], $0x4000  }
0xe5: {  	[sflag:s17] =	ssyncset.done $0x0  }
0xe6: {  	[sflag:s17] =	ssyncadd.s32 $0xFFFFC000  }
0xe7: {  	[spmem:s1] =	stream.indirect.scatter.add.f32 [tilespmem:s12], [sflag:$0x5], $0x80, s28, s11, $0xb8;
	[tilespmem:$0x1C400] =	vst v63  }
0xe8: {  	p0 =	seq.s32 s6, $0x900;
	_ =	swait.ge [sflag:s18], $0x4000  }
0xe9: {  	s8 =	simm.s32 @!p0 $0x0;
	s7 =	rddreg [dreg:$0x3];
	[sflag:s18] =	ssyncset.done $0x0  }
0xea: {  	[sflag:s18] =	ssyncadd.s32 $0xFFFFC000;
	s6 =	sadd.s32 @!p0 s6, s7;
	s7 =	simm.s32 @!p0 $0x13C00  }
0xeb: {  	[tilespmem:s7], [sflag:$0x1] =	stream.linear.gather @!p0 [hbm4b:s6+s8], $0x400, $0x38;
	[tilespmem:$0x1C400] =	vst v63  }
0xec: {  	_ = 	snop  }
0xed: {  	[tilespmem:s12], [sflag:$0x3] =	stream.indirect.gather [hbm4b:s4+s11], $0x80, s29, s11, $0xb8;
	[tilespmem:$0x1C400] =	vst v63  }
0xee: {  	_ =	swait.ge [sflag:s20], $0x4000  }
0xef: {  	[sflag:s20] =	ssyncset.done $0x0  }
0xf0: {  	[sflag:s20] =	ssyncadd.s32 $0xFFFFC000  }
0xf1: {  	[spmem:s1] =	stream.indirect.scatter.add.f32 [tilespmem:s16], [sflag:$0x6], $0x80, s30, s11, $0xb8;
	[tilespmem:$0x1C400] =	vst v63  }
0xf2: {  	_ =	swait.ge [sflag:s21], $0x4000  }
0xf3: {  	[sflag:s21] =	ssyncset.done $0x0  }
0xf4: {  	[sflag:s21] =	ssyncadd.s32 $0xFFFFC000  }
0xf5: {  	[tilespmem:s16], [sflag:$0x4] =	stream.indirect.gather [hbm4b:s4+s11], $0x80, s31, s11, $0xb8;
	[tilespmem:$0x1C400] =	vst v63  }
0xf6: {  	_ =	swait.ge [sflag:s17], $0x4000  }
0xf7: {  	[sflag:s17] =	ssyncset.done $0x0  }
0xf8: {  	[sflag:s17] =	ssyncadd.s32 $0xFFFFC000  }
0xf9: {  	[spmem:s1] =	stream.indirect.scatter.add.f32 [tilespmem:s12], [sflag:$0x5], $0x80, s0, s11, $0xb8;
	[tilespmem:$0x1C400] =	vst v63  }
0xfa: {  	_ =	swait.ge [sflag:s18], $0x4000  }
0xfb: {  	[sflag:s18] =	ssyncset.done $0x0  }
0xfc: {  	s6 =	simm.s32 @!p0 $0x1;
	[sflag:s18] =	ssyncadd.s32 $0xFFFFC000  }
0xfd: {  	_ =	swait.ge @!p0 [sflag:s6], $0x400  }
0xfe: {  	[sflag:s6] =	ssyncset.done @!p0 $0x0  }
0xff: {  	s8 =	simm.s32 @!p0 $0x80;
	[sflag:s6] =	ssyncadd.s32 @!p0 $0xFFFFFC00;
	s6 =	simm.s32 @!p0 $0x14400  }
0x100: {  	[tilespmem:s6], [sflag:$0x3] =	stream.indirect.gather @!p0 [hbm4b:s4+s8], $0x80, s7, s8, $0xb8;
	[tilespmem:$0x1C400] =	vst v63  }
0x101: {  	_ =	swait.ge [sflag:s20], $0x4000  }
0x102: {  	[sflag:s20] =	ssyncset.done $0x0  }
0x103: {  	[sflag:s20] =	ssyncadd.s32 $0xFFFFC000  }
0x104: {  	[spmem:s1] =	stream.indirect.scatter.add.f32 [tilespmem:s16], [sflag:$0x6], $0x80, s2, s11, $0xb8;
	[tilespmem:$0x1C400] =	vst v63  }
0x105: {  	_ =	swait.ge [sflag:s21], $0x4000  }
0x106: {  	[sflag:s21] =	ssyncset.done $0x0  }
0x107: {  	[sflag:s21] =	ssyncadd.s32 $0xFFFFC000  }
0x108: {  	[bflag:$0x0] =	sbarrier.arrive $0xFFFF  }
0x109: {  	s13 =	rddreg [dreg:$0xb]  }
0x10a: {  	s9 =	rddreg [dreg:$0xd]  }
0x10b: {  	[hbm:s13], [sflag:s14] =	dma.local [spmem:s9], $0x2780  }
0x10c: {  	_ =	swait.ge [sflag:s15], $0x2780  }
0x10d: {  	s5 =	sadd.s32 $0x1, s5;
	s8 =	smov.u32 s14;
	s14 =	rddreg [dreg:$0xc]  }
0x10e: {  	p0 =	sne.s32 s5, s14  }
.Ltmp1:
0x10f: {  	_ = 	snop;
	(pc) =	sbr.rel @p0 .LBB2_1-.Ltmp1, $3  }
0x110: {  	_ =	sdelay $0x1  }
0x111: {  	[sflag:s15] =	ssyncset.done $0x0  }
0x112: {  	[sflag:s15] =	ssyncadd.s32 $0xFFFFD880  }
0x113: {  	_ =	sfence.sel $0x180000  }
0x114: {  	[bflag:$0x0] =	sbarrier.arrive $0xFFFF  }
0x115: {  	_ =	strace $0x90000047  }
0x116: {  	s0 =	stileid.u32;
	[bflag:$0x2] =	sbarrier.arrive $0xFFFF  }
0x117: {  	p0 =	sne.s32 s0, $0x0;
	s0 =	rddreg [dreg:$0x2]  }
0x118: {  	s0 =	sadd.s32 @!p0 $0x100000, s0  }
0x119: {  	[sflag:s0] =	ssyncadd.tile.s32 @!p0 $0x1;
	_ =	shalt  }
.Lfunc_end2:
_tile_overlayer_lowered:
.L_overlay_start_2:
0x11a: {  	(tag) =	ssettag $0x2  }
0x11b: {  	s0 =	rddreg [dreg:$0x0];
	s2 =	stileid.u32  }
0x11c: {  	s1 =	rddreg [dreg:$0x1];
	p0 =	sne.s32 s2, $0x0  }
0x11d: {  	s3 =	rddreg [dreg:$0x2];
	[bflag:$0x3] =	sbarrier.arrive $0xFFFF;
	s2 =	simm.s32 @!p0 $0x1C07  }
0x11e: {  	[timem:s3], [sflag:s2] =	dma.local @!p0 [hbm:s0], s1  }
0x11f: {  	s0 =	simm.s32 @!p0 $0x7  }
0x120: {  	_ =	swait.ge @!p0 [sflag:s0], s1  }
0x121: {  	s1 =	ssub.s32 @!p0 $0x0, s1;
	[sflag:s0] =	ssyncset.done @!p0 $0x0  }
0x122: {  	[sflag:s0] =	ssyncadd.s32 @!p0 s1  }
0x123: {  	[bflag:$0x3] =	sbarrier.arrive $0xFFFF  }
0x124: {  	_ =	shalt  }

// kernel: kernel.14.cloned.1.call-start
scs
__scs_entry_jumppad:
0x0: {  	(pc) =	sbr.rel $0x88, $3  }
0x1: {  	(tag) =	ssettag $0x0;
	lr =	simm.s32 $0x1  }
0x2: {  	[smem:$0x3F97] =	sst lr;
	_ =	strace $0xD0000000  }
0x3: {  	_ = 	snop  }
0x4: {  	_ = 	snop  }
0x5: {  	_ = 	snop  }
0x6: {  	_ = 	snop  }
0x7: {  	_ = 	snop  }
__scs_overlays_trampoline_lowered:
0x8: {  	[smem:$0x3FA6] =	sst s0  }
0x9: {  	[smem:$0x3FA7] =	sst s1  }
0xa: {  	[smem:$0x3FA8] =	sst s2  }
0xb: {  	[smem:$0x3FA9] =	sst s3  }
0xc: {  	[smem:$0x3FAA] =	sst s4  }
0xd: {  	[smem:$0x3FAB] =	sst s5  }
0xe: {  	[smem:$0x3FAC] =	sst s6  }
0xf: {  	[smem:$0x3FAD] =	sst s7  }
0x10: {  	[smem:$0x3FAE] =	sst s8  }
0x11: {  	[smem:$0x3FAF] =	sst s9;
	s0 =	simm.s32 @!p0 $0x0  }
0x12: {  	s1 =	sld [smem:$0x3F95];
	s0 =	simm.s32 @p0 $0x1  }
0x13: {  	[smem:$0x3FB0] =	sst s0;
	s0 =	simm.s32 @!p1 $0x0  }
0x14: {  	s2 =	sld [smem:$0x3F94];
	s0 =	simm.s32 @p1 $0x1  }
0x15: {  	[smem:$0x3FB1] =	sst s0;
	s0 =	simm.s32 @!p2 $0x0  }
0x16: {  	s3 =	sld [smem:$0x3FDB];
	s0 =	simm.s32 @p2 $0x1  }
0x17: {  	s4 =	simm.s32 $0x1BF5;
	[smem:$0x3FB3] =	sst s0  }
0x18: {  	s0 =	sld [smem:$0x3F96];
	_ =	swait.ge [sflag:s4], $0x0  }
0x19: {  	s7 =	sld [smem:$0x3F97]  }
0x1a: {  	s8 =	sadd.s32 $0xFFFFE003, lr  }
0x1b: {  	s9 =	sadd.s32 $0xFFFFFEF7, lr;
	s5 =	simm.s32 $0xFFFFFFFF;
	p2 =	slt.u32 s8, $0xFFFFF086  }
0x1c: {  	p1 =	slt.u32 s9, $0xF7A;
	s5 =	simm.s32 @!p2 $0x0  }
0x1d: {  	s5 =	simm.s32 @p1 $0x1;
	p0 =	seq.s32 s7, s2  }
0x1e: {  	s7 =	smul.u32 @!p0 $0xF7A, s2;
	p2 =	seq.s32 @!p0 s5, $0x0  }
0x1f: {  	s9 =	smul.u32 $0xF7A, s1;
	s8 =	simm.s32 @!p0 $0x1BF5;
	p2 =	por !p2, p0  }
0x20: {  	[sflag:s8] =	ssyncset.s32 @!p0 $0xFFFFF086;
	s6 =	sadd.s32 @!p0 s3, s7;
	s7 =	simm.s32 @!p0 $0x108  }
0x21: {  	s3 =	sadd.s32 s3, s9;
	s6 =	sadd.s32 @!p0 $0x88, s6;
	s7 =	simm.s32 @p2 $0x1082  }
0x22: {  	[simem:s7], [sflag:s8] =	dma.local @!p0 [hbm:s6], $0xF7A  }
0x23: {  	s9 =	sor.u32 $0xD0000000, s2;
	s6 =	simm.s32 $0x108;
	_ =	swait.ge @!p0 [sflag:s8], $0x0  }
0x24: {  	s3 =	sadd.s32 $0x88, s3;
	s6 =	simm.s32 @!p1 $0x1082;
	[sflag:s4] =	ssyncset.s32 $0xFFFFF086  }
0x25: {  	[simem:s6], [sflag:s4] =	dma.local [hbm:s3], $0xF7A  }
0x26: {  	[smem:$0x3F97] =	sst s1;
	(tag) =	ssettag s2;
	_ =	strace s9  }
0x27: {  	s1 =	sld [smem:$0x3FA7]  }
0x28: {  	s2 =	sld [smem:$0x3FA8]  }
0x29: {  	s4 =	sld [smem:$0x3FAA]  }
0x2a: {  	p0 =	seq.s32 s5, $0x0;
	s5 =	sld [smem:$0x3FAB]  }
0x2b: {  	s6 =	sld [smem:$0x3FAC]  }
0x2c: {  	s7 =	sld [smem:$0x3FAD]  }
0x2d: {  	s3 =	simm.s32 $0x108;
	s8 =	sld [smem:$0x3FAE]  }
0x2e: {  	s3 =	simm.s32 @!p0 $0x1082;
	s9 =	sld [smem:$0x3FAF]  }
0x2f: {  	lr =	sadd.s32 s0, s3;
	s0 =	sld [smem:$0x3FA6]  }
0x30: {  	s3 =	sld [smem:$0x3FA9]  }
0x31: {  	[smem:$0x3FB2] =	sst s10  }
0x32: {  	s10 =	sld [smem:$0x3FB0];
	_ =	sdelay $0x3  }
0x33: {  	p0 =	seq.s32 s10, $0x1;
	s10 =	sld [smem:$0x3FB2];
	_ =	sdelay $0x3  }
0x34: {  	[smem:$0x3FB2] =	sst s10  }
0x35: {  	s10 =	sld [smem:$0x3FB1];
	_ =	sdelay $0x3  }
0x36: {  	p1 =	seq.s32 s10, $0x1;
	s10 =	sld [smem:$0x3FB2];
	_ =	sdelay $0x3  }
0x37: {  	[smem:$0x3FB2] =	sst s10  }
0x38: {  	s10 =	sld [smem:$0x3FB3]  }
0x39: {  	_ = 	snop;
	(pc) =	sbr.ind lr, $3  }
0x3a: {  	_ = 	snop  }
0x3b: {  	_ = 	snop  }
0x3c: {  	p2 =	seq.s32 s10, $0x1;
	s10 =	sld [smem:$0x3FB2]  }
0x3d: {  	_ =	shalt  }
0x3e: {  	_ =	shalt  }
0x3f: {  	_ =	shalt  }
0x40: {  	_ =	shalt  }
0x41: {  	_ =	shalt  }
0x42: {  	_ =	shalt  }
0x43: {  	_ =	shalt  }
0x44: {  	_ =	shalt  }
0x45: {  	_ =	shalt  }
0x46: {  	_ =	shalt  }
0x47: {  	_ =	shalt  }
0x48: {  	_ =	shalt  }
0x49: {  	_ =	shalt  }
0x4a: {  	_ =	shalt  }
0x4b: {  	_ =	shalt  }
0x4c: {  	_ =	shalt  }
0x4d: {  	_ =	shalt  }
0x4e: {  	_ =	shalt  }
0x4f: {  	_ =	shalt  }
0x50: {  	_ =	shalt  }
0x51: {  	_ =	shalt  }
0x52: {  	_ =	shalt  }
0x53: {  	_ =	shalt  }
0x54: {  	_ =	shalt  }
0x55: {  	_ =	shalt  }
0x56: {  	_ =	shalt  }
0x57: {  	_ =	shalt  }
0x58: {  	_ =	shalt  }
0x59: {  	_ =	shalt  }
0x5a: {  	_ =	shalt  }
0x5b: {  	_ =	shalt  }
0x5c: {  	_ =	shalt  }
0x5d: {  	_ =	shalt  }
0x5e: {  	_ =	shalt  }
0x5f: {  	_ =	shalt  }
0x60: {  	_ =	shalt  }
0x61: {  	_ =	shalt  }
0x62: {  	_ =	shalt  }
0x63: {  	_ =	shalt  }
0x64: {  	_ =	shalt  }
0x65: {  	_ =	shalt  }
0x66: {  	_ =	shalt  }
0x67: {  	_ =	shalt  }
0x68: {  	_ =	shalt  }
0x69: {  	_ =	shalt  }
0x6a: {  	_ =	shalt  }
0x6b: {  	_ =	shalt  }
0x6c: {  	_ =	shalt  }
0x6d: {  	_ =	shalt  }
0x6e: {  	_ =	shalt  }
0x6f: {  	_ =	shalt  }
0x70: {  	_ =	shalt  }
0x71: {  	_ =	shalt  }
0x72: {  	_ =	shalt  }
0x73: {  	_ =	shalt  }
0x74: {  	_ =	shalt  }
0x75: {  	_ =	shalt  }
0x76: {  	_ =	shalt  }
0x77: {  	_ =	shalt  }
0x78: {  	_ =	shalt  }
0x79: {  	_ =	shalt  }
0x7a: {  	_ =	shalt  }
0x7b: {  	_ =	shalt  }
0x7c: {  	_ =	shalt  }
0x7d: {  	_ =	shalt  }
0x7e: {  	_ =	shalt  }
0x7f: {  	_ =	shalt  }
0x80: {  	_ =	shalt  }
0x81: {  	_ =	shalt  }
0x82: {  	_ =	shalt  }
0x83: {  	_ =	shalt  }
0x84: {  	_ =	shalt  }
0x85: {  	_ =	shalt  }
0x86: {  	_ =	shalt  }
0x87: {  	_ =	shalt  }
.Lfunc_end0:
.L_simem_size_0:
called_computation.1_lowered:
.L_overlay_start_0:
0x88: {  	s2 =	sld [smem:$0x3FD9]  }
0x89: {  	s3 =	sld [smem:$0x3FFE];
	_ =	sdelay $0x1  }
0x8a: {  	s1 =	srdreg.scid  }
0x8b: {  	s0 =	sand.u32 $0x1, s1  }
0x8c: {  	s16 =	sshll.u32 s0, $0xA;
	s2 =	sadd.s32 s3, s2  }
0x8d: {  	s2 =	sadd.s32 s2, s16  }
0x8e: {  	[smem:$0x3FBE] =	sst s2  }
0x8f: {  	_ = 	snop  }
0x90: {  	(tm) =	ssettm $0x1  }
0x91: {  	s17 =	sld [smem:$0x3FFB];
	_ =	sdelay $0x3  }
0x92: {  	_ =	strace s17  }
0x93: {  	s2 =	sld [smem:$0x3FFC];
	_ =	sdelay $0x3  }
0x94: {  	_ =	strace s2  }
0x95: {  	s2 =	sld [smem:$0x3FFD];
	_ =	sdelay $0x3  }
0x96: {  	_ =	strace s2  }
0x97: {  	_ =	strace $0x8FFFFFFF  }
0x98: {  	s18 =	sld [smem:$0x3FDB];
	_ =	sdelay $0x1  }
0x99: {  	s19 =	simm.s32 $_scs_section_size  }
0x9a: {  	s4 =	simm.s32 $_size__tile_overlayer_lowered;
	s5 =	simm.s32 $_tile_overlayer_lowered  }
0x9b: {  	s22 =	simm.s32 $0x1BFF;
	s21 =	sshll.u32 s5, $0x1;
	s2 =	sadd.s32 s19, s18  }
0x9c: {  	s6 =	simm.s32 $0x0;
	s20 =	sshll.u32 s4, $0x1;
	s4 =	sadd.s32 s21, s2  }
0x9d: {  	[timem:s6], [sflag:s22] =	dma.local [hbm:s4], s20  }
0x9e: {  	_ =	swait.ge [sflag:s22], s20  }
0x9f: {  	s3 =	ssub.s32 $0x0, s20;
	[sflag:s22] =	ssyncset.done $0x0  }
0xa0: {  	[sflag:s22] =	ssyncadd.s32 s3;
	_ =	sdelay $0x1  }
0xa1: {  	s23 =	simm.s32 $0x1B8B  }
0xa2: {  	_ =	swait.ge [sflag:s23], $0x1  }
0xa3: {  	[sflag:s23] =	ssyncset.done $0x0  }
0xa4: {  	s25 =	simm.s32 $0x1B8E;
	s24 =	sld [smem:$0x3FFE];
	[sflag:s23] =	ssyncadd.s32 $0xFFFFFFFF  }
0xa5: {  	s26 =	simm.s32 $execute0_lowered;
	[smem:$0x3FD2] =	sst s25  }
0xa6: {  	s4 =	sshll.u32 s26, $0x1;
	_ =	strace $0x80000049;
	[dreg:$0x1] =	wrdreg $0xFFFFFFFF  }
0xa7: {  	s28 =	simm.s32 $_size_execute0_lowered;
	s2 =	sadd.s32 s2, s4;
	[dreg:$0x0] =	wrdreg $0x0  }
0xa8: {  	s4 =	sshll.u32 s28, $0x1;
	[dreg:$0x2] =	wrdreg s2  }
0xa9: {  	[dreg:$0x3] =	wrdreg s4  }
0xaa: {  	[dreg:$0x4] =	wrdreg $0xC0  }
0xab: {  	_ =	task [dreg:s6], $0x5FFFF  }
0xac: {  	[dreg:$0x1] =	wrdreg $0xFFFFFFFF  }
0xad: {  	[dreg:$0x0] =	wrdreg $0x60  }
0xae: {  	[dreg:$0x2] =	wrdreg s24  }
0xaf: {  	[dreg:$0x3] =	wrdreg $0x0  }
0xb0: {  	[dreg:$0x4] =	wrdreg $0x9  }
0xb1: {  	_ =	task.clear_ibuf [dreg:s6], $0x5FFFF;
	_ =	strace $0x90000049  }
0xb2: {  	s29 =	simm.s32 $0x9;
	_ =	strace $0x8000004B  }
0xb3: {  	_ =	swait.ge [sflag:s29], $0x1  }
0xb4: {  	[sflag:s29] =	ssyncadd.s32 $0xFFFFFFFF  }
0xb5: {  	_ =	strace $0x9000004B  }
0xb6: {  	_ =	sfence  }
0xb7: {  	s30 =	sld [smem:$0x0];
	_ =	sdelay $0x2  }
0xb8: {  	s31 =	sshll.u32 s1, $0xD;
	s1 =	sshrl.u32 s1, $0x2  }
0xb9: {  	s3 =	sand.u32 $0x4000, s31;
	s1 =	sadd.s32 s1, s30  }
0xba: {  	s0 =	sor.u32 s3, s0;
	s1 =	sshll.u32 s1, $0x11  }
0xbb: {  	s0 =	sor.u32 s1, s0  }
0xbc: {  	s0 =	sadd.s32 $0x8F2B, s0  }
0xbd: {  	[sflag:s0] =	ssyncadd.remote.s32 $0x1  }
0xbe: {  	_ =	sfence.sel $0xFFFF  }
0xbf: {  	[dreg:$0x0] =	wrdreg $0xFFFFFFFF;
	(pc) =	sbr.abs _section_cstart, $3  }
0xc0: {  	[dreg:$0x1] =	wrdreg $0xFFFFFFFF  }
0xc1: {  	_ =	task.clear_ibuf [dreg:s6], $0x2FFFF;
	_ =	strace $0x9FFFFFFF  }
0xc2: {  	(tm) =	ssettm $0x7FFFFFFF  }
0xc3: {  	_ =	shalt  }
tec
execute0_lowered:
.L_overlay_start_1:
0x0: {  	(tag) =	ssettag $0x1  }
0x1: {  	s0 =	rddreg [dreg:$0x0]  }
0x2: {  	s1 =	rddreg [dreg:$0x1];
	s3 =	simm.s32 $0x0;
	s12 =	stileid.u32  }
0x3: {  	s2 =	srdreg.scid;
	s23 =	simm.s32 $0x13C80;
	s15 =	simm.s32 $0x7  }
0x4: {  	s16 =	simm.s32 $0x18400;
	s24 =	simm.s32 $0x13E00;
	s25 =	simm.s32 $0x13D00  }
0x5: {  	s26 =	simm.s32 $0x13E80;
	s28 =	simm.s32 $0x14200;
	s29 =	simm.s32 $0x14100  }
0x6: {  	s30 =	simm.s32 $0x14280;
	s31 =	simm.s32 $0x14180;
	[smem:$0x7FF] =	sst s3  }
0x7: {  	s5 =	smul.u32 $0x13C00, s12;
	s2 =	sand.u32 $0x1, s2;
	s6 =	sshll.u32 s12, $0x1  }
0x8: {  	s4 =	sadd.s32 $0x17400, s0;
	s8 =	sadd.s32 $0x3400, s0;
	s17 =	smul.u32 $0xA000, s12  }
0x9: {  	s11 =	smul.u32 $0x4F000, s12;
	_ =	strace $0x8000004A;
	[dreg:$0x5] =	wrdreg s23  }
0xa: {  	s22 =	sshll.u32 s12, $0x6;
	s12 =	simm.s32 $0x14400;
	[dreg:$0x6] =	wrdreg s24  }
0xb: {  	s7 =	smul.u32 $0x13C000, s2;
	s6 =	sor.u32 s2, s6;
	[dreg:$0x7] =	wrdreg s25  }
0xc: {  	s10 =	ssub.s32 $0x2, s2;
	s2 =	smul.u32 $0x5000, s2;
	[dreg:$0x8] =	wrdreg s26  }
0xd: {  	s23 =	simm.s32 $0x13F00;
	s24 =	simm.s32 $0x2;
	s25 =	simm.s32 $0x13F80  }
0xe: {  	s26 =	simm.s32 $0x14080;
	s9 =	sshrl.u32 s5, $0x3;
	s6 =	smul.u32 $0x5000, s6  }
0xf: {  	s18 =	sshrl.u32 s10, $0x1;
	s19 =	sshrl.u32 s11, $0x2;
	s11 =	simm.s32 $0x80  }
0x10: {  	s9 =	sadd.s32 s9, s0;
	s5 =	sadd.s32 s5, s7;
	s2 =	sadd.s32 s2, s17  }
0x11: {  	s17 =	simm.s32 $0x3;
	s5 =	sshrl.u32 s5, $0x3;
	s6 =	sshrl.u32 s6, $0x3  }
0x12: {  	s7 =	sor.u32 $0x800, s2;
	s2 =	sor.u32 $0x400, s2;
	s9 =	sadd.s32 $0x3E600, s9  }
0x13: {  	s0 =	sadd.s32 s5, s0;
	s5 =	ssub.s32 s10, s18;
	s6 =	sadd.s32 s8, s6  }
0x14: {  	s7 =	sshrl.u32 s7, $0x3;
	[dreg:$0xa] =	wrdreg s9;
	s2 =	sshrl.u32 s2, $0x3  }
0x15: {  	s18 =	simm.s32 $0x5;
	[dreg:$0x9] =	wrdreg s6;
	s6 =	sadd.s32 s19, s1  }
0x16: {  	s7 =	sadd.s32 s7, s8;
	s0 =	sadd.s32 $0x65E00, s0;
	s20 =	sadd.s32 s2, s8  }
0x17: {  	s21 =	smax.u32 s5, $0x1;
	s8 =	sor.u32 $0x1C07, s22;
	[dreg:$0xb] =	wrdreg s0  }
0x18: {  	s19 =	simm.s32 $0x14000;
	s22 =	simm.s32 $0x13D80;
	[dreg:$0x3] =	wrdreg s7  }
0x19: {  	s2 =	simm.s32 $0x14380;
	s5 =	simm.s32 $0x0;
	[dreg:$0xc] =	wrdreg s21  }
0x1a: {  	[dreg:$0x4] =	wrdreg s20;
	s9 =	sshrl.u32 s6, $0x3;
	s20 =	simm.s32 $0x4  }
0x1b: {  	s21 =	simm.s32 $0x6;
	s0 =	simm.s32 $0x14300;
	[dreg:$0xd] =	wrdreg s9  }
.LBB2_1:
0x1c: {  	s6 =	rddreg [dreg:$0x9];
	s7 =	simm.s32 $0x13C00;
	s14 =	simm.s32 $0x1  }
0x1d: {  	[tilespmem:s7], [sflag:$0x1] =	stream.linear.gather [hbm4b:s6+s3], $0x400, $0x38;
	[tilespmem:$0x1C400] =	vst v63  }
0x1e: {  	_ =	swait.ge [sflag:s14], $0x400  }
0x1f: {  	[sflag:s14] =	ssyncset.done $0x0  }
0x20: {  	s10 =	rddreg [dreg:$0xa];
	[sflag:s14] =	ssyncadd.s32 $0xFFFFFC00  }
0x21: {  	[tilespmem:s12], [sflag:$0x3] =	stream.indirect.gather [hbm4b:s4+s11], $0x80, s7, s11, $0xb8;
	[tilespmem:$0x1C400] =	vst v63  }
0x22: {  	[spmem:s9], [sflag:s8] =	dma.local [hbm:s10], $0x2780  }
0x23: {  	_ =	swait.ge [sflag:s15], $0x2780  }
0x24: {  	[sflag:s15] =	ssyncset.done $0x0  }
0x25: {  	p0 =	por $0x1, $0x1;
	[sflag:s15] =	ssyncadd.s32 $0xFFFFD880  }
0x26: {  	s6 =	simm.s32 @!p0 $0x6;
	[bflag:$0x0] =	sbarrier.arrive $0xFFFF  }
0x27: {  	_ =	swait.ge @!p0 [sflag:s6], $0x4000  }
0x28: {  	[sflag:s6] =	ssyncset.done @!p0 $0x0  }
0x29: {  	s13 =	rddreg [dreg:$0x5];
	[sflag:s6] =	ssyncadd.s32 @!p0 $0xFFFFC000  }
0x2a: {  	[tilespmem:s16], [sflag:$0x4] =	stream.indirect.gather [hbm4b:s4+s11], $0x80, s13, s11, $0xb8;
	[tilespmem:$0x1C400] =	vst v63  }
0x2b: {  	_ =	swait.ge [sflag:s17], $0x4000  }
0x2c: {  	[sflag:s17] =	ssyncset.done $0x0  }
0x2d: {  	s14 =	smov.u32 s8;
	s8 =	rddreg [dreg:$0x6];
	[sflag:s17] =	ssyncadd.s32 $0xFFFFC000  }
0x2e: {  	[spmem:s1] =	stream.indirect.scatter.add.f32 [tilespmem:s12], [sflag:$0x5], $0x80, s8, s11, $0xb8;
	[tilespmem:$0x1C400] =	vst v63  }
0x2f: {  	_ =	swait.ge [sflag:s18], $0x4000  }
0x30: {  	s9 =	rddreg [dreg:$0x4];
	[sflag:s18] =	ssyncset.done $0x0  }
0x31: {  	[sflag:s18] =	ssyncadd.s32 $0xFFFFC000;
	s6 =	sadd.s32 $0x0, s9  }
0x32: {  	[tilespmem:s19], [sflag:$0x2] =	stream.linear.gather [hbm4b:s6+s3], $0x400, $0x38;
	[tilespmem:$0x1C400] =	vst v63  }
0x33: {  	s10 =	rddreg [dreg:$0x7]  }
0x34: {  	[tilespmem:s12], [sflag:$0x3] =	stream.indirect.gather [hbm4b:s4+s11], $0x80, s10, s11, $0xb8;
	[tilespmem:$0x1C400] =	vst v63  }
0x35: {  	_ =	swait.ge [sflag:s20], $0x4000  }
0x36: {  	[sflag:s20] =	ssyncset.done $0x0  }
0x37: {  	s13 =	rddreg [dreg:$0x8];
	[sflag:s20] =	ssyncadd.s32 $0xFFFFC000  }
0x38: {  	[spmem:s1] =	stream.indirect.scatter.add.f32 [tilespmem:s16], [sflag:$0x6], $0x80, s13, s11, $0xb8;
	[tilespmem:$0x1C400] =	vst v63  }
0x39: {  	_ =	swait.ge [sflag:s21], $0x4000  }
0x3a: {  	[sflag:s21] =	ssyncset.done $0x0  }
0x3b: {  	[sflag:s21] =	ssyncadd.s32 $0xFFFFC000  }
0x3c: {  	[tilespmem:s16], [sflag:$0x4] =	stream.indirect.gather [hbm4b:s4+s11], $0x80, s22, s11, $0xb8;
	[tilespmem:$0x1C400] =	vst v63  }
0x3d: {  	_ =	swait.ge [sflag:s17], $0x4000  }
0x3e: {  	[sflag:s17] =	ssyncset.done $0x0  }
0x3f: {  	[sflag:s17] =	ssyncadd.s32 $0xFFFFC000  }
0x40: {  	[spmem:s1] =	stream.indirect.scatter.add.f32 [tilespmem:s12], [sflag:$0x5], $0x80, s23, s11, $0xb8;
	[tilespmem:$0x1C400] =	vst v63  }
0x41: {  	_ =	swait.ge [sflag:s18], $0x4000  }
0x42: {  	[sflag:s18] =	ssyncset.done $0x0  }
0x43: {  	[sflag:s18] =	ssyncadd.s32 $0xFFFFC000  }
0x44: {  	_ =	swait.ge [sflag:s24], $0x400  }
0x45: {  	[sflag:s24] =	ssyncset.done $0x0  }
0x46: {  	[sflag:s24] =	ssyncadd.s32 $0xFFFFFC00  }
0x47: {  	[tilespmem:s12], [sflag:$0x3] =	stream.indirect.gather [hbm4b:s4+s11], $0x80, s19, s11, $0xb8;
	[tilespmem:$0x1C400] =	vst v63  }
0x48: {  	_ =	swait.ge [sflag:s20], $0x4000  }
0x49: {  	[sflag:s20] =	ssyncset.done $0x0  }
0x4a: {  	[sflag:s20] =	ssyncadd.s32 $0xFFFFC000  }
0x4b: {  	[spmem:s1] =	stream.indirect.scatter.add.f32 [tilespmem:s16], [sflag:$0x6], $0x80, s25, s11, $0xb8;
	[tilespmem:$0x1C400] =	vst v63  }
0x4c: {  	_ =	swait.ge [sflag:s21], $0x4000  }
0x4d: {  	[sflag:s21] =	ssyncset.done $0x0  }
0x4e: {  	[sflag:s21] =	ssyncadd.s32 $0xFFFFC000  }
0x4f: {  	[tilespmem:s16], [sflag:$0x4] =	stream.indirect.gather [hbm4b:s4+s11], $0x80, s26, s11, $0xb8;
	[tilespmem:$0x1C400] =	vst v63  }
0x50: {  	_ =	swait.ge [sflag:s17], $0x4000  }
0x51: {  	[sflag:s17] =	ssyncset.done $0x0  }
0x52: {  	[sflag:s17] =	ssyncadd.s32 $0xFFFFC000  }
0x53: {  	[spmem:s1] =	stream.indirect.scatter.add.f32 [tilespmem:s12], [sflag:$0x5], $0x80, s28, s11, $0xb8;
	[tilespmem:$0x1C400] =	vst v63  }
0x54: {  	p0 =	por $0x0, $0x0;
	_ =	swait.ge [sflag:s18], $0x4000  }
0x55: {  	s7 =	simm.s32 @!p0 $0x0;
	s6 =	rddreg [dreg:$0x3];
	[sflag:s18] =	ssyncset.done $0x0  }
0x56: {  	s9 =	simm.s32 @!p0 $0x13C00;
	[sflag:s18] =	ssyncadd.s32 $0xFFFFC000;
	s6 =	sadd.s32 @!p0 $0x0, s6  }
0x57: {  	[tilespmem:s9], [sflag:$0x1] =	stream.linear.gather @!p0 [hbm4b:s6+s7], $0x400, $0x38;
	[tilespmem:$0x1C400] =	vst v63  }
0x58: {  	_ = 	snop  }
0x59: {  	[tilespmem:s12], [sflag:$0x3] =	stream.indirect.gather [hbm4b:s4+s11], $0x80, s29, s11, $0xb8;
	[tilespmem:$0x1C400] =	vst v63  }
0x5a: {  	_ =	swait.ge [sflag:s20], $0x4000  }
0x5b: {  	[sflag:s20] =	ssyncset.done $0x0  }
0x5c: {  	[sflag:s20] =	ssyncadd.s32 $0xFFFFC000  }
0x5d: {  	[spmem:s1] =	stream.indirect.scatter.add.f32 [tilespmem:s16], [sflag:$0x6], $0x80, s30, s11, $0xb8;
	[tilespmem:$0x1C400] =	vst v63  }
0x5e: {  	_ =	swait.ge [sflag:s21], $0x4000  }
0x5f: {  	[sflag:s21] =	ssyncset.done $0x0  }
0x60: {  	[sflag:s21] =	ssyncadd.s32 $0xFFFFC000  }
0x61: {  	[tilespmem:s16], [sflag:$0x4] =	stream.indirect.gather [hbm4b:s4+s11], $0x80, s31, s11, $0xb8;
	[tilespmem:$0x1C400] =	vst v63  }
0x62: {  	_ =	swait.ge [sflag:s17], $0x4000  }
0x63: {  	[sflag:s17] =	ssyncset.done $0x0  }
0x64: {  	[sflag:s17] =	ssyncadd.s32 $0xFFFFC000  }
0x65: {  	[spmem:s1] =	stream.indirect.scatter.add.f32 [tilespmem:s12], [sflag:$0x5], $0x80, s0, s11, $0xb8;
	[tilespmem:$0x1C400] =	vst v63  }
0x66: {  	_ =	swait.ge [sflag:s18], $0x4000  }
0x67: {  	[sflag:s18] =	ssyncset.done $0x0  }
0x68: {  	s6 =	simm.s32 @!p0 $0x1;
	[sflag:s18] =	ssyncadd.s32 $0xFFFFC000  }
0x69: {  	_ =	swait.ge @!p0 [sflag:s6], $0x400  }
0x6a: {  	p1 =	por $0x0, $0x0;
	[sflag:s6] =	ssyncset.done @!p0 $0x0  }
0x6b: {  	s7 =	simm.s32 @!p0 $0x80;
	[sflag:s6] =	ssyncadd.s32 @!p0 $0xFFFFFC00;
	s6 =	simm.s32 @!p0 $0x14400  }
0x6c: {  	[tilespmem:s6], [sflag:$0x3] =	stream.indirect.gather @!p0 [hbm4b:s4+s7], $0x80, s9, s7, $0xb8;
	[tilespmem:$0x1C400] =	vst v63  }
0x6d: {  	s6 =	simm.s32 $0x100;
	s9 =	simm.s32 $0x200;
	_ =	swait.ge [sflag:s20], $0x4000  }
.LBB2_2:
0x6e: {  	[sflag:s20] =	ssyncset.done $0x0  }
0x6f: {  	s8 =	simm.s32 @!p1 $0x6;
	[sflag:s20] =	ssyncadd.s32 $0xFFFFC000  }
0x70: {  	[spmem:s1] =	stream.indirect.scatter.add.f32 [tilespmem:s16], [sflag:$0x6], $0x80, s2, s11, $0xb8;
	[tilespmem:$0x1C400] =	vst v63  }
0x71: {  	_ =	swait.ge @!p1 [sflag:s8], $0x4000  }
0x72: {  	[sflag:s8] =	ssyncset.done @!p1 $0x0  }
0x73: {  	s10 =	rddreg [dreg:$0x5];
	[sflag:s8] =	ssyncadd.s32 @!p1 $0xFFFFC000  }
0x74: {  	[tilespmem:s16], [sflag:$0x4] =	stream.indirect.gather [hbm4b:s4+s11], $0x80, s10, s11, $0xb8;
	[tilespmem:$0x1C400] =	vst v63  }
0x75: {  	_ =	swait.ge [sflag:s17], $0x4000  }
0x76: {  	[sflag:s17] =	ssyncset.done $0x0  }
0x77: {  	s13 =	rddreg [dreg:$0x6];
	[sflag:s17] =	ssyncadd.s32 $0xFFFFC000  }
0x78: {  	[spmem:s1] =	stream.indirect.scatter.add.f32 [tilespmem:s12], [sflag:$0x5], $0x80, s13, s11, $0xb8;
	[tilespmem:$0x1C400] =	vst v63  }
0x79: {  	_ =	swait.ge [sflag:s18], $0x4000  }
0x7a: {  	s10 =	rddreg [dreg:$0x4];
	[sflag:s18] =	ssyncset.done $0x0  }
0x7b: {  	[sflag:s18] =	ssyncadd.s32 $0xFFFFC000;
	s8 =	sadd.s32 s6, s10  }
0x7c: {  	[tilespmem:s19], [sflag:$0x2] =	stream.linear.gather [hbm4b:s8+s3], $0x400, $0x38;
	[tilespmem:$0x1C400] =	vst v63  }
0x7d: {  	s13 =	rddreg [dreg:$0x7]  }
0x7e: {  	[tilespmem:s12], [sflag:$0x3] =	stream.indirect.gather [hbm4b:s4+s11], $0x80, s13, s11, $0xb8;
	[tilespmem:$0x1C400] =	vst v63  }
0x7f: {  	_ =	swait.ge [sflag:s20], $0x4000  }
0x80: {  	[sflag:s20] =	ssyncset.done $0x0  }
0x81: {  	s13 =	rddreg [dreg:$0x8];
	[sflag:s20] =	ssyncadd.s32 $0xFFFFC000  }
0x82: {  	[spmem:s1] =	stream.indirect.scatter.add.f32 [tilespmem:s16], [sflag:$0x6], $0x80, s13, s11, $0xb8;
	[tilespmem:$0x1C400] =	vst v63  }
0x83: {  	_ =	swait.ge [sflag:s21], $0x4000  }
0x84: {  	[sflag:s21] =	ssyncset.done $0x0  }
0x85: {  	[sflag:s21] =	ssyncadd.s32 $0xFFFFC000  }
0x86: {  	[tilespmem:s16], [sflag:$0x4] =	stream.indirect.gather [hbm4b:s4+s11], $0x80, s22, s11, $0xb8;
	[tilespmem:$0x1C400] =	vst v63  }
0x87: {  	_ =	swait.ge [sflag:s17], $0x4000  }
0x88: {  	[sflag:s17] =	ssyncset.done $0x0  }
0x89: {  	[sflag:s17] =	ssyncadd.s32 $0xFFFFC000  }
0x8a: {  	[spmem:s1] =	stream.indirect.scatter.add.f32 [tilespmem:s12], [sflag:$0x5], $0x80, s23, s11, $0xb8;
	[tilespmem:$0x1C400] =	vst v63  }
0x8b: {  	_ =	swait.ge [sflag:s18], $0x4000  }
0x8c: {  	[sflag:s18] =	ssyncset.done $0x0  }
0x8d: {  	[sflag:s18] =	ssyncadd.s32 $0xFFFFC000  }
0x8e: {  	_ =	swait.ge [sflag:s24], $0x400  }
0x8f: {  	[sflag:s24] =	ssyncset.done $0x0  }
0x90: {  	[sflag:s24] =	ssyncadd.s32 $0xFFFFFC00  }
0x91: {  	[tilespmem:s12], [sflag:$0x3] =	stream.indirect.gather [hbm4b:s4+s11], $0x80, s19, s11, $0xb8;
	[tilespmem:$0x1C400] =	vst v63  }
0x92: {  	_ =	swait.ge [sflag:s20], $0x4000  }
0x93: {  	[sflag:s20] =	ssyncset.done $0x0  }
0x94: {  	[sflag:s20] =	ssyncadd.s32 $0xFFFFC000  }
0x95: {  	[spmem:s1] =	stream.indirect.scatter.add.f32 [tilespmem:s16], [sflag:$0x6], $0x80, s25, s11, $0xb8;
	[tilespmem:$0x1C400] =	vst v63  }
0x96: {  	_ =	swait.ge [sflag:s21], $0x4000  }
0x97: {  	[sflag:s21] =	ssyncset.done $0x0  }
0x98: {  	[sflag:s21] =	ssyncadd.s32 $0xFFFFC000  }
0x99: {  	[tilespmem:s16], [sflag:$0x4] =	stream.indirect.gather [hbm4b:s4+s11], $0x80, s26, s11, $0xb8;
	[tilespmem:$0x1C400] =	vst v63  }
0x9a: {  	_ =	swait.ge [sflag:s17], $0x4000  }
0x9b: {  	[sflag:s17] =	ssyncset.done $0x0  }
0x9c: {  	[sflag:s17] =	ssyncadd.s32 $0xFFFFC000  }
0x9d: {  	[spmem:s1] =	stream.indirect.scatter.add.f32 [tilespmem:s12], [sflag:$0x5], $0x80, s28, s11, $0xb8;
	[tilespmem:$0x1C400] =	vst v63  }
0x9e: {  	p1 =	seq.s32 s6, $0x900;
	_ =	swait.ge [sflag:s18], $0x4000  }
0x9f: {  	s10 =	simm.s32 @!p1 $0x0;
	s8 =	rddreg [dreg:$0x3];
	[sflag:s18] =	ssyncset.done $0x0  }
0xa0: {  	s13 =	simm.s32 @!p1 $0x13C00;
	[sflag:s18] =	ssyncadd.s32 $0xFFFFC000;
	s8 =	sadd.s32 @!p1 s6, s8  }
0xa1: {  	[tilespmem:s13], [sflag:$0x1] =	stream.linear.gather @!p1 [hbm4b:s8+s10], $0x400, $0x38;
	[tilespmem:$0x1C400] =	vst v63  }
0xa2: {  	_ = 	snop  }
0xa3: {  	[tilespmem:s12], [sflag:$0x3] =	stream.indirect.gather [hbm4b:s4+s11], $0x80, s29, s11, $0xb8;
	[tilespmem:$0x1C400] =	vst v63  }
0xa4: {  	_ =	swait.ge [sflag:s20], $0x4000  }
0xa5: {  	[sflag:s20] =	ssyncset.done $0x0  }
0xa6: {  	[sflag:s20] =	ssyncadd.s32 $0xFFFFC000  }
0xa7: {  	[spmem:s1] =	stream.indirect.scatter.add.f32 [tilespmem:s16], [sflag:$0x6], $0x80, s30, s11, $0xb8;
	[tilespmem:$0x1C400] =	vst v63  }
0xa8: {  	_ =	swait.ge [sflag:s21], $0x4000  }
0xa9: {  	[sflag:s21] =	ssyncset.done $0x0  }
0xaa: {  	[sflag:s21] =	ssyncadd.s32 $0xFFFFC000  }
0xab: {  	[tilespmem:s16], [sflag:$0x4] =	stream.indirect.gather [hbm4b:s4+s11], $0x80, s31, s11, $0xb8;
	[tilespmem:$0x1C400] =	vst v63  }
0xac: {  	_ =	swait.ge [sflag:s17], $0x4000  }
0xad: {  	[sflag:s17] =	ssyncset.done $0x0  }
0xae: {  	[sflag:s17] =	ssyncadd.s32 $0xFFFFC000  }
0xaf: {  	[spmem:s1] =	stream.indirect.scatter.add.f32 [tilespmem:s12], [sflag:$0x5], $0x80, s0, s11, $0xb8;
	[tilespmem:$0x1C400] =	vst v63  }
0xb0: {  	s7 =	smov.u32 s9;
	s9 =	sadd.s32 $0x100, s9;
	_ =	swait.ge [sflag:s18], $0x4000  }
0xb1: {  	p0 =	sne.s32 s9, $0xA00;
	[sflag:s18] =	ssyncset.done $0x0  }
0xb2: {  	s6 =	smov.u32 s7;
	s7 =	simm.s32 @!p1 $0x1;
	[sflag:s18] =	ssyncadd.s32 $0xFFFFC000  }
.Ltmp0:
0xb3: {  	_ =	swait.ge @!p1 [sflag:s7], $0x400;
	(pc) =	sbr.rel @p0 .LBB2_2-.Ltmp0, $4  }
0xb4: {  	[sflag:s7] =	ssyncset.done @!p1 $0x0  }
0xb5: {  	s8 =	simm.s32 @!p1 $0x80;
	s10 =	simm.s32 @!p1 $0x14400;
	[sflag:s7] =	ssyncadd.s32 @!p1 $0xFFFFFC00  }
0xb6: {  	[tilespmem:s10], [sflag:$0x3] =	stream.indirect.gather @!p1 [hbm4b:s4+s8], $0x80, s13, s8, $0xb8;
	[tilespmem:$0x1C400] =	vst v63  }
0xb7: {  	p1 =	seq.s32 s6, $0x0;
	_ =	swait.ge [sflag:s20], $0x4000  }
0xb8: {  	[sflag:s20] =	ssyncset.done $0x0  }
0xb9: {  	s7 =	simm.s32 @!p1 $0x6;
	[sflag:s20] =	ssyncadd.s32 $0xFFFFC000  }
0xba: {  	[spmem:s1] =	stream.indirect.scatter.add.f32 [tilespmem:s16], [sflag:$0x6], $0x80, s2, s11, $0xb8;
	[tilespmem:$0x1C400] =	vst v63  }
0xbb: {  	_ =	swait.ge @!p1 [sflag:s7], $0x4000  }
0xbc: {  	[sflag:s7] =	ssyncset.done @!p1 $0x0  }
0xbd: {  	s8 =	rddreg [dreg:$0x5];
	[sflag:s7] =	ssyncadd.s32 @!p1 $0xFFFFC000  }
0xbe: {  	[tilespmem:s16], [sflag:$0x4] =	stream.indirect.gather [hbm4b:s4+s11], $0x80, s8, s11, $0xb8;
	[tilespmem:$0x1C400] =	vst v63  }
0xbf: {  	_ =	swait.ge [sflag:s17], $0x4000  }
0xc0: {  	[sflag:s17] =	ssyncset.done $0x0  }
0xc1: {  	s13 =	rddreg [dreg:$0x6];
	[sflag:s17] =	ssyncadd.s32 $0xFFFFC000  }
0xc2: {  	[spmem:s1] =	stream.indirect.scatter.add.f32 [tilespmem:s12], [sflag:$0x5], $0x80, s13, s11, $0xb8;
	[tilespmem:$0x1C400] =	vst v63  }
0xc3: {  	_ =	swait.ge [sflag:s18], $0x4000  }
0xc4: {  	s8 =	rddreg [dreg:$0x4];
	[sflag:s18] =	ssyncset.done $0x0  }
0xc5: {  	[sflag:s18] =	ssyncadd.s32 $0xFFFFC000;
	s7 =	sadd.s32 s6, s8  }
0xc6: {  	[tilespmem:s19], [sflag:$0x2] =	stream.linear.gather [hbm4b:s7+s3], $0x400, $0x38;
	[tilespmem:$0x1C400] =	vst v63  }
0xc7: {  	s9 =	rddreg [dreg:$0x7]  }
0xc8: {  	[tilespmem:s12], [sflag:$0x3] =	stream.indirect.gather [hbm4b:s4+s11], $0x80, s9, s11, $0xb8;
	[tilespmem:$0x1C400] =	vst v63  }
0xc9: {  	_ =	swait.ge [sflag:s20], $0x4000  }
0xca: {  	[sflag:s20] =	ssyncset.done $0x0  }
0xcb: {  	s10 =	rddreg [dreg:$0x8];
	[sflag:s20] =	ssyncadd.s32 $0xFFFFC000  }
0xcc: {  	[spmem:s1] =	stream.indirect.scatter.add.f32 [tilespmem:s16], [sflag:$0x6], $0x80, s10, s11, $0xb8;
	[tilespmem:$0x1C400] =	vst v63  }
0xcd: {  	_ =	swait.ge [sflag:s21], $0x4000  }
0xce: {  	[sflag:s21] =	ssyncset.done $0x0  }
0xcf: {  	[sflag:s21] =	ssyncadd.s32 $0xFFFFC000  }
0xd0: {  	[tilespmem:s16], [sflag:$0x4] =	stream.indirect.gather [hbm4b:s4+s11], $0x80, s22, s11, $0xb8;
	[tilespmem:$0x1C400] =	vst v63  }
0xd1: {  	_ =	swait.ge [sflag:s17], $0x4000  }
0xd2: {  	[sflag:s17] =	ssyncset.done $0x0  }
0xd3: {  	[sflag:s17] =	ssyncadd.s32 $0xFFFFC000  }
0xd4: {  	[spmem:s1] =	stream.indirect.scatter.add.f32 [tilespmem:s12], [sflag:$0x5], $0x80, s23, s11, $0xb8;
	[tilespmem:$0x1C400] =	vst v63  }
0xd5: {  	_ =	swait.ge [sflag:s18], $0x4000  }
0xd6: {  	[sflag:s18] =	ssyncset.done $0x0  }
0xd7: {  	[sflag:s18] =	ssyncadd.s32 $0xFFFFC000  }
0xd8: {  	_ =	swait.ge [sflag:s24], $0x400  }
0xd9: {  	[sflag:s24] =	ssyncset.done $0x0  }
0xda: {  	[sflag:s24] =	ssyncadd.s32 $0xFFFFFC00  }
0xdb: {  	[tilespmem:s12], [sflag:$0x3] =	stream.indirect.gather [hbm4b:s4+s11], $0x80, s19, s11, $0xb8;
	[tilespmem:$0x1C400] =	vst v63  }
0xdc: {  	_ =	swait.ge [sflag:s20], $0x4000  }
0xdd: {  	[sflag:s20] =	ssyncset.done $0x0  }
0xde: {  	[sflag:s20] =	ssyncadd.s32 $0xFFFFC000  }
0xdf: {  	[spmem:s1] =	stream.indirect.scatter.add.f32 [tilespmem:s16], [sflag:$0x6], $0x80, s25, s11, $0xb8;
	[tilespmem:$0x1C400] =	vst v63  }
0xe0: {  	_ =	swait.ge [sflag:s21], $0x4000  }
0xe1: {  	[sflag:s21] =	ssyncset.done $0x0  }
0xe2: {  	[sflag:s21] =	ssyncadd.s32 $0xFFFFC000  }
0xe3: {  	[tilespmem:s16], [sflag:$0x4] =	stream.indirect.gather [hbm4b:s4+s11], $0x80, s26, s11, $0xb8;
	[tilespmem:$0x1C400] =	vst v63  }
0xe4: {  	_ =	swait.ge [sflag:s17], $0x4000  }
0xe5: {  	[sflag:s17] =	ssyncset.done $0x0  }
0xe6: {  	[sflag:s17] =	ssyncadd.s32 $0xFFFFC000  }
0xe7: {  	[spmem:s1] =	stream.indirect.scatter.add.f32 [tilespmem:s12], [sflag:$0x5], $0x80, s28, s11, $0xb8;
	[tilespmem:$0x1C400] =	vst v63  }
0xe8: {  	p0 =	seq.s32 s6, $0x900;
	_ =	swait.ge [sflag:s18], $0x4000  }
0xe9: {  	s8 =	simm.s32 @!p0 $0x0;
	s7 =	rddreg [dreg:$0x3];
	[sflag:s18] =	ssyncset.done $0x0  }
0xea: {  	[sflag:s18] =	ssyncadd.s32 $0xFFFFC000;
	s6 =	sadd.s32 @!p0 s6, s7;
	s7 =	simm.s32 @!p0 $0x13C00  }
0xeb: {  	[tilespmem:s7], [sflag:$0x1] =	stream.linear.gather @!p0 [hbm4b:s6+s8], $0x400, $0x38;
	[tilespmem:$0x1C400] =	vst v63  }
0xec: {  	_ = 	snop  }
0xed: {  	[tilespmem:s12], [sflag:$0x3] =	stream.indirect.gather [hbm4b:s4+s11], $0x80, s29, s11, $0xb8;
	[tilespmem:$0x1C400] =	vst v63  }
0xee: {  	_ =	swait.ge [sflag:s20], $0x4000  }
0xef: {  	[sflag:s20] =	ssyncset.done $0x0  }
0xf0: {  	[sflag:s20] =	ssyncadd.s32 $0xFFFFC000  }
0xf1: {  	[spmem:s1] =	stream.indirect.scatter.add.f32 [tilespmem:s16], [sflag:$0x6], $0x80, s30, s11, $0xb8;
	[tilespmem:$0x1C400] =	vst v63  }
0xf2: {  	_ =	swait.ge [sflag:s21], $0x4000  }
0xf3: {  	[sflag:s21] =	ssyncset.done $0x0  }
0xf4: {  	[sflag:s21] =	ssyncadd.s32 $0xFFFFC000  }
0xf5: {  	[tilespmem:s16], [sflag:$0x4] =	stream.indirect.gather [hbm4b:s4+s11], $0x80, s31, s11, $0xb8;
	[tilespmem:$0x1C400] =	vst v63  }
0xf6: {  	_ =	swait.ge [sflag:s17], $0x4000  }
0xf7: {  	[sflag:s17] =	ssyncset.done $0x0  }
0xf8: {  	[sflag:s17] =	ssyncadd.s32 $0xFFFFC000  }
0xf9: {  	[spmem:s1] =	stream.indirect.scatter.add.f32 [tilespmem:s12], [sflag:$0x5], $0x80, s0, s11, $0xb8;
	[tilespmem:$0x1C400] =	vst v63  }
0xfa: {  	_ =	swait.ge [sflag:s18], $0x4000  }
0xfb: {  	[sflag:s18] =	ssyncset.done $0x0  }
0xfc: {  	s6 =	simm.s32 @!p0 $0x1;
	[sflag:s18] =	ssyncadd.s32 $0xFFFFC000  }
0xfd: {  	_ =	swait.ge @!p0 [sflag:s6], $0x400  }
0xfe: {  	[sflag:s6] =	ssyncset.done @!p0 $0x0  }
0xff: {  	s8 =	simm.s32 @!p0 $0x80;
	[sflag:s6] =	ssyncadd.s32 @!p0 $0xFFFFFC00;
	s6 =	simm.s32 @!p0 $0x14400  }
0x100: {  	[tilespmem:s6], [sflag:$0x3] =	stream.indirect.gather @!p0 [hbm4b:s4+s8], $0x80, s7, s8, $0xb8;
	[tilespmem:$0x1C400] =	vst v63  }
0x101: {  	_ =	swait.ge [sflag:s20], $0x4000  }
0x102: {  	[sflag:s20] =	ssyncset.done $0x0  }
0x103: {  	[sflag:s20] =	ssyncadd.s32 $0xFFFFC000  }
0x104: {  	[spmem:s1] =	stream.indirect.scatter.add.f32 [tilespmem:s16], [sflag:$0x6], $0x80, s2, s11, $0xb8;
	[tilespmem:$0x1C400] =	vst v63  }
0x105: {  	_ =	swait.ge [sflag:s21], $0x4000  }
0x106: {  	[sflag:s21] =	ssyncset.done $0x0  }
0x107: {  	[sflag:s21] =	ssyncadd.s32 $0xFFFFC000  }
0x108: {  	[bflag:$0x0] =	sbarrier.arrive $0xFFFF  }
0x109: {  	s13 =	rddreg [dreg:$0xb]  }
0x10a: {  	s9 =	rddreg [dreg:$0xd]  }
0x10b: {  	[hbm:s13], [sflag:s14] =	dma.local [spmem:s9], $0x2780  }
0x10c: {  	_ =	swait.ge [sflag:s15], $0x2780  }
0x10d: {  	s5 =	sadd.s32 $0x1, s5;
	s8 =	smov.u32 s14;
	s14 =	rddreg [dreg:$0xc]  }
0x10e: {  	p0 =	sne.s32 s5, s14  }
.Ltmp1:
0x10f: {  	_ = 	snop;
	(pc) =	sbr.rel @p0 .LBB2_1-.Ltmp1, $3  }
0x110: {  	_ =	sdelay $0x1  }
0x111: {  	[sflag:s15] =	ssyncset.done $0x0  }
0x112: {  	[sflag:s15] =	ssyncadd.s32 $0xFFFFD880  }
0x113: {  	_ =	sfence.sel $0x180000  }
0x114: {  	[bflag:$0x0] =	sbarrier.arrive $0xFFFF  }
0x115: {  	_ =	strace $0x9000004A  }
0x116: {  	s0 =	stileid.u32;
	[bflag:$0x2] =	sbarrier.arrive $0xFFFF  }
0x117: {  	p0 =	sne.s32 s0, $0x0;
	s0 =	rddreg [dreg:$0x2]  }
0x118: {  	s0 =	sadd.s32 @!p0 $0x100000, s0  }
0x119: {  	[sflag:s0] =	ssyncadd.tile.s32 @!p0 $0x1;
	_ =	shalt  }
.Lfunc_end2:
_tile_overlayer_lowered:
.L_overlay_start_2:
0x11a: {  	(tag) =	ssettag $0x2  }
0x11b: {  	s0 =	rddreg [dreg:$0x0];
	s2 =	stileid.u32  }
0x11c: {  	s1 =	rddreg [dreg:$0x1];
	p0 =	sne.s32 s2, $0x0  }
0x11d: {  	s3 =	rddreg [dreg:$0x2];
	[bflag:$0x3] =	sbarrier.arrive $0xFFFF;
	s2 =	simm.s32 @!p0 $0x1C07  }
0x11e: {  	[timem:s3], [sflag:s2] =	dma.local @!p0 [hbm:s0], s1  }
0x11f: {  	s0 =	simm.s32 @!p0 $0x7  }
0x120: {  	_ =	swait.ge @!p0 [sflag:s0], s1  }
0x121: {  	s1 =	ssub.s32 @!p0 $0x0, s1;
	[sflag:s0] =	ssyncset.done @!p0 $0x0  }
0x122: {  	[sflag:s0] =	ssyncadd.s32 @!p0 s1  }
0x123: {  	[bflag:$0x3] =	sbarrier.arrive $0xFFFF  }
0x124: {  	_ =	shalt  }

// kernel: kernel.17.cloned.1.call-start
scs
__scs_entry_jumppad:
0x0: {  	(pc) =	sbr.rel $0x88, $3  }
0x1: {  	(tag) =	ssettag $0x0;
	lr =	simm.s32 $0x1  }
0x2: {  	[smem:$0x3F97] =	sst lr;
	_ =	strace $0xD0000000  }
0x3: {  	_ = 	snop  }
0x4: {  	_ = 	snop  }
0x5: {  	_ = 	snop  }
0x6: {  	_ = 	snop  }
0x7: {  	_ = 	snop  }
__scs_overlays_trampoline_lowered:
0x8: {  	[smem:$0x3FA6] =	sst s0  }
0x9: {  	[smem:$0x3FA7] =	sst s1  }
0xa: {  	[smem:$0x3FA8] =	sst s2  }
0xb: {  	[smem:$0x3FA9] =	sst s3  }
0xc: {  	[smem:$0x3FAA] =	sst s4  }
0xd: {  	[smem:$0x3FAB] =	sst s5  }
0xe: {  	[smem:$0x3FAC] =	sst s6  }
0xf: {  	[smem:$0x3FAD] =	sst s7  }
0x10: {  	[smem:$0x3FAE] =	sst s8  }
0x11: {  	[smem:$0x3FAF] =	sst s9;
	s0 =	simm.s32 @!p0 $0x0  }
0x12: {  	s1 =	sld [smem:$0x3F95];
	s0 =	simm.s32 @p0 $0x1  }
0x13: {  	[smem:$0x3FB0] =	sst s0;
	s0 =	simm.s32 @!p1 $0x0  }
0x14: {  	s2 =	sld [smem:$0x3F94];
	s0 =	simm.s32 @p1 $0x1  }
0x15: {  	[smem:$0x3FB1] =	sst s0;
	s0 =	simm.s32 @!p2 $0x0  }
0x16: {  	s3 =	sld [smem:$0x3FDB];
	s0 =	simm.s32 @p2 $0x1  }
0x17: {  	s4 =	simm.s32 $0x1BF5;
	[smem:$0x3FB3] =	sst s0  }
0x18: {  	s0 =	sld [smem:$0x3F96];
	_ =	swait.ge [sflag:s4], $0x0  }
0x19: {  	s7 =	sld [smem:$0x3F97]  }
0x1a: {  	s8 =	sadd.s32 $0xFFFFE003, lr  }
0x1b: {  	s9 =	sadd.s32 $0xFFFFFEF7, lr;
	s5 =	simm.s32 $0xFFFFFFFF;
	p2 =	slt.u32 s8, $0xFFFFF086  }
0x1c: {  	p1 =	slt.u32 s9, $0xF7A;
	s5 =	simm.s32 @!p2 $0x0  }
0x1d: {  	s5 =	simm.s32 @p1 $0x1;
	p0 =	seq.s32 s7, s2  }
0x1e: {  	s7 =	smul.u32 @!p0 $0xF7A, s2;
	p2 =	seq.s32 @!p0 s5, $0x0  }
0x1f: {  	s9 =	smul.u32 $0xF7A, s1;
	s8 =	simm.s32 @!p0 $0x1BF5;
	p2 =	por !p2, p0  }
0x20: {  	[sflag:s8] =	ssyncset.s32 @!p0 $0xFFFFF086;
	s6 =	sadd.s32 @!p0 s3, s7;
	s7 =	simm.s32 @!p0 $0x108  }
0x21: {  	s3 =	sadd.s32 s3, s9;
	s6 =	sadd.s32 @!p0 $0x88, s6;
	s7 =	simm.s32 @p2 $0x1082  }
0x22: {  	[simem:s7], [sflag:s8] =	dma.local @!p0 [hbm:s6], $0xF7A  }
0x23: {  	s9 =	sor.u32 $0xD0000000, s2;
	s6 =	simm.s32 $0x108;
	_ =	swait.ge @!p0 [sflag:s8], $0x0  }
0x24: {  	s3 =	sadd.s32 $0x88, s3;
	s6 =	simm.s32 @!p1 $0x1082;
	[sflag:s4] =	ssyncset.s32 $0xFFFFF086  }
0x25: {  	[simem:s6], [sflag:s4] =	dma.local [hbm:s3], $0xF7A  }
0x26: {  	[smem:$0x3F97] =	sst s1;
	(tag) =	ssettag s2;
	_ =	strace s9  }
0x27: {  	s1 =	sld [smem:$0x3FA7]  }
0x28: {  	s2 =	sld [smem:$0x3FA8]  }
0x29: {  	s4 =	sld [smem:$0x3FAA]  }
0x2a: {  	p0 =	seq.s32 s5, $0x0;
	s5 =	sld [smem:$0x3FAB]  }
0x2b: {  	s6 =	sld [smem:$0x3FAC]  }
0x2c: {  	s7 =	sld [smem:$0x3FAD]  }
0x2d: {  	s3 =	simm.s32 $0x108;
	s8 =	sld [smem:$0x3FAE]  }
0x2e: {  	s3 =	simm.s32 @!p0 $0x1082;
	s9 =	sld [smem:$0x3FAF]  }
0x2f: {  	lr =	sadd.s32 s0, s3;
	s0 =	sld [smem:$0x3FA6]  }
0x30: {  	s3 =	sld [smem:$0x3FA9]  }
0x31: {  	[smem:$0x3FB2] =	sst s10  }
0x32: {  	s10 =	sld [smem:$0x3FB0];
	_ =	sdelay $0x3  }
0x33: {  	p0 =	seq.s32 s10, $0x1;
	s10 =	sld [smem:$0x3FB2];
	_ =	sdelay $0x3  }
0x34: {  	[smem:$0x3FB2] =	sst s10  }
0x35: {  	s10 =	sld [smem:$0x3FB1];
	_ =	sdelay $0x3  }
0x36: {  	p1 =	seq.s32 s10, $0x1;
	s10 =	sld [smem:$0x3FB2];
	_ =	sdelay $0x3  }
0x37: {  	[smem:$0x3FB2] =	sst s10  }
0x38: {  	s10 =	sld [smem:$0x3FB3]  }
0x39: {  	_ = 	snop;
	(pc) =	sbr.ind lr, $3  }
0x3a: {  	_ = 	snop  }
0x3b: {  	_ = 	snop  }
0x3c: {  	p2 =	seq.s32 s10, $0x1;
	s10 =	sld [smem:$0x3FB2]  }
0x3d: {  	_ =	shalt  }
0x3e: {  	_ =	shalt  }
0x3f: {  	_ =	shalt  }
0x40: {  	_ =	shalt  }
0x41: {  	_ =	shalt  }
0x42: {  	_ =	shalt  }
0x43: {  	_ =	shalt  }
0x44: {  	_ =	shalt  }
0x45: {  	_ =	shalt  }
0x46: {  	_ =	shalt  }
0x47: {  	_ =	shalt  }
0x48: {  	_ =	shalt  }
0x49: {  	_ =	shalt  }
0x4a: {  	_ =	shalt  }
0x4b: {  	_ =	shalt  }
0x4c: {  	_ =	shalt  }
0x4d: {  	_ =	shalt  }
0x4e: {  	_ =	shalt  }
0x4f: {  	_ =	shalt  }
0x50: {  	_ =	shalt  }
0x51: {  	_ =	shalt  }
0x52: {  	_ =	shalt  }
0x53: {  	_ =	shalt  }
0x54: {  	_ =	shalt  }
0x55: {  	_ =	shalt  }
0x56: {  	_ =	shalt  }
0x57: {  	_ =	shalt  }
0x58: {  	_ =	shalt  }
0x59: {  	_ =	shalt  }
0x5a: {  	_ =	shalt  }
0x5b: {  	_ =	shalt  }
0x5c: {  	_ =	shalt  }
0x5d: {  	_ =	shalt  }
0x5e: {  	_ =	shalt  }
0x5f: {  	_ =	shalt  }
0x60: {  	_ =	shalt  }
0x61: {  	_ =	shalt  }
0x62: {  	_ =	shalt  }
0x63: {  	_ =	shalt  }
0x64: {  	_ =	shalt  }
0x65: {  	_ =	shalt  }
0x66: {  	_ =	shalt  }
0x67: {  	_ =	shalt  }
0x68: {  	_ =	shalt  }
0x69: {  	_ =	shalt  }
0x6a: {  	_ =	shalt  }
0x6b: {  	_ =	shalt  }
0x6c: {  	_ =	shalt  }
0x6d: {  	_ =	shalt  }
0x6e: {  	_ =	shalt  }
0x6f: {  	_ =	shalt  }
0x70: {  	_ =	shalt  }
0x71: {  	_ =	shalt  }
0x72: {  	_ =	shalt  }
0x73: {  	_ =	shalt  }
0x74: {  	_ =	shalt  }
0x75: {  	_ =	shalt  }
0x76: {  	_ =	shalt  }
0x77: {  	_ =	shalt  }
0x78: {  	_ =	shalt  }
0x79: {  	_ =	shalt  }
0x7a: {  	_ =	shalt  }
0x7b: {  	_ =	shalt  }
0x7c: {  	_ =	shalt  }
0x7d: {  	_ =	shalt  }
0x7e: {  	_ =	shalt  }
0x7f: {  	_ =	shalt  }
0x80: {  	_ =	shalt  }
0x81: {  	_ =	shalt  }
0x82: {  	_ =	shalt  }
0x83: {  	_ =	shalt  }
0x84: {  	_ =	shalt  }
0x85: {  	_ =	shalt  }
0x86: {  	_ =	shalt  }
0x87: {  	_ =	shalt  }
.Lfunc_end0:
.L_simem_size_0:
called_computation.2_lowered:
.L_overlay_start_0:
0x88: {  	s2 =	sld [smem:$0x3FD9]  }
0x89: {  	s3 =	sld [smem:$0x3FFE];
	_ =	sdelay $0x1  }
0x8a: {  	s1 =	srdreg.scid  }
0x8b: {  	s0 =	sand.u32 $0x1, s1  }
0x8c: {  	s16 =	sshll.u32 s0, $0xA;
	s2 =	sadd.s32 s3, s2  }
0x8d: {  	s2 =	sadd.s32 s2, s16  }
0x8e: {  	[smem:$0x3FBE] =	sst s2  }
0x8f: {  	_ = 	snop  }
0x90: {  	(tm) =	ssettm $0x1  }
0x91: {  	s17 =	sld [smem:$0x3FFB];
	_ =	sdelay $0x3  }
0x92: {  	_ =	strace s17  }
0x93: {  	s2 =	sld [smem:$0x3FFC];
	_ =	sdelay $0x3  }
0x94: {  	_ =	strace s2  }
0x95: {  	s2 =	sld [smem:$0x3FFD];
	_ =	sdelay $0x3  }
0x96: {  	_ =	strace s2  }
0x97: {  	_ =	strace $0x8FFFFFFF  }
0x98: {  	s18 =	sld [smem:$0x3FDB];
	_ =	sdelay $0x1  }
0x99: {  	s19 =	simm.s32 $_scs_section_size  }
0x9a: {  	s4 =	simm.s32 $_size__tile_overlayer_lowered;
	s5 =	simm.s32 $_tile_overlayer_lowered  }
0x9b: {  	s22 =	simm.s32 $0x1BFF;
	s21 =	sshll.u32 s5, $0x1;
	s2 =	sadd.s32 s19, s18  }
0x9c: {  	s6 =	simm.s32 $0x0;
	s20 =	sshll.u32 s4, $0x1;
	s4 =	sadd.s32 s21, s2  }
0x9d: {  	[timem:s6], [sflag:s22] =	dma.local [hbm:s4], s20  }
0x9e: {  	_ =	swait.ge [sflag:s22], s20  }
0x9f: {  	s3 =	ssub.s32 $0x0, s20;
	[sflag:s22] =	ssyncset.done $0x0  }
0xa0: {  	[sflag:s22] =	ssyncadd.s32 s3;
	_ =	sdelay $0x1  }
0xa1: {  	s23 =	simm.s32 $0x1B8B  }
0xa2: {  	_ =	swait.ge [sflag:s23], $0x1  }
0xa3: {  	[sflag:s23] =	ssyncset.done $0x0  }
0xa4: {  	s25 =	simm.s32 $0x1B8E;
	s24 =	sld [smem:$0x3FFE];
	[sflag:s23] =	ssyncadd.s32 $0xFFFFFFFF  }
0xa5: {  	s26 =	simm.s32 $execute0_lowered;
	[smem:$0x3FD2] =	sst s25  }
0xa6: {  	s4 =	sshll.u32 s26, $0x1;
	_ =	strace $0x8000004C;
	[dreg:$0x1] =	wrdreg $0xFFFFFFFF  }
0xa7: {  	s28 =	simm.s32 $_size_execute0_lowered;
	s2 =	sadd.s32 s2, s4;
	[dreg:$0x0] =	wrdreg $0x0  }
0xa8: {  	s4 =	sshll.u32 s28, $0x1;
	[dreg:$0x2] =	wrdreg s2  }
0xa9: {  	[dreg:$0x3] =	wrdreg s4  }
0xaa: {  	[dreg:$0x4] =	wrdreg $0xC0  }
0xab: {  	_ =	task [dreg:s6], $0x5FFFF  }
0xac: {  	[dreg:$0x1] =	wrdreg $0xFFFFFFFF  }
0xad: {  	[dreg:$0x0] =	wrdreg $0x60  }
0xae: {  	[dreg:$0x2] =	wrdreg s24  }
0xaf: {  	[dreg:$0x3] =	wrdreg $0x0  }
0xb0: {  	[dreg:$0x4] =	wrdreg $0x9  }
0xb1: {  	_ =	task.clear_ibuf [dreg:s6], $0x5FFFF;
	_ =	strace $0x9000004C  }
0xb2: {  	s29 =	simm.s32 $0x9;
	_ =	strace $0x8000004E  }
0xb3: {  	_ =	swait.ge [sflag:s29], $0x1  }
0xb4: {  	[sflag:s29] =	ssyncadd.s32 $0xFFFFFFFF  }
0xb5: {  	_ =	strace $0x9000004E  }
0xb6: {  	_ =	sfence  }
0xb7: {  	s30 =	sld [smem:$0x0];
	_ =	sdelay $0x2  }
0xb8: {  	s31 =	sshll.u32 s1, $0xD;
	s1 =	sshrl.u32 s1, $0x2  }
0xb9: {  	s3 =	sand.u32 $0x4000, s31;
	s1 =	sadd.s32 s1, s30  }
0xba: {  	s0 =	sor.u32 s3, s0;
	s1 =	sshll.u32 s1, $0x11  }
0xbb: {  	s0 =	sor.u32 s1, s0  }
0xbc: {  	s0 =	sadd.s32 $0x8F2B, s0  }
0xbd: {  	[sflag:s0] =	ssyncadd.remote.s32 $0x1  }
0xbe: {  	_ =	sfence.sel $0xFFFF  }
0xbf: {  	[dreg:$0x0] =	wrdreg $0xFFFFFFFF;
	(pc) =	sbr.abs _section_cstart, $3  }
0xc0: {  	[dreg:$0x1] =	wrdreg $0xFFFFFFFF  }
0xc1: {  	_ =	task.clear_ibuf [dreg:s6], $0x2FFFF;
	_ =	strace $0x9FFFFFFF  }
0xc2: {  	(tm) =	ssettm $0x7FFFFFFF  }
0xc3: {  	_ =	shalt  }
tec
execute0_lowered:
.L_overlay_start_1:
0x0: {  	(tag) =	ssettag $0x1  }
0x1: {  	s0 =	rddreg [dreg:$0x0]  }
0x2: {  	s1 =	rddreg [dreg:$0x1];
	s3 =	simm.s32 $0x0;
	s12 =	stileid.u32  }
0x3: {  	s2 =	srdreg.scid;
	s23 =	simm.s32 $0x13C80;
	s15 =	simm.s32 $0x7  }
0x4: {  	s16 =	simm.s32 $0x18400;
	s24 =	simm.s32 $0x13E00;
	s25 =	simm.s32 $0x13D00  }
0x5: {  	s26 =	simm.s32 $0x13E80;
	s28 =	simm.s32 $0x14200;
	s29 =	simm.s32 $0x14100  }
0x6: {  	s30 =	simm.s32 $0x14280;
	s31 =	simm.s32 $0x14180;
	[smem:$0x7FF] =	sst s3  }
0x7: {  	s5 =	smul.u32 $0x13C00, s12;
	s2 =	sand.u32 $0x1, s2;
	s6 =	sshll.u32 s12, $0x1  }
0x8: {  	s4 =	sadd.s32 $0x17400, s0;
	s8 =	sadd.s32 $0x3400, s0;
	s17 =	smul.u32 $0xA000, s12  }
0x9: {  	s11 =	smul.u32 $0x4F000, s12;
	_ =	strace $0x8000004D;
	[dreg:$0x5] =	wrdreg s23  }
0xa: {  	s22 =	sshll.u32 s12, $0x6;
	s12 =	simm.s32 $0x14400;
	[dreg:$0x6] =	wrdreg s24  }
0xb: {  	s7 =	smul.u32 $0x13C000, s2;
	s6 =	sor.u32 s2, s6;
	[dreg:$0x7] =	wrdreg s25  }
0xc: {  	s10 =	ssub.s32 $0x2, s2;
	s2 =	smul.u32 $0x5000, s2;
	[dreg:$0x8] =	wrdreg s26  }
0xd: {  	s23 =	simm.s32 $0x13F00;
	s24 =	simm.s32 $0x2;
	s25 =	simm.s32 $0x13F80  }
0xe: {  	s26 =	simm.s32 $0x14080;
	s9 =	sshrl.u32 s5, $0x3;
	s6 =	smul.u32 $0x5000, s6  }
0xf: {  	s18 =	sshrl.u32 s10, $0x1;
	s19 =	sshrl.u32 s11, $0x2;
	s11 =	simm.s32 $0x80  }
0x10: {  	s9 =	sadd.s32 s9, s0;
	s5 =	sadd.s32 s5, s7;
	s2 =	sadd.s32 s2, s17  }
0x11: {  	s17 =	simm.s32 $0x3;
	s5 =	sshrl.u32 s5, $0x3;
	s6 =	sshrl.u32 s6, $0x3  }
0x12: {  	s7 =	sor.u32 $0x800, s2;
	s2 =	sor.u32 $0x400, s2;
	s9 =	sadd.s32 $0x3E600, s9  }
0x13: {  	s0 =	sadd.s32 s5, s0;
	s5 =	ssub.s32 s10, s18;
	s6 =	sadd.s32 s8, s6  }
0x14: {  	s7 =	sshrl.u32 s7, $0x3;
	[dreg:$0xa] =	wrdreg s9;
	s2 =	sshrl.u32 s2, $0x3  }
0x15: {  	s18 =	simm.s32 $0x5;
	[dreg:$0x9] =	wrdreg s6;
	s6 =	sadd.s32 s19, s1  }
0x16: {  	s7 =	sadd.s32 s7, s8;
	s0 =	sadd.s32 $0x65E00, s0;
	s20 =	sadd.s32 s2, s8  }
0x17: {  	s21 =	smax.u32 s5, $0x1;
	s8 =	sor.u32 $0x1C07, s22;
	[dreg:$0xb] =	wrdreg s0  }
0x18: {  	s19 =	simm.s32 $0x14000;
	s22 =	simm.s32 $0x13D80;
	[dreg:$0x3] =	wrdreg s7  }
0x19: {  	s2 =	simm.s32 $0x14380;
	s5 =	simm.s32 $0x0;
	[dreg:$0xc] =	wrdreg s21  }
0x1a: {  	[dreg:$0x4] =	wrdreg s20;
	s9 =	sshrl.u32 s6, $0x3;
	s20 =	simm.s32 $0x4  }
0x1b: {  	s21 =	simm.s32 $0x6;
	s0 =	simm.s32 $0x14300;
	[dreg:$0xd] =	wrdreg s9  }
.LBB2_1:
0x1c: {  	s6 =	rddreg [dreg:$0x9];
	s7 =	simm.s32 $0x13C00;
	s14 =	simm.s32 $0x1  }
0x1d: {  	[tilespmem:s7], [sflag:$0x1] =	stream.linear.gather [hbm4b:s6+s3], $0x400, $0x38;
	[tilespmem:$0x1C400] =	vst v63  }
0x1e: {  	_ =	swait.ge [sflag:s14], $0x400  }
0x1f: {  	[sflag:s14] =	ssyncset.done $0x0  }
0x20: {  	s10 =	rddreg [dreg:$0xa];
	[sflag:s14] =	ssyncadd.s32 $0xFFFFFC00  }
0x21: {  	[tilespmem:s12], [sflag:$0x3] =	stream.indirect.gather [hbm4b:s4+s11], $0x80, s7, s11, $0xb8;
	[tilespmem:$0x1C400] =	vst v63  }
0x22: {  	[spmem:s9], [sflag:s8] =	dma.local [hbm:s10], $0x2780  }
0x23: {  	_ =	swait.ge [sflag:s15], $0x2780  }
0x24: {  	[sflag:s15] =	ssyncset.done $0x0  }
0x25: {  	p0 =	por $0x1, $0x1;
	[sflag:s15] =	ssyncadd.s32 $0xFFFFD880  }
0x26: {  	s6 =	simm.s32 @!p0 $0x6;
	[bflag:$0x0] =	sbarrier.arrive $0xFFFF  }
0x27: {  	_ =	swait.ge @!p0 [sflag:s6], $0x4000  }
0x28: {  	[sflag:s6] =	ssyncset.done @!p0 $0x0  }
0x29: {  	s13 =	rddreg [dreg:$0x5];
	[sflag:s6] =	ssyncadd.s32 @!p0 $0xFFFFC000  }
0x2a: {  	[tilespmem:s16], [sflag:$0x4] =	stream.indirect.gather [hbm4b:s4+s11], $0x80, s13, s11, $0xb8;
	[tilespmem:$0x1C400] =	vst v63  }
0x2b: {  	_ =	swait.ge [sflag:s17], $0x4000  }
0x2c: {  	[sflag:s17] =	ssyncset.done $0x0  }
0x2d: {  	s14 =	smov.u32 s8;
	s8 =	rddreg [dreg:$0x6];
	[sflag:s17] =	ssyncadd.s32 $0xFFFFC000  }
0x2e: {  	[spmem:s1] =	stream.indirect.scatter.add.f32 [tilespmem:s12], [sflag:$0x5], $0x80, s8, s11, $0xb8;
	[tilespmem:$0x1C400] =	vst v63  }
0x2f: {  	_ =	swait.ge [sflag:s18], $0x4000  }
0x30: {  	s9 =	rddreg [dreg:$0x4];
	[sflag:s18] =	ssyncset.done $0x0  }
0x31: {  	[sflag:s18] =	ssyncadd.s32 $0xFFFFC000;
	s6 =	sadd.s32 $0x0, s9  }
0x32: {  	[tilespmem:s19], [sflag:$0x2] =	stream.linear.gather [hbm4b:s6+s3], $0x400, $0x38;
	[tilespmem:$0x1C400] =	vst v63  }
0x33: {  	s10 =	rddreg [dreg:$0x7]  }
0x34: {  	[tilespmem:s12], [sflag:$0x3] =	stream.indirect.gather [hbm4b:s4+s11], $0x80, s10, s11, $0xb8;
	[tilespmem:$0x1C400] =	vst v63  }
0x35: {  	_ =	swait.ge [sflag:s20], $0x4000  }
0x36: {  	[sflag:s20] =	ssyncset.done $0x0  }
0x37: {  	s13 =	rddreg [dreg:$0x8];
	[sflag:s20] =	ssyncadd.s32 $0xFFFFC000  }
0x38: {  	[spmem:s1] =	stream.indirect.scatter.add.f32 [tilespmem:s16], [sflag:$0x6], $0x80, s13, s11, $0xb8;
	[tilespmem:$0x1C400] =	vst v63  }
0x39: {  	_ =	swait.ge [sflag:s21], $0x4000  }
0x3a: {  	[sflag:s21] =	ssyncset.done $0x0  }
0x3b: {  	[sflag:s21] =	ssyncadd.s32 $0xFFFFC000  }
0x3c: {  	[tilespmem:s16], [sflag:$0x4] =	stream.indirect.gather [hbm4b:s4+s11], $0x80, s22, s11, $0xb8;
	[tilespmem:$0x1C400] =	vst v63  }
0x3d: {  	_ =	swait.ge [sflag:s17], $0x4000  }
0x3e: {  	[sflag:s17] =	ssyncset.done $0x0  }
0x3f: {  	[sflag:s17] =	ssyncadd.s32 $0xFFFFC000  }
0x40: {  	[spmem:s1] =	stream.indirect.scatter.add.f32 [tilespmem:s12], [sflag:$0x5], $0x80, s23, s11, $0xb8;
	[tilespmem:$0x1C400] =	vst v63  }
0x41: {  	_ =	swait.ge [sflag:s18], $0x4000  }
0x42: {  	[sflag:s18] =	ssyncset.done $0x0  }
0x43: {  	[sflag:s18] =	ssyncadd.s32 $0xFFFFC000  }
0x44: {  	_ =	swait.ge [sflag:s24], $0x400  }
0x45: {  	[sflag:s24] =	ssyncset.done $0x0  }
0x46: {  	[sflag:s24] =	ssyncadd.s32 $0xFFFFFC00  }
0x47: {  	[tilespmem:s12], [sflag:$0x3] =	stream.indirect.gather [hbm4b:s4+s11], $0x80, s19, s11, $0xb8;
	[tilespmem:$0x1C400] =	vst v63  }
0x48: {  	_ =	swait.ge [sflag:s20], $0x4000  }
0x49: {  	[sflag:s20] =	ssyncset.done $0x0  }
0x4a: {  	[sflag:s20] =	ssyncadd.s32 $0xFFFFC000  }
0x4b: {  	[spmem:s1] =	stream.indirect.scatter.add.f32 [tilespmem:s16], [sflag:$0x6], $0x80, s25, s11, $0xb8;
	[tilespmem:$0x1C400] =	vst v63  }
0x4c: {  	_ =	swait.ge [sflag:s21], $0x4000  }
0x4d: {  	[sflag:s21] =	ssyncset.done $0x0  }
0x4e: {  	[sflag:s21] =	ssyncadd.s32 $0xFFFFC000  }
0x4f: {  	[tilespmem:s16], [sflag:$0x4] =	stream.indirect.gather [hbm4b:s4+s11], $0x80, s26, s11, $0xb8;
	[tilespmem:$0x1C400] =	vst v63  }
0x50: {  	_ =	swait.ge [sflag:s17], $0x4000  }
0x51: {  	[sflag:s17] =	ssyncset.done $0x0  }
0x52: {  	[sflag:s17] =	ssyncadd.s32 $0xFFFFC000  }
0x53: {  	[spmem:s1] =	stream.indirect.scatter.add.f32 [tilespmem:s12], [sflag:$0x5], $0x80, s28, s11, $0xb8;
	[tilespmem:$0x1C400] =	vst v63  }
0x54: {  	p0 =	por $0x0, $0x0;
	_ =	swait.ge [sflag:s18], $0x4000  }
0x55: {  	s7 =	simm.s32 @!p0 $0x0;
	s6 =	rddreg [dreg:$0x3];
	[sflag:s18] =	ssyncset.done $0x0  }
0x56: {  	s9 =	simm.s32 @!p0 $0x13C00;
	[sflag:s18] =	ssyncadd.s32 $0xFFFFC000;
	s6 =	sadd.s32 @!p0 $0x0, s6  }
0x57: {  	[tilespmem:s9], [sflag:$0x1] =	stream.linear.gather @!p0 [hbm4b:s6+s7], $0x400, $0x38;
	[tilespmem:$0x1C400] =	vst v63  }
0x58: {  	_ = 	snop  }
0x59: {  	[tilespmem:s12], [sflag:$0x3] =	stream.indirect.gather [hbm4b:s4+s11], $0x80, s29, s11, $0xb8;
	[tilespmem:$0x1C400] =	vst v63  }
0x5a: {  	_ =	swait.ge [sflag:s20], $0x4000  }
0x5b: {  	[sflag:s20] =	ssyncset.done $0x0  }
0x5c: {  	[sflag:s20] =	ssyncadd.s32 $0xFFFFC000  }
0x5d: {  	[spmem:s1] =	stream.indirect.scatter.add.f32 [tilespmem:s16], [sflag:$0x6], $0x80, s30, s11, $0xb8;
	[tilespmem:$0x1C400] =	vst v63  }
0x5e: {  	_ =	swait.ge [sflag:s21], $0x4000  }
0x5f: {  	[sflag:s21] =	ssyncset.done $0x0  }
0x60: {  	[sflag:s21] =	ssyncadd.s32 $0xFFFFC000  }
0x61: {  	[tilespmem:s16], [sflag:$0x4] =	stream.indirect.gather [hbm4b:s4+s11], $0x80, s31, s11, $0xb8;
	[tilespmem:$0x1C400] =	vst v63  }
0x62: {  	_ =	swait.ge [sflag:s17], $0x4000  }
0x63: {  	[sflag:s17] =	ssyncset.done $0x0  }
0x64: {  	[sflag:s17] =	ssyncadd.s32 $0xFFFFC000  }
0x65: {  	[spmem:s1] =	stream.indirect.scatter.add.f32 [tilespmem:s12], [sflag:$0x5], $0x80, s0, s11, $0xb8;
	[tilespmem:$0x1C400] =	vst v63  }
0x66: {  	_ =	swait.ge [sflag:s18], $0x4000  }
0x67: {  	[sflag:s18] =	ssyncset.done $0x0  }
0x68: {  	s6 =	simm.s32 @!p0 $0x1;
	[sflag:s18] =	ssyncadd.s32 $0xFFFFC000  }
0x69: {  	_ =	swait.ge @!p0 [sflag:s6], $0x400  }
0x6a: {  	p1 =	por $0x0, $0x0;
	[sflag:s6] =	ssyncset.done @!p0 $0x0  }
0x6b: {  	s7 =	simm.s32 @!p0 $0x80;
	[sflag:s6] =	ssyncadd.s32 @!p0 $0xFFFFFC00;
	s6 =	simm.s32 @!p0 $0x14400  }
0x6c: {  	[tilespmem:s6], [sflag:$0x3] =	stream.indirect.gather @!p0 [hbm4b:s4+s7], $0x80, s9, s7, $0xb8;
	[tilespmem:$0x1C400] =	vst v63  }
0x6d: {  	s6 =	simm.s32 $0x100;
	s9 =	simm.s32 $0x200;
	_ =	swait.ge [sflag:s20], $0x4000  }
.LBB2_2:
0x6e: {  	[sflag:s20] =	ssyncset.done $0x0  }
0x6f: {  	s8 =	simm.s32 @!p1 $0x6;
	[sflag:s20] =	ssyncadd.s32 $0xFFFFC000  }
0x70: {  	[spmem:s1] =	stream.indirect.scatter.add.f32 [tilespmem:s16], [sflag:$0x6], $0x80, s2, s11, $0xb8;
	[tilespmem:$0x1C400] =	vst v63  }
0x71: {  	_ =	swait.ge @!p1 [sflag:s8], $0x4000  }
0x72: {  	[sflag:s8] =	ssyncset.done @!p1 $0x0  }
0x73: {  	s10 =	rddreg [dreg:$0x5];
	[sflag:s8] =	ssyncadd.s32 @!p1 $0xFFFFC000  }
0x74: {  	[tilespmem:s16], [sflag:$0x4] =	stream.indirect.gather [hbm4b:s4+s11], $0x80, s10, s11, $0xb8;
	[tilespmem:$0x1C400] =	vst v63  }
0x75: {  	_ =	swait.ge [sflag:s17], $0x4000  }
0x76: {  	[sflag:s17] =	ssyncset.done $0x0  }
0x77: {  	s13 =	rddreg [dreg:$0x6];
	[sflag:s17] =	ssyncadd.s32 $0xFFFFC000  }
0x78: {  	[spmem:s1] =	stream.indirect.scatter.add.f32 [tilespmem:s12], [sflag:$0x5], $0x80, s13, s11, $0xb8;
	[tilespmem:$0x1C400] =	vst v63  }
0x79: {  	_ =	swait.ge [sflag:s18], $0x4000  }
0x7a: {  	s10 =	rddreg [dreg:$0x4];
	[sflag:s18] =	ssyncset.done $0x0  }
0x7b: {  	[sflag:s18] =	ssyncadd.s32 $0xFFFFC000;
	s8 =	sadd.s32 s6, s10  }
0x7c: {  	[tilespmem:s19], [sflag:$0x2] =	stream.linear.gather [hbm4b:s8+s3], $0x400, $0x38;
	[tilespmem:$0x1C400] =	vst v63  }
0x7d: {  	s13 =	rddreg [dreg:$0x7]  }
0x7e: {  	[tilespmem:s12], [sflag:$0x3] =	stream.indirect.gather [hbm4b:s4+s11], $0x80, s13, s11, $0xb8;
	[tilespmem:$0x1C400] =	vst v63  }
0x7f: {  	_ =	swait.ge [sflag:s20], $0x4000  }
0x80: {  	[sflag:s20] =	ssyncset.done $0x0  }
0x81: {  	s13 =	rddreg [dreg:$0x8];
	[sflag:s20] =	ssyncadd.s32 $0xFFFFC000  }
0x82: {  	[spmem:s1] =	stream.indirect.scatter.add.f32 [tilespmem:s16], [sflag:$0x6], $0x80, s13, s11, $0xb8;
	[tilespmem:$0x1C400] =	vst v63  }
0x83: {  	_ =	swait.ge [sflag:s21], $0x4000  }
0x84: {  	[sflag:s21] =	ssyncset.done $0x0  }
0x85: {  	[sflag:s21] =	ssyncadd.s32 $0xFFFFC000  }
0x86: {  	[tilespmem:s16], [sflag:$0x4] =	stream.indirect.gather [hbm4b:s4+s11], $0x80, s22, s11, $0xb8;
	[tilespmem:$0x1C400] =	vst v63  }
0x87: {  	_ =	swait.ge [sflag:s17], $0x4000  }
0x88: {  	[sflag:s17] =	ssyncset.done $0x0  }
0x89: {  	[sflag:s17] =	ssyncadd.s32 $0xFFFFC000  }
0x8a: {  	[spmem:s1] =	stream.indirect.scatter.add.f32 [tilespmem:s12], [sflag:$0x5], $0x80, s23, s11, $0xb8;
	[tilespmem:$0x1C400] =	vst v63  }
0x8b: {  	_ =	swait.ge [sflag:s18], $0x4000  }
0x8c: {  	[sflag:s18] =	ssyncset.done $0x0  }
0x8d: {  	[sflag:s18] =	ssyncadd.s32 $0xFFFFC000  }
0x8e: {  	_ =	swait.ge [sflag:s24], $0x400  }
0x8f: {  	[sflag:s24] =	ssyncset.done $0x0  }
0x90: {  	[sflag:s24] =	ssyncadd.s32 $0xFFFFFC00  }
0x91: {  	[tilespmem:s12], [sflag:$0x3] =	stream.indirect.gather [hbm4b:s4+s11], $0x80, s19, s11, $0xb8;
	[tilespmem:$0x1C400] =	vst v63  }
0x92: {  	_ =	swait.ge [sflag:s20], $0x4000  }
0x93: {  	[sflag:s20] =	ssyncset.done $0x0  }
0x94: {  	[sflag:s20] =	ssyncadd.s32 $0xFFFFC000  }
0x95: {  	[spmem:s1] =	stream.indirect.scatter.add.f32 [tilespmem:s16], [sflag:$0x6], $0x80, s25, s11, $0xb8;
	[tilespmem:$0x1C400] =	vst v63  }
0x96: {  	_ =	swait.ge [sflag:s21], $0x4000  }
0x97: {  	[sflag:s21] =	ssyncset.done $0x0  }
0x98: {  	[sflag:s21] =	ssyncadd.s32 $0xFFFFC000  }
0x99: {  	[tilespmem:s16], [sflag:$0x4] =	stream.indirect.gather [hbm4b:s4+s11], $0x80, s26, s11, $0xb8;
	[tilespmem:$0x1C400] =	vst v63  }
0x9a: {  	_ =	swait.ge [sflag:s17], $0x4000  }
0x9b: {  	[sflag:s17] =	ssyncset.done $0x0  }
0x9c: {  	[sflag:s17] =	ssyncadd.s32 $0xFFFFC000  }
0x9d: {  	[spmem:s1] =	stream.indirect.scatter.add.f32 [tilespmem:s12], [sflag:$0x5], $0x80, s28, s11, $0xb8;
	[tilespmem:$0x1C400] =	vst v63  }
0x9e: {  	p1 =	seq.s32 s6, $0x900;
	_ =	swait.ge [sflag:s18], $0x4000  }
0x9f: {  	s10 =	simm.s32 @!p1 $0x0;
	s8 =	rddreg [dreg:$0x3];
	[sflag:s18] =	ssyncset.done $0x0  }
0xa0: {  	s13 =	simm.s32 @!p1 $0x13C00;
	[sflag:s18] =	ssyncadd.s32 $0xFFFFC000;
	s8 =	sadd.s32 @!p1 s6, s8  }
0xa1: {  	[tilespmem:s13], [sflag:$0x1] =	stream.linear.gather @!p1 [hbm4b:s8+s10], $0x400, $0x38;
	[tilespmem:$0x1C400] =	vst v63  }
0xa2: {  	_ = 	snop  }
0xa3: {  	[tilespmem:s12], [sflag:$0x3] =	stream.indirect.gather [hbm4b:s4+s11], $0x80, s29, s11, $0xb8;
	[tilespmem:$0x1C400] =	vst v63  }
0xa4: {  	_ =	swait.ge [sflag:s20], $0x4000  }
0xa5: {  	[sflag:s20] =	ssyncset.done $0x0  }
0xa6: {  	[sflag:s20] =	ssyncadd.s32 $0xFFFFC000  }
0xa7: {  	[spmem:s1] =	stream.indirect.scatter.add.f32 [tilespmem:s16], [sflag:$0x6], $0x80, s30, s11, $0xb8;
	[tilespmem:$0x1C400] =	vst v63  }
0xa8: {  	_ =	swait.ge [sflag:s21], $0x4000  }
0xa9: {  	[sflag:s21] =	ssyncset.done $0x0  }
0xaa: {  	[sflag:s21] =	ssyncadd.s32 $0xFFFFC000  }
0xab: {  	[tilespmem:s16], [sflag:$0x4] =	stream.indirect.gather [hbm4b:s4+s11], $0x80, s31, s11, $0xb8;
	[tilespmem:$0x1C400] =	vst v63  }
0xac: {  	_ =	swait.ge [sflag:s17], $0x4000  }
0xad: {  	[sflag:s17] =	ssyncset.done $0x0  }
0xae: {  	[sflag:s17] =	ssyncadd.s32 $0xFFFFC000  }
0xaf: {  	[spmem:s1] =	stream.indirect.scatter.add.f32 [tilespmem:s12], [sflag:$0x5], $0x80, s0, s11, $0xb8;
	[tilespmem:$0x1C400] =	vst v63  }
0xb0: {  	s7 =	smov.u32 s9;
	s9 =	sadd.s32 $0x100, s9;
	_ =	swait.ge [sflag:s18], $0x4000  }
0xb1: {  	p0 =	sne.s32 s9, $0xA00;
	[sflag:s18] =	ssyncset.done $0x0  }
0xb2: {  	s6 =	smov.u32 s7;
	s7 =	simm.s32 @!p1 $0x1;
	[sflag:s18] =	ssyncadd.s32 $0xFFFFC000  }
.Ltmp0:
0xb3: {  	_ =	swait.ge @!p1 [sflag:s7], $0x400;
	(pc) =	sbr.rel @p0 .LBB2_2-.Ltmp0, $4  }
0xb4: {  	[sflag:s7] =	ssyncset.done @!p1 $0x0  }
0xb5: {  	s8 =	simm.s32 @!p1 $0x80;
	s10 =	simm.s32 @!p1 $0x14400;
	[sflag:s7] =	ssyncadd.s32 @!p1 $0xFFFFFC00  }
0xb6: {  	[tilespmem:s10], [sflag:$0x3] =	stream.indirect.gather @!p1 [hbm4b:s4+s8], $0x80, s13, s8, $0xb8;
	[tilespmem:$0x1C400] =	vst v63  }
0xb7: {  	p1 =	seq.s32 s6, $0x0;
	_ =	swait.ge [sflag:s20], $0x4000  }
0xb8: {  	[sflag:s20] =	ssyncset.done $0x0  }
0xb9: {  	s7 =	simm.s32 @!p1 $0x6;
	[sflag:s20] =	ssyncadd.s32 $0xFFFFC000  }
0xba: {  	[spmem:s1] =	stream.indirect.scatter.add.f32 [tilespmem:s16], [sflag:$0x6], $0x80, s2, s11, $0xb8;
	[tilespmem:$0x1C400] =	vst v63  }
0xbb: {  	_ =	swait.ge @!p1 [sflag:s7], $0x4000  }
0xbc: {  	[sflag:s7] =	ssyncset.done @!p1 $0x0  }
0xbd: {  	s8 =	rddreg [dreg:$0x5];
	[sflag:s7] =	ssyncadd.s32 @!p1 $0xFFFFC000  }
0xbe: {  	[tilespmem:s16], [sflag:$0x4] =	stream.indirect.gather [hbm4b:s4+s11], $0x80, s8, s11, $0xb8;
	[tilespmem:$0x1C400] =	vst v63  }
0xbf: {  	_ =	swait.ge [sflag:s17], $0x4000  }
0xc0: {  	[sflag:s17] =	ssyncset.done $0x0  }
0xc1: {  	s13 =	rddreg [dreg:$0x6];
	[sflag:s17] =	ssyncadd.s32 $0xFFFFC000  }
0xc2: {  	[spmem:s1] =	stream.indirect.scatter.add.f32 [tilespmem:s12], [sflag:$0x5], $0x80, s13, s11, $0xb8;
	[tilespmem:$0x1C400] =	vst v63  }
0xc3: {  	_ =	swait.ge [sflag:s18], $0x4000  }
0xc4: {  	s8 =	rddreg [dreg:$0x4];
	[sflag:s18] =	ssyncset.done $0x0  }
0xc5: {  	[sflag:s18] =	ssyncadd.s32 $0xFFFFC000;
	s7 =	sadd.s32 s6, s8  }
0xc6: {  	[tilespmem:s19], [sflag:$0x2] =	stream.linear.gather [hbm4b:s7+s3], $0x400, $0x38;
	[tilespmem:$0x1C400] =	vst v63  }
0xc7: {  	s9 =	rddreg [dreg:$0x7]  }
0xc8: {  	[tilespmem:s12], [sflag:$0x3] =	stream.indirect.gather [hbm4b:s4+s11], $0x80, s9, s11, $0xb8;
	[tilespmem:$0x1C400] =	vst v63  }
0xc9: {  	_ =	swait.ge [sflag:s20], $0x4000  }
0xca: {  	[sflag:s20] =	ssyncset.done $0x0  }
0xcb: {  	s10 =	rddreg [dreg:$0x8];
	[sflag:s20] =	ssyncadd.s32 $0xFFFFC000  }
0xcc: {  	[spmem:s1] =	stream.indirect.scatter.add.f32 [tilespmem:s16], [sflag:$0x6], $0x80, s10, s11, $0xb8;
	[tilespmem:$0x1C400] =	vst v63  }
0xcd: {  	_ =	swait.ge [sflag:s21], $0x4000  }
0xce: {  	[sflag:s21] =	ssyncset.done $0x0  }
0xcf: {  	[sflag:s21] =	ssyncadd.s32 $0xFFFFC000  }
0xd0: {  	[tilespmem:s16], [sflag:$0x4] =	stream.indirect.gather [hbm4b:s4+s11], $0x80, s22, s11, $0xb8;
	[tilespmem:$0x1C400] =	vst v63  }
0xd1: {  	_ =	swait.ge [sflag:s17], $0x4000  }
0xd2: {  	[sflag:s17] =	ssyncset.done $0x0  }
0xd3: {  	[sflag:s17] =	ssyncadd.s32 $0xFFFFC000  }
0xd4: {  	[spmem:s1] =	stream.indirect.scatter.add.f32 [tilespmem:s12], [sflag:$0x5], $0x80, s23, s11, $0xb8;
	[tilespmem:$0x1C400] =	vst v63  }
0xd5: {  	_ =	swait.ge [sflag:s18], $0x4000  }
0xd6: {  	[sflag:s18] =	ssyncset.done $0x0  }
0xd7: {  	[sflag:s18] =	ssyncadd.s32 $0xFFFFC000  }
0xd8: {  	_ =	swait.ge [sflag:s24], $0x400  }
0xd9: {  	[sflag:s24] =	ssyncset.done $0x0  }
0xda: {  	[sflag:s24] =	ssyncadd.s32 $0xFFFFFC00  }
0xdb: {  	[tilespmem:s12], [sflag:$0x3] =	stream.indirect.gather [hbm4b:s4+s11], $0x80, s19, s11, $0xb8;
	[tilespmem:$0x1C400] =	vst v63  }
0xdc: {  	_ =	swait.ge [sflag:s20], $0x4000  }
0xdd: {  	[sflag:s20] =	ssyncset.done $0x0  }
0xde: {  	[sflag:s20] =	ssyncadd.s32 $0xFFFFC000  }
0xdf: {  	[spmem:s1] =	stream.indirect.scatter.add.f32 [tilespmem:s16], [sflag:$0x6], $0x80, s25, s11, $0xb8;
	[tilespmem:$0x1C400] =	vst v63  }
0xe0: {  	_ =	swait.ge [sflag:s21], $0x4000  }
0xe1: {  	[sflag:s21] =	ssyncset.done $0x0  }
0xe2: {  	[sflag:s21] =	ssyncadd.s32 $0xFFFFC000  }
0xe3: {  	[tilespmem:s16], [sflag:$0x4] =	stream.indirect.gather [hbm4b:s4+s11], $0x80, s26, s11, $0xb8;
	[tilespmem:$0x1C400] =	vst v63  }
0xe4: {  	_ =	swait.ge [sflag:s17], $0x4000  }
0xe5: {  	[sflag:s17] =	ssyncset.done $0x0  }
0xe6: {  	[sflag:s17] =	ssyncadd.s32 $0xFFFFC000  }
0xe7: {  	[spmem:s1] =	stream.indirect.scatter.add.f32 [tilespmem:s12], [sflag:$0x5], $0x80, s28, s11, $0xb8;
	[tilespmem:$0x1C400] =	vst v63  }
0xe8: {  	p0 =	seq.s32 s6, $0x900;
	_ =	swait.ge [sflag:s18], $0x4000  }
0xe9: {  	s8 =	simm.s32 @!p0 $0x0;
	s7 =	rddreg [dreg:$0x3];
	[sflag:s18] =	ssyncset.done $0x0  }
0xea: {  	[sflag:s18] =	ssyncadd.s32 $0xFFFFC000;
	s6 =	sadd.s32 @!p0 s6, s7;
	s7 =	simm.s32 @!p0 $0x13C00  }
0xeb: {  	[tilespmem:s7], [sflag:$0x1] =	stream.linear.gather @!p0 [hbm4b:s6+s8], $0x400, $0x38;
	[tilespmem:$0x1C400] =	vst v63  }
0xec: {  	_ = 	snop  }
0xed: {  	[tilespmem:s12], [sflag:$0x3] =	stream.indirect.gather [hbm4b:s4+s11], $0x80, s29, s11, $0xb8;
	[tilespmem:$0x1C400] =	vst v63  }
0xee: {  	_ =	swait.ge [sflag:s20], $0x4000  }
0xef: {  	[sflag:s20] =	ssyncset.done $0x0  }
0xf0: {  	[sflag:s20] =	ssyncadd.s32 $0xFFFFC000  }
0xf1: {  	[spmem:s1] =	stream.indirect.scatter.add.f32 [tilespmem:s16], [sflag:$0x6], $0x80, s30, s11, $0xb8;
	[tilespmem:$0x1C400] =	vst v63  }
0xf2: {  	_ =	swait.ge [sflag:s21], $0x4000  }
0xf3: {  	[sflag:s21] =	ssyncset.done $0x0  }
0xf4: {  	[sflag:s21] =	ssyncadd.s32 $0xFFFFC000  }
0xf5: {  	[tilespmem:s16], [sflag:$0x4] =	stream.indirect.gather [hbm4b:s4+s11], $0x80, s31, s11, $0xb8;
	[tilespmem:$0x1C400] =	vst v63  }
0xf6: {  	_ =	swait.ge [sflag:s17], $0x4000  }
0xf7: {  	[sflag:s17] =	ssyncset.done $0x0  }
0xf8: {  	[sflag:s17] =	ssyncadd.s32 $0xFFFFC000  }
0xf9: {  	[spmem:s1] =	stream.indirect.scatter.add.f32 [tilespmem:s12], [sflag:$0x5], $0x80, s0, s11, $0xb8;
	[tilespmem:$0x1C400] =	vst v63  }
0xfa: {  	_ =	swait.ge [sflag:s18], $0x4000  }
0xfb: {  	[sflag:s18] =	ssyncset.done $0x0  }
0xfc: {  	s6 =	simm.s32 @!p0 $0x1;
	[sflag:s18] =	ssyncadd.s32 $0xFFFFC000  }
0xfd: {  	_ =	swait.ge @!p0 [sflag:s6], $0x400  }
0xfe: {  	[sflag:s6] =	ssyncset.done @!p0 $0x0  }
0xff: {  	s8 =	simm.s32 @!p0 $0x80;
	[sflag:s6] =	ssyncadd.s32 @!p0 $0xFFFFFC00;
	s6 =	simm.s32 @!p0 $0x14400  }
0x100: {  	[tilespmem:s6], [sflag:$0x3] =	stream.indirect.gather @!p0 [hbm4b:s4+s8], $0x80, s7, s8, $0xb8;
	[tilespmem:$0x1C400] =	vst v63  }
0x101: {  	_ =	swait.ge [sflag:s20], $0x4000  }
0x102: {  	[sflag:s20] =	ssyncset.done $0x0  }
0x103: {  	[sflag:s20] =	ssyncadd.s32 $0xFFFFC000  }
0x104: {  	[spmem:s1] =	stream.indirect.scatter.add.f32 [tilespmem:s16], [sflag:$0x6], $0x80, s2, s11, $0xb8;
	[tilespmem:$0x1C400] =	vst v63  }
0x105: {  	_ =	swait.ge [sflag:s21], $0x4000  }
0x106: {  	[sflag:s21] =	ssyncset.done $0x0  }
0x107: {  	[sflag:s21] =	ssyncadd.s32 $0xFFFFC000  }
0x108: {  	[bflag:$0x0] =	sbarrier.arrive $0xFFFF  }
0x109: {  	s13 =	rddreg [dreg:$0xb]  }
0x10a: {  	s9 =	rddreg [dreg:$0xd]  }
0x10b: {  	[hbm:s13], [sflag:s14] =	dma.local [spmem:s9], $0x2780  }
0x10c: {  	_ =	swait.ge [sflag:s15], $0x2780  }
0x10d: {  	s5 =	sadd.s32 $0x1, s5;
	s8 =	smov.u32 s14;
	s14 =	rddreg [dreg:$0xc]  }
0x10e: {  	p0 =	sne.s32 s5, s14  }
.Ltmp1:
0x10f: {  	_ = 	snop;
	(pc) =	sbr.rel @p0 .LBB2_1-.Ltmp1, $3  }
0x110: {  	_ =	sdelay $0x1  }
0x111: {  	[sflag:s15] =	ssyncset.done $0x0  }
0x112: {  	[sflag:s15] =	ssyncadd.s32 $0xFFFFD880  }
0x113: {  	_ =	sfence.sel $0x180000  }
0x114: {  	[bflag:$0x0] =	sbarrier.arrive $0xFFFF  }
0x115: {  	_ =	strace $0x9000004D  }
0x116: {  	s0 =	stileid.u32;
	[bflag:$0x2] =	sbarrier.arrive $0xFFFF  }
0x117: {  	p0 =	sne.s32 s0, $0x0;
	s0 =	rddreg [dreg:$0x2]  }
0x118: {  	s0 =	sadd.s32 @!p0 $0x100000, s0  }
0x119: {  	[sflag:s0] =	ssyncadd.tile.s32 @!p0 $0x1;
	_ =	shalt  }
.Lfunc_end2:
_tile_overlayer_lowered:
.L_overlay_start_2:
0x11a: {  	(tag) =	ssettag $0x2  }
0x11b: {  	s0 =	rddreg [dreg:$0x0];
	s2 =	stileid.u32  }
0x11c: {  	s1 =	rddreg [dreg:$0x1];
	p0 =	sne.s32 s2, $0x0  }
0x11d: {  	s3 =	rddreg [dreg:$0x2];
	[bflag:$0x3] =	sbarrier.arrive $0xFFFF;
	s2 =	simm.s32 @!p0 $0x1C07  }
0x11e: {  	[timem:s3], [sflag:s2] =	dma.local @!p0 [hbm:s0], s1  }
0x11f: {  	s0 =	simm.s32 @!p0 $0x7  }
0x120: {  	_ =	swait.ge @!p0 [sflag:s0], s1  }
0x121: {  	s1 =	ssub.s32 @!p0 $0x0, s1;
	[sflag:s0] =	ssyncset.done @!p0 $0x0  }
0x122: {  	[sflag:s0] =	ssyncadd.s32 @!p0 s1  }
0x123: {  	[bflag:$0x3] =	sbarrier.arrive $0xFFFF  }
0x124: {  	_ =	shalt  }

// kernel: kernel.20.cloned.1.call-start
scs
__scs_entry_jumppad:
0x0: {  	(pc) =	sbr.rel $0x88, $3  }
0x1: {  	(tag) =	ssettag $0x0;
	lr =	simm.s32 $0x1  }
0x2: {  	[smem:$0x3F97] =	sst lr;
	_ =	strace $0xD0000000  }
0x3: {  	_ = 	snop  }
0x4: {  	_ = 	snop  }
0x5: {  	_ = 	snop  }
0x6: {  	_ = 	snop  }
0x7: {  	_ = 	snop  }
__scs_overlays_trampoline_lowered:
0x8: {  	[smem:$0x3FA6] =	sst s0  }
0x9: {  	[smem:$0x3FA7] =	sst s1  }
0xa: {  	[smem:$0x3FA8] =	sst s2  }
0xb: {  	[smem:$0x3FA9] =	sst s3  }
0xc: {  	[smem:$0x3FAA] =	sst s4  }
0xd: {  	[smem:$0x3FAB] =	sst s5  }
0xe: {  	[smem:$0x3FAC] =	sst s6  }
0xf: {  	[smem:$0x3FAD] =	sst s7  }
0x10: {  	[smem:$0x3FAE] =	sst s8  }
0x11: {  	[smem:$0x3FAF] =	sst s9;
	s0 =	simm.s32 @!p0 $0x0  }
0x12: {  	s1 =	sld [smem:$0x3F95];
	s0 =	simm.s32 @p0 $0x1  }
0x13: {  	[smem:$0x3FB0] =	sst s0;
	s0 =	simm.s32 @!p1 $0x0  }
0x14: {  	s2 =	sld [smem:$0x3F94];
	s0 =	simm.s32 @p1 $0x1  }
0x15: {  	[smem:$0x3FB1] =	sst s0;
	s0 =	simm.s32 @!p2 $0x0  }
0x16: {  	s3 =	sld [smem:$0x3FDB];
	s0 =	simm.s32 @p2 $0x1  }
0x17: {  	s4 =	simm.s32 $0x1BF5;
	[smem:$0x3FB3] =	sst s0  }
0x18: {  	s0 =	sld [smem:$0x3F96];
	_ =	swait.ge [sflag:s4], $0x0  }
0x19: {  	s7 =	sld [smem:$0x3F97]  }
0x1a: {  	s8 =	sadd.s32 $0xFFFFE003, lr  }
0x1b: {  	s9 =	sadd.s32 $0xFFFFFEF7, lr;
	s5 =	simm.s32 $0xFFFFFFFF;
	p2 =	slt.u32 s8, $0xFFFFF086  }
0x1c: {  	p1 =	slt.u32 s9, $0xF7A;
	s5 =	simm.s32 @!p2 $0x0  }
0x1d: {  	s5 =	simm.s32 @p1 $0x1;
	p0 =	seq.s32 s7, s2  }
0x1e: {  	s7 =	smul.u32 @!p0 $0xF7A, s2;
	p2 =	seq.s32 @!p0 s5, $0x0  }
0x1f: {  	s9 =	smul.u32 $0xF7A, s1;
	s8 =	simm.s32 @!p0 $0x1BF5;
	p2 =	por !p2, p0  }
0x20: {  	[sflag:s8] =	ssyncset.s32 @!p0 $0xFFFFF086;
	s6 =	sadd.s32 @!p0 s3, s7;
	s7 =	simm.s32 @!p0 $0x108  }
0x21: {  	s3 =	sadd.s32 s3, s9;
	s6 =	sadd.s32 @!p0 $0x88, s6;
	s7 =	simm.s32 @p2 $0x1082  }
0x22: {  	[simem:s7], [sflag:s8] =	dma.local @!p0 [hbm:s6], $0xF7A  }
0x23: {  	s9 =	sor.u32 $0xD0000000, s2;
	s6 =	simm.s32 $0x108;
	_ =	swait.ge @!p0 [sflag:s8], $0x0  }
0x24: {  	s3 =	sadd.s32 $0x88, s3;
	s6 =	simm.s32 @!p1 $0x1082;
	[sflag:s4] =	ssyncset.s32 $0xFFFFF086  }
0x25: {  	[simem:s6], [sflag:s4] =	dma.local [hbm:s3], $0xF7A  }
0x26: {  	[smem:$0x3F97] =	sst s1;
	(tag) =	ssettag s2;
	_ =	strace s9  }
0x27: {  	s1 =	sld [smem:$0x3FA7]  }
0x28: {  	s2 =	sld [smem:$0x3FA8]  }
0x29: {  	s4 =	sld [smem:$0x3FAA]  }
0x2a: {  	p0 =	seq.s32 s5, $0x0;
	s5 =	sld [smem:$0x3FAB]  }
0x2b: {  	s6 =	sld [smem:$0x3FAC]  }
0x2c: {  	s7 =	sld [smem:$0x3FAD]  }
0x2d: {  	s3 =	simm.s32 $0x108;
	s8 =	sld [smem:$0x3FAE]  }
0x2e: {  	s3 =	simm.s32 @!p0 $0x1082;
	s9 =	sld [smem:$0x3FAF]  }
0x2f: {  	lr =	sadd.s32 s0, s3;
	s0 =	sld [smem:$0x3FA6]  }
0x30: {  	s3 =	sld [smem:$0x3FA9]  }
0x31: {  	[smem:$0x3FB2] =	sst s10  }
0x32: {  	s10 =	sld [smem:$0x3FB0];
	_ =	sdelay $0x3  }
0x33: {  	p0 =	seq.s32 s10, $0x1;
	s10 =	sld [smem:$0x3FB2];
	_ =	sdelay $0x3  }
0x34: {  	[smem:$0x3FB2] =	sst s10  }
0x35: {  	s10 =	sld [smem:$0x3FB1];
	_ =	sdelay $0x3  }
0x36: {  	p1 =	seq.s32 s10, $0x1;
	s10 =	sld [smem:$0x3FB2];
	_ =	sdelay $0x3  }
0x37: {  	[smem:$0x3FB2] =	sst s10  }
0x38: {  	s10 =	sld [smem:$0x3FB3]  }
0x39: {  	_ = 	snop;
	(pc) =	sbr.ind lr, $3  }
0x3a: {  	_ = 	snop  }
0x3b: {  	_ = 	snop  }
0x3c: {  	p2 =	seq.s32 s10, $0x1;
	s10 =	sld [smem:$0x3FB2]  }
0x3d: {  	_ =	shalt  }
0x3e: {  	_ =	shalt  }
0x3f: {  	_ =	shalt  }
0x40: {  	_ =	shalt  }
0x41: {  	_ =	shalt  }
0x42: {  	_ =	shalt  }
0x43: {  	_ =	shalt  }
0x44: {  	_ =	shalt  }
0x45: {  	_ =	shalt  }
0x46: {  	_ =	shalt  }
0x47: {  	_ =	shalt  }
0x48: {  	_ =	shalt  }
0x49: {  	_ =	shalt  }
0x4a: {  	_ =	shalt  }
0x4b: {  	_ =	shalt  }
0x4c: {  	_ =	shalt  }
0x4d: {  	_ =	shalt  }
0x4e: {  	_ =	shalt  }
0x4f: {  	_ =	shalt  }
0x50: {  	_ =	shalt  }
0x51: {  	_ =	shalt  }
0x52: {  	_ =	shalt  }
0x53: {  	_ =	shalt  }
0x54: {  	_ =	shalt  }
0x55: {  	_ =	shalt  }
0x56: {  	_ =	shalt  }
0x57: {  	_ =	shalt  }
0x58: {  	_ =	shalt  }
0x59: {  	_ =	shalt  }
0x5a: {  	_ =	shalt  }
0x5b: {  	_ =	shalt  }
0x5c: {  	_ =	shalt  }
0x5d: {  	_ =	shalt  }
0x5e: {  	_ =	shalt  }
0x5f: {  	_ =	shalt  }
0x60: {  	_ =	shalt  }
0x61: {  	_ =	shalt  }
0x62: {  	_ =	shalt  }
0x63: {  	_ =	shalt  }
0x64: {  	_ =	shalt  }
0x65: {  	_ =	shalt  }
0x66: {  	_ =	shalt  }
0x67: {  	_ =	shalt  }
0x68: {  	_ =	shalt  }
0x69: {  	_ =	shalt  }
0x6a: {  	_ =	shalt  }
0x6b: {  	_ =	shalt  }
0x6c: {  	_ =	shalt  }
0x6d: {  	_ =	shalt  }
0x6e: {  	_ =	shalt  }
0x6f: {  	_ =	shalt  }
0x70: {  	_ =	shalt  }
0x71: {  	_ =	shalt  }
0x72: {  	_ =	shalt  }
0x73: {  	_ =	shalt  }
0x74: {  	_ =	shalt  }
0x75: {  	_ =	shalt  }
0x76: {  	_ =	shalt  }
0x77: {  	_ =	shalt  }
0x78: {  	_ =	shalt  }
0x79: {  	_ =	shalt  }
0x7a: {  	_ =	shalt  }
0x7b: {  	_ =	shalt  }
0x7c: {  	_ =	shalt  }
0x7d: {  	_ =	shalt  }
0x7e: {  	_ =	shalt  }
0x7f: {  	_ =	shalt  }
0x80: {  	_ =	shalt  }
0x81: {  	_ =	shalt  }
0x82: {  	_ =	shalt  }
0x83: {  	_ =	shalt  }
0x84: {  	_ =	shalt  }
0x85: {  	_ =	shalt  }
0x86: {  	_ =	shalt  }
0x87: {  	_ =	shalt  }
.Lfunc_end0:
.L_simem_size_0:
called_computation.3_lowered:
.L_overlay_start_0:
0x88: {  	s2 =	sld [smem:$0x3FD9]  }
0x89: {  	s3 =	sld [smem:$0x3FFE];
	_ =	sdelay $0x1  }
0x8a: {  	s1 =	srdreg.scid  }
0x8b: {  	s0 =	sand.u32 $0x1, s1  }
0x8c: {  	s16 =	sshll.u32 s0, $0xA;
	s2 =	sadd.s32 s3, s2  }
0x8d: {  	s2 =	sadd.s32 s2, s16  }
0x8e: {  	[smem:$0x3FBE] =	sst s2  }
0x8f: {  	_ = 	snop  }
0x90: {  	(tm) =	ssettm $0x1  }
0x91: {  	s17 =	sld [smem:$0x3FFB];
	_ =	sdelay $0x3  }
0x92: {  	_ =	strace s17  }
0x93: {  	s2 =	sld [smem:$0x3FFC];
	_ =	sdelay $0x3  }
0x94: {  	_ =	strace s2  }
0x95: {  	s2 =	sld [smem:$0x3FFD];
	_ =	sdelay $0x3  }
0x96: {  	_ =	strace s2  }
0x97: {  	_ =	strace $0x8FFFFFFF  }
0x98: {  	s18 =	sld [smem:$0x3FDB];
	_ =	sdelay $0x1  }
0x99: {  	s19 =	simm.s32 $_scs_section_size  }
0x9a: {  	s4 =	simm.s32 $_size__tile_overlayer_lowered;
	s5 =	simm.s32 $_tile_overlayer_lowered  }
0x9b: {  	s22 =	simm.s32 $0x1BFF;
	s21 =	sshll.u32 s5, $0x1;
	s2 =	sadd.s32 s19, s18  }
0x9c: {  	s6 =	simm.s32 $0x0;
	s20 =	sshll.u32 s4, $0x1;
	s4 =	sadd.s32 s21, s2  }
0x9d: {  	[timem:s6], [sflag:s22] =	dma.local [hbm:s4], s20  }
0x9e: {  	_ =	swait.ge [sflag:s22], s20  }
0x9f: {  	s3 =	ssub.s32 $0x0, s20;
	[sflag:s22] =	ssyncset.done $0x0  }
0xa0: {  	[sflag:s22] =	ssyncadd.s32 s3;
	_ =	sdelay $0x1  }
0xa1: {  	s23 =	simm.s32 $0x1B8B  }
0xa2: {  	_ =	swait.ge [sflag:s23], $0x1  }
0xa3: {  	[sflag:s23] =	ssyncset.done $0x0  }
0xa4: {  	s25 =	simm.s32 $0x1B8E;
	s24 =	sld [smem:$0x3FFE];
	[sflag:s23] =	ssyncadd.s32 $0xFFFFFFFF  }
0xa5: {  	s26 =	simm.s32 $execute0_lowered;
	[smem:$0x3FD2] =	sst s25  }
0xa6: {  	s4 =	sshll.u32 s26, $0x1;
	_ =	strace $0x8000004F;
	[dreg:$0x1] =	wrdreg $0xFFFFFFFF  }
0xa7: {  	s28 =	simm.s32 $_size_execute0_lowered;
	s2 =	sadd.s32 s2, s4;
	[dreg:$0x0] =	wrdreg $0x0  }
0xa8: {  	s4 =	sshll.u32 s28, $0x1;
	[dreg:$0x2] =	wrdreg s2  }
0xa9: {  	[dreg:$0x3] =	wrdreg s4  }
0xaa: {  	[dreg:$0x4] =	wrdreg $0xC0  }
0xab: {  	_ =	task [dreg:s6], $0x5FFFF  }
0xac: {  	[dreg:$0x1] =	wrdreg $0xFFFFFFFF  }
0xad: {  	[dreg:$0x0] =	wrdreg $0x60  }
0xae: {  	[dreg:$0x2] =	wrdreg s24  }
0xaf: {  	[dreg:$0x3] =	wrdreg $0x0  }
0xb0: {  	[dreg:$0x4] =	wrdreg $0x9  }
0xb1: {  	_ =	task.clear_ibuf [dreg:s6], $0x5FFFF;
	_ =	strace $0x9000004F  }
0xb2: {  	s29 =	simm.s32 $0x9;
	_ =	strace $0x80000051  }
0xb3: {  	_ =	swait.ge [sflag:s29], $0x1  }
0xb4: {  	[sflag:s29] =	ssyncadd.s32 $0xFFFFFFFF  }
0xb5: {  	_ =	strace $0x90000051  }
0xb6: {  	_ =	sfence  }
0xb7: {  	s30 =	sld [smem:$0x0];
	_ =	sdelay $0x2  }
0xb8: {  	s31 =	sshll.u32 s1, $0xD;
	s1 =	sshrl.u32 s1, $0x2  }
0xb9: {  	s3 =	sand.u32 $0x4000, s31;
	s1 =	sadd.s32 s1, s30  }
0xba: {  	s0 =	sor.u32 s3, s0;
	s1 =	sshll.u32 s1, $0x11  }
0xbb: {  	s0 =	sor.u32 s1, s0  }
0xbc: {  	s0 =	sadd.s32 $0x8F2B, s0  }
0xbd: {  	[sflag:s0] =	ssyncadd.remote.s32 $0x1  }
0xbe: {  	_ =	sfence.sel $0xFFFF  }
0xbf: {  	[dreg:$0x0] =	wrdreg $0xFFFFFFFF;
	(pc) =	sbr.abs _section_cstart, $3  }
0xc0: {  	[dreg:$0x1] =	wrdreg $0xFFFFFFFF  }
0xc1: {  	_ =	task.clear_ibuf [dreg:s6], $0x2FFFF;
	_ =	strace $0x9FFFFFFF  }
0xc2: {  	(tm) =	ssettm $0x7FFFFFFF  }
0xc3: {  	_ =	shalt  }
tec
execute0_lowered:
.L_overlay_start_1:
0x0: {  	(tag) =	ssettag $0x1  }
0x1: {  	s0 =	rddreg [dreg:$0x0]  }
0x2: {  	s1 =	rddreg [dreg:$0x1];
	s3 =	simm.s32 $0x0;
	s12 =	stileid.u32  }
0x3: {  	s2 =	srdreg.scid;
	s23 =	simm.s32 $0x13C80;
	s15 =	simm.s32 $0x7  }
0x4: {  	s16 =	simm.s32 $0x18400;
	s24 =	simm.s32 $0x13E00;
	s25 =	simm.s32 $0x13D00  }
0x5: {  	s26 =	simm.s32 $0x13E80;
	s28 =	simm.s32 $0x14200;
	s29 =	simm.s32 $0x14100  }
0x6: {  	s30 =	simm.s32 $0x14280;
	s31 =	simm.s32 $0x14180;
	[smem:$0x7FF] =	sst s3  }
0x7: {  	s5 =	smul.u32 $0x13C00, s12;
	s2 =	sand.u32 $0x1, s2;
	s6 =	sshll.u32 s12, $0x1  }
0x8: {  	s4 =	sadd.s32 $0x17400, s0;
	s8 =	sadd.s32 $0x3400, s0;
	s17 =	smul.u32 $0xA000, s12  }
0x9: {  	s11 =	smul.u32 $0x4F000, s12;
	_ =	strace $0x80000050;
	[dreg:$0x5] =	wrdreg s23  }
0xa: {  	s22 =	sshll.u32 s12, $0x6;
	s12 =	simm.s32 $0x14400;
	[dreg:$0x6] =	wrdreg s24  }
0xb: {  	s7 =	smul.u32 $0x13C000, s2;
	s6 =	sor.u32 s2, s6;
	[dreg:$0x7] =	wrdreg s25  }
0xc: {  	s10 =	ssub.s32 $0x2, s2;
	s2 =	smul.u32 $0x5000, s2;
	[dreg:$0x8] =	wrdreg s26  }
0xd: {  	s23 =	simm.s32 $0x13F00;
	s24 =	simm.s32 $0x2;
	s25 =	simm.s32 $0x13F80  }
0xe: {  	s26 =	simm.s32 $0x14080;
	s9 =	sshrl.u32 s5, $0x3;
	s6 =	smul.u32 $0x5000, s6  }
0xf: {  	s18 =	sshrl.u32 s10, $0x1;
	s19 =	sshrl.u32 s11, $0x2;
	s11 =	simm.s32 $0x80  }
0x10: {  	s9 =	sadd.s32 s9, s0;
	s5 =	sadd.s32 s5, s7;
	s2 =	sadd.s32 s2, s17  }
0x11: {  	s17 =	simm.s32 $0x3;
	s5 =	sshrl.u32 s5, $0x3;
	s6 =	sshrl.u32 s6, $0x3  }
0x12: {  	s7 =	sor.u32 $0x800, s2;
	s2 =	sor.u32 $0x400, s2;
	s9 =	sadd.s32 $0x3E600, s9  }
0x13: {  	s0 =	sadd.s32 s5, s0;
	s5 =	ssub.s32 s10, s18;
	s6 =	sadd.s32 s8, s6  }
0x14: {  	s7 =	sshrl.u32 s7, $0x3;
	[dreg:$0xa] =	wrdreg s9;
	s2 =	sshrl.u32 s2, $0x3  }
0x15: {  	s18 =	simm.s32 $0x5;
	[dreg:$0x9] =	wrdreg s6;
	s6 =	sadd.s32 s19, s1  }
0x16: {  	s7 =	sadd.s32 s7, s8;
	s0 =	sadd.s32 $0x65E00, s0;
	s20 =	sadd.s32 s2, s8  }
0x17: {  	s21 =	smax.u32 s5, $0x1;
	s8 =	sor.u32 $0x1C07, s22;
	[dreg:$0xb] =	wrdreg s0  }
0x18: {  	s19 =	simm.s32 $0x14000;
	s22 =	simm.s32 $0x13D80;
	[dreg:$0x3] =	wrdreg s7  }
0x19: {  	s2 =	simm.s32 $0x14380;
	s5 =	simm.s32 $0x0;
	[dreg:$0xc] =	wrdreg s21  }
0x1a: {  	[dreg:$0x4] =	wrdreg s20;
	s9 =	sshrl.u32 s6, $0x3;
	s20 =	simm.s32 $0x4  }
0x1b: {  	s21 =	simm.s32 $0x6;
	s0 =	simm.s32 $0x14300;
	[dreg:$0xd] =	wrdreg s9  }
.LBB2_1:
0x1c: {  	s6 =	rddreg [dreg:$0x9];
	s7 =	simm.s32 $0x13C00;
	s14 =	simm.s32 $0x1  }
0x1d: {  	[tilespmem:s7], [sflag:$0x1] =	stream.linear.gather [hbm4b:s6+s3], $0x400, $0x38;
	[tilespmem:$0x1C400] =	vst v63  }
0x1e: {  	_ =	swait.ge [sflag:s14], $0x400  }
0x1f: {  	[sflag:s14] =	ssyncset.done $0x0  }
0x20: {  	s10 =	rddreg [dreg:$0xa];
	[sflag:s14] =	ssyncadd.s32 $0xFFFFFC00  }
0x21: {  	[tilespmem:s12], [sflag:$0x3] =	stream.indirect.gather [hbm4b:s4+s11], $0x80, s7, s11, $0xb8;
	[tilespmem:$0x1C400] =	vst v63  }
0x22: {  	[spmem:s9], [sflag:s8] =	dma.local [hbm:s10], $0x2780  }
0x23: {  	_ =	swait.ge [sflag:s15], $0x2780  }
0x24: {  	[sflag:s15] =	ssyncset.done $0x0  }
0x25: {  	p0 =	por $0x1, $0x1;
	[sflag:s15] =	ssyncadd.s32 $0xFFFFD880  }
0x26: {  	s6 =	simm.s32 @!p0 $0x6;
	[bflag:$0x0] =	sbarrier.arrive $0xFFFF  }
0x27: {  	_ =	swait.ge @!p0 [sflag:s6], $0x4000  }
0x28: {  	[sflag:s6] =	ssyncset.done @!p0 $0x0  }
0x29: {  	s13 =	rddreg [dreg:$0x5];
	[sflag:s6] =	ssyncadd.s32 @!p0 $0xFFFFC000  }
0x2a: {  	[tilespmem:s16], [sflag:$0x4] =	stream.indirect.gather [hbm4b:s4+s11], $0x80, s13, s11, $0xb8;
	[tilespmem:$0x1C400] =	vst v63  }
0x2b: {  	_ =	swait.ge [sflag:s17], $0x4000  }
0x2c: {  	[sflag:s17] =	ssyncset.done $0x0  }
0x2d: {  	s14 =	smov.u32 s8;
	s8 =	rddreg [dreg:$0x6];
	[sflag:s17] =	ssyncadd.s32 $0xFFFFC000  }
0x2e: {  	[spmem:s1] =	stream.indirect.scatter.add.f32 [tilespmem:s12], [sflag:$0x5], $0x80, s8, s11, $0xb8;
	[tilespmem:$0x1C400] =	vst v63  }
0x2f: {  	_ =	swait.ge [sflag:s18], $0x4000  }
0x30: {  	s9 =	rddreg [dreg:$0x4];
	[sflag:s18] =	ssyncset.done $0x0  }
0x31: {  	[sflag:s18] =	ssyncadd.s32 $0xFFFFC000;
	s6 =	sadd.s32 $0x0, s9  }
0x32: {  	[tilespmem:s19], [sflag:$0x2] =	stream.linear.gather [hbm4b:s6+s3], $0x400, $0x38;
	[tilespmem:$0x1C400] =	vst v63  }
0x33: {  	s10 =	rddreg [dreg:$0x7]  }
0x34: {  	[tilespmem:s12], [sflag:$0x3] =	stream.indirect.gather [hbm4b:s4+s11], $0x80, s10, s11, $0xb8;
	[tilespmem:$0x1C400] =	vst v63  }
0x35: {  	_ =	swait.ge [sflag:s20], $0x4000  }
0x36: {  	[sflag:s20] =	ssyncset.done $0x0  }
0x37: {  	s13 =	rddreg [dreg:$0x8];
	[sflag:s20] =	ssyncadd.s32 $0xFFFFC000  }
0x38: {  	[spmem:s1] =	stream.indirect.scatter.add.f32 [tilespmem:s16], [sflag:$0x6], $0x80, s13, s11, $0xb8;
	[tilespmem:$0x1C400] =	vst v63  }
0x39: {  	_ =	swait.ge [sflag:s21], $0x4000  }
0x3a: {  	[sflag:s21] =	ssyncset.done $0x0  }
0x3b: {  	[sflag:s21] =	ssyncadd.s32 $0xFFFFC000  }
0x3c: {  	[tilespmem:s16], [sflag:$0x4] =	stream.indirect.gather [hbm4b:s4+s11], $0x80, s22, s11, $0xb8;
	[tilespmem:$0x1C400] =	vst v63  }
0x3d: {  	_ =	swait.ge [sflag:s17], $0x4000  }
0x3e: {  	[sflag:s17] =	ssyncset.done $0x0  }
0x3f: {  	[sflag:s17] =	ssyncadd.s32 $0xFFFFC000  }
0x40: {  	[spmem:s1] =	stream.indirect.scatter.add.f32 [tilespmem:s12], [sflag:$0x5], $0x80, s23, s11, $0xb8;
	[tilespmem:$0x1C400] =	vst v63  }
0x41: {  	_ =	swait.ge [sflag:s18], $0x4000  }
0x42: {  	[sflag:s18] =	ssyncset.done $0x0  }
0x43: {  	[sflag:s18] =	ssyncadd.s32 $0xFFFFC000  }
0x44: {  	_ =	swait.ge [sflag:s24], $0x400  }
0x45: {  	[sflag:s24] =	ssyncset.done $0x0  }
0x46: {  	[sflag:s24] =	ssyncadd.s32 $0xFFFFFC00  }
0x47: {  	[tilespmem:s12], [sflag:$0x3] =	stream.indirect.gather [hbm4b:s4+s11], $0x80, s19, s11, $0xb8;
	[tilespmem:$0x1C400] =	vst v63  }
0x48: {  	_ =	swait.ge [sflag:s20], $0x4000  }
0x49: {  	[sflag:s20] =	ssyncset.done $0x0  }
0x4a: {  	[sflag:s20] =	ssyncadd.s32 $0xFFFFC000  }
0x4b: {  	[spmem:s1] =	stream.indirect.scatter.add.f32 [tilespmem:s16], [sflag:$0x6], $0x80, s25, s11, $0xb8;
	[tilespmem:$0x1C400] =	vst v63  }
0x4c: {  	_ =	swait.ge [sflag:s21], $0x4000  }
0x4d: {  	[sflag:s21] =	ssyncset.done $0x0  }
0x4e: {  	[sflag:s21] =	ssyncadd.s32 $0xFFFFC000  }
0x4f: {  	[tilespmem:s16], [sflag:$0x4] =	stream.indirect.gather [hbm4b:s4+s11], $0x80, s26, s11, $0xb8;
	[tilespmem:$0x1C400] =	vst v63  }
0x50: {  	_ =	swait.ge [sflag:s17], $0x4000  }
0x51: {  	[sflag:s17] =	ssyncset.done $0x0  }
0x52: {  	[sflag:s17] =	ssyncadd.s32 $0xFFFFC000  }
0x53: {  	[spmem:s1] =	stream.indirect.scatter.add.f32 [tilespmem:s12], [sflag:$0x5], $0x80, s28, s11, $0xb8;
	[tilespmem:$0x1C400] =	vst v63  }
0x54: {  	p0 =	por $0x0, $0x0;
	_ =	swait.ge [sflag:s18], $0x4000  }
0x55: {  	s7 =	simm.s32 @!p0 $0x0;
	s6 =	rddreg [dreg:$0x3];
	[sflag:s18] =	ssyncset.done $0x0  }
0x56: {  	s9 =	simm.s32 @!p0 $0x13C00;
	[sflag:s18] =	ssyncadd.s32 $0xFFFFC000;
	s6 =	sadd.s32 @!p0 $0x0, s6  }
0x57: {  	[tilespmem:s9], [sflag:$0x1] =	stream.linear.gather @!p0 [hbm4b:s6+s7], $0x400, $0x38;
	[tilespmem:$0x1C400] =	vst v63  }
0x58: {  	_ = 	snop  }
0x59: {  	[tilespmem:s12], [sflag:$0x3] =	stream.indirect.gather [hbm4b:s4+s11], $0x80, s29, s11, $0xb8;
	[tilespmem:$0x1C400] =	vst v63  }
0x5a: {  	_ =	swait.ge [sflag:s20], $0x4000  }
0x5b: {  	[sflag:s20] =	ssyncset.done $0x0  }
0x5c: {  	[sflag:s20] =	ssyncadd.s32 $0xFFFFC000  }
0x5d: {  	[spmem:s1] =	stream.indirect.scatter.add.f32 [tilespmem:s16], [sflag:$0x6], $0x80, s30, s11, $0xb8;
	[tilespmem:$0x1C400] =	vst v63  }
0x5e: {  	_ =	swait.ge [sflag:s21], $0x4000  }
0x5f: {  	[sflag:s21] =	ssyncset.done $0x0  }
0x60: {  	[sflag:s21] =	ssyncadd.s32 $0xFFFFC000  }
0x61: {  	[tilespmem:s16], [sflag:$0x4] =	stream.indirect.gather [hbm4b:s4+s11], $0x80, s31, s11, $0xb8;
	[tilespmem:$0x1C400] =	vst v63  }
0x62: {  	_ =	swait.ge [sflag:s17], $0x4000  }
0x63: {  	[sflag:s17] =	ssyncset.done $0x0  }
0x64: {  	[sflag:s17] =	ssyncadd.s32 $0xFFFFC000  }
0x65: {  	[spmem:s1] =	stream.indirect.scatter.add.f32 [tilespmem:s12], [sflag:$0x5], $0x80, s0, s11, $0xb8;
	[tilespmem:$0x1C400] =	vst v63  }
0x66: {  	_ =	swait.ge [sflag:s18], $0x4000  }
0x67: {  	[sflag:s18] =	ssyncset.done $0x0  }
0x68: {  	s6 =	simm.s32 @!p0 $0x1;
	[sflag:s18] =	ssyncadd.s32 $0xFFFFC000  }
0x69: {  	_ =	swait.ge @!p0 [sflag:s6], $0x400  }
0x6a: {  	p1 =	por $0x0, $0x0;
	[sflag:s6] =	ssyncset.done @!p0 $0x0  }
0x6b: {  	s7 =	simm.s32 @!p0 $0x80;
	[sflag:s6] =	ssyncadd.s32 @!p0 $0xFFFFFC00;
	s6 =	simm.s32 @!p0 $0x14400  }
0x6c: {  	[tilespmem:s6], [sflag:$0x3] =	stream.indirect.gather @!p0 [hbm4b:s4+s7], $0x80, s9, s7, $0xb8;
	[tilespmem:$0x1C400] =	vst v63  }
0x6d: {  	s6 =	simm.s32 $0x100;
	s9 =	simm.s32 $0x200;
	_ =	swait.ge [sflag:s20], $0x4000  }
.LBB2_2:
0x6e: {  	[sflag:s20] =	ssyncset.done $0x0  }
0x6f: {  	s8 =	simm.s32 @!p1 $0x6;
	[sflag:s20] =	ssyncadd.s32 $0xFFFFC000  }
0x70: {  	[spmem:s1] =	stream.indirect.scatter.add.f32 [tilespmem:s16], [sflag:$0x6], $0x80, s2, s11, $0xb8;
	[tilespmem:$0x1C400] =	vst v63  }
0x71: {  	_ =	swait.ge @!p1 [sflag:s8], $0x4000  }
0x72: {  	[sflag:s8] =	ssyncset.done @!p1 $0x0  }
0x73: {  	s10 =	rddreg [dreg:$0x5];
	[sflag:s8] =	ssyncadd.s32 @!p1 $0xFFFFC000  }
0x74: {  	[tilespmem:s16], [sflag:$0x4] =	stream.indirect.gather [hbm4b:s4+s11], $0x80, s10, s11, $0xb8;
	[tilespmem:$0x1C400] =	vst v63  }
0x75: {  	_ =	swait.ge [sflag:s17], $0x4000  }
0x76: {  	[sflag:s17] =	ssyncset.done $0x0  }
0x77: {  	s13 =	rddreg [dreg:$0x6];
	[sflag:s17] =	ssyncadd.s32 $0xFFFFC000  }
0x78: {  	[spmem:s1] =	stream.indirect.scatter.add.f32 [tilespmem:s12], [sflag:$0x5], $0x80, s13, s11, $0xb8;
	[tilespmem:$0x1C400] =	vst v63  }
0x79: {  	_ =	swait.ge [sflag:s18], $0x4000  }
0x7a: {  	s10 =	rddreg [dreg:$0x4];
	[sflag:s18] =	ssyncset.done $0x0  }
0x7b: {  	[sflag:s18] =	ssyncadd.s32 $0xFFFFC000;
	s8 =	sadd.s32 s6, s10  }
0x7c: {  	[tilespmem:s19], [sflag:$0x2] =	stream.linear.gather [hbm4b:s8+s3], $0x400, $0x38;
	[tilespmem:$0x1C400] =	vst v63  }
0x7d: {  	s13 =	rddreg [dreg:$0x7]  }
0x7e: {  	[tilespmem:s12], [sflag:$0x3] =	stream.indirect.gather [hbm4b:s4+s11], $0x80, s13, s11, $0xb8;
	[tilespmem:$0x1C400] =	vst v63  }
0x7f: {  	_ =	swait.ge [sflag:s20], $0x4000  }
0x80: {  	[sflag:s20] =	ssyncset.done $0x0  }
0x81: {  	s13 =	rddreg [dreg:$0x8];
	[sflag:s20] =	ssyncadd.s32 $0xFFFFC000  }
0x82: {  	[spmem:s1] =	stream.indirect.scatter.add.f32 [tilespmem:s16], [sflag:$0x6], $0x80, s13, s11, $0xb8;
	[tilespmem:$0x1C400] =	vst v63  }
0x83: {  	_ =	swait.ge [sflag:s21], $0x4000  }
0x84: {  	[sflag:s21] =	ssyncset.done $0x0  }
0x85: {  	[sflag:s21] =	ssyncadd.s32 $0xFFFFC000  }
0x86: {  	[tilespmem:s16], [sflag:$0x4] =	stream.indirect.gather [hbm4b:s4+s11], $0x80, s22, s11, $0xb8;
	[tilespmem:$0x1C400] =	vst v63  }
0x87: {  	_ =	swait.ge [sflag:s17], $0x4000  }
0x88: {  	[sflag:s17] =	ssyncset.done $0x0  }
0x89: {  	[sflag:s17] =	ssyncadd.s32 $0xFFFFC000  }
0x8a: {  	[spmem:s1] =	stream.indirect.scatter.add.f32 [tilespmem:s12], [sflag:$0x5], $0x80, s23, s11, $0xb8;
	[tilespmem:$0x1C400] =	vst v63  }
0x8b: {  	_ =	swait.ge [sflag:s18], $0x4000  }
0x8c: {  	[sflag:s18] =	ssyncset.done $0x0  }
0x8d: {  	[sflag:s18] =	ssyncadd.s32 $0xFFFFC000  }
0x8e: {  	_ =	swait.ge [sflag:s24], $0x400  }
0x8f: {  	[sflag:s24] =	ssyncset.done $0x0  }
0x90: {  	[sflag:s24] =	ssyncadd.s32 $0xFFFFFC00  }
0x91: {  	[tilespmem:s12], [sflag:$0x3] =	stream.indirect.gather [hbm4b:s4+s11], $0x80, s19, s11, $0xb8;
	[tilespmem:$0x1C400] =	vst v63  }
0x92: {  	_ =	swait.ge [sflag:s20], $0x4000  }
0x93: {  	[sflag:s20] =	ssyncset.done $0x0  }
0x94: {  	[sflag:s20] =	ssyncadd.s32 $0xFFFFC000  }
0x95: {  	[spmem:s1] =	stream.indirect.scatter.add.f32 [tilespmem:s16], [sflag:$0x6], $0x80, s25, s11, $0xb8;
	[tilespmem:$0x1C400] =	vst v63  }
0x96: {  	_ =	swait.ge [sflag:s21], $0x4000  }
0x97: {  	[sflag:s21] =	ssyncset.done $0x0  }
0x98: {  	[sflag:s21] =	ssyncadd.s32 $0xFFFFC000  }
0x99: {  	[tilespmem:s16], [sflag:$0x4] =	stream.indirect.gather [hbm4b:s4+s11], $0x80, s26, s11, $0xb8;
	[tilespmem:$0x1C400] =	vst v63  }
0x9a: {  	_ =	swait.ge [sflag:s17], $0x4000  }
0x9b: {  	[sflag:s17] =	ssyncset.done $0x0  }
0x9c: {  	[sflag:s17] =	ssyncadd.s32 $0xFFFFC000  }
0x9d: {  	[spmem:s1] =	stream.indirect.scatter.add.f32 [tilespmem:s12], [sflag:$0x5], $0x80, s28, s11, $0xb8;
	[tilespmem:$0x1C400] =	vst v63  }
0x9e: {  	p1 =	seq.s32 s6, $0x900;
	_ =	swait.ge [sflag:s18], $0x4000  }
0x9f: {  	s10 =	simm.s32 @!p1 $0x0;
	s8 =	rddreg [dreg:$0x3];
	[sflag:s18] =	ssyncset.done $0x0  }
0xa0: {  	s13 =	simm.s32 @!p1 $0x13C00;
	[sflag:s18] =	ssyncadd.s32 $0xFFFFC000;
	s8 =	sadd.s32 @!p1 s6, s8  }
0xa1: {  	[tilespmem:s13], [sflag:$0x1] =	stream.linear.gather @!p1 [hbm4b:s8+s10], $0x400, $0x38;
	[tilespmem:$0x1C400] =	vst v63  }
0xa2: {  	_ = 	snop  }
0xa3: {  	[tilespmem:s12], [sflag:$0x3] =	stream.indirect.gather [hbm4b:s4+s11], $0x80, s29, s11, $0xb8;
	[tilespmem:$0x1C400] =	vst v63  }
0xa4: {  	_ =	swait.ge [sflag:s20], $0x4000  }
0xa5: {  	[sflag:s20] =	ssyncset.done $0x0  }
0xa6: {  	[sflag:s20] =	ssyncadd.s32 $0xFFFFC000  }
0xa7: {  	[spmem:s1] =	stream.indirect.scatter.add.f32 [tilespmem:s16], [sflag:$0x6], $0x80, s30, s11, $0xb8;
	[tilespmem:$0x1C400] =	vst v63  }
0xa8: {  	_ =	swait.ge [sflag:s21], $0x4000  }
0xa9: {  	[sflag:s21] =	ssyncset.done $0x0  }
0xaa: {  	[sflag:s21] =	ssyncadd.s32 $0xFFFFC000  }
0xab: {  	[tilespmem:s16], [sflag:$0x4] =	stream.indirect.gather [hbm4b:s4+s11], $0x80, s31, s11, $0xb8;
	[tilespmem:$0x1C400] =	vst v63  }
0xac: {  	_ =	swait.ge [sflag:s17], $0x4000  }
0xad: {  	[sflag:s17] =	ssyncset.done $0x0  }
0xae: {  	[sflag:s17] =	ssyncadd.s32 $0xFFFFC000  }
0xaf: {  	[spmem:s1] =	stream.indirect.scatter.add.f32 [tilespmem:s12], [sflag:$0x5], $0x80, s0, s11, $0xb8;
	[tilespmem:$0x1C400] =	vst v63  }
0xb0: {  	s7 =	smov.u32 s9;
	s9 =	sadd.s32 $0x100, s9;
	_ =	swait.ge [sflag:s18], $0x4000  }
0xb1: {  	p0 =	sne.s32 s9, $0xA00;
	[sflag:s18] =	ssyncset.done $0x0  }
0xb2: {  	s6 =	smov.u32 s7;
	s7 =	simm.s32 @!p1 $0x1;
	[sflag:s18] =	ssyncadd.s32 $0xFFFFC000  }
.Ltmp0:
0xb3: {  	_ =	swait.ge @!p1 [sflag:s7], $0x400;
	(pc) =	sbr.rel @p0 .LBB2_2-.Ltmp0, $4  }
0xb4: {  	[sflag:s7] =	ssyncset.done @!p1 $0x0  }
0xb5: {  	s8 =	simm.s32 @!p1 $0x80;
	s10 =	simm.s32 @!p1 $0x14400;
	[sflag:s7] =	ssyncadd.s32 @!p1 $0xFFFFFC00  }
0xb6: {  	[tilespmem:s10], [sflag:$0x3] =	stream.indirect.gather @!p1 [hbm4b:s4+s8], $0x80, s13, s8, $0xb8;
	[tilespmem:$0x1C400] =	vst v63  }
0xb7: {  	p1 =	seq.s32 s6, $0x0;
	_ =	swait.ge [sflag:s20], $0x4000  }
0xb8: {  	[sflag:s20] =	ssyncset.done $0x0  }
0xb9: {  	s7 =	simm.s32 @!p1 $0x6;
	[sflag:s20] =	ssyncadd.s32 $0xFFFFC000  }
0xba: {  	[spmem:s1] =	stream.indirect.scatter.add.f32 [tilespmem:s16], [sflag:$0x6], $0x80, s2, s11, $0xb8;
	[tilespmem:$0x1C400] =	vst v63  }
0xbb: {  	_ =	swait.ge @!p1 [sflag:s7], $0x4000  }
0xbc: {  	[sflag:s7] =	ssyncset.done @!p1 $0x0  }
0xbd: {  	s8 =	rddreg [dreg:$0x5];
	[sflag:s7] =	ssyncadd.s32 @!p1 $0xFFFFC000  }
0xbe: {  	[tilespmem:s16], [sflag:$0x4] =	stream.indirect.gather [hbm4b:s4+s11], $0x80, s8, s11, $0xb8;
	[tilespmem:$0x1C400] =	vst v63  }
0xbf: {  	_ =	swait.ge [sflag:s17], $0x4000  }
0xc0: {  	[sflag:s17] =	ssyncset.done $0x0  }
0xc1: {  	s13 =	rddreg [dreg:$0x6];
	[sflag:s17] =	ssyncadd.s32 $0xFFFFC000  }
0xc2: {  	[spmem:s1] =	stream.indirect.scatter.add.f32 [tilespmem:s12], [sflag:$0x5], $0x80, s13, s11, $0xb8;
	[tilespmem:$0x1C400] =	vst v63  }
0xc3: {  	_ =	swait.ge [sflag:s18], $0x4000  }
0xc4: {  	s8 =	rddreg [dreg:$0x4];
	[sflag:s18] =	ssyncset.done $0x0  }
0xc5: {  	[sflag:s18] =	ssyncadd.s32 $0xFFFFC000;
	s7 =	sadd.s32 s6, s8  }
0xc6: {  	[tilespmem:s19], [sflag:$0x2] =	stream.linear.gather [hbm4b:s7+s3], $0x400, $0x38;
	[tilespmem:$0x1C400] =	vst v63  }
0xc7: {  	s9 =	rddreg [dreg:$0x7]  }
0xc8: {  	[tilespmem:s12], [sflag:$0x3] =	stream.indirect.gather [hbm4b:s4+s11], $0x80, s9, s11, $0xb8;
	[tilespmem:$0x1C400] =	vst v63  }
0xc9: {  	_ =	swait.ge [sflag:s20], $0x4000  }
0xca: {  	[sflag:s20] =	ssyncset.done $0x0  }
0xcb: {  	s10 =	rddreg [dreg:$0x8];
	[sflag:s20] =	ssyncadd.s32 $0xFFFFC000  }
0xcc: {  	[spmem:s1] =	stream.indirect.scatter.add.f32 [tilespmem:s16], [sflag:$0x6], $0x80, s10, s11, $0xb8;
	[tilespmem:$0x1C400] =	vst v63  }
0xcd: {  	_ =	swait.ge [sflag:s21], $0x4000  }
0xce: {  	[sflag:s21] =	ssyncset.done $0x0  }
0xcf: {  	[sflag:s21] =	ssyncadd.s32 $0xFFFFC000  }
0xd0: {  	[tilespmem:s16], [sflag:$0x4] =	stream.indirect.gather [hbm4b:s4+s11], $0x80, s22, s11, $0xb8;
	[tilespmem:$0x1C400] =	vst v63  }
0xd1: {  	_ =	swait.ge [sflag:s17], $0x4000  }
0xd2: {  	[sflag:s17] =	ssyncset.done $0x0  }
0xd3: {  	[sflag:s17] =	ssyncadd.s32 $0xFFFFC000  }
0xd4: {  	[spmem:s1] =	stream.indirect.scatter.add.f32 [tilespmem:s12], [sflag:$0x5], $0x80, s23, s11, $0xb8;
	[tilespmem:$0x1C400] =	vst v63  }
0xd5: {  	_ =	swait.ge [sflag:s18], $0x4000  }
0xd6: {  	[sflag:s18] =	ssyncset.done $0x0  }
0xd7: {  	[sflag:s18] =	ssyncadd.s32 $0xFFFFC000  }
0xd8: {  	_ =	swait.ge [sflag:s24], $0x400  }
0xd9: {  	[sflag:s24] =	ssyncset.done $0x0  }
0xda: {  	[sflag:s24] =	ssyncadd.s32 $0xFFFFFC00  }
0xdb: {  	[tilespmem:s12], [sflag:$0x3] =	stream.indirect.gather [hbm4b:s4+s11], $0x80, s19, s11, $0xb8;
	[tilespmem:$0x1C400] =	vst v63  }
0xdc: {  	_ =	swait.ge [sflag:s20], $0x4000  }
0xdd: {  	[sflag:s20] =	ssyncset.done $0x0  }
0xde: {  	[sflag:s20] =	ssyncadd.s32 $0xFFFFC000  }
0xdf: {  	[spmem:s1] =	stream.indirect.scatter.add.f32 [tilespmem:s16], [sflag:$0x6], $0x80, s25, s11, $0xb8;
	[tilespmem:$0x1C400] =	vst v63  }
0xe0: {  	_ =	swait.ge [sflag:s21], $0x4000  }
0xe1: {  	[sflag:s21] =	ssyncset.done $0x0  }
0xe2: {  	[sflag:s21] =	ssyncadd.s32 $0xFFFFC000  }
0xe3: {  	[tilespmem:s16], [sflag:$0x4] =	stream.indirect.gather [hbm4b:s4+s11], $0x80, s26, s11, $0xb8;
	[tilespmem:$0x1C400] =	vst v63  }
0xe4: {  	_ =	swait.ge [sflag:s17], $0x4000  }
0xe5: {  	[sflag:s17] =	ssyncset.done $0x0  }
0xe6: {  	[sflag:s17] =	ssyncadd.s32 $0xFFFFC000  }
0xe7: {  	[spmem:s1] =	stream.indirect.scatter.add.f32 [tilespmem:s12], [sflag:$0x5], $0x80, s28, s11, $0xb8;
	[tilespmem:$0x1C400] =	vst v63  }
0xe8: {  	p0 =	seq.s32 s6, $0x900;
	_ =	swait.ge [sflag:s18], $0x4000  }
0xe9: {  	s8 =	simm.s32 @!p0 $0x0;
	s7 =	rddreg [dreg:$0x3];
	[sflag:s18] =	ssyncset.done $0x0  }
0xea: {  	[sflag:s18] =	ssyncadd.s32 $0xFFFFC000;
	s6 =	sadd.s32 @!p0 s6, s7;
	s7 =	simm.s32 @!p0 $0x13C00  }
0xeb: {  	[tilespmem:s7], [sflag:$0x1] =	stream.linear.gather @!p0 [hbm4b:s6+s8], $0x400, $0x38;
	[tilespmem:$0x1C400] =	vst v63  }
0xec: {  	_ = 	snop  }
0xed: {  	[tilespmem:s12], [sflag:$0x3] =	stream.indirect.gather [hbm4b:s4+s11], $0x80, s29, s11, $0xb8;
	[tilespmem:$0x1C400] =	vst v63  }
0xee: {  	_ =	swait.ge [sflag:s20], $0x4000  }
0xef: {  	[sflag:s20] =	ssyncset.done $0x0  }
0xf0: {  	[sflag:s20] =	ssyncadd.s32 $0xFFFFC000  }
0xf1: {  	[spmem:s1] =	stream.indirect.scatter.add.f32 [tilespmem:s16], [sflag:$0x6], $0x80, s30, s11, $0xb8;
	[tilespmem:$0x1C400] =	vst v63  }
0xf2: {  	_ =	swait.ge [sflag:s21], $0x4000  }
0xf3: {  	[sflag:s21] =	ssyncset.done $0x0  }
0xf4: {  	[sflag:s21] =	ssyncadd.s32 $0xFFFFC000  }
0xf5: {  	[tilespmem:s16], [sflag:$0x4] =	stream.indirect.gather [hbm4b:s4+s11], $0x80, s31, s11, $0xb8;
	[tilespmem:$0x1C400] =	vst v63  }
0xf6: {  	_ =	swait.ge [sflag:s17], $0x4000  }
0xf7: {  	[sflag:s17] =	ssyncset.done $0x0  }
0xf8: {  	[sflag:s17] =	ssyncadd.s32 $0xFFFFC000  }
0xf9: {  	[spmem:s1] =	stream.indirect.scatter.add.f32 [tilespmem:s12], [sflag:$0x5], $0x80, s0, s11, $0xb8;
	[tilespmem:$0x1C400] =	vst v63  }
0xfa: {  	_ =	swait.ge [sflag:s18], $0x4000  }
0xfb: {  	[sflag:s18] =	ssyncset.done $0x0  }
0xfc: {  	s6 =	simm.s32 @!p0 $0x1;
	[sflag:s18] =	ssyncadd.s32 $0xFFFFC000  }
0xfd: {  	_ =	swait.ge @!p0 [sflag:s6], $0x400  }
0xfe: {  	[sflag:s6] =	ssyncset.done @!p0 $0x0  }
0xff: {  	s8 =	simm.s32 @!p0 $0x80;
	[sflag:s6] =	ssyncadd.s32 @!p0 $0xFFFFFC00;
	s6 =	simm.s32 @!p0 $0x14400  }
0x100: {  	[tilespmem:s6], [sflag:$0x3] =	stream.indirect.gather @!p0 [hbm4b:s4+s8], $0x80, s7, s8, $0xb8;
	[tilespmem:$0x1C400] =	vst v63  }
0x101: {  	_ =	swait.ge [sflag:s20], $0x4000  }
0x102: {  	[sflag:s20] =	ssyncset.done $0x0  }
0x103: {  	[sflag:s20] =	ssyncadd.s32 $0xFFFFC000  }
0x104: {  	[spmem:s1] =	stream.indirect.scatter.add.f32 [tilespmem:s16], [sflag:$0x6], $0x80, s2, s11, $0xb8;
	[tilespmem:$0x1C400] =	vst v63  }
0x105: {  	_ =	swait.ge [sflag:s21], $0x4000  }
0x106: {  	[sflag:s21] =	ssyncset.done $0x0  }
0x107: {  	[sflag:s21] =	ssyncadd.s32 $0xFFFFC000  }
0x108: {  	[bflag:$0x0] =	sbarrier.arrive $0xFFFF  }
0x109: {  	s13 =	rddreg [dreg:$0xb]  }
0x10a: {  	s9 =	rddreg [dreg:$0xd]  }
0x10b: {  	[hbm:s13], [sflag:s14] =	dma.local [spmem:s9], $0x2780  }
0x10c: {  	_ =	swait.ge [sflag:s15], $0x2780  }
0x10d: {  	s5 =	sadd.s32 $0x1, s5;
	s8 =	smov.u32 s14;
	s14 =	rddreg [dreg:$0xc]  }
0x10e: {  	p0 =	sne.s32 s5, s14  }
.Ltmp1:
0x10f: {  	_ = 	snop;
	(pc) =	sbr.rel @p0 .LBB2_1-.Ltmp1, $3  }
0x110: {  	_ =	sdelay $0x1  }
0x111: {  	[sflag:s15] =	ssyncset.done $0x0  }
0x112: {  	[sflag:s15] =	ssyncadd.s32 $0xFFFFD880  }
0x113: {  	_ =	sfence.sel $0x180000  }
0x114: {  	[bflag:$0x0] =	sbarrier.arrive $0xFFFF  }
0x115: {  	_ =	strace $0x90000050  }
0x116: {  	s0 =	stileid.u32;
	[bflag:$0x2] =	sbarrier.arrive $0xFFFF  }
0x117: {  	p0 =	sne.s32 s0, $0x0;
	s0 =	rddreg [dreg:$0x2]  }
0x118: {  	s0 =	sadd.s32 @!p0 $0x100000, s0  }
0x119: {  	[sflag:s0] =	ssyncadd.tile.s32 @!p0 $0x1;
	_ =	shalt  }
.Lfunc_end2:
_tile_overlayer_lowered:
.L_overlay_start_2:
0x11a: {  	(tag) =	ssettag $0x2  }
0x11b: {  	s0 =	rddreg [dreg:$0x0];
	s2 =	stileid.u32  }
0x11c: {  	s1 =	rddreg [dreg:$0x1];
	p0 =	sne.s32 s2, $0x0  }
0x11d: {  	s3 =	rddreg [dreg:$0x2];
	[bflag:$0x3] =	sbarrier.arrive $0xFFFF;
	s2 =	simm.s32 @!p0 $0x1C07  }
0x11e: {  	[timem:s3], [sflag:s2] =	dma.local @!p0 [hbm:s0], s1  }
0x11f: {  	s0 =	simm.s32 @!p0 $0x7  }
0x120: {  	_ =	swait.ge @!p0 [sflag:s0], s1  }
0x121: {  	s1 =	ssub.s32 @!p0 $0x0, s1;
	[sflag:s0] =	ssyncset.done @!p0 $0x0  }
0x122: {  	[sflag:s0] =	ssyncadd.s32 @!p0 s1  }
0x123: {  	[bflag:$0x3] =	sbarrier.arrive $0xFFFF  }
0x124: {  	_ =	shalt  }

</sc_bundles>
